<compile_context>
chip_gen: v7x
topology: tpu7x:2x2x1
jax: 0.10.2.dev20260603
libtpu: 0.0.44.dev20260713+nightly
codegen_flags: <defaults>
</compile_context>

<pallas_src>
import functools

import jax
import jax.numpy as jnp
from jax import lax
from jax.experimental import pallas as pl
from jax.experimental.pallas import tpu as pltpu
from jax.experimental.pallas import tpu_sc as plsc

VOCAB = 30522
VOCAB_PAD = 30720
EMB_DIM = 128
SEQ = 200
BATCH = 16384
NCLS = 3

NUM_WORKERS = 32
ROWS_PER_WORKER = BATCH // NUM_WORKERS
CHUNK = 128
NCHUNK = ROWS_PER_WORKER // CHUNK
HALVES = ((0, 96), (96, 104))
TBLK = 7680


def _table_body(e_ref, p_ref, wt_ref, b_ref, o_ref):
    wt = wt_ref[...]
    pmw = lax.dot_general(wt, p_ref[...], (((1,), (1,)), ((), ())),
                          preferred_element_type=jnp.float32)
    cst = jnp.mean(pmw, axis=1, keepdims=True) + b_ref[...]
    ew = lax.dot_general(wt.astype(jnp.bfloat16),
                         e_ref[...].astype(jnp.bfloat16),
                         (((1,), (1,)), ((), ())),
                         preferred_element_type=jnp.float32)
    val = (ew + cst) * (1.0 / SEQ)
    col = pl.program_id(0) * TBLK + lax.broadcasted_iota(jnp.int32, (NCLS, TBLK), 1)
    val = jnp.where(col < VOCAB, val, 0.0)
    u0 = lax.bitcast_convert_type(
        val[0:1].astype(jnp.bfloat16), jnp.uint16).astype(jnp.uint32)
    u1 = lax.bitcast_convert_type(
        val[1:2].astype(jnp.bfloat16), jnp.uint16).astype(jnp.uint32)
    packed = lax.bitcast_convert_type(u0 | (u1 << 16), jnp.float32)
    o_ref[...] = jnp.concatenate([packed, val[2:3]], axis=0)


_build_table = pl.pallas_call(
    _table_body,
    grid=(VOCAB_PAD // TBLK,),
    in_specs=[
        pl.BlockSpec((TBLK, EMB_DIM), lambda i: (i, 0)),
        pl.BlockSpec((SEQ, EMB_DIM), lambda i: (0, 0)),
        pl.BlockSpec((NCLS, EMB_DIM), lambda i: (0, 0)),
        pl.BlockSpec((NCLS, 1), lambda i: (0, 0)),
    ],
    out_specs=pl.BlockSpec((2, TBLK), lambda i: (0, i)),
    out_shape=jax.ShapeDtypeStruct((2, VOCAB_PAD), jnp.float32),
)


@functools.partial(
    pl.kernel,
    out_type=jax.ShapeDtypeStruct((NCLS * BATCH,), jnp.float32),
    mesh=plsc.VectorSubcoreMesh(core_axis_name="c", subcore_axis_name="s"),
    compiler_params=pltpu.CompilerParams(needs_layout_passes=False),
    scratch_types=[
        pltpu.VMEM((2 * VOCAB_PAD,), jnp.float32),
        pltpu.VMEM((2, 104, CHUNK), jnp.int32),
        pltpu.VMEM((NCLS * ROWS_PER_WORKER,), jnp.float32),
        pltpu.SemaphoreType.DMA,
        pltpu.SemaphoreType.DMA,
        pltpu.SemaphoreType.DMA,
        pltpu.SemaphoreType.DMA,
    ],
)
def _sc_pool(table_hbm, texts_hbm, out_hbm, table_v, txt_v, out_v,
             tsem, sem_a, sem_b, osem):
    cid = lax.axis_index("c")
    sid = lax.axis_index("s")
    wid = sid * 2 + cid
    col0 = wid * ROWS_PER_WORKER

    tcopy = pltpu.make_async_copy(table_hbm, table_v, tsem)
    tcopy.start()

    sems = [sem_a, sem_b]
    steps = [(c, h) for c in range(NCHUNK) for h in HALVES]

    def make_copy(s, buf):
        c, (p0, np_) = steps[s]
        return pltpu.make_async_copy(
            texts_hbm.at[pl.ds(p0, np_), pl.ds(col0 + c * CHUNK, CHUNK)],
            txt_v.at[buf, pl.ds(0, np_), :], sems[buf])

    handles = [None] * len(steps)
    handles[0] = make_copy(0, 0)
    handles[0].start()
    tcopy.wait()

    zero = jnp.zeros((16,), jnp.float32)
    accs = None

    for s, (c, (p0, np_)) in enumerate(steps):
        if s + 1 < len(steps):
            handles[s + 1] = make_copy(s + 1, (s + 1) % 2)
            handles[s + 1].start()
        handles[s].wait()
        buf = s % 2
        if p0 == 0:
            accs = (zero,) * (3 * CHUNK // 16)

        hi_mask = jnp.full((16,), -65536, jnp.int32)

        def body(t, carry):
            new = []
            for g in range(CHUNK // 16):
                tok = txt_v[buf, t, pl.ds(16 * g, 16)]
                g01 = plsc.bitcast(plsc.load_gather(table_v, [tok]), jnp.int32)
                g2 = plsc.load_gather(table_v, [tok + VOCAB_PAD])
                c0 = plsc.bitcast(g01 << 16, jnp.float32)
                c1 = plsc.bitcast(g01 & hi_mask, jnp.float32)
                new.extend([carry[3 * g] + c0, carry[3 * g + 1] + c1,
                            carry[3 * g + 2] + g2])
            return tuple(new)

        accs = lax.fori_loop(0, np_, body, accs, unroll=2)

        if p0 != 0:
            for g in range(CHUNK // 16):
                for k in range(NCLS):
                    out_v[pl.ds(k * ROWS_PER_WORKER + c * CHUNK + 16 * g, 16)] = (
                        accs[3 * g + k])

    for k in range(NCLS):
        pltpu.make_async_copy(
            out_v.at[pl.ds(k * ROWS_PER_WORKER, ROWS_PER_WORKER)],
            out_hbm.at[pl.ds(k * BATCH + wid * ROWS_PER_WORKER,
                             ROWS_PER_WORKER)],
            osem).start()
    for k in range(NCLS):
        pltpu.make_async_copy(
            out_v.at[pl.ds(k * ROWS_PER_WORKER, ROWS_PER_WORKER)],
            out_hbm.at[pl.ds(k * BATCH + wid * ROWS_PER_WORKER,
                             ROWS_PER_WORKER)],
            osem).wait()


def kernel(texts, embed_table, posit_table, W, b):
    table3 = _build_table(embed_table, posit_table, W.T, b.reshape(NCLS, 1))
    out_flat = _sc_pool(table3.reshape(-1), texts.T)
    return out_flat.reshape(NCLS, BATCH).T

# --- scband reference (transcript-rebuilt; emitter-appended) ---
"""Pipeline reference for scband-bag-of-embeddings-65987877536233 (READ-ONLY COPY).

The authoritative reference and input builder live on the scoring server;
editing this copy changes nothing except your own understanding.
"""

import jax, jax.numpy as jnp
import numpy as np

VOCAB = 30522   # bert-base-uncased tokenizer vocab size
EMB = 128       # cfg model.emb_dim
MAX_LEN = 200   # cfg data.max_len
BATCH = 16384
NUM_CLASS = 3


def setup_inputs(seed: int = 0) -> dict:
    key = jax.random.key(seed)
    k1, k2, k3, k4 = jax.random.split(key, 4)
    texts = jax.random.randint(k1, (BATCH, MAX_LEN), 0, VOCAB, dtype=jnp.int32)
    embed_table = jax.random.normal(k2, (VOCAB, EMB), dtype=jnp.float32) * 0.02
    posit_table = jax.random.normal(k3, (MAX_LEN, EMB), dtype=jnp.float32) * 0.02
    W = jax.random.normal(k4, (EMB, NUM_CLASS), dtype=jnp.float32) * 0.02
    b = jnp.zeros((NUM_CLASS,), dtype=jnp.float32)
    return {"texts": texts, "embed_table": embed_table, "posit_table": posit_table, "W": W, "b": b}


def reference(texts, embed_table, posit_table, W, b):
    # positions = arange(max_len) repeated for each batch row
    positions = jnp.arange(MAX_LEN, dtype=jnp.int32)
    # token embedding lookup (gather)
    emb_tokens = jnp.take(embed_table, texts, axis=0)          # [B, L, E]
    # positional embedding lookup (gather), broadcast over batch
    emb_posits = jnp.take(posit_table, positions, axis=0)[None, :, :]  # [1, L, E]
    embeddings = emb_tokens + emb_posits                       # [B, L, E]
    # mean pool over sequence
    output = jnp.mean(embeddings, axis=1)                      # [B, E]
    # dropout is identity in eval mode
    # linear classifier
    output = output @ W + b                                    # [B, num_class]
    return output

if __name__ == "__main__":
    import jax
    _d = setup_inputs()
    print(jax.jit(kernel)(*tuple(_d.values())))

</pallas_src>

<mosaic_0001>
#map = affine_map<(d0, d1) -> (0)>
#map1 = affine_map<(d0, d1) -> (0, 0)>
module attributes {stable_mosaic.version = 14 : i64} {
  func.func @_sc_pool(%arg0: i32, %arg1: i32, %arg2: memref<61440xf32, #tpu.memory_space<hbm>>, %arg3: memref<200x16384xi32, #tpu.memory_space<hbm>>, %arg4: memref<49152xf32, #tpu.memory_space<hbm>>, %arg5: memref<61440xf32, #tpu.memory_space<vmem>>, %arg6: memref<2x104x128xi32, #tpu.memory_space<vmem>>, %arg7: memref<1536xf32, #tpu.memory_space<vmem>>, %arg8: memref<!tpu.dma_semaphore, #tpu.memory_space<semaphore_mem>>, %arg9: memref<!tpu.dma_semaphore, #tpu.memory_space<semaphore_mem>>, %arg10: memref<!tpu.dma_semaphore, #tpu.memory_space<semaphore_mem>>, %arg11: memref<!tpu.dma_semaphore, #tpu.memory_space<semaphore_mem>>) attributes {dimension_semantics = [#tpu.dimension_semantics<core_parallel>, #tpu.dimension_semantics<subcore_parallel>], iteration_bounds = array<i64: 2, 16>, scalar_prefetch = 0 : i64, scratch_operands = 7 : i64, tpu.core_type = #tpu.core_type<sc_vector_subcore>, window_params = [{transform_indices = #map}, {transform_indices = #map1}, {transform_indices = #map}]} {
    %mul3A = arith.constant 2 : i32
    %mul3A_0 = arith.muli %arg1, %mul3A : i32
    %add3A = arith.addi %mul3A_0, %arg0 : i32
    %mul3A_1 = arith.constant 512 : i32
    %mul3A_2 = arith.muli %add3A, %mul3A_1 : i32
    tpu.enqueue_dma source(%arg2 : memref<61440xf32, #tpu.memory_space<hbm>>) target(%arg5 : memref<61440xf32, #tpu.memory_space<vmem>>) target_semaphore(%arg8 : memref<!tpu.dma_semaphore, #tpu.memory_space<semaphore_mem>>)
    %add3A_3 = arith.constant 0 : i32
    %add3A_4 = arith.addi %mul3A_2, %add3A_3 : i32
    %dma_start3A = arith.constant 0 : i32
    %dma_start3A_5 = arith.constant 0 : i32
    %dma_start3A_6 = arith.constant 0 : i32
    %dma_start3A_7 = tpu.memref_slice %arg6[%dma_start3A, %dma_start3A_5, %dma_start3A_6] : memref<2x104x128xi32, #tpu.memory_space<vmem>> -> memref<1x96x128xi32, #tpu.memory_space<vmem>>
    %dma_start3A_8 = tpu.memref_squeeze %dma_start3A_7 : memref<1x96x128xi32, #tpu.memory_space<vmem>> -> memref<96x128xi32, #tpu.memory_space<vmem>>
    %dma_start3A_9 = arith.constant 0 : i32
    %dma_start3A_10 = tpu.memref_slice %arg3[%dma_start3A_9, %add3A_4] : memref<200x16384xi32, #tpu.memory_space<hbm>> -> memref<96x128xi32, #tpu.memory_space<hbm>>
    %dma_start3A_11 = arith.constant 0 : i32
    %dma_start3A_12 = arith.constant 0 : i32
    %dma_start3A_13 = tpu.memref_slice %arg6[%dma_start3A, %dma_start3A_11, %dma_start3A_12] : memref<2x104x128xi32, #tpu.memory_space<vmem>> -> memref<1x96x128xi32, #tpu.memory_space<vmem>>
    %dma_start3A_14 = tpu.memref_squeeze %dma_start3A_13 : memref<1x96x128xi32, #tpu.memory_space<vmem>> -> memref<96x128xi32, #tpu.memory_space<vmem>>
    %dma_start3A_15 = arith.constant 0 : i32
    %dma_start3A_16 = tpu.memref_slice %arg3[%dma_start3A_15, %add3A_4] : memref<200x16384xi32, #tpu.memory_space<hbm>> -> memref<96x128xi32, #tpu.memory_space<hbm>>
    tpu.enqueue_dma source(%dma_start3A_16 : memref<96x128xi32, #tpu.memory_space<hbm>>) target(%dma_start3A_14 : memref<96x128xi32, #tpu.memory_space<vmem>>) target_semaphore(%arg9 : memref<!tpu.dma_semaphore, #tpu.memory_space<semaphore_mem>>)
    tpu.wait_dma2 semaphore(%arg8 : memref<!tpu.dma_semaphore, #tpu.memory_space<semaphore_mem>>) src(%arg2 : memref<61440xf32, #tpu.memory_space<hbm>>) dst(%arg5 : memref<61440xf32, #tpu.memory_space<vmem>>)
    %broadcast_in_dim3A = arith.constant 0.000000e+00 : f32
    %broadcast_in_dim3A_17 = vector.broadcast %broadcast_in_dim3A : f32 to vector<16xf32>
    %add3A_18 = arith.constant 0 : i32
    %add3A_19 = arith.addi %mul3A_2, %add3A_18 : i32
    %dma_start3A_20 = arith.constant 1 : i32
    %dma_start3A_21 = arith.constant 0 : i32
    %dma_start3A_22 = arith.constant 0 : i32
    %dma_start3A_23 = tpu.memref_slice %arg6[%dma_start3A_20, %dma_start3A_21, %dma_start3A_22] : memref<2x104x128xi32, #tpu.memory_space<vmem>> -> memref<1x104x128xi32, #tpu.memory_space<vmem>>
    %dma_start3A_24 = tpu.memref_squeeze %dma_start3A_23 : memref<1x104x128xi32, #tpu.memory_space<vmem>> -> memref<104x128xi32, #tpu.memory_space<vmem>>
    %dma_start3A_25 = arith.constant 96 : i32
    %dma_start3A_26 = tpu.memref_slice %arg3[%dma_start3A_25, %add3A_19] : memref<200x16384xi32, #tpu.memory_space<hbm>> -> memref<104x128xi32, #tpu.memory_space<hbm>>
    %dma_start3A_27 = arith.constant 0 : i32
    %dma_start3A_28 = arith.constant 0 : i32
    %dma_start3A_29 = tpu.memref_slice %arg6[%dma_start3A_20, %dma_start3A_27, %dma_start3A_28] : memref<2x104x128xi32, #tpu.memory_space<vmem>> -> memref<1x104x128xi32, #tpu.memory_space<vmem>>
    %dma_start3A_30 = tpu.memref_squeeze %dma_start3A_29 : memref<1x104x128xi32, #tpu.memory_space<vmem>> -> memref<104x128xi32, #tpu.memory_space<vmem>>
    %dma_start3A_31 = arith.constant 96 : i32
    %dma_start3A_32 = tpu.memref_slice %arg3[%dma_start3A_31, %add3A_19] : memref<200x16384xi32, #tpu.memory_space<hbm>> -> memref<104x128xi32, #tpu.memory_space<hbm>>
    tpu.enqueue_dma source(%dma_start3A_32 : memref<104x128xi32, #tpu.memory_space<hbm>>) target(%dma_start3A_30 : memref<104x128xi32, #tpu.memory_space<vmem>>) target_semaphore(%arg10 : memref<!tpu.dma_semaphore, #tpu.memory_space<semaphore_mem>>)
    %dma_wait3A = arith.constant 0 : i32
    %dma_wait3A_33 = arith.constant 0 : i32
    %dma_wait3A_34 = arith.constant 0 : i32
    %dma_wait3A_35 = tpu.memref_slice %arg6[%dma_wait3A, %dma_wait3A_33, %dma_wait3A_34] : memref<2x104x128xi32, #tpu.memory_space<vmem>> -> memref<1x96x128xi32, #tpu.memory_space<vmem>>
    %dma_wait3A_36 = tpu.memref_squeeze %dma_wait3A_35 : memref<1x96x128xi32, #tpu.memory_space<vmem>> -> memref<96x128xi32, #tpu.memory_space<vmem>>
    %dma_wait3A_37 = arith.constant 0 : i32
    %dma_wait3A_38 = tpu.memref_slice %arg3[%dma_wait3A_37, %add3A_4] : memref<200x16384xi32, #tpu.memory_space<hbm>> -> memref<96x128xi32, #tpu.memory_space<hbm>>
    %dma_wait3A_39 = arith.constant 0 : i32
    %dma_wait3A_40 = arith.constant 0 : i32
    %dma_wait3A_41 = tpu.memref_slice %arg6[%dma_wait3A, %dma_wait3A_39, %dma_wait3A_40] : memref<2x104x128xi32, #tpu.memory_space<vmem>> -> memref<1x96x128xi32, #tpu.memory_space<vmem>>
    %dma_wait3A_42 = tpu.memref_squeeze %dma_wait3A_41 : memref<1x96x128xi32, #tpu.memory_space<vmem>> -> memref<96x128xi32, #tpu.memory_space<vmem>>
    %dma_wait3A_43 = arith.constant 0 : i32
    %dma_wait3A_44 = tpu.memref_slice %arg3[%dma_wait3A_43, %add3A_4] : memref<200x16384xi32, #tpu.memory_space<hbm>> -> memref<96x128xi32, #tpu.memory_space<hbm>>
    tpu.wait_dma2 semaphore(%arg9 : memref<!tpu.dma_semaphore, #tpu.memory_space<semaphore_mem>>) src(%dma_wait3A_44 : memref<96x128xi32, #tpu.memory_space<hbm>>) dst(%dma_wait3A_42 : memref<96x128xi32, #tpu.memory_space<vmem>>)
    %broadcast_in_dim3A_45 = arith.constant -65536 : i32
    %broadcast_in_dim3A_46 = vector.broadcast %broadcast_in_dim3A_45 : i32 to vector<16xi32>
    %scan3A = arith.constant 0 : i32
    %scan3A_47 = arith.constant 96 : i32
    %scan3A_48 = arith.addi %scan3A, %scan3A_47 : i32
    %scan3A_49 = arith.constant 2 : i32
    %scan3A_50:24 = scf.for %scan3A_540 = %scan3A to %scan3A_48 step %scan3A_49 iter_args(%scan3A_541 = %broadcast_in_dim3A_17, %scan3A_542 = %broadcast_in_dim3A_17, %scan3A_543 = %broadcast_in_dim3A_17, %scan3A_544 = %broadcast_in_dim3A_17, %scan3A_545 = %broadcast_in_dim3A_17, %scan3A_546 = %broadcast_in_dim3A_17, %scan3A_547 = %broadcast_in_dim3A_17, %scan3A_548 = %broadcast_in_dim3A_17, %scan3A_549 = %broadcast_in_dim3A_17, %scan3A_550 = %broadcast_in_dim3A_17, %scan3A_551 = %broadcast_in_dim3A_17, %scan3A_552 = %broadcast_in_dim3A_17, %scan3A_553 = %broadcast_in_dim3A_17, %scan3A_554 = %broadcast_in_dim3A_17, %scan3A_555 = %broadcast_in_dim3A_17, %scan3A_556 = %broadcast_in_dim3A_17, %scan3A_557 = %broadcast_in_dim3A_17, %scan3A_558 = %broadcast_in_dim3A_17, %scan3A_559 = %broadcast_in_dim3A_17, %scan3A_560 = %broadcast_in_dim3A_17, %scan3A_561 = %broadcast_in_dim3A_17, %scan3A_562 = %broadcast_in_dim3A_17, %scan3A_563 = %broadcast_in_dim3A_17, %scan3A_564 = %broadcast_in_dim3A_17) -> (vector<16xf32>, vector<16xf32>, vector<16xf32>, vector<16xf32>, vector<16xf32>, vector<16xf32>, vector<16xf32>, vector<16xf32>, vector<16xf32>, vector<16xf32>, vector<16xf32>, vector<16xf32>, vector<16xf32>, vector<16xf32>, vector<16xf32>, vector<16xf32>, vector<16xf32>, vector<16xf32>, vector<16xf32>, vector<16xf32>, vector<16xf32>, vector<16xf32>, vector<16xf32>, vector<16xf32>)  : i32 {
      %get3A = arith.constant 0 : i32
      %get3A_565 = arith.index_cast %get3A : i32 to index
      %get3A_566 = arith.index_cast %scan3A_540 : i32 to index
      %get3A_567 = arith.constant 0 : index
      %get3A_568 = tpu.vector_load %arg6[%get3A_565, %get3A_566, %get3A_567] {strides = array<i32>} : memref<2x104x128xi32, #tpu.memory_space<vmem>>, vector<16xi32>,
      %gather3A = tpu.vector_load_idx %arg5[%get3A_568] : memref<61440xf32, #tpu.memory_space<vmem>>[vector<16xi32>], vector<16xf32>,
      %bitcast3A = vector.bitcast %gather3A : vector<16xf32> to vector<16xi32>
      %add3A_569 = arith.constant 30720 : i32
      %add3A_570 = vector.broadcast %add3A_569 : i32 to vector<16xi32>
      %add3A_571 = arith.addi %get3A_568, %add3A_570 : vector<16xi32>
      %gather3A_572 = tpu.vector_load_idx %arg5[%add3A_571] : memref<61440xf32, #tpu.memory_space<vmem>>[vector<16xi32>], vector<16xf32>,
      %shift_left3A = arith.constant 16 : i32
      %shift_left3A_573 = vector.broadcast %shift_left3A : i32 to vector<16xi32>
      %shift_left3A_574 = arith.shli %bitcast3A, %shift_left3A_573 : vector<16xi32>
      %bitcast3A_575 = vector.bitcast %shift_left3A_574 : vector<16xi32> to vector<16xf32>
      %and3A = arith.andi %bitcast3A, %broadcast_in_dim3A_46 : vector<16xi32>
      %bitcast3A_576 = vector.bitcast %and3A : vector<16xi32> to vector<16xf32>
      %add3A_577 = arith.addf %scan3A_541, %bitcast3A_575 : vector<16xf32>
      %add3A_578 = arith.addf %scan3A_542, %bitcast3A_576 : vector<16xf32>
      %add3A_579 = arith.addf %scan3A_543, %gather3A_572 : vector<16xf32>
      %get3A_580 = arith.constant 0 : i32
      %get3A_581 = arith.index_cast %get3A_580 : i32 to index
      %get3A_582 = arith.index_cast %scan3A_540 : i32 to index
      %get3A_583 = arith.constant 16 : index
      %get3A_584 = tpu.vector_load %arg6[%get3A_581, %get3A_582, %get3A_583] {strides = array<i32>} : memref<2x104x128xi32, #tpu.memory_space<vmem>>, vector<16xi32>,
      %gather3A_585 = tpu.vector_load_idx %arg5[%get3A_584] : memref<61440xf32, #tpu.memory_space<vmem>>[vector<16xi32>], vector<16xf32>,
      %bitcast3A_586 = vector.bitcast %gather3A_585 : vector<16xf32> to vector<16xi32>
      %add3A_587 = arith.constant 30720 : i32
      %add3A_588 = vector.broadcast %add3A_587 : i32 to vector<16xi32>
      %add3A_589 = arith.addi %get3A_584, %add3A_588 : vector<16xi32>
      %gather3A_590 = tpu.vector_load_idx %arg5[%add3A_589] : memref<61440xf32, #tpu.memory_space<vmem>>[vector<16xi32>], vector<16xf32>,
      %shift_left3A_591 = arith.constant 16 : i32
      %shift_left3A_592 = vector.broadcast %shift_left3A_591 : i32 to vector<16xi32>
      %shift_left3A_593 = arith.shli %bitcast3A_586, %shift_left3A_592 : vector<16xi32>
      %bitcast3A_594 = vector.bitcast %shift_left3A_593 : vector<16xi32> to vector<16xf32>
      %and3A_595 = arith.andi %bitcast3A_586, %broadcast_in_dim3A_46 : vector<16xi32>
      %bitcast3A_596 = vector.bitcast %and3A_595 : vector<16xi32> to vector<16xf32>
      %add3A_597 = arith.addf %scan3A_544, %bitcast3A_594 : vector<16xf32>
      %add3A_598 = arith.addf %scan3A_545, %bitcast3A_596 : vector<16xf32>
      %add3A_599 = arith.addf %scan3A_546, %gather3A_590 : vector<16xf32>
      %get3A_600 = arith.constant 0 : i32
      %get3A_601 = arith.index_cast %get3A_600 : i32 to index
      %get3A_602 = arith.index_cast %scan3A_540 : i32 to index
      %get3A_603 = arith.constant 32 : index
      %get3A_604 = tpu.vector_load %arg6[%get3A_601, %get3A_602, %get3A_603] {strides = array<i32>} : memref<2x104x128xi32, #tpu.memory_space<vmem>>, vector<16xi32>,
      %gather3A_605 = tpu.vector_load_idx %arg5[%get3A_604] : memref<61440xf32, #tpu.memory_space<vmem>>[vector<16xi32>], vector<16xf32>,
      %bitcast3A_606 = vector.bitcast %gather3A_605 : vector<16xf32> to vector<16xi32>
      %add3A_607 = arith.constant 30720 : i32
      %add3A_608 = vector.broadcast %add3A_607 : i32 to vector<16xi32>
      %add3A_609 = arith.addi %get3A_604, %add3A_608 : vector<16xi32>
      %gather3A_610 = tpu.vector_load_idx %arg5[%add3A_609] : memref<61440xf32, #tpu.memory_space<vmem>>[vector<16xi32>], vector<16xf32>,
      %shift_left3A_611 = arith.constant 16 : i32
      %shift_left3A_612 = vector.broadcast %shift_left3A_611 : i32 to vector<16xi32>
      %shift_left3A_613 = arith.shli %bitcast3A_606, %shift_left3A_612 : vector<16xi32>
      %bitcast3A_614 = vector.bitcast %shift_left3A_613 : vector<16xi32> to vector<16xf32>
      %and3A_615 = arith.andi %bitcast3A_606, %broadcast_in_dim3A_46 : vector<16xi32>
      %bitcast3A_616 = vector.bitcast %and3A_615 : vector<16xi32> to vector<16xf32>
      %add3A_617 = arith.addf %scan3A_547, %bitcast3A_614 : vector<16xf32>
      %add3A_618 = arith.addf %scan3A_548, %bitcast3A_616 : vector<16xf32>
      %add3A_619 = arith.addf %scan3A_549, %gather3A_610 : vector<16xf32>
      %get3A_620 = arith.constant 0 : i32
      %get3A_621 = arith.index_cast %get3A_620 : i32 to index
      %get3A_622 = arith.index_cast %scan3A_540 : i32 to index
      %get3A_623 = arith.constant 48 : index
      %get3A_624 = tpu.vector_load %arg6[%get3A_621, %get3A_622, %get3A_623] {strides = array<i32>} : memref<2x104x128xi32, #tpu.memory_space<vmem>>, vector<16xi32>,
      %gather3A_625 = tpu.vector_load_idx %arg5[%get3A_624] : memref<61440xf32, #tpu.memory_space<vmem>>[vector<16xi32>], vector<16xf32>,
      %bitcast3A_626 = vector.bitcast %gather3A_625 : vector<16xf32> to vector<16xi32>
      %add3A_627 = arith.constant 30720 : i32
      %add3A_628 = vector.broadcast %add3A_627 : i32 to vector<16xi32>
      %add3A_629 = arith.addi %get3A_624, %add3A_628 : vector<16xi32>
      %gather3A_630 = tpu.vector_load_idx %arg5[%add3A_629] : memref<61440xf32, #tpu.memory_space<vmem>>[vector<16xi32>], vector<16xf32>,
      %shift_left3A_631 = arith.constant 16 : i32
      %shift_left3A_632 = vector.broadcast %shift_left3A_631 : i32 to vector<16xi32>
      %shift_left3A_633 = arith.shli %bitcast3A_626, %shift_left3A_632 : vector<16xi32>
      %bitcast3A_634 = vector.bitcast %shift_left3A_633 : vector<16xi32> to vector<16xf32>
      %and3A_635 = arith.andi %bitcast3A_626, %broadcast_in_dim3A_46 : vector<16xi32>
      %bitcast3A_636 = vector.bitcast %and3A_635 : vector<16xi32> to vector<16xf32>
      %add3A_637 = arith.addf %scan3A_550, %bitcast3A_634 : vector<16xf32>
      %add3A_638 = arith.addf %scan3A_551, %bitcast3A_636 : vector<16xf32>
      %add3A_639 = arith.addf %scan3A_552, %gather3A_630 : vector<16xf32>
      %get3A_640 = arith.constant 0 : i32
      %get3A_641 = arith.index_cast %get3A_640 : i32 to index
      %get3A_642 = arith.index_cast %scan3A_540 : i32 to index
      %get3A_643 = arith.constant 64 : index
      %get3A_644 = tpu.vector_load %arg6[%get3A_641, %get3A_642, %get3A_643] {strides = array<i32>} : memref<2x104x128xi32, #tpu.memory_space<vmem>>, vector<16xi32>,
      %gather3A_645 = tpu.vector_load_idx %arg5[%get3A_644] : memref<61440xf32, #tpu.memory_space<vmem>>[vector<16xi32>], vector<16xf32>,
      %bitcast3A_646 = vector.bitcast %gather3A_645 : vector<16xf32> to vector<16xi32>
      %add3A_647 = arith.constant 30720 : i32
      %add3A_648 = vector.broadcast %add3A_647 : i32 to vector<16xi32>
      %add3A_649 = arith.addi %get3A_644, %add3A_648 : vector<16xi32>
      %gather3A_650 = tpu.vector_load_idx %arg5[%add3A_649] : memref<61440xf32, #tpu.memory_space<vmem>>[vector<16xi32>], vector<16xf32>,
      %shift_left3A_651 = arith.constant 16 : i32
      %shift_left3A_652 = vector.broadcast %shift_left3A_651 : i32 to vector<16xi32>
      %shift_left3A_653 = arith.shli %bitcast3A_646, %shift_left3A_652 : vector<16xi32>
      %bitcast3A_654 = vector.bitcast %shift_left3A_653 : vector<16xi32> to vector<16xf32>
      %and3A_655 = arith.andi %bitcast3A_646, %broadcast_in_dim3A_46 : vector<16xi32>
      %bitcast3A_656 = vector.bitcast %and3A_655 : vector<16xi32> to vector<16xf32>
      %add3A_657 = arith.addf %scan3A_553, %bitcast3A_654 : vector<16xf32>
      %add3A_658 = arith.addf %scan3A_554, %bitcast3A_656 : vector<16xf32>
      %add3A_659 = arith.addf %scan3A_555, %gather3A_650 : vector<16xf32>
      %get3A_660 = arith.constant 0 : i32
      %get3A_661 = arith.index_cast %get3A_660 : i32 to index
      %get3A_662 = arith.index_cast %scan3A_540 : i32 to index
      %get3A_663 = arith.constant 80 : index
      %get3A_664 = tpu.vector_load %arg6[%get3A_661, %get3A_662, %get3A_663] {strides = array<i32>} : memref<2x104x128xi32, #tpu.memory_space<vmem>>, vector<16xi32>,
      %gather3A_665 = tpu.vector_load_idx %arg5[%get3A_664] : memref<61440xf32, #tpu.memory_space<vmem>>[vector<16xi32>], vector<16xf32>,
      %bitcast3A_666 = vector.bitcast %gather3A_665 : vector<16xf32> to vector<16xi32>
      %add3A_667 = arith.constant 30720 : i32
      %add3A_668 = vector.broadcast %add3A_667 : i32 to vector<16xi32>
      %add3A_669 = arith.addi %get3A_664, %add3A_668 : vector<16xi32>
      %gather3A_670 = tpu.vector_load_idx %arg5[%add3A_669] : memref<61440xf32, #tpu.memory_space<vmem>>[vector<16xi32>], vector<16xf32>,
      %shift_left3A_671 = arith.constant 16 : i32
      %shift_left3A_672 = vector.broadcast %shift_left3A_671 : i32 to vector<16xi32>
      %shift_left3A_673 = arith.shli %bitcast3A_666, %shift_left3A_672 : vector<16xi32>
      %bitcast3A_674 = vector.bitcast %shift_left3A_673 : vector<16xi32> to vector<16xf32>
      %and3A_675 = arith.andi %bitcast3A_666, %broadcast_in_dim3A_46 : vector<16xi32>
      %bitcast3A_676 = vector.bitcast %and3A_675 : vector<16xi32> to vector<16xf32>
      %add3A_677 = arith.addf %scan3A_556, %bitcast3A_674 : vector<16xf32>
      %add3A_678 = arith.addf %scan3A_557, %bitcast3A_676 : vector<16xf32>
      %add3A_679 = arith.addf %scan3A_558, %gather3A_670 : vector<16xf32>
      %get3A_680 = arith.constant 0 : i32
      %get3A_681 = arith.index_cast %get3A_680 : i32 to index
      %get3A_682 = arith.index_cast %scan3A_540 : i32 to index
      %get3A_683 = arith.constant 96 : index
      %get3A_684 = tpu.vector_load %arg6[%get3A_681, %get3A_682, %get3A_683] {strides = array<i32>} : memref<2x104x128xi32, #tpu.memory_space<vmem>>, vector<16xi32>,
      %gather3A_685 = tpu.vector_load_idx %arg5[%get3A_684] : memref<61440xf32, #tpu.memory_space<vmem>>[vector<16xi32>], vector<16xf32>,
      %bitcast3A_686 = vector.bitcast %gather3A_685 : vector<16xf32> to vector<16xi32>
      %add3A_687 = arith.constant 30720 : i32
      %add3A_688 = vector.broadcast %add3A_687 : i32 to vector<16xi32>
      %add3A_689 = arith.addi %get3A_684, %add3A_688 : vector<16xi32>
      %gather3A_690 = tpu.vector_load_idx %arg5[%add3A_689] : memref<61440xf32, #tpu.memory_space<vmem>>[vector<16xi32>], vector<16xf32>,
      %shift_left3A_691 = arith.constant 16 : i32
      %shift_left3A_692 = vector.broadcast %shift_left3A_691 : i32 to vector<16xi32>
      %shift_left3A_693 = arith.shli %bitcast3A_686, %shift_left3A_692 : vector<16xi32>
      %bitcast3A_694 = vector.bitcast %shift_left3A_693 : vector<16xi32> to vector<16xf32>
      %and3A_695 = arith.andi %bitcast3A_686, %broadcast_in_dim3A_46 : vector<16xi32>
      %bitcast3A_696 = vector.bitcast %and3A_695 : vector<16xi32> to vector<16xf32>
      %add3A_697 = arith.addf %scan3A_559, %bitcast3A_694 : vector<16xf32>
      %add3A_698 = arith.addf %scan3A_560, %bitcast3A_696 : vector<16xf32>
      %add3A_699 = arith.addf %scan3A_561, %gather3A_690 : vector<16xf32>
      %get3A_700 = arith.constant 0 : i32
      %get3A_701 = arith.index_cast %get3A_700 : i32 to index
      %get3A_702 = arith.index_cast %scan3A_540 : i32 to index
      %get3A_703 = arith.constant 112 : index
      %get3A_704 = tpu.vector_load %arg6[%get3A_701, %get3A_702, %get3A_703] {strides = array<i32>} : memref<2x104x128xi32, #tpu.memory_space<vmem>>, vector<16xi32>,
      %gather3A_705 = tpu.vector_load_idx %arg5[%get3A_704] : memref<61440xf32, #tpu.memory_space<vmem>>[vector<16xi32>], vector<16xf32>,
      %bitcast3A_706 = vector.bitcast %gather3A_705 : vector<16xf32> to vector<16xi32>
      %add3A_707 = arith.constant 30720 : i32
      %add3A_708 = vector.broadcast %add3A_707 : i32 to vector<16xi32>
      %add3A_709 = arith.addi %get3A_704, %add3A_708 : vector<16xi32>
      %gather3A_710 = tpu.vector_load_idx %arg5[%add3A_709] : memref<61440xf32, #tpu.memory_space<vmem>>[vector<16xi32>], vector<16xf32>,
      %shift_left3A_711 = arith.constant 16 : i32
      %shift_left3A_712 = vector.broadcast %shift_left3A_711 : i32 to vector<16xi32>
      %shift_left3A_713 = arith.shli %bitcast3A_706, %shift_left3A_712 : vector<16xi32>
      %bitcast3A_714 = vector.bitcast %shift_left3A_713 : vector<16xi32> to vector<16xf32>
      %and3A_715 = arith.andi %bitcast3A_706, %broadcast_in_dim3A_46 : vector<16xi32>
      %bitcast3A_716 = vector.bitcast %and3A_715 : vector<16xi32> to vector<16xf32>
      %add3A_717 = arith.addf %scan3A_562, %bitcast3A_714 : vector<16xf32>
      %add3A_718 = arith.addf %scan3A_563, %bitcast3A_716 : vector<16xf32>
      %add3A_719 = arith.addf %scan3A_564, %gather3A_710 : vector<16xf32>
      %scan3A_720 = arith.constant 1 : i32
      %scan3A_721 = arith.addi %scan3A_540, %scan3A_720 : i32
      %get3A_722 = arith.constant 0 : i32
      %get3A_723 = arith.index_cast %get3A_722 : i32 to index
      %get3A_724 = arith.index_cast %scan3A_721 : i32 to index
      %get3A_725 = arith.constant 0 : index
      %get3A_726 = tpu.vector_load %arg6[%get3A_723, %get3A_724, %get3A_725] {strides = array<i32>} : memref<2x104x128xi32, #tpu.memory_space<vmem>>, vector<16xi32>,
      %gather3A_727 = tpu.vector_load_idx %arg5[%get3A_726] : memref<61440xf32, #tpu.memory_space<vmem>>[vector<16xi32>], vector<16xf32>,
      %bitcast3A_728 = vector.bitcast %gather3A_727 : vector<16xf32> to vector<16xi32>
      %add3A_729 = arith.constant 30720 : i32
      %add3A_730 = vector.broadcast %add3A_729 : i32 to vector<16xi32>
      %add3A_731 = arith.addi %get3A_726, %add3A_730 : vector<16xi32>
      %gather3A_732 = tpu.vector_load_idx %arg5[%add3A_731] : memref<61440xf32, #tpu.memory_space<vmem>>[vector<16xi32>], vector<16xf32>,
      %shift_left3A_733 = arith.constant 16 : i32
      %shift_left3A_734 = vector.broadcast %shift_left3A_733 : i32 to vector<16xi32>
      %shift_left3A_735 = arith.shli %bitcast3A_728, %shift_left3A_734 : vector<16xi32>
      %bitcast3A_736 = vector.bitcast %shift_left3A_735 : vector<16xi32> to vector<16xf32>
      %and3A_737 = arith.andi %bitcast3A_728, %broadcast_in_dim3A_46 : vector<16xi32>
      %bitcast3A_738 = vector.bitcast %and3A_737 : vector<16xi32> to vector<16xf32>
      %add3A_739 = arith.addf %add3A_577, %bitcast3A_736 : vector<16xf32>
      %add3A_740 = arith.addf %add3A_578, %bitcast3A_738 : vector<16xf32>
      %add3A_741 = arith.addf %add3A_579, %gather3A_732 : vector<16xf32>
      %get3A_742 = arith.constant 0 : i32
      %get3A_743 = arith.index_cast %get3A_742 : i32 to index
      %get3A_744 = arith.index_cast %scan3A_721 : i32 to index
      %get3A_745 = arith.constant 16 : index
      %get3A_746 = tpu.vector_load %arg6[%get3A_743, %get3A_744, %get3A_745] {strides = array<i32>} : memref<2x104x128xi32, #tpu.memory_space<vmem>>, vector<16xi32>,
      %gather3A_747 = tpu.vector_load_idx %arg5[%get3A_746] : memref<61440xf32, #tpu.memory_space<vmem>>[vector<16xi32>], vector<16xf32>,
      %bitcast3A_748 = vector.bitcast %gather3A_747 : vector<16xf32> to vector<16xi32>
      %add3A_749 = arith.constant 30720 : i32
      %add3A_750 = vector.broadcast %add3A_749 : i32 to vector<16xi32>
      %add3A_751 = arith.addi %get3A_746, %add3A_750 : vector<16xi32>
      %gather3A_752 = tpu.vector_load_idx %arg5[%add3A_751] : memref<61440xf32, #tpu.memory_space<vmem>>[vector<16xi32>], vector<16xf32>,
      %shift_left3A_753 = arith.constant 16 : i32
      %shift_left3A_754 = vector.broadcast %shift_left3A_753 : i32 to vector<16xi32>
      %shift_left3A_755 = arith.shli %bitcast3A_748, %shift_left3A_754 : vector<16xi32>
      %bitcast3A_756 = vector.bitcast %shift_left3A_755 : vector<16xi32> to vector<16xf32>
      %and3A_757 = arith.andi %bitcast3A_748, %broadcast_in_dim3A_46 : vector<16xi32>
      %bitcast3A_758 = vector.bitcast %and3A_757 : vector<16xi32> to vector<16xf32>
      %add3A_759 = arith.addf %add3A_597, %bitcast3A_756 : vector<16xf32>
      %add3A_760 = arith.addf %add3A_598, %bitcast3A_758 : vector<16xf32>
      %add3A_761 = arith.addf %add3A_599, %gather3A_752 : vector<16xf32>
      %get3A_762 = arith.constant 0 : i32
      %get3A_763 = arith.index_cast %get3A_762 : i32 to index
      %get3A_764 = arith.index_cast %scan3A_721 : i32 to index
      %get3A_765 = arith.constant 32 : index
      %get3A_766 = tpu.vector_load %arg6[%get3A_763, %get3A_764, %get3A_765] {strides = array<i32>} : memref<2x104x128xi32, #tpu.memory_space<vmem>>, vector<16xi32>,
      %gather3A_767 = tpu.vector_load_idx %arg5[%get3A_766] : memref<61440xf32, #tpu.memory_space<vmem>>[vector<16xi32>], vector<16xf32>,
      %bitcast3A_768 = vector.bitcast %gather3A_767 : vector<16xf32> to vector<16xi32>
      %add3A_769 = arith.constant 30720 : i32
      %add3A_770 = vector.broadcast %add3A_769 : i32 to vector<16xi32>
      %add3A_771 = arith.addi %get3A_766, %add3A_770 : vector<16xi32>
      %gather3A_772 = tpu.vector_load_idx %arg5[%add3A_771] : memref<61440xf32, #tpu.memory_space<vmem>>[vector<16xi32>], vector<16xf32>,
      %shift_left3A_773 = arith.constant 16 : i32
      %shift_left3A_774 = vector.broadcast %shift_left3A_773 : i32 to vector<16xi32>
      %shift_left3A_775 = arith.shli %bitcast3A_768, %shift_left3A_774 : vector<16xi32>
      %bitcast3A_776 = vector.bitcast %shift_left3A_775 : vector<16xi32> to vector<16xf32>
      %and3A_777 = arith.andi %bitcast3A_768, %broadcast_in_dim3A_46 : vector<16xi32>
      %bitcast3A_778 = vector.bitcast %and3A_777 : vector<16xi32> to vector<16xf32>
      %add3A_779 = arith.addf %add3A_617, %bitcast3A_776 : vector<16xf32>
      %add3A_780 = arith.addf %add3A_618, %bitcast3A_778 : vector<16xf32>
      %add3A_781 = arith.addf %add3A_619, %gather3A_772 : vector<16xf32>
      %get3A_782 = arith.constant 0 : i32
      %get3A_783 = arith.index_cast %get3A_782 : i32 to index
      %get3A_784 = arith.index_cast %scan3A_721 : i32 to index
      %get3A_785 = arith.constant 48 : index
      %get3A_786 = tpu.vector_load %arg6[%get3A_783, %get3A_784, %get3A_785] {strides = array<i32>} : memref<2x104x128xi32, #tpu.memory_space<vmem>>, vector<16xi32>,
      %gather3A_787 = tpu.vector_load_idx %arg5[%get3A_786] : memref<61440xf32, #tpu.memory_space<vmem>>[vector<16xi32>], vector<16xf32>,
      %bitcast3A_788 = vector.bitcast %gather3A_787 : vector<16xf32> to vector<16xi32>
      %add3A_789 = arith.constant 30720 : i32
      %add3A_790 = vector.broadcast %add3A_789 : i32 to vector<16xi32>
      %add3A_791 = arith.addi %get3A_786, %add3A_790 : vector<16xi32>
      %gather3A_792 = tpu.vector_load_idx %arg5[%add3A_791] : memref<61440xf32, #tpu.memory_space<vmem>>[vector<16xi32>], vector<16xf32>,
      %shift_left3A_793 = arith.constant 16 : i32
      %shift_left3A_794 = vector.broadcast %shift_left3A_793 : i32 to vector<16xi32>
      %shift_left3A_795 = arith.shli %bitcast3A_788, %shift_left3A_794 : vector<16xi32>
      %bitcast3A_796 = vector.bitcast %shift_left3A_795 : vector<16xi32> to vector<16xf32>
      %and3A_797 = arith.andi %bitcast3A_788, %broadcast_in_dim3A_46 : vector<16xi32>
      %bitcast3A_798 = vector.bitcast %and3A_797 : vector<16xi32> to vector<16xf32>
      %add3A_799 = arith.addf %add3A_637, %bitcast3A_796 : vector<16xf32>
      %add3A_800 = arith.addf %add3A_638, %bitcast3A_798 : vector<16xf32>
      %add3A_801 = arith.addf %add3A_639, %gather3A_792 : vector<16xf32>
      %get3A_802 = arith.constant 0 : i32
      %get3A_803 = arith.index_cast %get3A_802 : i32 to index
      %get3A_804 = arith.index_cast %scan3A_721 : i32 to index
      %get3A_805 = arith.constant 64 : index
      %get3A_806 = tpu.vector_load %arg6[%get3A_803, %get3A_804, %get3A_805] {strides = array<i32>} : memref<2x104x128xi32, #tpu.memory_space<vmem>>, vector<16xi32>,
      %gather3A_807 = tpu.vector_load_idx %arg5[%get3A_806] : memref<61440xf32, #tpu.memory_space<vmem>>[vector<16xi32>], vector<16xf32>,
      %bitcast3A_808 = vector.bitcast %gather3A_807 : vector<16xf32> to vector<16xi32>
      %add3A_809 = arith.constant 30720 : i32
      %add3A_810 = vector.broadcast %add3A_809 : i32 to vector<16xi32>
      %add3A_811 = arith.addi %get3A_806, %add3A_810 : vector<16xi32>
      %gather3A_812 = tpu.vector_load_idx %arg5[%add3A_811] : memref<61440xf32, #tpu.memory_space<vmem>>[vector<16xi32>], vector<16xf32>,
      %shift_left3A_813 = arith.constant 16 : i32
      %shift_left3A_814 = vector.broadcast %shift_left3A_813 : i32 to vector<16xi32>
      %shift_left3A_815 = arith.shli %bitcast3A_808, %shift_left3A_814 : vector<16xi32>
      %bitcast3A_816 = vector.bitcast %shift_left3A_815 : vector<16xi32> to vector<16xf32>
      %and3A_817 = arith.andi %bitcast3A_808, %broadcast_in_dim3A_46 : vector<16xi32>
      %bitcast3A_818 = vector.bitcast %and3A_817 : vector<16xi32> to vector<16xf32>
      %add3A_819 = arith.addf %add3A_657, %bitcast3A_816 : vector<16xf32>
      %add3A_820 = arith.addf %add3A_658, %bitcast3A_818 : vector<16xf32>
      %add3A_821 = arith.addf %add3A_659, %gather3A_812 : vector<16xf32>
      %get3A_822 = arith.constant 0 : i32
      %get3A_823 = arith.index_cast %get3A_822 : i32 to index
      %get3A_824 = arith.index_cast %scan3A_721 : i32 to index
      %get3A_825 = arith.constant 80 : index
      %get3A_826 = tpu.vector_load %arg6[%get3A_823, %get3A_824, %get3A_825] {strides = array<i32>} : memref<2x104x128xi32, #tpu.memory_space<vmem>>, vector<16xi32>,
      %gather3A_827 = tpu.vector_load_idx %arg5[%get3A_826] : memref<61440xf32, #tpu.memory_space<vmem>>[vector<16xi32>], vector<16xf32>,
      %bitcast3A_828 = vector.bitcast %gather3A_827 : vector<16xf32> to vector<16xi32>
      %add3A_829 = arith.constant 30720 : i32
      %add3A_830 = vector.broadcast %add3A_829 : i32 to vector<16xi32>
      %add3A_831 = arith.addi %get3A_826, %add3A_830 : vector<16xi32>
      %gather3A_832 = tpu.vector_load_idx %arg5[%add3A_831] : memref<61440xf32, #tpu.memory_space<vmem>>[vector<16xi32>], vector<16xf32>,
      %shift_left3A_833 = arith.constant 16 : i32
      %shift_left3A_834 = vector.broadcast %shift_left3A_833 : i32 to vector<16xi32>
      %shift_left3A_835 = arith.shli %bitcast3A_828, %shift_left3A_834 : vector<16xi32>
      %bitcast3A_836 = vector.bitcast %shift_left3A_835 : vector<16xi32> to vector<16xf32>
      %and3A_837 = arith.andi %bitcast3A_828, %broadcast_in_dim3A_46 : vector<16xi32>
      %bitcast3A_838 = vector.bitcast %and3A_837 : vector<16xi32> to vector<16xf32>
      %add3A_839 = arith.addf %add3A_677, %bitcast3A_836 : vector<16xf32>
      %add3A_840 = arith.addf %add3A_678, %bitcast3A_838 : vector<16xf32>
      %add3A_841 = arith.addf %add3A_679, %gather3A_832 : vector<16xf32>
      %get3A_842 = arith.constant 0 : i32
      %get3A_843 = arith.index_cast %get3A_842 : i32 to index
      %get3A_844 = arith.index_cast %scan3A_721 : i32 to index
      %get3A_845 = arith.constant 96 : index
      %get3A_846 = tpu.vector_load %arg6[%get3A_843, %get3A_844, %get3A_845] {strides = array<i32>} : memref<2x104x128xi32, #tpu.memory_space<vmem>>, vector<16xi32>,
      %gather3A_847 = tpu.vector_load_idx %arg5[%get3A_846] : memref<61440xf32, #tpu.memory_space<vmem>>[vector<16xi32>], vector<16xf32>,
      %bitcast3A_848 = vector.bitcast %gather3A_847 : vector<16xf32> to vector<16xi32>
      %add3A_849 = arith.constant 30720 : i32
      %add3A_850 = vector.broadcast %add3A_849 : i32 to vector<16xi32>
      %add3A_851 = arith.addi %get3A_846, %add3A_850 : vector<16xi32>
      %gather3A_852 = tpu.vector_load_idx %arg5[%add3A_851] : memref<61440xf32, #tpu.memory_space<vmem>>[vector<16xi32>], vector<16xf32>,
      %shift_left3A_853 = arith.constant 16 : i32
      %shift_left3A_854 = vector.broadcast %shift_left3A_853 : i32 to vector<16xi32>
      %shift_left3A_855 = arith.shli %bitcast3A_848, %shift_left3A_854 : vector<16xi32>
      %bitcast3A_856 = vector.bitcast %shift_left3A_855 : vector<16xi32> to vector<16xf32>
      %and3A_857 = arith.andi %bitcast3A_848, %broadcast_in_dim3A_46 : vector<16xi32>
      %bitcast3A_858 = vector.bitcast %and3A_857 : vector<16xi32> to vector<16xf32>
      %add3A_859 = arith.addf %add3A_697, %bitcast3A_856 : vector<16xf32>
      %add3A_860 = arith.addf %add3A_698, %bitcast3A_858 : vector<16xf32>
      %add3A_861 = arith.addf %add3A_699, %gather3A_852 : vector<16xf32>
      %get3A_862 = arith.constant 0 : i32
      %get3A_863 = arith.index_cast %get3A_862 : i32 to index
      %get3A_864 = arith.index_cast %scan3A_721 : i32 to index
      %get3A_865 = arith.constant 112 : index
      %get3A_866 = tpu.vector_load %arg6[%get3A_863, %get3A_864, %get3A_865] {strides = array<i32>} : memref<2x104x128xi32, #tpu.memory_space<vmem>>, vector<16xi32>,
      %gather3A_867 = tpu.vector_load_idx %arg5[%get3A_866] : memref<61440xf32, #tpu.memory_space<vmem>>[vector<16xi32>], vector<16xf32>,
      %bitcast3A_868 = vector.bitcast %gather3A_867 : vector<16xf32> to vector<16xi32>
      %add3A_869 = arith.constant 30720 : i32
      %add3A_870 = vector.broadcast %add3A_869 : i32 to vector<16xi32>
      %add3A_871 = arith.addi %get3A_866, %add3A_870 : vector<16xi32>
      %gather3A_872 = tpu.vector_load_idx %arg5[%add3A_871] : memref<61440xf32, #tpu.memory_space<vmem>>[vector<16xi32>], vector<16xf32>,
      %shift_left3A_873 = arith.constant 16 : i32
      %shift_left3A_874 = vector.broadcast %shift_left3A_873 : i32 to vector<16xi32>
      %shift_left3A_875 = arith.shli %bitcast3A_868, %shift_left3A_874 : vector<16xi32>
      %bitcast3A_876 = vector.bitcast %shift_left3A_875 : vector<16xi32> to vector<16xf32>
      %and3A_877 = arith.andi %bitcast3A_868, %broadcast_in_dim3A_46 : vector<16xi32>
      %bitcast3A_878 = vector.bitcast %and3A_877 : vector<16xi32> to vector<16xf32>
      %add3A_879 = arith.addf %add3A_717, %bitcast3A_876 : vector<16xf32>
      %add3A_880 = arith.addf %add3A_718, %bitcast3A_878 : vector<16xf32>
      %add3A_881 = arith.addf %add3A_719, %gather3A_872 : vector<16xf32>
      scf.yield %add3A_739, %add3A_740, %add3A_741, %add3A_759, %add3A_760, %add3A_761, %add3A_779, %add3A_780, %add3A_781, %add3A_799, %add3A_800, %add3A_801, %add3A_819, %add3A_820, %add3A_821, %add3A_839, %add3A_840, %add3A_841, %add3A_859, %add3A_860, %add3A_861, %add3A_879, %add3A_880, %add3A_881 : vector<16xf32>, vector<16xf32>, vector<16xf32>, vector<16xf32>, vector<16xf32>, vector<16xf32>, vector<16xf32>, vector<16xf32>, vector<16xf32>, vector<16xf32>, vector<16xf32>, vector<16xf32>, vector<16xf32>, vector<16xf32>, vector<16xf32>, vector<16xf32>, vector<16xf32>, vector<16xf32>, vector<16xf32>, vector<16xf32>, vector<16xf32>, vector<16xf32>, vector<16xf32>, vector<16xf32>
    }
    %scan3A_51 = arith.constant 96 : i32
    %add3A_52 = arith.constant 128 : i32
    %add3A_53 = arith.addi %mul3A_2, %add3A_52 : i32
    %dma_start3A_54 = arith.constant 0 : i32
    %dma_start3A_55 = arith.constant 0 : i32
    %dma_start3A_56 = arith.constant 0 : i32
    %dma_start3A_57 = tpu.memref_slice %arg6[%dma_start3A_54, %dma_start3A_55, %dma_start3A_56] : memref<2x104x128xi32, #tpu.memory_space<vmem>> -> memref<1x96x128xi32, #tpu.memory_space<vmem>>
    %dma_start3A_58 = tpu.memref_squeeze %dma_start3A_57 : memref<1x96x128xi32, #tpu.memory_space<vmem>> -> memref<96x128xi32, #tpu.memory_space<vmem>>
    %dma_start3A_59 = arith.constant 0 : i32
    %dma_start3A_60 = tpu.memref_slice %arg3[%dma_start3A_59, %add3A_53] : memref<200x16384xi32, #tpu.memory_space<hbm>> -> memref<96x128xi32, #tpu.memory_space<hbm>>
    %dma_start3A_61 = arith.constant 0 : i32
    %dma_start3A_62 = arith.constant 0 : i32
    %dma_start3A_63 = tpu.memref_slice %arg6[%dma_start3A_54, %dma_start3A_61, %dma_start3A_62] : memref<2x104x128xi32, #tpu.memory_space<vmem>> -> memref<1x96x128xi32, #tpu.memory_space<vmem>>
    %dma_start3A_64 = tpu.memref_squeeze %dma_start3A_63 : memref<1x96x128xi32, #tpu.memory_space<vmem>> -> memref<96x128xi32, #tpu.memory_space<vmem>>
    %dma_start3A_65 = arith.constant 0 : i32
    %dma_start3A_66 = tpu.memref_slice %arg3[%dma_start3A_65, %add3A_53] : memref<200x16384xi32, #tpu.memory_space<hbm>> -> memref<96x128xi32, #tpu.memory_space<hbm>>
    tpu.enqueue_dma source(%dma_start3A_66 : memref<96x128xi32, #tpu.memory_space<hbm>>) target(%dma_start3A_64 : memref<96x128xi32, #tpu.memory_space<vmem>>) target_semaphore(%arg9 : memref<!tpu.dma_semaphore, #tpu.memory_space<semaphore_mem>>)
    %dma_wait3A_67 = arith.constant 1 : i32
    %dma_wait3A_68 = arith.constant 0 : i32
    %dma_wait3A_69 = arith.constant 0 : i32
    %dma_wait3A_70 = tpu.memref_slice %arg6[%dma_wait3A_67, %dma_wait3A_68, %dma_wait3A_69] : memref<2x104x128xi32, #tpu.memory_space<vmem>> -> memref<1x104x128xi32, #tpu.memory_space<vmem>>
    %dma_wait3A_71 = tpu.memref_squeeze %dma_wait3A_70 : memref<1x104x128xi32, #tpu.memory_space<vmem>> -> memref<104x128xi32, #tpu.memory_space<vmem>>
    %dma_wait3A_72 = arith.constant 96 : i32
    %dma_wait3A_73 = tpu.memref_slice %arg3[%dma_wait3A_72, %add3A_19] : memref<200x16384xi32, #tpu.memory_space<hbm>> -> memref<104x128xi32, #tpu.memory_space<hbm>>
    %dma_wait3A_74 = arith.constant 0 : i32
    %dma_wait3A_75 = arith.constant 0 : i32
    %dma_wait3A_76 = tpu.memref_slice %arg6[%dma_wait3A_67, %dma_wait3A_74, %dma_wait3A_75] : memref<2x104x128xi32, #tpu.memory_space<vmem>> -> memref<1x104x128xi32, #tpu.memory_space<vmem>>
    %dma_wait3A_77 = tpu.memref_squeeze %dma_wait3A_76 : memref<1x104x128xi32, #tpu.memory_space<vmem>> -> memref<104x128xi32, #tpu.memory_space<vmem>>
    %dma_wait3A_78 = arith.constant 96 : i32
    %dma_wait3A_79 = tpu.memref_slice %arg3[%dma_wait3A_78, %add3A_19] : memref<200x16384xi32, #tpu.memory_space<hbm>> -> memref<104x128xi32, #tpu.memory_space<hbm>>
    tpu.wait_dma2 semaphore(%arg10 : memref<!tpu.dma_semaphore, #tpu.memory_space<semaphore_mem>>) src(%dma_wait3A_79 : memref<104x128xi32, #tpu.memory_space<hbm>>) dst(%dma_wait3A_77 : memref<104x128xi32, #tpu.memory_space<vmem>>)
    %broadcast_in_dim3A_80 = arith.constant -65536 : i32
    %broadcast_in_dim3A_81 = vector.broadcast %broadcast_in_dim3A_80 : i32 to vector<16xi32>
    %scan3A_82 = arith.constant 0 : i32
    %scan3A_83 = arith.constant 104 : i32
    %scan3A_84 = arith.addi %scan3A_82, %scan3A_83 : i32
    %scan3A_85 = arith.constant 2 : i32
    %scan3A_86:24 = scf.for %scan3A_540 = %scan3A_82 to %scan3A_84 step %scan3A_85 iter_args(%scan3A_541 = %scan3A_50#0, %scan3A_542 = %scan3A_50#1, %scan3A_543 = %scan3A_50#2, %scan3A_544 = %scan3A_50#3, %scan3A_545 = %scan3A_50#4, %scan3A_546 = %scan3A_50#5, %scan3A_547 = %scan3A_50#6, %scan3A_548 = %scan3A_50#7, %scan3A_549 = %scan3A_50#8, %scan3A_550 = %scan3A_50#9, %scan3A_551 = %scan3A_50#10, %scan3A_552 = %scan3A_50#11, %scan3A_553 = %scan3A_50#12, %scan3A_554 = %scan3A_50#13, %scan3A_555 = %scan3A_50#14, %scan3A_556 = %scan3A_50#15, %scan3A_557 = %scan3A_50#16, %scan3A_558 = %scan3A_50#17, %scan3A_559 = %scan3A_50#18, %scan3A_560 = %scan3A_50#19, %scan3A_561 = %scan3A_50#20, %scan3A_562 = %scan3A_50#21, %scan3A_563 = %scan3A_50#22, %scan3A_564 = %scan3A_50#23) -> (vector<16xf32>, vector<16xf32>, vector<16xf32>, vector<16xf32>, vector<16xf32>, vector<16xf32>, vector<16xf32>, vector<16xf32>, vector<16xf32>, vector<16xf32>, vector<16xf32>, vector<16xf32>, vector<16xf32>, vector<16xf32>, vector<16xf32>, vector<16xf32>, vector<16xf32>, vector<16xf32>, vector<16xf32>, vector<16xf32>, vector<16xf32>, vector<16xf32>, vector<16xf32>, vector<16xf32>)  : i32 {
      %get3A = arith.constant 1 : i32
      %get3A_565 = arith.index_cast %get3A : i32 to index
      %get3A_566 = arith.index_cast %scan3A_540 : i32 to index
      %get3A_567 = arith.constant 0 : index
      %get3A_568 = tpu.vector_load %arg6[%get3A_565, %get3A_566, %get3A_567] {strides = array<i32>} : memref<2x104x128xi32, #tpu.memory_space<vmem>>, vector<16xi32>,
      %gather3A = tpu.vector_load_idx %arg5[%get3A_568] : memref<61440xf32, #tpu.memory_space<vmem>>[vector<16xi32>], vector<16xf32>,
      %bitcast3A = vector.bitcast %gather3A : vector<16xf32> to vector<16xi32>
      %add3A_569 = arith.constant 30720 : i32
      %add3A_570 = vector.broadcast %add3A_569 : i32 to vector<16xi32>
      %add3A_571 = arith.addi %get3A_568, %add3A_570 : vector<16xi32>
      %gather3A_572 = tpu.vector_load_idx %arg5[%add3A_571] : memref<61440xf32, #tpu.memory_space<vmem>>[vector<16xi32>], vector<16xf32>,
      %shift_left3A = arith.constant 16 : i32
      %shift_left3A_573 = vector.broadcast %shift_left3A : i32 to vector<16xi32>
      %shift_left3A_574 = arith.shli %bitcast3A, %shift_left3A_573 : vector<16xi32>
      %bitcast3A_575 = vector.bitcast %shift_left3A_574 : vector<16xi32> to vector<16xf32>
      %and3A = arith.andi %bitcast3A, %broadcast_in_dim3A_81 : vector<16xi32>
      %bitcast3A_576 = vector.bitcast %and3A : vector<16xi32> to vector<16xf32>
      %add3A_577 = arith.addf %scan3A_541, %bitcast3A_575 : vector<16xf32>
      %add3A_578 = arith.addf %scan3A_542, %bitcast3A_576 : vector<16xf32>
      %add3A_579 = arith.addf %scan3A_543, %gather3A_572 : vector<16xf32>
      %get3A_580 = arith.constant 1 : i32
      %get3A_581 = arith.index_cast %get3A_580 : i32 to index
      %get3A_582 = arith.index_cast %scan3A_540 : i32 to index
      %get3A_583 = arith.constant 16 : index
      %get3A_584 = tpu.vector_load %arg6[%get3A_581, %get3A_582, %get3A_583] {strides = array<i32>} : memref<2x104x128xi32, #tpu.memory_space<vmem>>, vector<16xi32>,
      %gather3A_585 = tpu.vector_load_idx %arg5[%get3A_584] : memref<61440xf32, #tpu.memory_space<vmem>>[vector<16xi32>], vector<16xf32>,
      %bitcast3A_586 = vector.bitcast %gather3A_585 : vector<16xf32> to vector<16xi32>
      %add3A_587 = arith.constant 30720 : i32
      %add3A_588 = vector.broadcast %add3A_587 : i32 to vector<16xi32>
      %add3A_589 = arith.addi %get3A_584, %add3A_588 : vector<16xi32>
      %gather3A_590 = tpu.vector_load_idx %arg5[%add3A_589] : memref<61440xf32, #tpu.memory_space<vmem>>[vector<16xi32>], vector<16xf32>,
      %shift_left3A_591 = arith.constant 16 : i32
      %shift_left3A_592 = vector.broadcast %shift_left3A_591 : i32 to vector<16xi32>
      %shift_left3A_593 = arith.shli %bitcast3A_586, %shift_left3A_592 : vector<16xi32>
      %bitcast3A_594 = vector.bitcast %shift_left3A_593 : vector<16xi32> to vector<16xf32>
      %and3A_595 = arith.andi %bitcast3A_586, %broadcast_in_dim3A_81 : vector<16xi32>
      %bitcast3A_596 = vector.bitcast %and3A_595 : vector<16xi32> to vector<16xf32>
      %add3A_597 = arith.addf %scan3A_544, %bitcast3A_594 : vector<16xf32>
      %add3A_598 = arith.addf %scan3A_545, %bitcast3A_596 : vector<16xf32>
      %add3A_599 = arith.addf %scan3A_546, %gather3A_590 : vector<16xf32>
      %get3A_600 = arith.constant 1 : i32
      %get3A_601 = arith.index_cast %get3A_600 : i32 to index
      %get3A_602 = arith.index_cast %scan3A_540 : i32 to index
      %get3A_603 = arith.constant 32 : index
      %get3A_604 = tpu.vector_load %arg6[%get3A_601, %get3A_602, %get3A_603] {strides = array<i32>} : memref<2x104x128xi32, #tpu.memory_space<vmem>>, vector<16xi32>,
      %gather3A_605 = tpu.vector_load_idx %arg5[%get3A_604] : memref<61440xf32, #tpu.memory_space<vmem>>[vector<16xi32>], vector<16xf32>,
      %bitcast3A_606 = vector.bitcast %gather3A_605 : vector<16xf32> to vector<16xi32>
      %add3A_607 = arith.constant 30720 : i32
      %add3A_608 = vector.broadcast %add3A_607 : i32 to vector<16xi32>
      %add3A_609 = arith.addi %get3A_604, %add3A_608 : vector<16xi32>
      %gather3A_610 = tpu.vector_load_idx %arg5[%add3A_609] : memref<61440xf32, #tpu.memory_space<vmem>>[vector<16xi32>], vector<16xf32>,
      %shift_left3A_611 = arith.constant 16 : i32
      %shift_left3A_612 = vector.broadcast %shift_left3A_611 : i32 to vector<16xi32>
      %shift_left3A_613 = arith.shli %bitcast3A_606, %shift_left3A_612 : vector<16xi32>
      %bitcast3A_614 = vector.bitcast %shift_left3A_613 : vector<16xi32> to vector<16xf32>
      %and3A_615 = arith.andi %bitcast3A_606, %broadcast_in_dim3A_81 : vector<16xi32>
      %bitcast3A_616 = vector.bitcast %and3A_615 : vector<16xi32> to vector<16xf32>
      %add3A_617 = arith.addf %scan3A_547, %bitcast3A_614 : vector<16xf32>
      %add3A_618 = arith.addf %scan3A_548, %bitcast3A_616 : vector<16xf32>
      %add3A_619 = arith.addf %scan3A_549, %gather3A_610 : vector<16xf32>
      %get3A_620 = arith.constant 1 : i32
      %get3A_621 = arith.index_cast %get3A_620 : i32 to index
      %get3A_622 = arith.index_cast %scan3A_540 : i32 to index
      %get3A_623 = arith.constant 48 : index
      %get3A_624 = tpu.vector_load %arg6[%get3A_621, %get3A_622, %get3A_623] {strides = array<i32>} : memref<2x104x128xi32, #tpu.memory_space<vmem>>, vector<16xi32>,
      %gather3A_625 = tpu.vector_load_idx %arg5[%get3A_624] : memref<61440xf32, #tpu.memory_space<vmem>>[vector<16xi32>], vector<16xf32>,
      %bitcast3A_626 = vector.bitcast %gather3A_625 : vector<16xf32> to vector<16xi32>
      %add3A_627 = arith.constant 30720 : i32
      %add3A_628 = vector.broadcast %add3A_627 : i32 to vector<16xi32>
      %add3A_629 = arith.addi %get3A_624, %add3A_628 : vector<16xi32>
      %gather3A_630 = tpu.vector_load_idx %arg5[%add3A_629] : memref<61440xf32, #tpu.memory_space<vmem>>[vector<16xi32>], vector<16xf32>,
      %shift_left3A_631 = arith.constant 16 : i32
      %shift_left3A_632 = vector.broadcast %shift_left3A_631 : i32 to vector<16xi32>
      %shift_left3A_633 = arith.shli %bitcast3A_626, %shift_left3A_632 : vector<16xi32>
      %bitcast3A_634 = vector.bitcast %shift_left3A_633 : vector<16xi32> to vector<16xf32>
      %and3A_635 = arith.andi %bitcast3A_626, %broadcast_in_dim3A_81 : vector<16xi32>
      %bitcast3A_636 = vector.bitcast %and3A_635 : vector<16xi32> to vector<16xf32>
      %add3A_637 = arith.addf %scan3A_550, %bitcast3A_634 : vector<16xf32>
      %add3A_638 = arith.addf %scan3A_551, %bitcast3A_636 : vector<16xf32>
      %add3A_639 = arith.addf %scan3A_552, %gather3A_630 : vector<16xf32>
      %get3A_640 = arith.constant 1 : i32
      %get3A_641 = arith.index_cast %get3A_640 : i32 to index
      %get3A_642 = arith.index_cast %scan3A_540 : i32 to index
      %get3A_643 = arith.constant 64 : index
      %get3A_644 = tpu.vector_load %arg6[%get3A_641, %get3A_642, %get3A_643] {strides = array<i32>} : memref<2x104x128xi32, #tpu.memory_space<vmem>>, vector<16xi32>,
      %gather3A_645 = tpu.vector_load_idx %arg5[%get3A_644] : memref<61440xf32, #tpu.memory_space<vmem>>[vector<16xi32>], vector<16xf32>,
      %bitcast3A_646 = vector.bitcast %gather3A_645 : vector<16xf32> to vector<16xi32>
      %add3A_647 = arith.constant 30720 : i32
      %add3A_648 = vector.broadcast %add3A_647 : i32 to vector<16xi32>
      %add3A_649 = arith.addi %get3A_644, %add3A_648 : vector<16xi32>
      %gather3A_650 = tpu.vector_load_idx %arg5[%add3A_649] : memref<61440xf32, #tpu.memory_space<vmem>>[vector<16xi32>], vector<16xf32>,
      %shift_left3A_651 = arith.constant 16 : i32
      %shift_left3A_652 = vector.broadcast %shift_left3A_651 : i32 to vector<16xi32>
      %shift_left3A_653 = arith.shli %bitcast3A_646, %shift_left3A_652 : vector<16xi32>
      %bitcast3A_654 = vector.bitcast %shift_left3A_653 : vector<16xi32> to vector<16xf32>
      %and3A_655 = arith.andi %bitcast3A_646, %broadcast_in_dim3A_81 : vector<16xi32>
      %bitcast3A_656 = vector.bitcast %and3A_655 : vector<16xi32> to vector<16xf32>
      %add3A_657 = arith.addf %scan3A_553, %bitcast3A_654 : vector<16xf32>
      %add3A_658 = arith.addf %scan3A_554, %bitcast3A_656 : vector<16xf32>
      %add3A_659 = arith.addf %scan3A_555, %gather3A_650 : vector<16xf32>
      %get3A_660 = arith.constant 1 : i32
      %get3A_661 = arith.index_cast %get3A_660 : i32 to index
      %get3A_662 = arith.index_cast %scan3A_540 : i32 to index
      %get3A_663 = arith.constant 80 : index
      %get3A_664 = tpu.vector_load %arg6[%get3A_661, %get3A_662, %get3A_663] {strides = array<i32>} : memref<2x104x128xi32, #tpu.memory_space<vmem>>, vector<16xi32>,
      %gather3A_665 = tpu.vector_load_idx %arg5[%get3A_664] : memref<61440xf32, #tpu.memory_space<vmem>>[vector<16xi32>], vector<16xf32>,
      %bitcast3A_666 = vector.bitcast %gather3A_665 : vector<16xf32> to vector<16xi32>
      %add3A_667 = arith.constant 30720 : i32
      %add3A_668 = vector.broadcast %add3A_667 : i32 to vector<16xi32>
      %add3A_669 = arith.addi %get3A_664, %add3A_668 : vector<16xi32>
      %gather3A_670 = tpu.vector_load_idx %arg5[%add3A_669] : memref<61440xf32, #tpu.memory_space<vmem>>[vector<16xi32>], vector<16xf32>,
      %shift_left3A_671 = arith.constant 16 : i32
      %shift_left3A_672 = vector.broadcast %shift_left3A_671 : i32 to vector<16xi32>
      %shift_left3A_673 = arith.shli %bitcast3A_666, %shift_left3A_672 : vector<16xi32>
      %bitcast3A_674 = vector.bitcast %shift_left3A_673 : vector<16xi32> to vector<16xf32>
      %and3A_675 = arith.andi %bitcast3A_666, %broadcast_in_dim3A_81 : vector<16xi32>
      %bitcast3A_676 = vector.bitcast %and3A_675 : vector<16xi32> to vector<16xf32>
      %add3A_677 = arith.addf %scan3A_556, %bitcast3A_674 : vector<16xf32>
      %add3A_678 = arith.addf %scan3A_557, %bitcast3A_676 : vector<16xf32>
      %add3A_679 = arith.addf %scan3A_558, %gather3A_670 : vector<16xf32>
      %get3A_680 = arith.constant 1 : i32
      %get3A_681 = arith.index_cast %get3A_680 : i32 to index
      %get3A_682 = arith.index_cast %scan3A_540 : i32 to index
      %get3A_683 = arith.constant 96 : index
      %get3A_684 = tpu.vector_load %arg6[%get3A_681, %get3A_682, %get3A_683] {strides = array<i32>} : memref<2x104x128xi32, #tpu.memory_space<vmem>>, vector<16xi32>,
      %gather3A_685 = tpu.vector_load_idx %arg5[%get3A_684] : memref<61440xf32, #tpu.memory_space<vmem>>[vector<16xi32>], vector<16xf32>,
      %bitcast3A_686 = vector.bitcast %gather3A_685 : vector<16xf32> to vector<16xi32>
      %add3A_687 = arith.constant 30720 : i32
      %add3A_688 = vector.broadcast %add3A_687 : i32 to vector<16xi32>
      %add3A_689 = arith.addi %get3A_684, %add3A_688 : vector<16xi32>
      %gather3A_690 = tpu.vector_load_idx %arg5[%add3A_689] : memref<61440xf32, #tpu.memory_space<vmem>>[vector<16xi32>], vector<16xf32>,
      %shift_left3A_691 = arith.constant 16 : i32
      %shift_left3A_692 = vector.broadcast %shift_left3A_691 : i32 to vector<16xi32>
      %shift_left3A_693 = arith.shli %bitcast3A_686, %shift_left3A_692 : vector<16xi32>
      %bitcast3A_694 = vector.bitcast %shift_left3A_693 : vector<16xi32> to vector<16xf32>
      %and3A_695 = arith.andi %bitcast3A_686, %broadcast_in_dim3A_81 : vector<16xi32>
      %bitcast3A_696 = vector.bitcast %and3A_695 : vector<16xi32> to vector<16xf32>
      %add3A_697 = arith.addf %scan3A_559, %bitcast3A_694 : vector<16xf32>
      %add3A_698 = arith.addf %scan3A_560, %bitcast3A_696 : vector<16xf32>
      %add3A_699 = arith.addf %scan3A_561, %gather3A_690 : vector<16xf32>
      %get3A_700 = arith.constant 1 : i32
      %get3A_701 = arith.index_cast %get3A_700 : i32 to index
      %get3A_702 = arith.index_cast %scan3A_540 : i32 to index
      %get3A_703 = arith.constant 112 : index
      %get3A_704 = tpu.vector_load %arg6[%get3A_701, %get3A_702, %get3A_703] {strides = array<i32>} : memref<2x104x128xi32, #tpu.memory_space<vmem>>, vector<16xi32>,
      %gather3A_705 = tpu.vector_load_idx %arg5[%get3A_704] : memref<61440xf32, #tpu.memory_space<vmem>>[vector<16xi32>], vector<16xf32>,
      %bitcast3A_706 = vector.bitcast %gather3A_705 : vector<16xf32> to vector<16xi32>
      %add3A_707 = arith.constant 30720 : i32
      %add3A_708 = vector.broadcast %add3A_707 : i32 to vector<16xi32>
      %add3A_709 = arith.addi %get3A_704, %add3A_708 : vector<16xi32>
      %gather3A_710 = tpu.vector_load_idx %arg5[%add3A_709] : memref<61440xf32, #tpu.memory_space<vmem>>[vector<16xi32>], vector<16xf32>,
      %shift_left3A_711 = arith.constant 16 : i32
      %shift_left3A_712 = vector.broadcast %shift_left3A_711 : i32 to vector<16xi32>
      %shift_left3A_713 = arith.shli %bitcast3A_706, %shift_left3A_712 : vector<16xi32>
      %bitcast3A_714 = vector.bitcast %shift_left3A_713 : vector<16xi32> to vector<16xf32>
      %and3A_715 = arith.andi %bitcast3A_706, %broadcast_in_dim3A_81 : vector<16xi32>
      %bitcast3A_716 = vector.bitcast %and3A_715 : vector<16xi32> to vector<16xf32>
      %add3A_717 = arith.addf %scan3A_562, %bitcast3A_714 : vector<16xf32>
      %add3A_718 = arith.addf %scan3A_563, %bitcast3A_716 : vector<16xf32>
      %add3A_719 = arith.addf %scan3A_564, %gather3A_710 : vector<16xf32>
      %scan3A_720 = arith.constant 1 : i32
      %scan3A_721 = arith.addi %scan3A_540, %scan3A_720 : i32
      %get3A_722 = arith.constant 1 : i32
      %get3A_723 = arith.index_cast %get3A_722 : i32 to index
      %get3A_724 = arith.index_cast %scan3A_721 : i32 to index
      %get3A_725 = arith.constant 0 : index
      %get3A_726 = tpu.vector_load %arg6[%get3A_723, %get3A_724, %get3A_725] {strides = array<i32>} : memref<2x104x128xi32, #tpu.memory_space<vmem>>, vector<16xi32>,
      %gather3A_727 = tpu.vector_load_idx %arg5[%get3A_726] : memref<61440xf32, #tpu.memory_space<vmem>>[vector<16xi32>], vector<16xf32>,
      %bitcast3A_728 = vector.bitcast %gather3A_727 : vector<16xf32> to vector<16xi32>
      %add3A_729 = arith.constant 30720 : i32
      %add3A_730 = vector.broadcast %add3A_729 : i32 to vector<16xi32>
      %add3A_731 = arith.addi %get3A_726, %add3A_730 : vector<16xi32>
      %gather3A_732 = tpu.vector_load_idx %arg5[%add3A_731] : memref<61440xf32, #tpu.memory_space<vmem>>[vector<16xi32>], vector<16xf32>,
      %shift_left3A_733 = arith.constant 16 : i32
      %shift_left3A_734 = vector.broadcast %shift_left3A_733 : i32 to vector<16xi32>
      %shift_left3A_735 = arith.shli %bitcast3A_728, %shift_left3A_734 : vector<16xi32>
      %bitcast3A_736 = vector.bitcast %shift_left3A_735 : vector<16xi32> to vector<16xf32>
      %and3A_737 = arith.andi %bitcast3A_728, %broadcast_in_dim3A_81 : vector<16xi32>
      %bitcast3A_738 = vector.bitcast %and3A_737 : vector<16xi32> to vector<16xf32>
      %add3A_739 = arith.addf %add3A_577, %bitcast3A_736 : vector<16xf32>
      %add3A_740 = arith.addf %add3A_578, %bitcast3A_738 : vector<16xf32>
      %add3A_741 = arith.addf %add3A_579, %gather3A_732 : vector<16xf32>
      %get3A_742 = arith.constant 1 : i32
      %get3A_743 = arith.index_cast %get3A_742 : i32 to index
      %get3A_744 = arith.index_cast %scan3A_721 : i32 to index
      %get3A_745 = arith.constant 16 : index
      %get3A_746 = tpu.vector_load %arg6[%get3A_743, %get3A_744, %get3A_745] {strides = array<i32>} : memref<2x104x128xi32, #tpu.memory_space<vmem>>, vector<16xi32>,
      %gather3A_747 = tpu.vector_load_idx %arg5[%get3A_746] : memref<61440xf32, #tpu.memory_space<vmem>>[vector<16xi32>], vector<16xf32>,
      %bitcast3A_748 = vector.bitcast %gather3A_747 : vector<16xf32> to vector<16xi32>
      %add3A_749 = arith.constant 30720 : i32
      %add3A_750 = vector.broadcast %add3A_749 : i32 to vector<16xi32>
      %add3A_751 = arith.addi %get3A_746, %add3A_750 : vector<16xi32>
      %gather3A_752 = tpu.vector_load_idx %arg5[%add3A_751] : memref<61440xf32, #tpu.memory_space<vmem>>[vector<16xi32>], vector<16xf32>,
      %shift_left3A_753 = arith.constant 16 : i32
      %shift_left3A_754 = vector.broadcast %shift_left3A_753 : i32 to vector<16xi32>
      %shift_left3A_755 = arith.shli %bitcast3A_748, %shift_left3A_754 : vector<16xi32>
      %bitcast3A_756 = vector.bitcast %shift_left3A_755 : vector<16xi32> to vector<16xf32>
      %and3A_757 = arith.andi %bitcast3A_748, %broadcast_in_dim3A_81 : vector<16xi32>
      %bitcast3A_758 = vector.bitcast %and3A_757 : vector<16xi32> to vector<16xf32>
      %add3A_759 = arith.addf %add3A_597, %bitcast3A_756 : vector<16xf32>
      %add3A_760 = arith.addf %add3A_598, %bitcast3A_758 : vector<16xf32>
      %add3A_761 = arith.addf %add3A_599, %gather3A_752 : vector<16xf32>
      %get3A_762 = arith.constant 1 : i32
      %get3A_763 = arith.index_cast %get3A_762 : i32 to index
      %get3A_764 = arith.index_cast %scan3A_721 : i32 to index
      %get3A_765 = arith.constant 32 : index
      %get3A_766 = tpu.vector_load %arg6[%get3A_763, %get3A_764, %get3A_765] {strides = array<i32>} : memref<2x104x128xi32, #tpu.memory_space<vmem>>, vector<16xi32>,
      %gather3A_767 = tpu.vector_load_idx %arg5[%get3A_766] : memref<61440xf32, #tpu.memory_space<vmem>>[vector<16xi32>], vector<16xf32>,
      %bitcast3A_768 = vector.bitcast %gather3A_767 : vector<16xf32> to vector<16xi32>
      %add3A_769 = arith.constant 30720 : i32
      %add3A_770 = vector.broadcast %add3A_769 : i32 to vector<16xi32>
      %add3A_771 = arith.addi %get3A_766, %add3A_770 : vector<16xi32>
      %gather3A_772 = tpu.vector_load_idx %arg5[%add3A_771] : memref<61440xf32, #tpu.memory_space<vmem>>[vector<16xi32>], vector<16xf32>,
      %shift_left3A_773 = arith.constant 16 : i32
      %shift_left3A_774 = vector.broadcast %shift_left3A_773 : i32 to vector<16xi32>
      %shift_left3A_775 = arith.shli %bitcast3A_768, %shift_left3A_774 : vector<16xi32>
      %bitcast3A_776 = vector.bitcast %shift_left3A_775 : vector<16xi32> to vector<16xf32>
      %and3A_777 = arith.andi %bitcast3A_768, %broadcast_in_dim3A_81 : vector<16xi32>
      %bitcast3A_778 = vector.bitcast %and3A_777 : vector<16xi32> to vector<16xf32>
      %add3A_779 = arith.addf %add3A_617, %bitcast3A_776 : vector<16xf32>
      %add3A_780 = arith.addf %add3A_618, %bitcast3A_778 : vector<16xf32>
      %add3A_781 = arith.addf %add3A_619, %gather3A_772 : vector<16xf32>
      %get3A_782 = arith.constant 1 : i32
      %get3A_783 = arith.index_cast %get3A_782 : i32 to index
      %get3A_784 = arith.index_cast %scan3A_721 : i32 to index
      %get3A_785 = arith.constant 48 : index
      %get3A_786 = tpu.vector_load %arg6[%get3A_783, %get3A_784, %get3A_785] {strides = array<i32>} : memref<2x104x128xi32, #tpu.memory_space<vmem>>, vector<16xi32>,
      %gather3A_787 = tpu.vector_load_idx %arg5[%get3A_786] : memref<61440xf32, #tpu.memory_space<vmem>>[vector<16xi32>], vector<16xf32>,
      %bitcast3A_788 = vector.bitcast %gather3A_787 : vector<16xf32> to vector<16xi32>
      %add3A_789 = arith.constant 30720 : i32
      %add3A_790 = vector.broadcast %add3A_789 : i32 to vector<16xi32>
      %add3A_791 = arith.addi %get3A_786, %add3A_790 : vector<16xi32>
      %gather3A_792 = tpu.vector_load_idx %arg5[%add3A_791] : memref<61440xf32, #tpu.memory_space<vmem>>[vector<16xi32>], vector<16xf32>,
      %shift_left3A_793 = arith.constant 16 : i32
      %shift_left3A_794 = vector.broadcast %shift_left3A_793 : i32 to vector<16xi32>
      %shift_left3A_795 = arith.shli %bitcast3A_788, %shift_left3A_794 : vector<16xi32>
      %bitcast3A_796 = vector.bitcast %shift_left3A_795 : vector<16xi32> to vector<16xf32>
      %and3A_797 = arith.andi %bitcast3A_788, %broadcast_in_dim3A_81 : vector<16xi32>
      %bitcast3A_798 = vector.bitcast %and3A_797 : vector<16xi32> to vector<16xf32>
      %add3A_799 = arith.addf %add3A_637, %bitcast3A_796 : vector<16xf32>
      %add3A_800 = arith.addf %add3A_638, %bitcast3A_798 : vector<16xf32>
      %add3A_801 = arith.addf %add3A_639, %gather3A_792 : vector<16xf32>
      %get3A_802 = arith.constant 1 : i32
      %get3A_803 = arith.index_cast %get3A_802 : i32 to index
      %get3A_804 = arith.index_cast %scan3A_721 : i32 to index
      %get3A_805 = arith.constant 64 : index
      %get3A_806 = tpu.vector_load %arg6[%get3A_803, %get3A_804, %get3A_805] {strides = array<i32>} : memref<2x104x128xi32, #tpu.memory_space<vmem>>, vector<16xi32>,
      %gather3A_807 = tpu.vector_load_idx %arg5[%get3A_806] : memref<61440xf32, #tpu.memory_space<vmem>>[vector<16xi32>], vector<16xf32>,
      %bitcast3A_808 = vector.bitcast %gather3A_807 : vector<16xf32> to vector<16xi32>
      %add3A_809 = arith.constant 30720 : i32
      %add3A_810 = vector.broadcast %add3A_809 : i32 to vector<16xi32>
      %add3A_811 = arith.addi %get3A_806, %add3A_810 : vector<16xi32>
      %gather3A_812 = tpu.vector_load_idx %arg5[%add3A_811] : memref<61440xf32, #tpu.memory_space<vmem>>[vector<16xi32>], vector<16xf32>,
      %shift_left3A_813 = arith.constant 16 : i32
      %shift_left3A_814 = vector.broadcast %shift_left3A_813 : i32 to vector<16xi32>
      %shift_left3A_815 = arith.shli %bitcast3A_808, %shift_left3A_814 : vector<16xi32>
      %bitcast3A_816 = vector.bitcast %shift_left3A_815 : vector<16xi32> to vector<16xf32>
      %and3A_817 = arith.andi %bitcast3A_808, %broadcast_in_dim3A_81 : vector<16xi32>
      %bitcast3A_818 = vector.bitcast %and3A_817 : vector<16xi32> to vector<16xf32>
      %add3A_819 = arith.addf %add3A_657, %bitcast3A_816 : vector<16xf32>
      %add3A_820 = arith.addf %add3A_658, %bitcast3A_818 : vector<16xf32>
      %add3A_821 = arith.addf %add3A_659, %gather3A_812 : vector<16xf32>
      %get3A_822 = arith.constant 1 : i32
      %get3A_823 = arith.index_cast %get3A_822 : i32 to index
      %get3A_824 = arith.index_cast %scan3A_721 : i32 to index
      %get3A_825 = arith.constant 80 : index
      %get3A_826 = tpu.vector_load %arg6[%get3A_823, %get3A_824, %get3A_825] {strides = array<i32>} : memref<2x104x128xi32, #tpu.memory_space<vmem>>, vector<16xi32>,
      %gather3A_827 = tpu.vector_load_idx %arg5[%get3A_826] : memref<61440xf32, #tpu.memory_space<vmem>>[vector<16xi32>], vector<16xf32>,
      %bitcast3A_828 = vector.bitcast %gather3A_827 : vector<16xf32> to vector<16xi32>
      %add3A_829 = arith.constant 30720 : i32
      %add3A_830 = vector.broadcast %add3A_829 : i32 to vector<16xi32>
      %add3A_831 = arith.addi %get3A_826, %add3A_830 : vector<16xi32>
      %gather3A_832 = tpu.vector_load_idx %arg5[%add3A_831] : memref<61440xf32, #tpu.memory_space<vmem>>[vector<16xi32>], vector<16xf32>,
      %shift_left3A_833 = arith.constant 16 : i32
      %shift_left3A_834 = vector.broadcast %shift_left3A_833 : i32 to vector<16xi32>
      %shift_left3A_835 = arith.shli %bitcast3A_828, %shift_left3A_834 : vector<16xi32>
      %bitcast3A_836 = vector.bitcast %shift_left3A_835 : vector<16xi32> to vector<16xf32>
      %and3A_837 = arith.andi %bitcast3A_828, %broadcast_in_dim3A_81 : vector<16xi32>
      %bitcast3A_838 = vector.bitcast %and3A_837 : vector<16xi32> to vector<16xf32>
      %add3A_839 = arith.addf %add3A_677, %bitcast3A_836 : vector<16xf32>
      %add3A_840 = arith.addf %add3A_678, %bitcast3A_838 : vector<16xf32>
      %add3A_841 = arith.addf %add3A_679, %gather3A_832 : vector<16xf32>
      %get3A_842 = arith.constant 1 : i32
      %get3A_843 = arith.index_cast %get3A_842 : i32 to index
      %get3A_844 = arith.index_cast %scan3A_721 : i32 to index
      %get3A_845 = arith.constant 96 : index
      %get3A_846 = tpu.vector_load %arg6[%get3A_843, %get3A_844, %get3A_845] {strides = array<i32>} : memref<2x104x128xi32, #tpu.memory_space<vmem>>, vector<16xi32>,
      %gather3A_847 = tpu.vector_load_idx %arg5[%get3A_846] : memref<61440xf32, #tpu.memory_space<vmem>>[vector<16xi32>], vector<16xf32>,
      %bitcast3A_848 = vector.bitcast %gather3A_847 : vector<16xf32> to vector<16xi32>
      %add3A_849 = arith.constant 30720 : i32
      %add3A_850 = vector.broadcast %add3A_849 : i32 to vector<16xi32>
      %add3A_851 = arith.addi %get3A_846, %add3A_850 : vector<16xi32>
      %gather3A_852 = tpu.vector_load_idx %arg5[%add3A_851] : memref<61440xf32, #tpu.memory_space<vmem>>[vector<16xi32>], vector<16xf32>,
      %shift_left3A_853 = arith.constant 16 : i32
      %shift_left3A_854 = vector.broadcast %shift_left3A_853 : i32 to vector<16xi32>
      %shift_left3A_855 = arith.shli %bitcast3A_848, %shift_left3A_854 : vector<16xi32>
      %bitcast3A_856 = vector.bitcast %shift_left3A_855 : vector<16xi32> to vector<16xf32>
      %and3A_857 = arith.andi %bitcast3A_848, %broadcast_in_dim3A_81 : vector<16xi32>
      %bitcast3A_858 = vector.bitcast %and3A_857 : vector<16xi32> to vector<16xf32>
      %add3A_859 = arith.addf %add3A_697, %bitcast3A_856 : vector<16xf32>
      %add3A_860 = arith.addf %add3A_698, %bitcast3A_858 : vector<16xf32>
      %add3A_861 = arith.addf %add3A_699, %gather3A_852 : vector<16xf32>
      %get3A_862 = arith.constant 1 : i32
      %get3A_863 = arith.index_cast %get3A_862 : i32 to index
      %get3A_864 = arith.index_cast %scan3A_721 : i32 to index
      %get3A_865 = arith.constant 112 : index
      %get3A_866 = tpu.vector_load %arg6[%get3A_863, %get3A_864, %get3A_865] {strides = array<i32>} : memref<2x104x128xi32, #tpu.memory_space<vmem>>, vector<16xi32>,
      %gather3A_867 = tpu.vector_load_idx %arg5[%get3A_866] : memref<61440xf32, #tpu.memory_space<vmem>>[vector<16xi32>], vector<16xf32>,
      %bitcast3A_868 = vector.bitcast %gather3A_867 : vector<16xf32> to vector<16xi32>
      %add3A_869 = arith.constant 30720 : i32
      %add3A_870 = vector.broadcast %add3A_869 : i32 to vector<16xi32>
      %add3A_871 = arith.addi %get3A_866, %add3A_870 : vector<16xi32>
      %gather3A_872 = tpu.vector_load_idx %arg5[%add3A_871] : memref<61440xf32, #tpu.memory_space<vmem>>[vector<16xi32>], vector<16xf32>,
      %shift_left3A_873 = arith.constant 16 : i32
      %shift_left3A_874 = vector.broadcast %shift_left3A_873 : i32 to vector<16xi32>
      %shift_left3A_875 = arith.shli %bitcast3A_868, %shift_left3A_874 : vector<16xi32>
      %bitcast3A_876 = vector.bitcast %shift_left3A_875 : vector<16xi32> to vector<16xf32>
      %and3A_877 = arith.andi %bitcast3A_868, %broadcast_in_dim3A_81 : vector<16xi32>
      %bitcast3A_878 = vector.bitcast %and3A_877 : vector<16xi32> to vector<16xf32>
      %add3A_879 = arith.addf %add3A_717, %bitcast3A_876 : vector<16xf32>
      %add3A_880 = arith.addf %add3A_718, %bitcast3A_878 : vector<16xf32>
      %add3A_881 = arith.addf %add3A_719, %gather3A_872 : vector<16xf32>
      scf.yield %add3A_739, %add3A_740, %add3A_741, %add3A_759, %add3A_760, %add3A_761, %add3A_779, %add3A_780, %add3A_781, %add3A_799, %add3A_800, %add3A_801, %add3A_819, %add3A_820, %add3A_821, %add3A_839, %add3A_840, %add3A_841, %add3A_859, %add3A_860, %add3A_861, %add3A_879, %add3A_880, %add3A_881 : vector<16xf32>, vector<16xf32>, vector<16xf32>, vector<16xf32>, vector<16xf32>, vector<16xf32>, vector<16xf32>, vector<16xf32>, vector<16xf32>, vector<16xf32>, vector<16xf32>, vector<16xf32>, vector<16xf32>, vector<16xf32>, vector<16xf32>, vector<16xf32>, vector<16xf32>, vector<16xf32>, vector<16xf32>, vector<16xf32>, vector<16xf32>, vector<16xf32>, vector<16xf32>, vector<16xf32>
    }
    %scan3A_87 = arith.constant 104 : i32
    %swap3A = arith.constant 0 : index
    %swap3A_88 = tpu.vector_load %arg7[%swap3A] {strides = array<i32>} : memref<1536xf32, #tpu.memory_space<vmem>>, vector<16xf32>,
    tpu.vector_store %arg7[%swap3A], %scan3A_86#0 {strides = array<i32>} : memref<1536xf32, #tpu.memory_space<vmem>>, vector<16xf32>,
    %swap3A_89 = arith.constant 512 : index
    %swap3A_90 = tpu.vector_load %arg7[%swap3A_89] {strides = array<i32>} : memref<1536xf32, #tpu.memory_space<vmem>>, vector<16xf32>,
    tpu.vector_store %arg7[%swap3A_89], %scan3A_86#1 {strides = array<i32>} : memref<1536xf32, #tpu.memory_space<vmem>>, vector<16xf32>,
    %swap3A_91 = arith.constant 1024 : index
    %swap3A_92 = tpu.vector_load %arg7[%swap3A_91] {strides = array<i32>} : memref<1536xf32, #tpu.memory_space<vmem>>, vector<16xf32>,
    tpu.vector_store %arg7[%swap3A_91], %scan3A_86#2 {strides = array<i32>} : memref<1536xf32, #tpu.memory_space<vmem>>, vector<16xf32>,
    %swap3A_93 = arith.constant 16 : index
    %swap3A_94 = tpu.vector_load %arg7[%swap3A_93] {strides = array<i32>} : memref<1536xf32, #tpu.memory_space<vmem>>, vector<16xf32>,
    tpu.vector_store %arg7[%swap3A_93], %scan3A_86#3 {strides = array<i32>} : memref<1536xf32, #tpu.memory_space<vmem>>, vector<16xf32>,
    %swap3A_95 = arith.constant 528 : index
    %swap3A_96 = tpu.vector_load %arg7[%swap3A_95] {strides = array<i32>} : memref<1536xf32, #tpu.memory_space<vmem>>, vector<16xf32>,
    tpu.vector_store %arg7[%swap3A_95], %scan3A_86#4 {strides = array<i32>} : memref<1536xf32, #tpu.memory_space<vmem>>, vector<16xf32>,
    %swap3A_97 = arith.constant 1040 : index
    %swap3A_98 = tpu.vector_load %arg7[%swap3A_97] {strides = array<i32>} : memref<1536xf32, #tpu.memory_space<vmem>>, vector<16xf32>,
    tpu.vector_store %arg7[%swap3A_97], %scan3A_86#5 {strides = array<i32>} : memref<1536xf32, #tpu.memory_space<vmem>>, vector<16xf32>,
    %swap3A_99 = arith.constant 32 : index
    %swap3A_100 = tpu.vector_load %arg7[%swap3A_99] {strides = array<i32>} : memref<1536xf32, #tpu.memory_space<vmem>>, vector<16xf32>,
    tpu.vector_store %arg7[%swap3A_99], %scan3A_86#6 {strides = array<i32>} : memref<1536xf32, #tpu.memory_space<vmem>>, vector<16xf32>,
    %swap3A_101 = arith.constant 544 : index
    %swap3A_102 = tpu.vector_load %arg7[%swap3A_101] {strides = array<i32>} : memref<1536xf32, #tpu.memory_space<vmem>>, vector<16xf32>,
    tpu.vector_store %arg7[%swap3A_101], %scan3A_86#7 {strides = array<i32>} : memref<1536xf32, #tpu.memory_space<vmem>>, vector<16xf32>,
    %swap3A_103 = arith.constant 1056 : index
    %swap3A_104 = tpu.vector_load %arg7[%swap3A_103] {strides = array<i32>} : memref<1536xf32, #tpu.memory_space<vmem>>, vector<16xf32>,
    tpu.vector_store %arg7[%swap3A_103], %scan3A_86#8 {strides = array<i32>} : memref<1536xf32, #tpu.memory_space<vmem>>, vector<16xf32>,
    %swap3A_105 = arith.constant 48 : index
    %swap3A_106 = tpu.vector_load %arg7[%swap3A_105] {strides = array<i32>} : memref<1536xf32, #tpu.memory_space<vmem>>, vector<16xf32>,
    tpu.vector_store %arg7[%swap3A_105], %scan3A_86#9 {strides = array<i32>} : memref<1536xf32, #tpu.memory_space<vmem>>, vector<16xf32>,
    %swap3A_107 = arith.constant 560 : index
    %swap3A_108 = tpu.vector_load %arg7[%swap3A_107] {strides = array<i32>} : memref<1536xf32, #tpu.memory_space<vmem>>, vector<16xf32>,
    tpu.vector_store %arg7[%swap3A_107], %scan3A_86#10 {strides = array<i32>} : memref<1536xf32, #tpu.memory_space<vmem>>, vector<16xf32>,
    %swap3A_109 = arith.constant 1072 : index
    %swap3A_110 = tpu.vector_load %arg7[%swap3A_109] {strides = array<i32>} : memref<1536xf32, #tpu.memory_space<vmem>>, vector<16xf32>,
    tpu.vector_store %arg7[%swap3A_109], %scan3A_86#11 {strides = array<i32>} : memref<1536xf32, #tpu.memory_space<vmem>>, vector<16xf32>,
    %swap3A_111 = arith.constant 64 : index
    %swap3A_112 = tpu.vector_load %arg7[%swap3A_111] {strides = array<i32>} : memref<1536xf32, #tpu.memory_space<vmem>>, vector<16xf32>,
    tpu.vector_store %arg7[%swap3A_111], %scan3A_86#12 {strides = array<i32>} : memref<1536xf32, #tpu.memory_space<vmem>>, vector<16xf32>,
    %swap3A_113 = arith.constant 576 : index
    %swap3A_114 = tpu.vector_load %arg7[%swap3A_113] {strides = array<i32>} : memref<1536xf32, #tpu.memory_space<vmem>>, vector<16xf32>,
    tpu.vector_store %arg7[%swap3A_113], %scan3A_86#13 {strides = array<i32>} : memref<1536xf32, #tpu.memory_space<vmem>>, vector<16xf32>,
    %swap3A_115 = arith.constant 1088 : index
    %swap3A_116 = tpu.vector_load %arg7[%swap3A_115] {strides = array<i32>} : memref<1536xf32, #tpu.memory_space<vmem>>, vector<16xf32>,
    tpu.vector_store %arg7[%swap3A_115], %scan3A_86#14 {strides = array<i32>} : memref<1536xf32, #tpu.memory_space<vmem>>, vector<16xf32>,
    %swap3A_117 = arith.constant 80 : index
    %swap3A_118 = tpu.vector_load %arg7[%swap3A_117] {strides = array<i32>} : memref<1536xf32, #tpu.memory_space<vmem>>, vector<16xf32>,
    tpu.vector_store %arg7[%swap3A_117], %scan3A_86#15 {strides = array<i32>} : memref<1536xf32, #tpu.memory_space<vmem>>, vector<16xf32>,
    %swap3A_119 = arith.constant 592 : index
    %swap3A_120 = tpu.vector_load %arg7[%swap3A_119] {strides = array<i32>} : memref<1536xf32, #tpu.memory_space<vmem>>, vector<16xf32>,
    tpu.vector_store %arg7[%swap3A_119], %scan3A_86#16 {strides = array<i32>} : memref<1536xf32, #tpu.memory_space<vmem>>, vector<16xf32>,
    %swap3A_121 = arith.constant 1104 : index
    %swap3A_122 = tpu.vector_load %arg7[%swap3A_121] {strides = array<i32>} : memref<1536xf32, #tpu.memory_space<vmem>>, vector<16xf32>,
    tpu.vector_store %arg7[%swap3A_121], %scan3A_86#17 {strides = array<i32>} : memref<1536xf32, #tpu.memory_space<vmem>>, vector<16xf32>,
    %swap3A_123 = arith.constant 96 : index
    %swap3A_124 = tpu.vector_load %arg7[%swap3A_123] {strides = array<i32>} : memref<1536xf32, #tpu.memory_space<vmem>>, vector<16xf32>,
    tpu.vector_store %arg7[%swap3A_123], %scan3A_86#18 {strides = array<i32>} : memref<1536xf32, #tpu.memory_space<vmem>>, vector<16xf32>,
    %swap3A_125 = arith.constant 608 : index
    %swap3A_126 = tpu.vector_load %arg7[%swap3A_125] {strides = array<i32>} : memref<1536xf32, #tpu.memory_space<vmem>>, vector<16xf32>,
    tpu.vector_store %arg7[%swap3A_125], %scan3A_86#19 {strides = array<i32>} : memref<1536xf32, #tpu.memory_space<vmem>>, vector<16xf32>,
    %swap3A_127 = arith.constant 1120 : index
    %swap3A_128 = tpu.vector_load %arg7[%swap3A_127] {strides = array<i32>} : memref<1536xf32, #tpu.memory_space<vmem>>, vector<16xf32>,
    tpu.vector_store %arg7[%swap3A_127], %scan3A_86#20 {strides = array<i32>} : memref<1536xf32, #tpu.memory_space<vmem>>, vector<16xf32>,
    %swap3A_129 = arith.constant 112 : index
    %swap3A_130 = tpu.vector_load %arg7[%swap3A_129] {strides = array<i32>} : memref<1536xf32, #tpu.memory_space<vmem>>, vector<16xf32>,
    tpu.vector_store %arg7[%swap3A_129], %scan3A_86#21 {strides = array<i32>} : memref<1536xf32, #tpu.memory_space<vmem>>, vector<16xf32>,
    %swap3A_131 = arith.constant 624 : index
    %swap3A_132 = tpu.vector_load %arg7[%swap3A_131] {strides = array<i32>} : memref<1536xf32, #tpu.memory_space<vmem>>, vector<16xf32>,
    tpu.vector_store %arg7[%swap3A_131], %scan3A_86#22 {strides = array<i32>} : memref<1536xf32, #tpu.memory_space<vmem>>, vector<16xf32>,
    %swap3A_133 = arith.constant 1136 : index
    %swap3A_134 = tpu.vector_load %arg7[%swap3A_133] {strides = array<i32>} : memref<1536xf32, #tpu.memory_space<vmem>>, vector<16xf32>,
    tpu.vector_store %arg7[%swap3A_133], %scan3A_86#23 {strides = array<i32>} : memref<1536xf32, #tpu.memory_space<vmem>>, vector<16xf32>,
    %add3A_135 = arith.constant 128 : i32
    %add3A_136 = arith.addi %mul3A_2, %add3A_135 : i32
    %dma_start3A_137 = arith.constant 1 : i32
    %dma_start3A_138 = arith.constant 0 : i32
    %dma_start3A_139 = arith.constant 0 : i32
    %dma_start3A_140 = tpu.memref_slice %arg6[%dma_start3A_137, %dma_start3A_138, %dma_start3A_139] : memref<2x104x128xi32, #tpu.memory_space<vmem>> -> memref<1x104x128xi32, #tpu.memory_space<vmem>>
    %dma_start3A_141 = tpu.memref_squeeze %dma_start3A_140 : memref<1x104x128xi32, #tpu.memory_space<vmem>> -> memref<104x128xi32, #tpu.memory_space<vmem>>
    %dma_start3A_142 = arith.constant 96 : i32
    %dma_start3A_143 = tpu.memref_slice %arg3[%dma_start3A_142, %add3A_136] : memref<200x16384xi32, #tpu.memory_space<hbm>> -> memref<104x128xi32, #tpu.memory_space<hbm>>
    %dma_start3A_144 = arith.constant 0 : i32
    %dma_start3A_145 = arith.constant 0 : i32
    %dma_start3A_146 = tpu.memref_slice %arg6[%dma_start3A_137, %dma_start3A_144, %dma_start3A_145] : memref<2x104x128xi32, #tpu.memory_space<vmem>> -> memref<1x104x128xi32, #tpu.memory_space<vmem>>
    %dma_start3A_147 = tpu.memref_squeeze %dma_start3A_146 : memref<1x104x128xi32, #tpu.memory_space<vmem>> -> memref<104x128xi32, #tpu.memory_space<vmem>>
    %dma_start3A_148 = arith.constant 96 : i32
    %dma_start3A_149 = tpu.memref_slice %arg3[%dma_start3A_148, %add3A_136] : memref<200x16384xi32, #tpu.memory_space<hbm>> -> memref<104x128xi32, #tpu.memory_space<hbm>>
    tpu.enqueue_dma source(%dma_start3A_149 : memref<104x128xi32, #tpu.memory_space<hbm>>) target(%dma_start3A_147 : memref<104x128xi32, #tpu.memory_space<vmem>>) target_semaphore(%arg10 : memref<!tpu.dma_semaphore, #tpu.memory_space<semaphore_mem>>)
    %dma_wait3A_150 = arith.constant 0 : i32
    %dma_wait3A_151 = arith.constant 0 : i32
    %dma_wait3A_152 = arith.constant 0 : i32
    %dma_wait3A_153 = tpu.memref_slice %arg6[%dma_wait3A_150, %dma_wait3A_151, %dma_wait3A_152] : memref<2x104x128xi32, #tpu.memory_space<vmem>> -> memref<1x96x128xi32, #tpu.memory_space<vmem>>
    %dma_wait3A_154 = tpu.memref_squeeze %dma_wait3A_153 : memref<1x96x128xi32, #tpu.memory_space<vmem>> -> memref<96x128xi32, #tpu.memory_space<vmem>>
    %dma_wait3A_155 = arith.constant 0 : i32
    %dma_wait3A_156 = tpu.memref_slice %arg3[%dma_wait3A_155, %add3A_53] : memref<200x16384xi32, #tpu.memory_space<hbm>> -> memref<96x128xi32, #tpu.memory_space<hbm>>
    %dma_wait3A_157 = arith.constant 0 : i32
    %dma_wait3A_158 = arith.constant 0 : i32
    %dma_wait3A_159 = tpu.memref_slice %arg6[%dma_wait3A_150, %dma_wait3A_157, %dma_wait3A_158] : memref<2x104x128xi32, #tpu.memory_space<vmem>> -> memref<1x96x128xi32, #tpu.memory_space<vmem>>
    %dma_wait3A_160 = tpu.memref_squeeze %dma_wait3A_159 : memref<1x96x128xi32, #tpu.memory_space<vmem>> -> memref<96x128xi32, #tpu.memory_space<vmem>>
    %dma_wait3A_161 = arith.constant 0 : i32
    %dma_wait3A_162 = tpu.memref_slice %arg3[%dma_wait3A_161, %add3A_53] : memref<200x16384xi32, #tpu.memory_space<hbm>> -> memref<96x128xi32, #tpu.memory_space<hbm>>
    tpu.wait_dma2 semaphore(%arg9 : memref<!tpu.dma_semaphore, #tpu.memory_space<semaphore_mem>>) src(%dma_wait3A_162 : memref<96x128xi32, #tpu.memory_space<hbm>>) dst(%dma_wait3A_160 : memref<96x128xi32, #tpu.memory_space<vmem>>)
    %broadcast_in_dim3A_163 = arith.constant -65536 : i32
    %broadcast_in_dim3A_164 = vector.broadcast %broadcast_in_dim3A_163 : i32 to vector<16xi32>
    %scan3A_165 = arith.constant 0 : i32
    %scan3A_166 = arith.constant 96 : i32
    %scan3A_167 = arith.addi %scan3A_165, %scan3A_166 : i32
    %scan3A_168 = arith.constant 2 : i32
    %scan3A_169:24 = scf.for %scan3A_540 = %scan3A_165 to %scan3A_167 step %scan3A_168 iter_args(%scan3A_541 = %broadcast_in_dim3A_17, %scan3A_542 = %broadcast_in_dim3A_17, %scan3A_543 = %broadcast_in_dim3A_17, %scan3A_544 = %broadcast_in_dim3A_17, %scan3A_545 = %broadcast_in_dim3A_17, %scan3A_546 = %broadcast_in_dim3A_17, %scan3A_547 = %broadcast_in_dim3A_17, %scan3A_548 = %broadcast_in_dim3A_17, %scan3A_549 = %broadcast_in_dim3A_17, %scan3A_550 = %broadcast_in_dim3A_17, %scan3A_551 = %broadcast_in_dim3A_17, %scan3A_552 = %broadcast_in_dim3A_17, %scan3A_553 = %broadcast_in_dim3A_17, %scan3A_554 = %broadcast_in_dim3A_17, %scan3A_555 = %broadcast_in_dim3A_17, %scan3A_556 = %broadcast_in_dim3A_17, %scan3A_557 = %broadcast_in_dim3A_17, %scan3A_558 = %broadcast_in_dim3A_17, %scan3A_559 = %broadcast_in_dim3A_17, %scan3A_560 = %broadcast_in_dim3A_17, %scan3A_561 = %broadcast_in_dim3A_17, %scan3A_562 = %broadcast_in_dim3A_17, %scan3A_563 = %broadcast_in_dim3A_17, %scan3A_564 = %broadcast_in_dim3A_17) -> (vector<16xf32>, vector<16xf32>, vector<16xf32>, vector<16xf32>, vector<16xf32>, vector<16xf32>, vector<16xf32>, vector<16xf32>, vector<16xf32>, vector<16xf32>, vector<16xf32>, vector<16xf32>, vector<16xf32>, vector<16xf32>, vector<16xf32>, vector<16xf32>, vector<16xf32>, vector<16xf32>, vector<16xf32>, vector<16xf32>, vector<16xf32>, vector<16xf32>, vector<16xf32>, vector<16xf32>)  : i32 {
      %get3A = arith.constant 0 : i32
      %get3A_565 = arith.index_cast %get3A : i32 to index
      %get3A_566 = arith.index_cast %scan3A_540 : i32 to index
      %get3A_567 = arith.constant 0 : index
      %get3A_568 = tpu.vector_load %arg6[%get3A_565, %get3A_566, %get3A_567] {strides = array<i32>} : memref<2x104x128xi32, #tpu.memory_space<vmem>>, vector<16xi32>,
      %gather3A = tpu.vector_load_idx %arg5[%get3A_568] : memref<61440xf32, #tpu.memory_space<vmem>>[vector<16xi32>], vector<16xf32>,
      %bitcast3A = vector.bitcast %gather3A : vector<16xf32> to vector<16xi32>
      %add3A_569 = arith.constant 30720 : i32
      %add3A_570 = vector.broadcast %add3A_569 : i32 to vector<16xi32>
      %add3A_571 = arith.addi %get3A_568, %add3A_570 : vector<16xi32>
      %gather3A_572 = tpu.vector_load_idx %arg5[%add3A_571] : memref<61440xf32, #tpu.memory_space<vmem>>[vector<16xi32>], vector<16xf32>,
      %shift_left3A = arith.constant 16 : i32
      %shift_left3A_573 = vector.broadcast %shift_left3A : i32 to vector<16xi32>
      %shift_left3A_574 = arith.shli %bitcast3A, %shift_left3A_573 : vector<16xi32>
      %bitcast3A_575 = vector.bitcast %shift_left3A_574 : vector<16xi32> to vector<16xf32>
      %and3A = arith.andi %bitcast3A, %broadcast_in_dim3A_164 : vector<16xi32>
      %bitcast3A_576 = vector.bitcast %and3A : vector<16xi32> to vector<16xf32>
      %add3A_577 = arith.addf %scan3A_541, %bitcast3A_575 : vector<16xf32>
      %add3A_578 = arith.addf %scan3A_542, %bitcast3A_576 : vector<16xf32>
      %add3A_579 = arith.addf %scan3A_543, %gather3A_572 : vector<16xf32>
      %get3A_580 = arith.constant 0 : i32
      %get3A_581 = arith.index_cast %get3A_580 : i32 to index
      %get3A_582 = arith.index_cast %scan3A_540 : i32 to index
      %get3A_583 = arith.constant 16 : index
      %get3A_584 = tpu.vector_load %arg6[%get3A_581, %get3A_582, %get3A_583] {strides = array<i32>} : memref<2x104x128xi32, #tpu.memory_space<vmem>>, vector<16xi32>,
      %gather3A_585 = tpu.vector_load_idx %arg5[%get3A_584] : memref<61440xf32, #tpu.memory_space<vmem>>[vector<16xi32>], vector<16xf32>,
      %bitcast3A_586 = vector.bitcast %gather3A_585 : vector<16xf32> to vector<16xi32>
      %add3A_587 = arith.constant 30720 : i32
      %add3A_588 = vector.broadcast %add3A_587 : i32 to vector<16xi32>
      %add3A_589 = arith.addi %get3A_584, %add3A_588 : vector<16xi32>
      %gather3A_590 = tpu.vector_load_idx %arg5[%add3A_589] : memref<61440xf32, #tpu.memory_space<vmem>>[vector<16xi32>], vector<16xf32>,
      %shift_left3A_591 = arith.constant 16 : i32
      %shift_left3A_592 = vector.broadcast %shift_left3A_591 : i32 to vector<16xi32>
      %shift_left3A_593 = arith.shli %bitcast3A_586, %shift_left3A_592 : vector<16xi32>
      %bitcast3A_594 = vector.bitcast %shift_left3A_593 : vector<16xi32> to vector<16xf32>
      %and3A_595 = arith.andi %bitcast3A_586, %broadcast_in_dim3A_164 : vector<16xi32>
      %bitcast3A_596 = vector.bitcast %and3A_595 : vector<16xi32> to vector<16xf32>
      %add3A_597 = arith.addf %scan3A_544, %bitcast3A_594 : vector<16xf32>
      %add3A_598 = arith.addf %scan3A_545, %bitcast3A_596 : vector<16xf32>
      %add3A_599 = arith.addf %scan3A_546, %gather3A_590 : vector<16xf32>
      %get3A_600 = arith.constant 0 : i32
      %get3A_601 = arith.index_cast %get3A_600 : i32 to index
      %get3A_602 = arith.index_cast %scan3A_540 : i32 to index
      %get3A_603 = arith.constant 32 : index
      %get3A_604 = tpu.vector_load %arg6[%get3A_601, %get3A_602, %get3A_603] {strides = array<i32>} : memref<2x104x128xi32, #tpu.memory_space<vmem>>, vector<16xi32>,
      %gather3A_605 = tpu.vector_load_idx %arg5[%get3A_604] : memref<61440xf32, #tpu.memory_space<vmem>>[vector<16xi32>], vector<16xf32>,
      %bitcast3A_606 = vector.bitcast %gather3A_605 : vector<16xf32> to vector<16xi32>
      %add3A_607 = arith.constant 30720 : i32
      %add3A_608 = vector.broadcast %add3A_607 : i32 to vector<16xi32>
      %add3A_609 = arith.addi %get3A_604, %add3A_608 : vector<16xi32>
      %gather3A_610 = tpu.vector_load_idx %arg5[%add3A_609] : memref<61440xf32, #tpu.memory_space<vmem>>[vector<16xi32>], vector<16xf32>,
      %shift_left3A_611 = arith.constant 16 : i32
      %shift_left3A_612 = vector.broadcast %shift_left3A_611 : i32 to vector<16xi32>
      %shift_left3A_613 = arith.shli %bitcast3A_606, %shift_left3A_612 : vector<16xi32>
      %bitcast3A_614 = vector.bitcast %shift_left3A_613 : vector<16xi32> to vector<16xf32>
      %and3A_615 = arith.andi %bitcast3A_606, %broadcast_in_dim3A_164 : vector<16xi32>
      %bitcast3A_616 = vector.bitcast %and3A_615 : vector<16xi32> to vector<16xf32>
      %add3A_617 = arith.addf %scan3A_547, %bitcast3A_614 : vector<16xf32>
      %add3A_618 = arith.addf %scan3A_548, %bitcast3A_616 : vector<16xf32>
      %add3A_619 = arith.addf %scan3A_549, %gather3A_610 : vector<16xf32>
      %get3A_620 = arith.constant 0 : i32
      %get3A_621 = arith.index_cast %get3A_620 : i32 to index
      %get3A_622 = arith.index_cast %scan3A_540 : i32 to index
      %get3A_623 = arith.constant 48 : index
      %get3A_624 = tpu.vector_load %arg6[%get3A_621, %get3A_622, %get3A_623] {strides = array<i32>} : memref<2x104x128xi32, #tpu.memory_space<vmem>>, vector<16xi32>,
      %gather3A_625 = tpu.vector_load_idx %arg5[%get3A_624] : memref<61440xf32, #tpu.memory_space<vmem>>[vector<16xi32>], vector<16xf32>,
      %bitcast3A_626 = vector.bitcast %gather3A_625 : vector<16xf32> to vector<16xi32>
      %add3A_627 = arith.constant 30720 : i32
      %add3A_628 = vector.broadcast %add3A_627 : i32 to vector<16xi32>
      %add3A_629 = arith.addi %get3A_624, %add3A_628 : vector<16xi32>
      %gather3A_630 = tpu.vector_load_idx %arg5[%add3A_629] : memref<61440xf32, #tpu.memory_space<vmem>>[vector<16xi32>], vector<16xf32>,
      %shift_left3A_631 = arith.constant 16 : i32
      %shift_left3A_632 = vector.broadcast %shift_left3A_631 : i32 to vector<16xi32>
      %shift_left3A_633 = arith.shli %bitcast3A_626, %shift_left3A_632 : vector<16xi32>
      %bitcast3A_634 = vector.bitcast %shift_left3A_633 : vector<16xi32> to vector<16xf32>
      %and3A_635 = arith.andi %bitcast3A_626, %broadcast_in_dim3A_164 : vector<16xi32>
      %bitcast3A_636 = vector.bitcast %and3A_635 : vector<16xi32> to vector<16xf32>
      %add3A_637 = arith.addf %scan3A_550, %bitcast3A_634 : vector<16xf32>
      %add3A_638 = arith.addf %scan3A_551, %bitcast3A_636 : vector<16xf32>
      %add3A_639 = arith.addf %scan3A_552, %gather3A_630 : vector<16xf32>
      %get3A_640 = arith.constant 0 : i32
      %get3A_641 = arith.index_cast %get3A_640 : i32 to index
      %get3A_642 = arith.index_cast %scan3A_540 : i32 to index
      %get3A_643 = arith.constant 64 : index
      %get3A_644 = tpu.vector_load %arg6[%get3A_641, %get3A_642, %get3A_643] {strides = array<i32>} : memref<2x104x128xi32, #tpu.memory_space<vmem>>, vector<16xi32>,
      %gather3A_645 = tpu.vector_load_idx %arg5[%get3A_644] : memref<61440xf32, #tpu.memory_space<vmem>>[vector<16xi32>], vector<16xf32>,
      %bitcast3A_646 = vector.bitcast %gather3A_645 : vector<16xf32> to vector<16xi32>
      %add3A_647 = arith.constant 30720 : i32
      %add3A_648 = vector.broadcast %add3A_647 : i32 to vector<16xi32>
      %add3A_649 = arith.addi %get3A_644, %add3A_648 : vector<16xi32>
      %gather3A_650 = tpu.vector_load_idx %arg5[%add3A_649] : memref<61440xf32, #tpu.memory_space<vmem>>[vector<16xi32>], vector<16xf32>,
      %shift_left3A_651 = arith.constant 16 : i32
      %shift_left3A_652 = vector.broadcast %shift_left3A_651 : i32 to vector<16xi32>
      %shift_left3A_653 = arith.shli %bitcast3A_646, %shift_left3A_652 : vector<16xi32>
      %bitcast3A_654 = vector.bitcast %shift_left3A_653 : vector<16xi32> to vector<16xf32>
      %and3A_655 = arith.andi %bitcast3A_646, %broadcast_in_dim3A_164 : vector<16xi32>
      %bitcast3A_656 = vector.bitcast %and3A_655 : vector<16xi32> to vector<16xf32>
      %add3A_657 = arith.addf %scan3A_553, %bitcast3A_654 : vector<16xf32>
      %add3A_658 = arith.addf %scan3A_554, %bitcast3A_656 : vector<16xf32>
      %add3A_659 = arith.addf %scan3A_555, %gather3A_650 : vector<16xf32>
      %get3A_660 = arith.constant 0 : i32
      %get3A_661 = arith.index_cast %get3A_660 : i32 to index
      %get3A_662 = arith.index_cast %scan3A_540 : i32 to index
      %get3A_663 = arith.constant 80 : index
      %get3A_664 = tpu.vector_load %arg6[%get3A_661, %get3A_662, %get3A_663] {strides = array<i32>} : memref<2x104x128xi32, #tpu.memory_space<vmem>>, vector<16xi32>,
      %gather3A_665 = tpu.vector_load_idx %arg5[%get3A_664] : memref<61440xf32, #tpu.memory_space<vmem>>[vector<16xi32>], vector<16xf32>,
      %bitcast3A_666 = vector.bitcast %gather3A_665 : vector<16xf32> to vector<16xi32>
      %add3A_667 = arith.constant 30720 : i32
      %add3A_668 = vector.broadcast %add3A_667 : i32 to vector<16xi32>
      %add3A_669 = arith.addi %get3A_664, %add3A_668 : vector<16xi32>
      %gather3A_670 = tpu.vector_load_idx %arg5[%add3A_669] : memref<61440xf32, #tpu.memory_space<vmem>>[vector<16xi32>], vector<16xf32>,
      %shift_left3A_671 = arith.constant 16 : i32
      %shift_left3A_672 = vector.broadcast %shift_left3A_671 : i32 to vector<16xi32>
      %shift_left3A_673 = arith.shli %bitcast3A_666, %shift_left3A_672 : vector<16xi32>
      %bitcast3A_674 = vector.bitcast %shift_left3A_673 : vector<16xi32> to vector<16xf32>
      %and3A_675 = arith.andi %bitcast3A_666, %broadcast_in_dim3A_164 : vector<16xi32>
      %bitcast3A_676 = vector.bitcast %and3A_675 : vector<16xi32> to vector<16xf32>
      %add3A_677 = arith.addf %scan3A_556, %bitcast3A_674 : vector<16xf32>
      %add3A_678 = arith.addf %scan3A_557, %bitcast3A_676 : vector<16xf32>
      %add3A_679 = arith.addf %scan3A_558, %gather3A_670 : vector<16xf32>
      %get3A_680 = arith.constant 0 : i32
      %get3A_681 = arith.index_cast %get3A_680 : i32 to index
      %get3A_682 = arith.index_cast %scan3A_540 : i32 to index
      %get3A_683 = arith.constant 96 : index
      %get3A_684 = tpu.vector_load %arg6[%get3A_681, %get3A_682, %get3A_683] {strides = array<i32>} : memref<2x104x128xi32, #tpu.memory_space<vmem>>, vector<16xi32>,
      %gather3A_685 = tpu.vector_load_idx %arg5[%get3A_684] : memref<61440xf32, #tpu.memory_space<vmem>>[vector<16xi32>], vector<16xf32>,
      %bitcast3A_686 = vector.bitcast %gather3A_685 : vector<16xf32> to vector<16xi32>
      %add3A_687 = arith.constant 30720 : i32
      %add3A_688 = vector.broadcast %add3A_687 : i32 to vector<16xi32>
      %add3A_689 = arith.addi %get3A_684, %add3A_688 : vector<16xi32>
      %gather3A_690 = tpu.vector_load_idx %arg5[%add3A_689] : memref<61440xf32, #tpu.memory_space<vmem>>[vector<16xi32>], vector<16xf32>,
      %shift_left3A_691 = arith.constant 16 : i32
      %shift_left3A_692 = vector.broadcast %shift_left3A_691 : i32 to vector<16xi32>
      %shift_left3A_693 = arith.shli %bitcast3A_686, %shift_left3A_692 : vector<16xi32>
      %bitcast3A_694 = vector.bitcast %shift_left3A_693 : vector<16xi32> to vector<16xf32>
      %and3A_695 = arith.andi %bitcast3A_686, %broadcast_in_dim3A_164 : vector<16xi32>
      %bitcast3A_696 = vector.bitcast %and3A_695 : vector<16xi32> to vector<16xf32>
      %add3A_697 = arith.addf %scan3A_559, %bitcast3A_694 : vector<16xf32>
      %add3A_698 = arith.addf %scan3A_560, %bitcast3A_696 : vector<16xf32>
      %add3A_699 = arith.addf %scan3A_561, %gather3A_690 : vector<16xf32>
      %get3A_700 = arith.constant 0 : i32
      %get3A_701 = arith.index_cast %get3A_700 : i32 to index
      %get3A_702 = arith.index_cast %scan3A_540 : i32 to index
      %get3A_703 = arith.constant 112 : index
      %get3A_704 = tpu.vector_load %arg6[%get3A_701, %get3A_702, %get3A_703] {strides = array<i32>} : memref<2x104x128xi32, #tpu.memory_space<vmem>>, vector<16xi32>,
      %gather3A_705 = tpu.vector_load_idx %arg5[%get3A_704] : memref<61440xf32, #tpu.memory_space<vmem>>[vector<16xi32>], vector<16xf32>,
      %bitcast3A_706 = vector.bitcast %gather3A_705 : vector<16xf32> to vector<16xi32>
      %add3A_707 = arith.constant 30720 : i32
      %add3A_708 = vector.broadcast %add3A_707 : i32 to vector<16xi32>
      %add3A_709 = arith.addi %get3A_704, %add3A_708 : vector<16xi32>
      %gather3A_710 = tpu.vector_load_idx %arg5[%add3A_709] : memref<61440xf32, #tpu.memory_space<vmem>>[vector<16xi32>], vector<16xf32>,
      %shift_left3A_711 = arith.constant 16 : i32
      %shift_left3A_712 = vector.broadcast %shift_left3A_711 : i32 to vector<16xi32>
      %shift_left3A_713 = arith.shli %bitcast3A_706, %shift_left3A_712 : vector<16xi32>
      %bitcast3A_714 = vector.bitcast %shift_left3A_713 : vector<16xi32> to vector<16xf32>
      %and3A_715 = arith.andi %bitcast3A_706, %broadcast_in_dim3A_164 : vector<16xi32>
      %bitcast3A_716 = vector.bitcast %and3A_715 : vector<16xi32> to vector<16xf32>
      %add3A_717 = arith.addf %scan3A_562, %bitcast3A_714 : vector<16xf32>
      %add3A_718 = arith.addf %scan3A_563, %bitcast3A_716 : vector<16xf32>
      %add3A_719 = arith.addf %scan3A_564, %gather3A_710 : vector<16xf32>
      %scan3A_720 = arith.constant 1 : i32
      %scan3A_721 = arith.addi %scan3A_540, %scan3A_720 : i32
      %get3A_722 = arith.constant 0 : i32
      %get3A_723 = arith.index_cast %get3A_722 : i32 to index
      %get3A_724 = arith.index_cast %scan3A_721 : i32 to index
      %get3A_725 = arith.constant 0 : index
      %get3A_726 = tpu.vector_load %arg6[%get3A_723, %get3A_724, %get3A_725] {strides = array<i32>} : memref<2x104x128xi32, #tpu.memory_space<vmem>>, vector<16xi32>,
      %gather3A_727 = tpu.vector_load_idx %arg5[%get3A_726] : memref<61440xf32, #tpu.memory_space<vmem>>[vector<16xi32>], vector<16xf32>,
      %bitcast3A_728 = vector.bitcast %gather3A_727 : vector<16xf32> to vector<16xi32>
      %add3A_729 = arith.constant 30720 : i32
      %add3A_730 = vector.broadcast %add3A_729 : i32 to vector<16xi32>
      %add3A_731 = arith.addi %get3A_726, %add3A_730 : vector<16xi32>
      %gather3A_732 = tpu.vector_load_idx %arg5[%add3A_731] : memref<61440xf32, #tpu.memory_space<vmem>>[vector<16xi32>], vector<16xf32>,
      %shift_left3A_733 = arith.constant 16 : i32
      %shift_left3A_734 = vector.broadcast %shift_left3A_733 : i32 to vector<16xi32>
      %shift_left3A_735 = arith.shli %bitcast3A_728, %shift_left3A_734 : vector<16xi32>
      %bitcast3A_736 = vector.bitcast %shift_left3A_735 : vector<16xi32> to vector<16xf32>
      %and3A_737 = arith.andi %bitcast3A_728, %broadcast_in_dim3A_164 : vector<16xi32>
      %bitcast3A_738 = vector.bitcast %and3A_737 : vector<16xi32> to vector<16xf32>
      %add3A_739 = arith.addf %add3A_577, %bitcast3A_736 : vector<16xf32>
      %add3A_740 = arith.addf %add3A_578, %bitcast3A_738 : vector<16xf32>
      %add3A_741 = arith.addf %add3A_579, %gather3A_732 : vector<16xf32>
      %get3A_742 = arith.constant 0 : i32
      %get3A_743 = arith.index_cast %get3A_742 : i32 to index
      %get3A_744 = arith.index_cast %scan3A_721 : i32 to index
      %get3A_745 = arith.constant 16 : index
      %get3A_746 = tpu.vector_load %arg6[%get3A_743, %get3A_744, %get3A_745] {strides = array<i32>} : memref<2x104x128xi32, #tpu.memory_space<vmem>>, vector<16xi32>,
      %gather3A_747 = tpu.vector_load_idx %arg5[%get3A_746] : memref<61440xf32, #tpu.memory_space<vmem>>[vector<16xi32>], vector<16xf32>,
      %bitcast3A_748 = vector.bitcast %gather3A_747 : vector<16xf32> to vector<16xi32>
      %add3A_749 = arith.constant 30720 : i32
      %add3A_750 = vector.broadcast %add3A_749 : i32 to vector<16xi32>
      %add3A_751 = arith.addi %get3A_746, %add3A_750 : vector<16xi32>
      %gather3A_752 = tpu.vector_load_idx %arg5[%add3A_751] : memref<61440xf32, #tpu.memory_space<vmem>>[vector<16xi32>], vector<16xf32>,
      %shift_left3A_753 = arith.constant 16 : i32
      %shift_left3A_754 = vector.broadcast %shift_left3A_753 : i32 to vector<16xi32>
      %shift_left3A_755 = arith.shli %bitcast3A_748, %shift_left3A_754 : vector<16xi32>
      %bitcast3A_756 = vector.bitcast %shift_left3A_755 : vector<16xi32> to vector<16xf32>
      %and3A_757 = arith.andi %bitcast3A_748, %broadcast_in_dim3A_164 : vector<16xi32>
      %bitcast3A_758 = vector.bitcast %and3A_757 : vector<16xi32> to vector<16xf32>
      %add3A_759 = arith.addf %add3A_597, %bitcast3A_756 : vector<16xf32>
      %add3A_760 = arith.addf %add3A_598, %bitcast3A_758 : vector<16xf32>
      %add3A_761 = arith.addf %add3A_599, %gather3A_752 : vector<16xf32>
      %get3A_762 = arith.constant 0 : i32
      %get3A_763 = arith.index_cast %get3A_762 : i32 to index
      %get3A_764 = arith.index_cast %scan3A_721 : i32 to index
      %get3A_765 = arith.constant 32 : index
      %get3A_766 = tpu.vector_load %arg6[%get3A_763, %get3A_764, %get3A_765] {strides = array<i32>} : memref<2x104x128xi32, #tpu.memory_space<vmem>>, vector<16xi32>,
      %gather3A_767 = tpu.vector_load_idx %arg5[%get3A_766] : memref<61440xf32, #tpu.memory_space<vmem>>[vector<16xi32>], vector<16xf32>,
      %bitcast3A_768 = vector.bitcast %gather3A_767 : vector<16xf32> to vector<16xi32>
      %add3A_769 = arith.constant 30720 : i32
      %add3A_770 = vector.broadcast %add3A_769 : i32 to vector<16xi32>
      %add3A_771 = arith.addi %get3A_766, %add3A_770 : vector<16xi32>
      %gather3A_772 = tpu.vector_load_idx %arg5[%add3A_771] : memref<61440xf32, #tpu.memory_space<vmem>>[vector<16xi32>], vector<16xf32>,
      %shift_left3A_773 = arith.constant 16 : i32
      %shift_left3A_774 = vector.broadcast %shift_left3A_773 : i32 to vector<16xi32>
      %shift_left3A_775 = arith.shli %bitcast3A_768, %shift_left3A_774 : vector<16xi32>
      %bitcast3A_776 = vector.bitcast %shift_left3A_775 : vector<16xi32> to vector<16xf32>
      %and3A_777 = arith.andi %bitcast3A_768, %broadcast_in_dim3A_164 : vector<16xi32>
      %bitcast3A_778 = vector.bitcast %and3A_777 : vector<16xi32> to vector<16xf32>
      %add3A_779 = arith.addf %add3A_617, %bitcast3A_776 : vector<16xf32>
      %add3A_780 = arith.addf %add3A_618, %bitcast3A_778 : vector<16xf32>
      %add3A_781 = arith.addf %add3A_619, %gather3A_772 : vector<16xf32>
      %get3A_782 = arith.constant 0 : i32
      %get3A_783 = arith.index_cast %get3A_782 : i32 to index
      %get3A_784 = arith.index_cast %scan3A_721 : i32 to index
      %get3A_785 = arith.constant 48 : index
      %get3A_786 = tpu.vector_load %arg6[%get3A_783, %get3A_784, %get3A_785] {strides = array<i32>} : memref<2x104x128xi32, #tpu.memory_space<vmem>>, vector<16xi32>,
      %gather3A_787 = tpu.vector_load_idx %arg5[%get3A_786] : memref<61440xf32, #tpu.memory_space<vmem>>[vector<16xi32>], vector<16xf32>,
      %bitcast3A_788 = vector.bitcast %gather3A_787 : vector<16xf32> to vector<16xi32>
      %add3A_789 = arith.constant 30720 : i32
      %add3A_790 = vector.broadcast %add3A_789 : i32 to vector<16xi32>
      %add3A_791 = arith.addi %get3A_786, %add3A_790 : vector<16xi32>
      %gather3A_792 = tpu.vector_load_idx %arg5[%add3A_791] : memref<61440xf32, #tpu.memory_space<vmem>>[vector<16xi32>], vector<16xf32>,
      %shift_left3A_793 = arith.constant 16 : i32
      %shift_left3A_794 = vector.broadcast %shift_left3A_793 : i32 to vector<16xi32>
      %shift_left3A_795 = arith.shli %bitcast3A_788, %shift_left3A_794 : vector<16xi32>
      %bitcast3A_796 = vector.bitcast %shift_left3A_795 : vector<16xi32> to vector<16xf32>
      %and3A_797 = arith.andi %bitcast3A_788, %broadcast_in_dim3A_164 : vector<16xi32>
      %bitcast3A_798 = vector.bitcast %and3A_797 : vector<16xi32> to vector<16xf32>
      %add3A_799 = arith.addf %add3A_637, %bitcast3A_796 : vector<16xf32>
      %add3A_800 = arith.addf %add3A_638, %bitcast3A_798 : vector<16xf32>
      %add3A_801 = arith.addf %add3A_639, %gather3A_792 : vector<16xf32>
      %get3A_802 = arith.constant 0 : i32
      %get3A_803 = arith.index_cast %get3A_802 : i32 to index
      %get3A_804 = arith.index_cast %scan3A_721 : i32 to index
      %get3A_805 = arith.constant 64 : index
      %get3A_806 = tpu.vector_load %arg6[%get3A_803, %get3A_804, %get3A_805] {strides = array<i32>} : memref<2x104x128xi32, #tpu.memory_space<vmem>>, vector<16xi32>,
      %gather3A_807 = tpu.vector_load_idx %arg5[%get3A_806] : memref<61440xf32, #tpu.memory_space<vmem>>[vector<16xi32>], vector<16xf32>,
      %bitcast3A_808 = vector.bitcast %gather3A_807 : vector<16xf32> to vector<16xi32>
      %add3A_809 = arith.constant 30720 : i32
      %add3A_810 = vector.broadcast %add3A_809 : i32 to vector<16xi32>
      %add3A_811 = arith.addi %get3A_806, %add3A_810 : vector<16xi32>
      %gather3A_812 = tpu.vector_load_idx %arg5[%add3A_811] : memref<61440xf32, #tpu.memory_space<vmem>>[vector<16xi32>], vector<16xf32>,
      %shift_left3A_813 = arith.constant 16 : i32
      %shift_left3A_814 = vector.broadcast %shift_left3A_813 : i32 to vector<16xi32>
      %shift_left3A_815 = arith.shli %bitcast3A_808, %shift_left3A_814 : vector<16xi32>
      %bitcast3A_816 = vector.bitcast %shift_left3A_815 : vector<16xi32> to vector<16xf32>
      %and3A_817 = arith.andi %bitcast3A_808, %broadcast_in_dim3A_164 : vector<16xi32>
      %bitcast3A_818 = vector.bitcast %and3A_817 : vector<16xi32> to vector<16xf32>
      %add3A_819 = arith.addf %add3A_657, %bitcast3A_816 : vector<16xf32>
      %add3A_820 = arith.addf %add3A_658, %bitcast3A_818 : vector<16xf32>
      %add3A_821 = arith.addf %add3A_659, %gather3A_812 : vector<16xf32>
      %get3A_822 = arith.constant 0 : i32
      %get3A_823 = arith.index_cast %get3A_822 : i32 to index
      %get3A_824 = arith.index_cast %scan3A_721 : i32 to index
      %get3A_825 = arith.constant 80 : index
      %get3A_826 = tpu.vector_load %arg6[%get3A_823, %get3A_824, %get3A_825] {strides = array<i32>} : memref<2x104x128xi32, #tpu.memory_space<vmem>>, vector<16xi32>,
      %gather3A_827 = tpu.vector_load_idx %arg5[%get3A_826] : memref<61440xf32, #tpu.memory_space<vmem>>[vector<16xi32>], vector<16xf32>,
      %bitcast3A_828 = vector.bitcast %gather3A_827 : vector<16xf32> to vector<16xi32>
      %add3A_829 = arith.constant 30720 : i32
      %add3A_830 = vector.broadcast %add3A_829 : i32 to vector<16xi32>
      %add3A_831 = arith.addi %get3A_826, %add3A_830 : vector<16xi32>
      %gather3A_832 = tpu.vector_load_idx %arg5[%add3A_831] : memref<61440xf32, #tpu.memory_space<vmem>>[vector<16xi32>], vector<16xf32>,
      %shift_left3A_833 = arith.constant 16 : i32
      %shift_left3A_834 = vector.broadcast %shift_left3A_833 : i32 to vector<16xi32>
      %shift_left3A_835 = arith.shli %bitcast3A_828, %shift_left3A_834 : vector<16xi32>
      %bitcast3A_836 = vector.bitcast %shift_left3A_835 : vector<16xi32> to vector<16xf32>
      %and3A_837 = arith.andi %bitcast3A_828, %broadcast_in_dim3A_164 : vector<16xi32>
      %bitcast3A_838 = vector.bitcast %and3A_837 : vector<16xi32> to vector<16xf32>
      %add3A_839 = arith.addf %add3A_677, %bitcast3A_836 : vector<16xf32>
      %add3A_840 = arith.addf %add3A_678, %bitcast3A_838 : vector<16xf32>
      %add3A_841 = arith.addf %add3A_679, %gather3A_832 : vector<16xf32>
      %get3A_842 = arith.constant 0 : i32
      %get3A_843 = arith.index_cast %get3A_842 : i32 to index
      %get3A_844 = arith.index_cast %scan3A_721 : i32 to index
      %get3A_845 = arith.constant 96 : index
      %get3A_846 = tpu.vector_load %arg6[%get3A_843, %get3A_844, %get3A_845] {strides = array<i32>} : memref<2x104x128xi32, #tpu.memory_space<vmem>>, vector<16xi32>,
      %gather3A_847 = tpu.vector_load_idx %arg5[%get3A_846] : memref<61440xf32, #tpu.memory_space<vmem>>[vector<16xi32>], vector<16xf32>,
      %bitcast3A_848 = vector.bitcast %gather3A_847 : vector<16xf32> to vector<16xi32>
      %add3A_849 = arith.constant 30720 : i32
      %add3A_850 = vector.broadcast %add3A_849 : i32 to vector<16xi32>
      %add3A_851 = arith.addi %get3A_846, %add3A_850 : vector<16xi32>
      %gather3A_852 = tpu.vector_load_idx %arg5[%add3A_851] : memref<61440xf32, #tpu.memory_space<vmem>>[vector<16xi32>], vector<16xf32>,
      %shift_left3A_853 = arith.constant 16 : i32
      %shift_left3A_854 = vector.broadcast %shift_left3A_853 : i32 to vector<16xi32>
      %shift_left3A_855 = arith.shli %bitcast3A_848, %shift_left3A_854 : vector<16xi32>
      %bitcast3A_856 = vector.bitcast %shift_left3A_855 : vector<16xi32> to vector<16xf32>
      %and3A_857 = arith.andi %bitcast3A_848, %broadcast_in_dim3A_164 : vector<16xi32>
      %bitcast3A_858 = vector.bitcast %and3A_857 : vector<16xi32> to vector<16xf32>
      %add3A_859 = arith.addf %add3A_697, %bitcast3A_856 : vector<16xf32>
      %add3A_860 = arith.addf %add3A_698, %bitcast3A_858 : vector<16xf32>
      %add3A_861 = arith.addf %add3A_699, %gather3A_852 : vector<16xf32>
      %get3A_862 = arith.constant 0 : i32
      %get3A_863 = arith.index_cast %get3A_862 : i32 to index
      %get3A_864 = arith.index_cast %scan3A_721 : i32 to index
      %get3A_865 = arith.constant 112 : index
      %get3A_866 = tpu.vector_load %arg6[%get3A_863, %get3A_864, %get3A_865] {strides = array<i32>} : memref<2x104x128xi32, #tpu.memory_space<vmem>>, vector<16xi32>,
      %gather3A_867 = tpu.vector_load_idx %arg5[%get3A_866] : memref<61440xf32, #tpu.memory_space<vmem>>[vector<16xi32>], vector<16xf32>,
      %bitcast3A_868 = vector.bitcast %gather3A_867 : vector<16xf32> to vector<16xi32>
      %add3A_869 = arith.constant 30720 : i32
      %add3A_870 = vector.broadcast %add3A_869 : i32 to vector<16xi32>
      %add3A_871 = arith.addi %get3A_866, %add3A_870 : vector<16xi32>
      %gather3A_872 = tpu.vector_load_idx %arg5[%add3A_871] : memref<61440xf32, #tpu.memory_space<vmem>>[vector<16xi32>], vector<16xf32>,
      %shift_left3A_873 = arith.constant 16 : i32
      %shift_left3A_874 = vector.broadcast %shift_left3A_873 : i32 to vector<16xi32>
      %shift_left3A_875 = arith.shli %bitcast3A_868, %shift_left3A_874 : vector<16xi32>
      %bitcast3A_876 = vector.bitcast %shift_left3A_875 : vector<16xi32> to vector<16xf32>
      %and3A_877 = arith.andi %bitcast3A_868, %broadcast_in_dim3A_164 : vector<16xi32>
      %bitcast3A_878 = vector.bitcast %and3A_877 : vector<16xi32> to vector<16xf32>
      %add3A_879 = arith.addf %add3A_717, %bitcast3A_876 : vector<16xf32>
      %add3A_880 = arith.addf %add3A_718, %bitcast3A_878 : vector<16xf32>
      %add3A_881 = arith.addf %add3A_719, %gather3A_872 : vector<16xf32>
      scf.yield %add3A_739, %add3A_740, %add3A_741, %add3A_759, %add3A_760, %add3A_761, %add3A_779, %add3A_780, %add3A_781, %add3A_799, %add3A_800, %add3A_801, %add3A_819, %add3A_820, %add3A_821, %add3A_839, %add3A_840, %add3A_841, %add3A_859, %add3A_860, %add3A_861, %add3A_879, %add3A_880, %add3A_881 : vector<16xf32>, vector<16xf32>, vector<16xf32>, vector<16xf32>, vector<16xf32>, vector<16xf32>, vector<16xf32>, vector<16xf32>, vector<16xf32>, vector<16xf32>, vector<16xf32>, vector<16xf32>, vector<16xf32>, vector<16xf32>, vector<16xf32>, vector<16xf32>, vector<16xf32>, vector<16xf32>, vector<16xf32>, vector<16xf32>, vector<16xf32>, vector<16xf32>, vector<16xf32>, vector<16xf32>
    }
    %scan3A_170 = arith.constant 96 : i32
    %add3A_171 = arith.constant 256 : i32
    %add3A_172 = arith.addi %mul3A_2, %add3A_171 : i32
    %dma_start3A_173 = arith.constant 0 : i32
    %dma_start3A_174 = arith.constant 0 : i32
    %dma_start3A_175 = arith.constant 0 : i32
    %dma_start3A_176 = tpu.memref_slice %arg6[%dma_start3A_173, %dma_start3A_174, %dma_start3A_175] : memref<2x104x128xi32, #tpu.memory_space<vmem>> -> memref<1x96x128xi32, #tpu.memory_space<vmem>>
    %dma_start3A_177 = tpu.memref_squeeze %dma_start3A_176 : memref<1x96x128xi32, #tpu.memory_space<vmem>> -> memref<96x128xi32, #tpu.memory_space<vmem>>
    %dma_start3A_178 = arith.constant 0 : i32
    %dma_start3A_179 = tpu.memref_slice %arg3[%dma_start3A_178, %add3A_172] : memref<200x16384xi32, #tpu.memory_space<hbm>> -> memref<96x128xi32, #tpu.memory_space<hbm>>
    %dma_start3A_180 = arith.constant 0 : i32
    %dma_start3A_181 = arith.constant 0 : i32
    %dma_start3A_182 = tpu.memref_slice %arg6[%dma_start3A_173, %dma_start3A_180, %dma_start3A_181] : memref<2x104x128xi32, #tpu.memory_space<vmem>> -> memref<1x96x128xi32, #tpu.memory_space<vmem>>
    %dma_start3A_183 = tpu.memref_squeeze %dma_start3A_182 : memref<1x96x128xi32, #tpu.memory_space<vmem>> -> memref<96x128xi32, #tpu.memory_space<vmem>>
    %dma_start3A_184 = arith.constant 0 : i32
    %dma_start3A_185 = tpu.memref_slice %arg3[%dma_start3A_184, %add3A_172] : memref<200x16384xi32, #tpu.memory_space<hbm>> -> memref<96x128xi32, #tpu.memory_space<hbm>>
    tpu.enqueue_dma source(%dma_start3A_185 : memref<96x128xi32, #tpu.memory_space<hbm>>) target(%dma_start3A_183 : memref<96x128xi32, #tpu.memory_space<vmem>>) target_semaphore(%arg9 : memref<!tpu.dma_semaphore, #tpu.memory_space<semaphore_mem>>)
    %dma_wait3A_186 = arith.constant 1 : i32
    %dma_wait3A_187 = arith.constant 0 : i32
    %dma_wait3A_188 = arith.constant 0 : i32
    %dma_wait3A_189 = tpu.memref_slice %arg6[%dma_wait3A_186, %dma_wait3A_187, %dma_wait3A_188] : memref<2x104x128xi32, #tpu.memory_space<vmem>> -> memref<1x104x128xi32, #tpu.memory_space<vmem>>
    %dma_wait3A_190 = tpu.memref_squeeze %dma_wait3A_189 : memref<1x104x128xi32, #tpu.memory_space<vmem>> -> memref<104x128xi32, #tpu.memory_space<vmem>>
    %dma_wait3A_191 = arith.constant 96 : i32
    %dma_wait3A_192 = tpu.memref_slice %arg3[%dma_wait3A_191, %add3A_136] : memref<200x16384xi32, #tpu.memory_space<hbm>> -> memref<104x128xi32, #tpu.memory_space<hbm>>
    %dma_wait3A_193 = arith.constant 0 : i32
    %dma_wait3A_194 = arith.constant 0 : i32
    %dma_wait3A_195 = tpu.memref_slice %arg6[%dma_wait3A_186, %dma_wait3A_193, %dma_wait3A_194] : memref<2x104x128xi32, #tpu.memory_space<vmem>> -> memref<1x104x128xi32, #tpu.memory_space<vmem>>
    %dma_wait3A_196 = tpu.memref_squeeze %dma_wait3A_195 : memref<1x104x128xi32, #tpu.memory_space<vmem>> -> memref<104x128xi32, #tpu.memory_space<vmem>>
    %dma_wait3A_197 = arith.constant 96 : i32
    %dma_wait3A_198 = tpu.memref_slice %arg3[%dma_wait3A_197, %add3A_136] : memref<200x16384xi32, #tpu.memory_space<hbm>> -> memref<104x128xi32, #tpu.memory_space<hbm>>
    tpu.wait_dma2 semaphore(%arg10 : memref<!tpu.dma_semaphore, #tpu.memory_space<semaphore_mem>>) src(%dma_wait3A_198 : memref<104x128xi32, #tpu.memory_space<hbm>>) dst(%dma_wait3A_196 : memref<104x128xi32, #tpu.memory_space<vmem>>)
    %broadcast_in_dim3A_199 = arith.constant -65536 : i32
    %broadcast_in_dim3A_200 = vector.broadcast %broadcast_in_dim3A_199 : i32 to vector<16xi32>
    %scan3A_201 = arith.constant 0 : i32
    %scan3A_202 = arith.constant 104 : i32
    %scan3A_203 = arith.addi %scan3A_201, %scan3A_202 : i32
    %scan3A_204 = arith.constant 2 : i32
    %scan3A_205:24 = scf.for %scan3A_540 = %scan3A_201 to %scan3A_203 step %scan3A_204 iter_args(%scan3A_541 = %scan3A_169#0, %scan3A_542 = %scan3A_169#1, %scan3A_543 = %scan3A_169#2, %scan3A_544 = %scan3A_169#3, %scan3A_545 = %scan3A_169#4, %scan3A_546 = %scan3A_169#5, %scan3A_547 = %scan3A_169#6, %scan3A_548 = %scan3A_169#7, %scan3A_549 = %scan3A_169#8, %scan3A_550 = %scan3A_169#9, %scan3A_551 = %scan3A_169#10, %scan3A_552 = %scan3A_169#11, %scan3A_553 = %scan3A_169#12, %scan3A_554 = %scan3A_169#13, %scan3A_555 = %scan3A_169#14, %scan3A_556 = %scan3A_169#15, %scan3A_557 = %scan3A_169#16, %scan3A_558 = %scan3A_169#17, %scan3A_559 = %scan3A_169#18, %scan3A_560 = %scan3A_169#19, %scan3A_561 = %scan3A_169#20, %scan3A_562 = %scan3A_169#21, %scan3A_563 = %scan3A_169#22, %scan3A_564 = %scan3A_169#23) -> (vector<16xf32>, vector<16xf32>, vector<16xf32>, vector<16xf32>, vector<16xf32>, vector<16xf32>, vector<16xf32>, vector<16xf32>, vector<16xf32>, vector<16xf32>, vector<16xf32>, vector<16xf32>, vector<16xf32>, vector<16xf32>, vector<16xf32>, vector<16xf32>, vector<16xf32>, vector<16xf32>, vector<16xf32>, vector<16xf32>, vector<16xf32>, vector<16xf32>, vector<16xf32>, vector<16xf32>)  : i32 {
      %get3A = arith.constant 1 : i32
      %get3A_565 = arith.index_cast %get3A : i32 to index
      %get3A_566 = arith.index_cast %scan3A_540 : i32 to index
      %get3A_567 = arith.constant 0 : index
      %get3A_568 = tpu.vector_load %arg6[%get3A_565, %get3A_566, %get3A_567] {strides = array<i32>} : memref<2x104x128xi32, #tpu.memory_space<vmem>>, vector<16xi32>,
      %gather3A = tpu.vector_load_idx %arg5[%get3A_568] : memref<61440xf32, #tpu.memory_space<vmem>>[vector<16xi32>], vector<16xf32>,
      %bitcast3A = vector.bitcast %gather3A : vector<16xf32> to vector<16xi32>
      %add3A_569 = arith.constant 30720 : i32
      %add3A_570 = vector.broadcast %add3A_569 : i32 to vector<16xi32>
      %add3A_571 = arith.addi %get3A_568, %add3A_570 : vector<16xi32>
      %gather3A_572 = tpu.vector_load_idx %arg5[%add3A_571] : memref<61440xf32, #tpu.memory_space<vmem>>[vector<16xi32>], vector<16xf32>,
      %shift_left3A = arith.constant 16 : i32
      %shift_left3A_573 = vector.broadcast %shift_left3A : i32 to vector<16xi32>
      %shift_left3A_574 = arith.shli %bitcast3A, %shift_left3A_573 : vector<16xi32>
      %bitcast3A_575 = vector.bitcast %shift_left3A_574 : vector<16xi32> to vector<16xf32>
      %and3A = arith.andi %bitcast3A, %broadcast_in_dim3A_200 : vector<16xi32>
      %bitcast3A_576 = vector.bitcast %and3A : vector<16xi32> to vector<16xf32>
      %add3A_577 = arith.addf %scan3A_541, %bitcast3A_575 : vector<16xf32>
      %add3A_578 = arith.addf %scan3A_542, %bitcast3A_576 : vector<16xf32>
      %add3A_579 = arith.addf %scan3A_543, %gather3A_572 : vector<16xf32>
      %get3A_580 = arith.constant 1 : i32
      %get3A_581 = arith.index_cast %get3A_580 : i32 to index
      %get3A_582 = arith.index_cast %scan3A_540 : i32 to index
      %get3A_583 = arith.constant 16 : index
      %get3A_584 = tpu.vector_load %arg6[%get3A_581, %get3A_582, %get3A_583] {strides = array<i32>} : memref<2x104x128xi32, #tpu.memory_space<vmem>>, vector<16xi32>,
      %gather3A_585 = tpu.vector_load_idx %arg5[%get3A_584] : memref<61440xf32, #tpu.memory_space<vmem>>[vector<16xi32>], vector<16xf32>,
      %bitcast3A_586 = vector.bitcast %gather3A_585 : vector<16xf32> to vector<16xi32>
      %add3A_587 = arith.constant 30720 : i32
      %add3A_588 = vector.broadcast %add3A_587 : i32 to vector<16xi32>
      %add3A_589 = arith.addi %get3A_584, %add3A_588 : vector<16xi32>
      %gather3A_590 = tpu.vector_load_idx %arg5[%add3A_589] : memref<61440xf32, #tpu.memory_space<vmem>>[vector<16xi32>], vector<16xf32>,
      %shift_left3A_591 = arith.constant 16 : i32
      %shift_left3A_592 = vector.broadcast %shift_left3A_591 : i32 to vector<16xi32>
      %shift_left3A_593 = arith.shli %bitcast3A_586, %shift_left3A_592 : vector<16xi32>
      %bitcast3A_594 = vector.bitcast %shift_left3A_593 : vector<16xi32> to vector<16xf32>
      %and3A_595 = arith.andi %bitcast3A_586, %broadcast_in_dim3A_200 : vector<16xi32>
      %bitcast3A_596 = vector.bitcast %and3A_595 : vector<16xi32> to vector<16xf32>
      %add3A_597 = arith.addf %scan3A_544, %bitcast3A_594 : vector<16xf32>
      %add3A_598 = arith.addf %scan3A_545, %bitcast3A_596 : vector<16xf32>
      %add3A_599 = arith.addf %scan3A_546, %gather3A_590 : vector<16xf32>
      %get3A_600 = arith.constant 1 : i32
      %get3A_601 = arith.index_cast %get3A_600 : i32 to index
      %get3A_602 = arith.index_cast %scan3A_540 : i32 to index
      %get3A_603 = arith.constant 32 : index
      %get3A_604 = tpu.vector_load %arg6[%get3A_601, %get3A_602, %get3A_603] {strides = array<i32>} : memref<2x104x128xi32, #tpu.memory_space<vmem>>, vector<16xi32>,
      %gather3A_605 = tpu.vector_load_idx %arg5[%get3A_604] : memref<61440xf32, #tpu.memory_space<vmem>>[vector<16xi32>], vector<16xf32>,
      %bitcast3A_606 = vector.bitcast %gather3A_605 : vector<16xf32> to vector<16xi32>
      %add3A_607 = arith.constant 30720 : i32
      %add3A_608 = vector.broadcast %add3A_607 : i32 to vector<16xi32>
      %add3A_609 = arith.addi %get3A_604, %add3A_608 : vector<16xi32>
      %gather3A_610 = tpu.vector_load_idx %arg5[%add3A_609] : memref<61440xf32, #tpu.memory_space<vmem>>[vector<16xi32>], vector<16xf32>,
      %shift_left3A_611 = arith.constant 16 : i32
      %shift_left3A_612 = vector.broadcast %shift_left3A_611 : i32 to vector<16xi32>
      %shift_left3A_613 = arith.shli %bitcast3A_606, %shift_left3A_612 : vector<16xi32>
      %bitcast3A_614 = vector.bitcast %shift_left3A_613 : vector<16xi32> to vector<16xf32>
      %and3A_615 = arith.andi %bitcast3A_606, %broadcast_in_dim3A_200 : vector<16xi32>
      %bitcast3A_616 = vector.bitcast %and3A_615 : vector<16xi32> to vector<16xf32>
      %add3A_617 = arith.addf %scan3A_547, %bitcast3A_614 : vector<16xf32>
      %add3A_618 = arith.addf %scan3A_548, %bitcast3A_616 : vector<16xf32>
      %add3A_619 = arith.addf %scan3A_549, %gather3A_610 : vector<16xf32>
      %get3A_620 = arith.constant 1 : i32
      %get3A_621 = arith.index_cast %get3A_620 : i32 to index
      %get3A_622 = arith.index_cast %scan3A_540 : i32 to index
      %get3A_623 = arith.constant 48 : index
      %get3A_624 = tpu.vector_load %arg6[%get3A_621, %get3A_622, %get3A_623] {strides = array<i32>} : memref<2x104x128xi32, #tpu.memory_space<vmem>>, vector<16xi32>,
      %gather3A_625 = tpu.vector_load_idx %arg5[%get3A_624] : memref<61440xf32, #tpu.memory_space<vmem>>[vector<16xi32>], vector<16xf32>,
      %bitcast3A_626 = vector.bitcast %gather3A_625 : vector<16xf32> to vector<16xi32>
      %add3A_627 = arith.constant 30720 : i32
      %add3A_628 = vector.broadcast %add3A_627 : i32 to vector<16xi32>
      %add3A_629 = arith.addi %get3A_624, %add3A_628 : vector<16xi32>
      %gather3A_630 = tpu.vector_load_idx %arg5[%add3A_629] : memref<61440xf32, #tpu.memory_space<vmem>>[vector<16xi32>], vector<16xf32>,
      %shift_left3A_631 = arith.constant 16 : i32
      %shift_left3A_632 = vector.broadcast %shift_left3A_631 : i32 to vector<16xi32>
      %shift_left3A_633 = arith.shli %bitcast3A_626, %shift_left3A_632 : vector<16xi32>
      %bitcast3A_634 = vector.bitcast %shift_left3A_633 : vector<16xi32> to vector<16xf32>
      %and3A_635 = arith.andi %bitcast3A_626, %broadcast_in_dim3A_200 : vector<16xi32>
      %bitcast3A_636 = vector.bitcast %and3A_635 : vector<16xi32> to vector<16xf32>
      %add3A_637 = arith.addf %scan3A_550, %bitcast3A_634 : vector<16xf32>
      %add3A_638 = arith.addf %scan3A_551, %bitcast3A_636 : vector<16xf32>
      %add3A_639 = arith.addf %scan3A_552, %gather3A_630 : vector<16xf32>
      %get3A_640 = arith.constant 1 : i32
      %get3A_641 = arith.index_cast %get3A_640 : i32 to index
      %get3A_642 = arith.index_cast %scan3A_540 : i32 to index
      %get3A_643 = arith.constant 64 : index
      %get3A_644 = tpu.vector_load %arg6[%get3A_641, %get3A_642, %get3A_643] {strides = array<i32>} : memref<2x104x128xi32, #tpu.memory_space<vmem>>, vector<16xi32>,
      %gather3A_645 = tpu.vector_load_idx %arg5[%get3A_644] : memref<61440xf32, #tpu.memory_space<vmem>>[vector<16xi32>], vector<16xf32>,
      %bitcast3A_646 = vector.bitcast %gather3A_645 : vector<16xf32> to vector<16xi32>
      %add3A_647 = arith.constant 30720 : i32
      %add3A_648 = vector.broadcast %add3A_647 : i32 to vector<16xi32>
      %add3A_649 = arith.addi %get3A_644, %add3A_648 : vector<16xi32>
      %gather3A_650 = tpu.vector_load_idx %arg5[%add3A_649] : memref<61440xf32, #tpu.memory_space<vmem>>[vector<16xi32>], vector<16xf32>,
      %shift_left3A_651 = arith.constant 16 : i32
      %shift_left3A_652 = vector.broadcast %shift_left3A_651 : i32 to vector<16xi32>
      %shift_left3A_653 = arith.shli %bitcast3A_646, %shift_left3A_652 : vector<16xi32>
      %bitcast3A_654 = vector.bitcast %shift_left3A_653 : vector<16xi32> to vector<16xf32>
      %and3A_655 = arith.andi %bitcast3A_646, %broadcast_in_dim3A_200 : vector<16xi32>
      %bitcast3A_656 = vector.bitcast %and3A_655 : vector<16xi32> to vector<16xf32>
      %add3A_657 = arith.addf %scan3A_553, %bitcast3A_654 : vector<16xf32>
      %add3A_658 = arith.addf %scan3A_554, %bitcast3A_656 : vector<16xf32>
      %add3A_659 = arith.addf %scan3A_555, %gather3A_650 : vector<16xf32>
      %get3A_660 = arith.constant 1 : i32
      %get3A_661 = arith.index_cast %get3A_660 : i32 to index
      %get3A_662 = arith.index_cast %scan3A_540 : i32 to index
      %get3A_663 = arith.constant 80 : index
      %get3A_664 = tpu.vector_load %arg6[%get3A_661, %get3A_662, %get3A_663] {strides = array<i32>} : memref<2x104x128xi32, #tpu.memory_space<vmem>>, vector<16xi32>,
      %gather3A_665 = tpu.vector_load_idx %arg5[%get3A_664] : memref<61440xf32, #tpu.memory_space<vmem>>[vector<16xi32>], vector<16xf32>,
      %bitcast3A_666 = vector.bitcast %gather3A_665 : vector<16xf32> to vector<16xi32>
      %add3A_667 = arith.constant 30720 : i32
      %add3A_668 = vector.broadcast %add3A_667 : i32 to vector<16xi32>
      %add3A_669 = arith.addi %get3A_664, %add3A_668 : vector<16xi32>
      %gather3A_670 = tpu.vector_load_idx %arg5[%add3A_669] : memref<61440xf32, #tpu.memory_space<vmem>>[vector<16xi32>], vector<16xf32>,
      %shift_left3A_671 = arith.constant 16 : i32
      %shift_left3A_672 = vector.broadcast %shift_left3A_671 : i32 to vector<16xi32>
      %shift_left3A_673 = arith.shli %bitcast3A_666, %shift_left3A_672 : vector<16xi32>
      %bitcast3A_674 = vector.bitcast %shift_left3A_673 : vector<16xi32> to vector<16xf32>
      %and3A_675 = arith.andi %bitcast3A_666, %broadcast_in_dim3A_200 : vector<16xi32>
      %bitcast3A_676 = vector.bitcast %and3A_675 : vector<16xi32> to vector<16xf32>
      %add3A_677 = arith.addf %scan3A_556, %bitcast3A_674 : vector<16xf32>
      %add3A_678 = arith.addf %scan3A_557, %bitcast3A_676 : vector<16xf32>
      %add3A_679 = arith.addf %scan3A_558, %gather3A_670 : vector<16xf32>
      %get3A_680 = arith.constant 1 : i32
      %get3A_681 = arith.index_cast %get3A_680 : i32 to index
      %get3A_682 = arith.index_cast %scan3A_540 : i32 to index
      %get3A_683 = arith.constant 96 : index
      %get3A_684 = tpu.vector_load %arg6[%get3A_681, %get3A_682, %get3A_683] {strides = array<i32>} : memref<2x104x128xi32, #tpu.memory_space<vmem>>, vector<16xi32>,
      %gather3A_685 = tpu.vector_load_idx %arg5[%get3A_684] : memref<61440xf32, #tpu.memory_space<vmem>>[vector<16xi32>], vector<16xf32>,
      %bitcast3A_686 = vector.bitcast %gather3A_685 : vector<16xf32> to vector<16xi32>
      %add3A_687 = arith.constant 30720 : i32
      %add3A_688 = vector.broadcast %add3A_687 : i32 to vector<16xi32>
      %add3A_689 = arith.addi %get3A_684, %add3A_688 : vector<16xi32>
      %gather3A_690 = tpu.vector_load_idx %arg5[%add3A_689] : memref<61440xf32, #tpu.memory_space<vmem>>[vector<16xi32>], vector<16xf32>,
      %shift_left3A_691 = arith.constant 16 : i32
      %shift_left3A_692 = vector.broadcast %shift_left3A_691 : i32 to vector<16xi32>
      %shift_left3A_693 = arith.shli %bitcast3A_686, %shift_left3A_692 : vector<16xi32>
      %bitcast3A_694 = vector.bitcast %shift_left3A_693 : vector<16xi32> to vector<16xf32>
      %and3A_695 = arith.andi %bitcast3A_686, %broadcast_in_dim3A_200 : vector<16xi32>
      %bitcast3A_696 = vector.bitcast %and3A_695 : vector<16xi32> to vector<16xf32>
      %add3A_697 = arith.addf %scan3A_559, %bitcast3A_694 : vector<16xf32>
      %add3A_698 = arith.addf %scan3A_560, %bitcast3A_696 : vector<16xf32>
      %add3A_699 = arith.addf %scan3A_561, %gather3A_690 : vector<16xf32>
      %get3A_700 = arith.constant 1 : i32
      %get3A_701 = arith.index_cast %get3A_700 : i32 to index
      %get3A_702 = arith.index_cast %scan3A_540 : i32 to index
      %get3A_703 = arith.constant 112 : index
      %get3A_704 = tpu.vector_load %arg6[%get3A_701, %get3A_702, %get3A_703] {strides = array<i32>} : memref<2x104x128xi32, #tpu.memory_space<vmem>>, vector<16xi32>,
      %gather3A_705 = tpu.vector_load_idx %arg5[%get3A_704] : memref<61440xf32, #tpu.memory_space<vmem>>[vector<16xi32>], vector<16xf32>,
      %bitcast3A_706 = vector.bitcast %gather3A_705 : vector<16xf32> to vector<16xi32>
      %add3A_707 = arith.constant 30720 : i32
      %add3A_708 = vector.broadcast %add3A_707 : i32 to vector<16xi32>
      %add3A_709 = arith.addi %get3A_704, %add3A_708 : vector<16xi32>
      %gather3A_710 = tpu.vector_load_idx %arg5[%add3A_709] : memref<61440xf32, #tpu.memory_space<vmem>>[vector<16xi32>], vector<16xf32>,
      %shift_left3A_711 = arith.constant 16 : i32
      %shift_left3A_712 = vector.broadcast %shift_left3A_711 : i32 to vector<16xi32>
      %shift_left3A_713 = arith.shli %bitcast3A_706, %shift_left3A_712 : vector<16xi32>
      %bitcast3A_714 = vector.bitcast %shift_left3A_713 : vector<16xi32> to vector<16xf32>
      %and3A_715 = arith.andi %bitcast3A_706, %broadcast_in_dim3A_200 : vector<16xi32>
      %bitcast3A_716 = vector.bitcast %and3A_715 : vector<16xi32> to vector<16xf32>
      %add3A_717 = arith.addf %scan3A_562, %bitcast3A_714 : vector<16xf32>
      %add3A_718 = arith.addf %scan3A_563, %bitcast3A_716 : vector<16xf32>
      %add3A_719 = arith.addf %scan3A_564, %gather3A_710 : vector<16xf32>
      %scan3A_720 = arith.constant 1 : i32
      %scan3A_721 = arith.addi %scan3A_540, %scan3A_720 : i32
      %get3A_722 = arith.constant 1 : i32
      %get3A_723 = arith.index_cast %get3A_722 : i32 to index
      %get3A_724 = arith.index_cast %scan3A_721 : i32 to index
      %get3A_725 = arith.constant 0 : index
      %get3A_726 = tpu.vector_load %arg6[%get3A_723, %get3A_724, %get3A_725] {strides = array<i32>} : memref<2x104x128xi32, #tpu.memory_space<vmem>>, vector<16xi32>,
      %gather3A_727 = tpu.vector_load_idx %arg5[%get3A_726] : memref<61440xf32, #tpu.memory_space<vmem>>[vector<16xi32>], vector<16xf32>,
      %bitcast3A_728 = vector.bitcast %gather3A_727 : vector<16xf32> to vector<16xi32>
      %add3A_729 = arith.constant 30720 : i32
      %add3A_730 = vector.broadcast %add3A_729 : i32 to vector<16xi32>
      %add3A_731 = arith.addi %get3A_726, %add3A_730 : vector<16xi32>
      %gather3A_732 = tpu.vector_load_idx %arg5[%add3A_731] : memref<61440xf32, #tpu.memory_space<vmem>>[vector<16xi32>], vector<16xf32>,
      %shift_left3A_733 = arith.constant 16 : i32
      %shift_left3A_734 = vector.broadcast %shift_left3A_733 : i32 to vector<16xi32>
      %shift_left3A_735 = arith.shli %bitcast3A_728, %shift_left3A_734 : vector<16xi32>
      %bitcast3A_736 = vector.bitcast %shift_left3A_735 : vector<16xi32> to vector<16xf32>
      %and3A_737 = arith.andi %bitcast3A_728, %broadcast_in_dim3A_200 : vector<16xi32>
      %bitcast3A_738 = vector.bitcast %and3A_737 : vector<16xi32> to vector<16xf32>
      %add3A_739 = arith.addf %add3A_577, %bitcast3A_736 : vector<16xf32>
      %add3A_740 = arith.addf %add3A_578, %bitcast3A_738 : vector<16xf32>
      %add3A_741 = arith.addf %add3A_579, %gather3A_732 : vector<16xf32>
      %get3A_742 = arith.constant 1 : i32
      %get3A_743 = arith.index_cast %get3A_742 : i32 to index
      %get3A_744 = arith.index_cast %scan3A_721 : i32 to index
      %get3A_745 = arith.constant 16 : index
      %get3A_746 = tpu.vector_load %arg6[%get3A_743, %get3A_744, %get3A_745] {strides = array<i32>} : memref<2x104x128xi32, #tpu.memory_space<vmem>>, vector<16xi32>,
      %gather3A_747 = tpu.vector_load_idx %arg5[%get3A_746] : memref<61440xf32, #tpu.memory_space<vmem>>[vector<16xi32>], vector<16xf32>,
      %bitcast3A_748 = vector.bitcast %gather3A_747 : vector<16xf32> to vector<16xi32>
      %add3A_749 = arith.constant 30720 : i32
      %add3A_750 = vector.broadcast %add3A_749 : i32 to vector<16xi32>
      %add3A_751 = arith.addi %get3A_746, %add3A_750 : vector<16xi32>
      %gather3A_752 = tpu.vector_load_idx %arg5[%add3A_751] : memref<61440xf32, #tpu.memory_space<vmem>>[vector<16xi32>], vector<16xf32>,
      %shift_left3A_753 = arith.constant 16 : i32
      %shift_left3A_754 = vector.broadcast %shift_left3A_753 : i32 to vector<16xi32>
      %shift_left3A_755 = arith.shli %bitcast3A_748, %shift_left3A_754 : vector<16xi32>
      %bitcast3A_756 = vector.bitcast %shift_left3A_755 : vector<16xi32> to vector<16xf32>
      %and3A_757 = arith.andi %bitcast3A_748, %broadcast_in_dim3A_200 : vector<16xi32>
      %bitcast3A_758 = vector.bitcast %and3A_757 : vector<16xi32> to vector<16xf32>
      %add3A_759 = arith.addf %add3A_597, %bitcast3A_756 : vector<16xf32>
      %add3A_760 = arith.addf %add3A_598, %bitcast3A_758 : vector<16xf32>
      %add3A_761 = arith.addf %add3A_599, %gather3A_752 : vector<16xf32>
      %get3A_762 = arith.constant 1 : i32
      %get3A_763 = arith.index_cast %get3A_762 : i32 to index
      %get3A_764 = arith.index_cast %scan3A_721 : i32 to index
      %get3A_765 = arith.constant 32 : index
      %get3A_766 = tpu.vector_load %arg6[%get3A_763, %get3A_764, %get3A_765] {strides = array<i32>} : memref<2x104x128xi32, #tpu.memory_space<vmem>>, vector<16xi32>,
      %gather3A_767 = tpu.vector_load_idx %arg5[%get3A_766] : memref<61440xf32, #tpu.memory_space<vmem>>[vector<16xi32>], vector<16xf32>,
      %bitcast3A_768 = vector.bitcast %gather3A_767 : vector<16xf32> to vector<16xi32>
      %add3A_769 = arith.constant 30720 : i32
      %add3A_770 = vector.broadcast %add3A_769 : i32 to vector<16xi32>
      %add3A_771 = arith.addi %get3A_766, %add3A_770 : vector<16xi32>
      %gather3A_772 = tpu.vector_load_idx %arg5[%add3A_771] : memref<61440xf32, #tpu.memory_space<vmem>>[vector<16xi32>], vector<16xf32>,
      %shift_left3A_773 = arith.constant 16 : i32
      %shift_left3A_774 = vector.broadcast %shift_left3A_773 : i32 to vector<16xi32>
      %shift_left3A_775 = arith.shli %bitcast3A_768, %shift_left3A_774 : vector<16xi32>
      %bitcast3A_776 = vector.bitcast %shift_left3A_775 : vector<16xi32> to vector<16xf32>
      %and3A_777 = arith.andi %bitcast3A_768, %broadcast_in_dim3A_200 : vector<16xi32>
      %bitcast3A_778 = vector.bitcast %and3A_777 : vector<16xi32> to vector<16xf32>
      %add3A_779 = arith.addf %add3A_617, %bitcast3A_776 : vector<16xf32>
      %add3A_780 = arith.addf %add3A_618, %bitcast3A_778 : vector<16xf32>
      %add3A_781 = arith.addf %add3A_619, %gather3A_772 : vector<16xf32>
      %get3A_782 = arith.constant 1 : i32
      %get3A_783 = arith.index_cast %get3A_782 : i32 to index
      %get3A_784 = arith.index_cast %scan3A_721 : i32 to index
      %get3A_785 = arith.constant 48 : index
      %get3A_786 = tpu.vector_load %arg6[%get3A_783, %get3A_784, %get3A_785] {strides = array<i32>} : memref<2x104x128xi32, #tpu.memory_space<vmem>>, vector<16xi32>,
      %gather3A_787 = tpu.vector_load_idx %arg5[%get3A_786] : memref<61440xf32, #tpu.memory_space<vmem>>[vector<16xi32>], vector<16xf32>,
      %bitcast3A_788 = vector.bitcast %gather3A_787 : vector<16xf32> to vector<16xi32>
      %add3A_789 = arith.constant 30720 : i32
      %add3A_790 = vector.broadcast %add3A_789 : i32 to vector<16xi32>
      %add3A_791 = arith.addi %get3A_786, %add3A_790 : vector<16xi32>
      %gather3A_792 = tpu.vector_load_idx %arg5[%add3A_791] : memref<61440xf32, #tpu.memory_space<vmem>>[vector<16xi32>], vector<16xf32>,
      %shift_left3A_793 = arith.constant 16 : i32
      %shift_left3A_794 = vector.broadcast %shift_left3A_793 : i32 to vector<16xi32>
      %shift_left3A_795 = arith.shli %bitcast3A_788, %shift_left3A_794 : vector<16xi32>
      %bitcast3A_796 = vector.bitcast %shift_left3A_795 : vector<16xi32> to vector<16xf32>
      %and3A_797 = arith.andi %bitcast3A_788, %broadcast_in_dim3A_200 : vector<16xi32>
      %bitcast3A_798 = vector.bitcast %and3A_797 : vector<16xi32> to vector<16xf32>
      %add3A_799 = arith.addf %add3A_637, %bitcast3A_796 : vector<16xf32>
      %add3A_800 = arith.addf %add3A_638, %bitcast3A_798 : vector<16xf32>
      %add3A_801 = arith.addf %add3A_639, %gather3A_792 : vector<16xf32>
      %get3A_802 = arith.constant 1 : i32
      %get3A_803 = arith.index_cast %get3A_802 : i32 to index
      %get3A_804 = arith.index_cast %scan3A_721 : i32 to index
      %get3A_805 = arith.constant 64 : index
      %get3A_806 = tpu.vector_load %arg6[%get3A_803, %get3A_804, %get3A_805] {strides = array<i32>} : memref<2x104x128xi32, #tpu.memory_space<vmem>>, vector<16xi32>,
      %gather3A_807 = tpu.vector_load_idx %arg5[%get3A_806] : memref<61440xf32, #tpu.memory_space<vmem>>[vector<16xi32>], vector<16xf32>,
      %bitcast3A_808 = vector.bitcast %gather3A_807 : vector<16xf32> to vector<16xi32>
      %add3A_809 = arith.constant 30720 : i32
      %add3A_810 = vector.broadcast %add3A_809 : i32 to vector<16xi32>
      %add3A_811 = arith.addi %get3A_806, %add3A_810 : vector<16xi32>
      %gather3A_812 = tpu.vector_load_idx %arg5[%add3A_811] : memref<61440xf32, #tpu.memory_space<vmem>>[vector<16xi32>], vector<16xf32>,
      %shift_left3A_813 = arith.constant 16 : i32
      %shift_left3A_814 = vector.broadcast %shift_left3A_813 : i32 to vector<16xi32>
      %shift_left3A_815 = arith.shli %bitcast3A_808, %shift_left3A_814 : vector<16xi32>
      %bitcast3A_816 = vector.bitcast %shift_left3A_815 : vector<16xi32> to vector<16xf32>
      %and3A_817 = arith.andi %bitcast3A_808, %broadcast_in_dim3A_200 : vector<16xi32>
      %bitcast3A_818 = vector.bitcast %and3A_817 : vector<16xi32> to vector<16xf32>
      %add3A_819 = arith.addf %add3A_657, %bitcast3A_816 : vector<16xf32>
      %add3A_820 = arith.addf %add3A_658, %bitcast3A_818 : vector<16xf32>
      %add3A_821 = arith.addf %add3A_659, %gather3A_812 : vector<16xf32>
      %get3A_822 = arith.constant 1 : i32
      %get3A_823 = arith.index_cast %get3A_822 : i32 to index
      %get3A_824 = arith.index_cast %scan3A_721 : i32 to index
      %get3A_825 = arith.constant 80 : index
      %get3A_826 = tpu.vector_load %arg6[%get3A_823, %get3A_824, %get3A_825] {strides = array<i32>} : memref<2x104x128xi32, #tpu.memory_space<vmem>>, vector<16xi32>,
      %gather3A_827 = tpu.vector_load_idx %arg5[%get3A_826] : memref<61440xf32, #tpu.memory_space<vmem>>[vector<16xi32>], vector<16xf32>,
      %bitcast3A_828 = vector.bitcast %gather3A_827 : vector<16xf32> to vector<16xi32>
      %add3A_829 = arith.constant 30720 : i32
      %add3A_830 = vector.broadcast %add3A_829 : i32 to vector<16xi32>
      %add3A_831 = arith.addi %get3A_826, %add3A_830 : vector<16xi32>
      %gather3A_832 = tpu.vector_load_idx %arg5[%add3A_831] : memref<61440xf32, #tpu.memory_space<vmem>>[vector<16xi32>], vector<16xf32>,
      %shift_left3A_833 = arith.constant 16 : i32
      %shift_left3A_834 = vector.broadcast %shift_left3A_833 : i32 to vector<16xi32>
      %shift_left3A_835 = arith.shli %bitcast3A_828, %shift_left3A_834 : vector<16xi32>
      %bitcast3A_836 = vector.bitcast %shift_left3A_835 : vector<16xi32> to vector<16xf32>
      %and3A_837 = arith.andi %bitcast3A_828, %broadcast_in_dim3A_200 : vector<16xi32>
      %bitcast3A_838 = vector.bitcast %and3A_837 : vector<16xi32> to vector<16xf32>
      %add3A_839 = arith.addf %add3A_677, %bitcast3A_836 : vector<16xf32>
      %add3A_840 = arith.addf %add3A_678, %bitcast3A_838 : vector<16xf32>
      %add3A_841 = arith.addf %add3A_679, %gather3A_832 : vector<16xf32>
      %get3A_842 = arith.constant 1 : i32
      %get3A_843 = arith.index_cast %get3A_842 : i32 to index
      %get3A_844 = arith.index_cast %scan3A_721 : i32 to index
      %get3A_845 = arith.constant 96 : index
      %get3A_846 = tpu.vector_load %arg6[%get3A_843, %get3A_844, %get3A_845] {strides = array<i32>} : memref<2x104x128xi32, #tpu.memory_space<vmem>>, vector<16xi32>,
      %gather3A_847 = tpu.vector_load_idx %arg5[%get3A_846] : memref<61440xf32, #tpu.memory_space<vmem>>[vector<16xi32>], vector<16xf32>,
      %bitcast3A_848 = vector.bitcast %gather3A_847 : vector<16xf32> to vector<16xi32>
      %add3A_849 = arith.constant 30720 : i32
      %add3A_850 = vector.broadcast %add3A_849 : i32 to vector<16xi32>
      %add3A_851 = arith.addi %get3A_846, %add3A_850 : vector<16xi32>
      %gather3A_852 = tpu.vector_load_idx %arg5[%add3A_851] : memref<61440xf32, #tpu.memory_space<vmem>>[vector<16xi32>], vector<16xf32>,
      %shift_left3A_853 = arith.constant 16 : i32
      %shift_left3A_854 = vector.broadcast %shift_left3A_853 : i32 to vector<16xi32>
      %shift_left3A_855 = arith.shli %bitcast3A_848, %shift_left3A_854 : vector<16xi32>
      %bitcast3A_856 = vector.bitcast %shift_left3A_855 : vector<16xi32> to vector<16xf32>
      %and3A_857 = arith.andi %bitcast3A_848, %broadcast_in_dim3A_200 : vector<16xi32>
      %bitcast3A_858 = vector.bitcast %and3A_857 : vector<16xi32> to vector<16xf32>
      %add3A_859 = arith.addf %add3A_697, %bitcast3A_856 : vector<16xf32>
      %add3A_860 = arith.addf %add3A_698, %bitcast3A_858 : vector<16xf32>
      %add3A_861 = arith.addf %add3A_699, %gather3A_852 : vector<16xf32>
      %get3A_862 = arith.constant 1 : i32
      %get3A_863 = arith.index_cast %get3A_862 : i32 to index
      %get3A_864 = arith.index_cast %scan3A_721 : i32 to index
      %get3A_865 = arith.constant 112 : index
      %get3A_866 = tpu.vector_load %arg6[%get3A_863, %get3A_864, %get3A_865] {strides = array<i32>} : memref<2x104x128xi32, #tpu.memory_space<vmem>>, vector<16xi32>,
      %gather3A_867 = tpu.vector_load_idx %arg5[%get3A_866] : memref<61440xf32, #tpu.memory_space<vmem>>[vector<16xi32>], vector<16xf32>,
      %bitcast3A_868 = vector.bitcast %gather3A_867 : vector<16xf32> to vector<16xi32>
      %add3A_869 = arith.constant 30720 : i32
      %add3A_870 = vector.broadcast %add3A_869 : i32 to vector<16xi32>
      %add3A_871 = arith.addi %get3A_866, %add3A_870 : vector<16xi32>
      %gather3A_872 = tpu.vector_load_idx %arg5[%add3A_871] : memref<61440xf32, #tpu.memory_space<vmem>>[vector<16xi32>], vector<16xf32>,
      %shift_left3A_873 = arith.constant 16 : i32
      %shift_left3A_874 = vector.broadcast %shift_left3A_873 : i32 to vector<16xi32>
      %shift_left3A_875 = arith.shli %bitcast3A_868, %shift_left3A_874 : vector<16xi32>
      %bitcast3A_876 = vector.bitcast %shift_left3A_875 : vector<16xi32> to vector<16xf32>
      %and3A_877 = arith.andi %bitcast3A_868, %broadcast_in_dim3A_200 : vector<16xi32>
      %bitcast3A_878 = vector.bitcast %and3A_877 : vector<16xi32> to vector<16xf32>
      %add3A_879 = arith.addf %add3A_717, %bitcast3A_876 : vector<16xf32>
      %add3A_880 = arith.addf %add3A_718, %bitcast3A_878 : vector<16xf32>
      %add3A_881 = arith.addf %add3A_719, %gather3A_872 : vector<16xf32>
      scf.yield %add3A_739, %add3A_740, %add3A_741, %add3A_759, %add3A_760, %add3A_761, %add3A_779, %add3A_780, %add3A_781, %add3A_799, %add3A_800, %add3A_801, %add3A_819, %add3A_820, %add3A_821, %add3A_839, %add3A_840, %add3A_841, %add3A_859, %add3A_860, %add3A_861, %add3A_879, %add3A_880, %add3A_881 : vector<16xf32>, vector<16xf32>, vector<16xf32>, vector<16xf32>, vector<16xf32>, vector<16xf32>, vector<16xf32>, vector<16xf32>, vector<16xf32>, vector<16xf32>, vector<16xf32>, vector<16xf32>, vector<16xf32>, vector<16xf32>, vector<16xf32>, vector<16xf32>, vector<16xf32>, vector<16xf32>, vector<16xf32>, vector<16xf32>, vector<16xf32>, vector<16xf32>, vector<16xf32>, vector<16xf32>
    }
    %scan3A_206 = arith.constant 104 : i32
    %swap3A_207 = arith.constant 128 : index
    %swap3A_208 = tpu.vector_load %arg7[%swap3A_207] {strides = array<i32>} : memref<1536xf32, #tpu.memory_space<vmem>>, vector<16xf32>,
    tpu.vector_store %arg7[%swap3A_207], %scan3A_205#0 {strides = array<i32>} : memref<1536xf32, #tpu.memory_space<vmem>>, vector<16xf32>,
    %swap3A_209 = arith.constant 640 : index
    %swap3A_210 = tpu.vector_load %arg7[%swap3A_209] {strides = array<i32>} : memref<1536xf32, #tpu.memory_space<vmem>>, vector<16xf32>,
    tpu.vector_store %arg7[%swap3A_209], %scan3A_205#1 {strides = array<i32>} : memref<1536xf32, #tpu.memory_space<vmem>>, vector<16xf32>,
    %swap3A_211 = arith.constant 1152 : index
    %swap3A_212 = tpu.vector_load %arg7[%swap3A_211] {strides = array<i32>} : memref<1536xf32, #tpu.memory_space<vmem>>, vector<16xf32>,
    tpu.vector_store %arg7[%swap3A_211], %scan3A_205#2 {strides = array<i32>} : memref<1536xf32, #tpu.memory_space<vmem>>, vector<16xf32>,
    %swap3A_213 = arith.constant 144 : index
    %swap3A_214 = tpu.vector_load %arg7[%swap3A_213] {strides = array<i32>} : memref<1536xf32, #tpu.memory_space<vmem>>, vector<16xf32>,
    tpu.vector_store %arg7[%swap3A_213], %scan3A_205#3 {strides = array<i32>} : memref<1536xf32, #tpu.memory_space<vmem>>, vector<16xf32>,
    %swap3A_215 = arith.constant 656 : index
    %swap3A_216 = tpu.vector_load %arg7[%swap3A_215] {strides = array<i32>} : memref<1536xf32, #tpu.memory_space<vmem>>, vector<16xf32>,
    tpu.vector_store %arg7[%swap3A_215], %scan3A_205#4 {strides = array<i32>} : memref<1536xf32, #tpu.memory_space<vmem>>, vector<16xf32>,
    %swap3A_217 = arith.constant 1168 : index
    %swap3A_218 = tpu.vector_load %arg7[%swap3A_217] {strides = array<i32>} : memref<1536xf32, #tpu.memory_space<vmem>>, vector<16xf32>,
    tpu.vector_store %arg7[%swap3A_217], %scan3A_205#5 {strides = array<i32>} : memref<1536xf32, #tpu.memory_space<vmem>>, vector<16xf32>,
    %swap3A_219 = arith.constant 160 : index
    %swap3A_220 = tpu.vector_load %arg7[%swap3A_219] {strides = array<i32>} : memref<1536xf32, #tpu.memory_space<vmem>>, vector<16xf32>,
    tpu.vector_store %arg7[%swap3A_219], %scan3A_205#6 {strides = array<i32>} : memref<1536xf32, #tpu.memory_space<vmem>>, vector<16xf32>,
    %swap3A_221 = arith.constant 672 : index
    %swap3A_222 = tpu.vector_load %arg7[%swap3A_221] {strides = array<i32>} : memref<1536xf32, #tpu.memory_space<vmem>>, vector<16xf32>,
    tpu.vector_store %arg7[%swap3A_221], %scan3A_205#7 {strides = array<i32>} : memref<1536xf32, #tpu.memory_space<vmem>>, vector<16xf32>,
    %swap3A_223 = arith.constant 1184 : index
    %swap3A_224 = tpu.vector_load %arg7[%swap3A_223] {strides = array<i32>} : memref<1536xf32, #tpu.memory_space<vmem>>, vector<16xf32>,
    tpu.vector_store %arg7[%swap3A_223], %scan3A_205#8 {strides = array<i32>} : memref<1536xf32, #tpu.memory_space<vmem>>, vector<16xf32>,
    %swap3A_225 = arith.constant 176 : index
    %swap3A_226 = tpu.vector_load %arg7[%swap3A_225] {strides = array<i32>} : memref<1536xf32, #tpu.memory_space<vmem>>, vector<16xf32>,
    tpu.vector_store %arg7[%swap3A_225], %scan3A_205#9 {strides = array<i32>} : memref<1536xf32, #tpu.memory_space<vmem>>, vector<16xf32>,
    %swap3A_227 = arith.constant 688 : index
    %swap3A_228 = tpu.vector_load %arg7[%swap3A_227] {strides = array<i32>} : memref<1536xf32, #tpu.memory_space<vmem>>, vector<16xf32>,
    tpu.vector_store %arg7[%swap3A_227], %scan3A_205#10 {strides = array<i32>} : memref<1536xf32, #tpu.memory_space<vmem>>, vector<16xf32>,
    %swap3A_229 = arith.constant 1200 : index
    %swap3A_230 = tpu.vector_load %arg7[%swap3A_229] {strides = array<i32>} : memref<1536xf32, #tpu.memory_space<vmem>>, vector<16xf32>,
    tpu.vector_store %arg7[%swap3A_229], %scan3A_205#11 {strides = array<i32>} : memref<1536xf32, #tpu.memory_space<vmem>>, vector<16xf32>,
    %swap3A_231 = arith.constant 192 : index
    %swap3A_232 = tpu.vector_load %arg7[%swap3A_231] {strides = array<i32>} : memref<1536xf32, #tpu.memory_space<vmem>>, vector<16xf32>,
    tpu.vector_store %arg7[%swap3A_231], %scan3A_205#12 {strides = array<i32>} : memref<1536xf32, #tpu.memory_space<vmem>>, vector<16xf32>,
    %swap3A_233 = arith.constant 704 : index
    %swap3A_234 = tpu.vector_load %arg7[%swap3A_233] {strides = array<i32>} : memref<1536xf32, #tpu.memory_space<vmem>>, vector<16xf32>,
    tpu.vector_store %arg7[%swap3A_233], %scan3A_205#13 {strides = array<i32>} : memref<1536xf32, #tpu.memory_space<vmem>>, vector<16xf32>,
    %swap3A_235 = arith.constant 1216 : index
    %swap3A_236 = tpu.vector_load %arg7[%swap3A_235] {strides = array<i32>} : memref<1536xf32, #tpu.memory_space<vmem>>, vector<16xf32>,
    tpu.vector_store %arg7[%swap3A_235], %scan3A_205#14 {strides = array<i32>} : memref<1536xf32, #tpu.memory_space<vmem>>, vector<16xf32>,
    %swap3A_237 = arith.constant 208 : index
    %swap3A_238 = tpu.vector_load %arg7[%swap3A_237] {strides = array<i32>} : memref<1536xf32, #tpu.memory_space<vmem>>, vector<16xf32>,
    tpu.vector_store %arg7[%swap3A_237], %scan3A_205#15 {strides = array<i32>} : memref<1536xf32, #tpu.memory_space<vmem>>, vector<16xf32>,
    %swap3A_239 = arith.constant 720 : index
    %swap3A_240 = tpu.vector_load %arg7[%swap3A_239] {strides = array<i32>} : memref<1536xf32, #tpu.memory_space<vmem>>, vector<16xf32>,
    tpu.vector_store %arg7[%swap3A_239], %scan3A_205#16 {strides = array<i32>} : memref<1536xf32, #tpu.memory_space<vmem>>, vector<16xf32>,
    %swap3A_241 = arith.constant 1232 : index
    %swap3A_242 = tpu.vector_load %arg7[%swap3A_241] {strides = array<i32>} : memref<1536xf32, #tpu.memory_space<vmem>>, vector<16xf32>,
    tpu.vector_store %arg7[%swap3A_241], %scan3A_205#17 {strides = array<i32>} : memref<1536xf32, #tpu.memory_space<vmem>>, vector<16xf32>,
    %swap3A_243 = arith.constant 224 : index
    %swap3A_244 = tpu.vector_load %arg7[%swap3A_243] {strides = array<i32>} : memref<1536xf32, #tpu.memory_space<vmem>>, vector<16xf32>,
    tpu.vector_store %arg7[%swap3A_243], %scan3A_205#18 {strides = array<i32>} : memref<1536xf32, #tpu.memory_space<vmem>>, vector<16xf32>,
    %swap3A_245 = arith.constant 736 : index
    %swap3A_246 = tpu.vector_load %arg7[%swap3A_245] {strides = array<i32>} : memref<1536xf32, #tpu.memory_space<vmem>>, vector<16xf32>,
    tpu.vector_store %arg7[%swap3A_245], %scan3A_205#19 {strides = array<i32>} : memref<1536xf32, #tpu.memory_space<vmem>>, vector<16xf32>,
    %swap3A_247 = arith.constant 1248 : index
    %swap3A_248 = tpu.vector_load %arg7[%swap3A_247] {strides = array<i32>} : memref<1536xf32, #tpu.memory_space<vmem>>, vector<16xf32>,
    tpu.vector_store %arg7[%swap3A_247], %scan3A_205#20 {strides = array<i32>} : memref<1536xf32, #tpu.memory_space<vmem>>, vector<16xf32>,
    %swap3A_249 = arith.constant 240 : index
    %swap3A_250 = tpu.vector_load %arg7[%swap3A_249] {strides = array<i32>} : memref<1536xf32, #tpu.memory_space<vmem>>, vector<16xf32>,
    tpu.vector_store %arg7[%swap3A_249], %scan3A_205#21 {strides = array<i32>} : memref<1536xf32, #tpu.memory_space<vmem>>, vector<16xf32>,
    %swap3A_251 = arith.constant 752 : index
    %swap3A_252 = tpu.vector_load %arg7[%swap3A_251] {strides = array<i32>} : memref<1536xf32, #tpu.memory_space<vmem>>, vector<16xf32>,
    tpu.vector_store %arg7[%swap3A_251], %scan3A_205#22 {strides = array<i32>} : memref<1536xf32, #tpu.memory_space<vmem>>, vector<16xf32>,
    %swap3A_253 = arith.constant 1264 : index
    %swap3A_254 = tpu.vector_load %arg7[%swap3A_253] {strides = array<i32>} : memref<1536xf32, #tpu.memory_space<vmem>>, vector<16xf32>,
    tpu.vector_store %arg7[%swap3A_253], %scan3A_205#23 {strides = array<i32>} : memref<1536xf32, #tpu.memory_space<vmem>>, vector<16xf32>,
    %add3A_255 = arith.constant 256 : i32
    %add3A_256 = arith.addi %mul3A_2, %add3A_255 : i32
    %dma_start3A_257 = arith.constant 1 : i32
    %dma_start3A_258 = arith.constant 0 : i32
    %dma_start3A_259 = arith.constant 0 : i32
    %dma_start3A_260 = tpu.memref_slice %arg6[%dma_start3A_257, %dma_start3A_258, %dma_start3A_259] : memref<2x104x128xi32, #tpu.memory_space<vmem>> -> memref<1x104x128xi32, #tpu.memory_space<vmem>>
    %dma_start3A_261 = tpu.memref_squeeze %dma_start3A_260 : memref<1x104x128xi32, #tpu.memory_space<vmem>> -> memref<104x128xi32, #tpu.memory_space<vmem>>
    %dma_start3A_262 = arith.constant 96 : i32
    %dma_start3A_263 = tpu.memref_slice %arg3[%dma_start3A_262, %add3A_256] : memref<200x16384xi32, #tpu.memory_space<hbm>> -> memref<104x128xi32, #tpu.memory_space<hbm>>
    %dma_start3A_264 = arith.constant 0 : i32
    %dma_start3A_265 = arith.constant 0 : i32
    %dma_start3A_266 = tpu.memref_slice %arg6[%dma_start3A_257, %dma_start3A_264, %dma_start3A_265] : memref<2x104x128xi32, #tpu.memory_space<vmem>> -> memref<1x104x128xi32, #tpu.memory_space<vmem>>
    %dma_start3A_267 = tpu.memref_squeeze %dma_start3A_266 : memref<1x104x128xi32, #tpu.memory_space<vmem>> -> memref<104x128xi32, #tpu.memory_space<vmem>>
    %dma_start3A_268 = arith.constant 96 : i32
    %dma_start3A_269 = tpu.memref_slice %arg3[%dma_start3A_268, %add3A_256] : memref<200x16384xi32, #tpu.memory_space<hbm>> -> memref<104x128xi32, #tpu.memory_space<hbm>>
    tpu.enqueue_dma source(%dma_start3A_269 : memref<104x128xi32, #tpu.memory_space<hbm>>) target(%dma_start3A_267 : memref<104x128xi32, #tpu.memory_space<vmem>>) target_semaphore(%arg10 : memref<!tpu.dma_semaphore, #tpu.memory_space<semaphore_mem>>)
    %dma_wait3A_270 = arith.constant 0 : i32
    %dma_wait3A_271 = arith.constant 0 : i32
    %dma_wait3A_272 = arith.constant 0 : i32
    %dma_wait3A_273 = tpu.memref_slice %arg6[%dma_wait3A_270, %dma_wait3A_271, %dma_wait3A_272] : memref<2x104x128xi32, #tpu.memory_space<vmem>> -> memref<1x96x128xi32, #tpu.memory_space<vmem>>
    %dma_wait3A_274 = tpu.memref_squeeze %dma_wait3A_273 : memref<1x96x128xi32, #tpu.memory_space<vmem>> -> memref<96x128xi32, #tpu.memory_space<vmem>>
    %dma_wait3A_275 = arith.constant 0 : i32
    %dma_wait3A_276 = tpu.memref_slice %arg3[%dma_wait3A_275, %add3A_172] : memref<200x16384xi32, #tpu.memory_space<hbm>> -> memref<96x128xi32, #tpu.memory_space<hbm>>
    %dma_wait3A_277 = arith.constant 0 : i32
    %dma_wait3A_278 = arith.constant 0 : i32
    %dma_wait3A_279 = tpu.memref_slice %arg6[%dma_wait3A_270, %dma_wait3A_277, %dma_wait3A_278] : memref<2x104x128xi32, #tpu.memory_space<vmem>> -> memref<1x96x128xi32, #tpu.memory_space<vmem>>
    %dma_wait3A_280 = tpu.memref_squeeze %dma_wait3A_279 : memref<1x96x128xi32, #tpu.memory_space<vmem>> -> memref<96x128xi32, #tpu.memory_space<vmem>>
    %dma_wait3A_281 = arith.constant 0 : i32
    %dma_wait3A_282 = tpu.memref_slice %arg3[%dma_wait3A_281, %add3A_172] : memref<200x16384xi32, #tpu.memory_space<hbm>> -> memref<96x128xi32, #tpu.memory_space<hbm>>
    tpu.wait_dma2 semaphore(%arg9 : memref<!tpu.dma_semaphore, #tpu.memory_space<semaphore_mem>>) src(%dma_wait3A_282 : memref<96x128xi32, #tpu.memory_space<hbm>>) dst(%dma_wait3A_280 : memref<96x128xi32, #tpu.memory_space<vmem>>)
    %broadcast_in_dim3A_283 = arith.constant -65536 : i32
    %broadcast_in_dim3A_284 = vector.broadcast %broadcast_in_dim3A_283 : i32 to vector<16xi32>
    %scan3A_285 = arith.constant 0 : i32
    %scan3A_286 = arith.constant 96 : i32
    %scan3A_287 = arith.addi %scan3A_285, %scan3A_286 : i32
    %scan3A_288 = arith.constant 2 : i32
    %scan3A_289:24 = scf.for %scan3A_540 = %scan3A_285 to %scan3A_287 step %scan3A_288 iter_args(%scan3A_541 = %broadcast_in_dim3A_17, %scan3A_542 = %broadcast_in_dim3A_17, %scan3A_543 = %broadcast_in_dim3A_17, %scan3A_544 = %broadcast_in_dim3A_17, %scan3A_545 = %broadcast_in_dim3A_17, %scan3A_546 = %broadcast_in_dim3A_17, %scan3A_547 = %broadcast_in_dim3A_17, %scan3A_548 = %broadcast_in_dim3A_17, %scan3A_549 = %broadcast_in_dim3A_17, %scan3A_550 = %broadcast_in_dim3A_17, %scan3A_551 = %broadcast_in_dim3A_17, %scan3A_552 = %broadcast_in_dim3A_17, %scan3A_553 = %broadcast_in_dim3A_17, %scan3A_554 = %broadcast_in_dim3A_17, %scan3A_555 = %broadcast_in_dim3A_17, %scan3A_556 = %broadcast_in_dim3A_17, %scan3A_557 = %broadcast_in_dim3A_17, %scan3A_558 = %broadcast_in_dim3A_17, %scan3A_559 = %broadcast_in_dim3A_17, %scan3A_560 = %broadcast_in_dim3A_17, %scan3A_561 = %broadcast_in_dim3A_17, %scan3A_562 = %broadcast_in_dim3A_17, %scan3A_563 = %broadcast_in_dim3A_17, %scan3A_564 = %broadcast_in_dim3A_17) -> (vector<16xf32>, vector<16xf32>, vector<16xf32>, vector<16xf32>, vector<16xf32>, vector<16xf32>, vector<16xf32>, vector<16xf32>, vector<16xf32>, vector<16xf32>, vector<16xf32>, vector<16xf32>, vector<16xf32>, vector<16xf32>, vector<16xf32>, vector<16xf32>, vector<16xf32>, vector<16xf32>, vector<16xf32>, vector<16xf32>, vector<16xf32>, vector<16xf32>, vector<16xf32>, vector<16xf32>)  : i32 {
      %get3A = arith.constant 0 : i32
      %get3A_565 = arith.index_cast %get3A : i32 to index
      %get3A_566 = arith.index_cast %scan3A_540 : i32 to index
      %get3A_567 = arith.constant 0 : index
      %get3A_568 = tpu.vector_load %arg6[%get3A_565, %get3A_566, %get3A_567] {strides = array<i32>} : memref<2x104x128xi32, #tpu.memory_space<vmem>>, vector<16xi32>,
      %gather3A = tpu.vector_load_idx %arg5[%get3A_568] : memref<61440xf32, #tpu.memory_space<vmem>>[vector<16xi32>], vector<16xf32>,
      %bitcast3A = vector.bitcast %gather3A : vector<16xf32> to vector<16xi32>
      %add3A_569 = arith.constant 30720 : i32
      %add3A_570 = vector.broadcast %add3A_569 : i32 to vector<16xi32>
      %add3A_571 = arith.addi %get3A_568, %add3A_570 : vector<16xi32>
      %gather3A_572 = tpu.vector_load_idx %arg5[%add3A_571] : memref<61440xf32, #tpu.memory_space<vmem>>[vector<16xi32>], vector<16xf32>,
      %shift_left3A = arith.constant 16 : i32
      %shift_left3A_573 = vector.broadcast %shift_left3A : i32 to vector<16xi32>
      %shift_left3A_574 = arith.shli %bitcast3A, %shift_left3A_573 : vector<16xi32>
      %bitcast3A_575 = vector.bitcast %shift_left3A_574 : vector<16xi32> to vector<16xf32>
      %and3A = arith.andi %bitcast3A, %broadcast_in_dim3A_284 : vector<16xi32>
      %bitcast3A_576 = vector.bitcast %and3A : vector<16xi32> to vector<16xf32>
      %add3A_577 = arith.addf %scan3A_541, %bitcast3A_575 : vector<16xf32>
      %add3A_578 = arith.addf %scan3A_542, %bitcast3A_576 : vector<16xf32>
      %add3A_579 = arith.addf %scan3A_543, %gather3A_572 : vector<16xf32>
      %get3A_580 = arith.constant 0 : i32
      %get3A_581 = arith.index_cast %get3A_580 : i32 to index
      %get3A_582 = arith.index_cast %scan3A_540 : i32 to index
      %get3A_583 = arith.constant 16 : index
      %get3A_584 = tpu.vector_load %arg6[%get3A_581, %get3A_582, %get3A_583] {strides = array<i32>} : memref<2x104x128xi32, #tpu.memory_space<vmem>>, vector<16xi32>,
      %gather3A_585 = tpu.vector_load_idx %arg5[%get3A_584] : memref<61440xf32, #tpu.memory_space<vmem>>[vector<16xi32>], vector<16xf32>,
      %bitcast3A_586 = vector.bitcast %gather3A_585 : vector<16xf32> to vector<16xi32>
      %add3A_587 = arith.constant 30720 : i32
      %add3A_588 = vector.broadcast %add3A_587 : i32 to vector<16xi32>
      %add3A_589 = arith.addi %get3A_584, %add3A_588 : vector<16xi32>
      %gather3A_590 = tpu.vector_load_idx %arg5[%add3A_589] : memref<61440xf32, #tpu.memory_space<vmem>>[vector<16xi32>], vector<16xf32>,
      %shift_left3A_591 = arith.constant 16 : i32
      %shift_left3A_592 = vector.broadcast %shift_left3A_591 : i32 to vector<16xi32>
      %shift_left3A_593 = arith.shli %bitcast3A_586, %shift_left3A_592 : vector<16xi32>
      %bitcast3A_594 = vector.bitcast %shift_left3A_593 : vector<16xi32> to vector<16xf32>
      %and3A_595 = arith.andi %bitcast3A_586, %broadcast_in_dim3A_284 : vector<16xi32>
      %bitcast3A_596 = vector.bitcast %and3A_595 : vector<16xi32> to vector<16xf32>
      %add3A_597 = arith.addf %scan3A_544, %bitcast3A_594 : vector<16xf32>
      %add3A_598 = arith.addf %scan3A_545, %bitcast3A_596 : vector<16xf32>
      %add3A_599 = arith.addf %scan3A_546, %gather3A_590 : vector<16xf32>
      %get3A_600 = arith.constant 0 : i32
      %get3A_601 = arith.index_cast %get3A_600 : i32 to index
      %get3A_602 = arith.index_cast %scan3A_540 : i32 to index
      %get3A_603 = arith.constant 32 : index
      %get3A_604 = tpu.vector_load %arg6[%get3A_601, %get3A_602, %get3A_603] {strides = array<i32>} : memref<2x104x128xi32, #tpu.memory_space<vmem>>, vector<16xi32>,
      %gather3A_605 = tpu.vector_load_idx %arg5[%get3A_604] : memref<61440xf32, #tpu.memory_space<vmem>>[vector<16xi32>], vector<16xf32>,
      %bitcast3A_606 = vector.bitcast %gather3A_605 : vector<16xf32> to vector<16xi32>
      %add3A_607 = arith.constant 30720 : i32
      %add3A_608 = vector.broadcast %add3A_607 : i32 to vector<16xi32>
      %add3A_609 = arith.addi %get3A_604, %add3A_608 : vector<16xi32>
      %gather3A_610 = tpu.vector_load_idx %arg5[%add3A_609] : memref<61440xf32, #tpu.memory_space<vmem>>[vector<16xi32>], vector<16xf32>,
      %shift_left3A_611 = arith.constant 16 : i32
      %shift_left3A_612 = vector.broadcast %shift_left3A_611 : i32 to vector<16xi32>
      %shift_left3A_613 = arith.shli %bitcast3A_606, %shift_left3A_612 : vector<16xi32>
      %bitcast3A_614 = vector.bitcast %shift_left3A_613 : vector<16xi32> to vector<16xf32>
      %and3A_615 = arith.andi %bitcast3A_606, %broadcast_in_dim3A_284 : vector<16xi32>
      %bitcast3A_616 = vector.bitcast %and3A_615 : vector<16xi32> to vector<16xf32>
      %add3A_617 = arith.addf %scan3A_547, %bitcast3A_614 : vector<16xf32>
      %add3A_618 = arith.addf %scan3A_548, %bitcast3A_616 : vector<16xf32>
      %add3A_619 = arith.addf %scan3A_549, %gather3A_610 : vector<16xf32>
      %get3A_620 = arith.constant 0 : i32
      %get3A_621 = arith.index_cast %get3A_620 : i32 to index
      %get3A_622 = arith.index_cast %scan3A_540 : i32 to index
      %get3A_623 = arith.constant 48 : index
      %get3A_624 = tpu.vector_load %arg6[%get3A_621, %get3A_622, %get3A_623] {strides = array<i32>} : memref<2x104x128xi32, #tpu.memory_space<vmem>>, vector<16xi32>,
      %gather3A_625 = tpu.vector_load_idx %arg5[%get3A_624] : memref<61440xf32, #tpu.memory_space<vmem>>[vector<16xi32>], vector<16xf32>,
      %bitcast3A_626 = vector.bitcast %gather3A_625 : vector<16xf32> to vector<16xi32>
      %add3A_627 = arith.constant 30720 : i32
      %add3A_628 = vector.broadcast %add3A_627 : i32 to vector<16xi32>
      %add3A_629 = arith.addi %get3A_624, %add3A_628 : vector<16xi32>
      %gather3A_630 = tpu.vector_load_idx %arg5[%add3A_629] : memref<61440xf32, #tpu.memory_space<vmem>>[vector<16xi32>], vector<16xf32>,
      %shift_left3A_631 = arith.constant 16 : i32
      %shift_left3A_632 = vector.broadcast %shift_left3A_631 : i32 to vector<16xi32>
      %shift_left3A_633 = arith.shli %bitcast3A_626, %shift_left3A_632 : vector<16xi32>
      %bitcast3A_634 = vector.bitcast %shift_left3A_633 : vector<16xi32> to vector<16xf32>
      %and3A_635 = arith.andi %bitcast3A_626, %broadcast_in_dim3A_284 : vector<16xi32>
      %bitcast3A_636 = vector.bitcast %and3A_635 : vector<16xi32> to vector<16xf32>
      %add3A_637 = arith.addf %scan3A_550, %bitcast3A_634 : vector<16xf32>
      %add3A_638 = arith.addf %scan3A_551, %bitcast3A_636 : vector<16xf32>
      %add3A_639 = arith.addf %scan3A_552, %gather3A_630 : vector<16xf32>
      %get3A_640 = arith.constant 0 : i32
      %get3A_641 = arith.index_cast %get3A_640 : i32 to index
      %get3A_642 = arith.index_cast %scan3A_540 : i32 to index
      %get3A_643 = arith.constant 64 : index
      %get3A_644 = tpu.vector_load %arg6[%get3A_641, %get3A_642, %get3A_643] {strides = array<i32>} : memref<2x104x128xi32, #tpu.memory_space<vmem>>, vector<16xi32>,
      %gather3A_645 = tpu.vector_load_idx %arg5[%get3A_644] : memref<61440xf32, #tpu.memory_space<vmem>>[vector<16xi32>], vector<16xf32>,
      %bitcast3A_646 = vector.bitcast %gather3A_645 : vector<16xf32> to vector<16xi32>
      %add3A_647 = arith.constant 30720 : i32
      %add3A_648 = vector.broadcast %add3A_647 : i32 to vector<16xi32>
      %add3A_649 = arith.addi %get3A_644, %add3A_648 : vector<16xi32>
      %gather3A_650 = tpu.vector_load_idx %arg5[%add3A_649] : memref<61440xf32, #tpu.memory_space<vmem>>[vector<16xi32>], vector<16xf32>,
      %shift_left3A_651 = arith.constant 16 : i32
      %shift_left3A_652 = vector.broadcast %shift_left3A_651 : i32 to vector<16xi32>
      %shift_left3A_653 = arith.shli %bitcast3A_646, %shift_left3A_652 : vector<16xi32>
      %bitcast3A_654 = vector.bitcast %shift_left3A_653 : vector<16xi32> to vector<16xf32>
      %and3A_655 = arith.andi %bitcast3A_646, %broadcast_in_dim3A_284 : vector<16xi32>
      %bitcast3A_656 = vector.bitcast %and3A_655 : vector<16xi32> to vector<16xf32>
      %add3A_657 = arith.addf %scan3A_553, %bitcast3A_654 : vector<16xf32>
      %add3A_658 = arith.addf %scan3A_554, %bitcast3A_656 : vector<16xf32>
      %add3A_659 = arith.addf %scan3A_555, %gather3A_650 : vector<16xf32>
      %get3A_660 = arith.constant 0 : i32
      %get3A_661 = arith.index_cast %get3A_660 : i32 to index
      %get3A_662 = arith.index_cast %scan3A_540 : i32 to index
      %get3A_663 = arith.constant 80 : index
      %get3A_664 = tpu.vector_load %arg6[%get3A_661, %get3A_662, %get3A_663] {strides = array<i32>} : memref<2x104x128xi32, #tpu.memory_space<vmem>>, vector<16xi32>,
      %gather3A_665 = tpu.vector_load_idx %arg5[%get3A_664] : memref<61440xf32, #tpu.memory_space<vmem>>[vector<16xi32>], vector<16xf32>,
      %bitcast3A_666 = vector.bitcast %gather3A_665 : vector<16xf32> to vector<16xi32>
      %add3A_667 = arith.constant 30720 : i32
      %add3A_668 = vector.broadcast %add3A_667 : i32 to vector<16xi32>
      %add3A_669 = arith.addi %get3A_664, %add3A_668 : vector<16xi32>
      %gather3A_670 = tpu.vector_load_idx %arg5[%add3A_669] : memref<61440xf32, #tpu.memory_space<vmem>>[vector<16xi32>], vector<16xf32>,
      %shift_left3A_671 = arith.constant 16 : i32
      %shift_left3A_672 = vector.broadcast %shift_left3A_671 : i32 to vector<16xi32>
      %shift_left3A_673 = arith.shli %bitcast3A_666, %shift_left3A_672 : vector<16xi32>
      %bitcast3A_674 = vector.bitcast %shift_left3A_673 : vector<16xi32> to vector<16xf32>
      %and3A_675 = arith.andi %bitcast3A_666, %broadcast_in_dim3A_284 : vector<16xi32>
      %bitcast3A_676 = vector.bitcast %and3A_675 : vector<16xi32> to vector<16xf32>
      %add3A_677 = arith.addf %scan3A_556, %bitcast3A_674 : vector<16xf32>
      %add3A_678 = arith.addf %scan3A_557, %bitcast3A_676 : vector<16xf32>
      %add3A_679 = arith.addf %scan3A_558, %gather3A_670 : vector<16xf32>
      %get3A_680 = arith.constant 0 : i32
      %get3A_681 = arith.index_cast %get3A_680 : i32 to index
      %get3A_682 = arith.index_cast %scan3A_540 : i32 to index
      %get3A_683 = arith.constant 96 : index
      %get3A_684 = tpu.vector_load %arg6[%get3A_681, %get3A_682, %get3A_683] {strides = array<i32>} : memref<2x104x128xi32, #tpu.memory_space<vmem>>, vector<16xi32>,
      %gather3A_685 = tpu.vector_load_idx %arg5[%get3A_684] : memref<61440xf32, #tpu.memory_space<vmem>>[vector<16xi32>], vector<16xf32>,
      %bitcast3A_686 = vector.bitcast %gather3A_685 : vector<16xf32> to vector<16xi32>
      %add3A_687 = arith.constant 30720 : i32
      %add3A_688 = vector.broadcast %add3A_687 : i32 to vector<16xi32>
      %add3A_689 = arith.addi %get3A_684, %add3A_688 : vector<16xi32>
      %gather3A_690 = tpu.vector_load_idx %arg5[%add3A_689] : memref<61440xf32, #tpu.memory_space<vmem>>[vector<16xi32>], vector<16xf32>,
      %shift_left3A_691 = arith.constant 16 : i32
      %shift_left3A_692 = vector.broadcast %shift_left3A_691 : i32 to vector<16xi32>
      %shift_left3A_693 = arith.shli %bitcast3A_686, %shift_left3A_692 : vector<16xi32>
      %bitcast3A_694 = vector.bitcast %shift_left3A_693 : vector<16xi32> to vector<16xf32>
      %and3A_695 = arith.andi %bitcast3A_686, %broadcast_in_dim3A_284 : vector<16xi32>
      %bitcast3A_696 = vector.bitcast %and3A_695 : vector<16xi32> to vector<16xf32>
      %add3A_697 = arith.addf %scan3A_559, %bitcast3A_694 : vector<16xf32>
      %add3A_698 = arith.addf %scan3A_560, %bitcast3A_696 : vector<16xf32>
      %add3A_699 = arith.addf %scan3A_561, %gather3A_690 : vector<16xf32>
      %get3A_700 = arith.constant 0 : i32
      %get3A_701 = arith.index_cast %get3A_700 : i32 to index
      %get3A_702 = arith.index_cast %scan3A_540 : i32 to index
      %get3A_703 = arith.constant 112 : index
      %get3A_704 = tpu.vector_load %arg6[%get3A_701, %get3A_702, %get3A_703] {strides = array<i32>} : memref<2x104x128xi32, #tpu.memory_space<vmem>>, vector<16xi32>,
      %gather3A_705 = tpu.vector_load_idx %arg5[%get3A_704] : memref<61440xf32, #tpu.memory_space<vmem>>[vector<16xi32>], vector<16xf32>,
      %bitcast3A_706 = vector.bitcast %gather3A_705 : vector<16xf32> to vector<16xi32>
      %add3A_707 = arith.constant 30720 : i32
      %add3A_708 = vector.broadcast %add3A_707 : i32 to vector<16xi32>
      %add3A_709 = arith.addi %get3A_704, %add3A_708 : vector<16xi32>
      %gather3A_710 = tpu.vector_load_idx %arg5[%add3A_709] : memref<61440xf32, #tpu.memory_space<vmem>>[vector<16xi32>], vector<16xf32>,
      %shift_left3A_711 = arith.constant 16 : i32
      %shift_left3A_712 = vector.broadcast %shift_left3A_711 : i32 to vector<16xi32>
      %shift_left3A_713 = arith.shli %bitcast3A_706, %shift_left3A_712 : vector<16xi32>
      %bitcast3A_714 = vector.bitcast %shift_left3A_713 : vector<16xi32> to vector<16xf32>
      %and3A_715 = arith.andi %bitcast3A_706, %broadcast_in_dim3A_284 : vector<16xi32>
      %bitcast3A_716 = vector.bitcast %and3A_715 : vector<16xi32> to vector<16xf32>
      %add3A_717 = arith.addf %scan3A_562, %bitcast3A_714 : vector<16xf32>
      %add3A_718 = arith.addf %scan3A_563, %bitcast3A_716 : vector<16xf32>
      %add3A_719 = arith.addf %scan3A_564, %gather3A_710 : vector<16xf32>
      %scan3A_720 = arith.constant 1 : i32
      %scan3A_721 = arith.addi %scan3A_540, %scan3A_720 : i32
      %get3A_722 = arith.constant 0 : i32
      %get3A_723 = arith.index_cast %get3A_722 : i32 to index
      %get3A_724 = arith.index_cast %scan3A_721 : i32 to index
      %get3A_725 = arith.constant 0 : index
      %get3A_726 = tpu.vector_load %arg6[%get3A_723, %get3A_724, %get3A_725] {strides = array<i32>} : memref<2x104x128xi32, #tpu.memory_space<vmem>>, vector<16xi32>,
      %gather3A_727 = tpu.vector_load_idx %arg5[%get3A_726] : memref<61440xf32, #tpu.memory_space<vmem>>[vector<16xi32>], vector<16xf32>,
      %bitcast3A_728 = vector.bitcast %gather3A_727 : vector<16xf32> to vector<16xi32>
      %add3A_729 = arith.constant 30720 : i32
      %add3A_730 = vector.broadcast %add3A_729 : i32 to vector<16xi32>
      %add3A_731 = arith.addi %get3A_726, %add3A_730 : vector<16xi32>
      %gather3A_732 = tpu.vector_load_idx %arg5[%add3A_731] : memref<61440xf32, #tpu.memory_space<vmem>>[vector<16xi32>], vector<16xf32>,
      %shift_left3A_733 = arith.constant 16 : i32
      %shift_left3A_734 = vector.broadcast %shift_left3A_733 : i32 to vector<16xi32>
      %shift_left3A_735 = arith.shli %bitcast3A_728, %shift_left3A_734 : vector<16xi32>
      %bitcast3A_736 = vector.bitcast %shift_left3A_735 : vector<16xi32> to vector<16xf32>
      %and3A_737 = arith.andi %bitcast3A_728, %broadcast_in_dim3A_284 : vector<16xi32>
      %bitcast3A_738 = vector.bitcast %and3A_737 : vector<16xi32> to vector<16xf32>
      %add3A_739 = arith.addf %add3A_577, %bitcast3A_736 : vector<16xf32>
      %add3A_740 = arith.addf %add3A_578, %bitcast3A_738 : vector<16xf32>
      %add3A_741 = arith.addf %add3A_579, %gather3A_732 : vector<16xf32>
      %get3A_742 = arith.constant 0 : i32
      %get3A_743 = arith.index_cast %get3A_742 : i32 to index
      %get3A_744 = arith.index_cast %scan3A_721 : i32 to index
      %get3A_745 = arith.constant 16 : index
      %get3A_746 = tpu.vector_load %arg6[%get3A_743, %get3A_744, %get3A_745] {strides = array<i32>} : memref<2x104x128xi32, #tpu.memory_space<vmem>>, vector<16xi32>,
      %gather3A_747 = tpu.vector_load_idx %arg5[%get3A_746] : memref<61440xf32, #tpu.memory_space<vmem>>[vector<16xi32>], vector<16xf32>,
      %bitcast3A_748 = vector.bitcast %gather3A_747 : vector<16xf32> to vector<16xi32>
      %add3A_749 = arith.constant 30720 : i32
      %add3A_750 = vector.broadcast %add3A_749 : i32 to vector<16xi32>
      %add3A_751 = arith.addi %get3A_746, %add3A_750 : vector<16xi32>
      %gather3A_752 = tpu.vector_load_idx %arg5[%add3A_751] : memref<61440xf32, #tpu.memory_space<vmem>>[vector<16xi32>], vector<16xf32>,
      %shift_left3A_753 = arith.constant 16 : i32
      %shift_left3A_754 = vector.broadcast %shift_left3A_753 : i32 to vector<16xi32>
      %shift_left3A_755 = arith.shli %bitcast3A_748, %shift_left3A_754 : vector<16xi32>
      %bitcast3A_756 = vector.bitcast %shift_left3A_755 : vector<16xi32> to vector<16xf32>
      %and3A_757 = arith.andi %bitcast3A_748, %broadcast_in_dim3A_284 : vector<16xi32>
      %bitcast3A_758 = vector.bitcast %and3A_757 : vector<16xi32> to vector<16xf32>
      %add3A_759 = arith.addf %add3A_597, %bitcast3A_756 : vector<16xf32>
      %add3A_760 = arith.addf %add3A_598, %bitcast3A_758 : vector<16xf32>
      %add3A_761 = arith.addf %add3A_599, %gather3A_752 : vector<16xf32>
      %get3A_762 = arith.constant 0 : i32
      %get3A_763 = arith.index_cast %get3A_762 : i32 to index
      %get3A_764 = arith.index_cast %scan3A_721 : i32 to index
      %get3A_765 = arith.constant 32 : index
      %get3A_766 = tpu.vector_load %arg6[%get3A_763, %get3A_764, %get3A_765] {strides = array<i32>} : memref<2x104x128xi32, #tpu.memory_space<vmem>>, vector<16xi32>,
      %gather3A_767 = tpu.vector_load_idx %arg5[%get3A_766] : memref<61440xf32, #tpu.memory_space<vmem>>[vector<16xi32>], vector<16xf32>,
      %bitcast3A_768 = vector.bitcast %gather3A_767 : vector<16xf32> to vector<16xi32>
      %add3A_769 = arith.constant 30720 : i32
      %add3A_770 = vector.broadcast %add3A_769 : i32 to vector<16xi32>
      %add3A_771 = arith.addi %get3A_766, %add3A_770 : vector<16xi32>
      %gather3A_772 = tpu.vector_load_idx %arg5[%add3A_771] : memref<61440xf32, #tpu.memory_space<vmem>>[vector<16xi32>], vector<16xf32>,
      %shift_left3A_773 = arith.constant 16 : i32
      %shift_left3A_774 = vector.broadcast %shift_left3A_773 : i32 to vector<16xi32>
      %shift_left3A_775 = arith.shli %bitcast3A_768, %shift_left3A_774 : vector<16xi32>
      %bitcast3A_776 = vector.bitcast %shift_left3A_775 : vector<16xi32> to vector<16xf32>
      %and3A_777 = arith.andi %bitcast3A_768, %broadcast_in_dim3A_284 : vector<16xi32>
      %bitcast3A_778 = vector.bitcast %and3A_777 : vector<16xi32> to vector<16xf32>
      %add3A_779 = arith.addf %add3A_617, %bitcast3A_776 : vector<16xf32>
      %add3A_780 = arith.addf %add3A_618, %bitcast3A_778 : vector<16xf32>
      %add3A_781 = arith.addf %add3A_619, %gather3A_772 : vector<16xf32>
      %get3A_782 = arith.constant 0 : i32
      %get3A_783 = arith.index_cast %get3A_782 : i32 to index
      %get3A_784 = arith.index_cast %scan3A_721 : i32 to index
      %get3A_785 = arith.constant 48 : index
      %get3A_786 = tpu.vector_load %arg6[%get3A_783, %get3A_784, %get3A_785] {strides = array<i32>} : memref<2x104x128xi32, #tpu.memory_space<vmem>>, vector<16xi32>,
      %gather3A_787 = tpu.vector_load_idx %arg5[%get3A_786] : memref<61440xf32, #tpu.memory_space<vmem>>[vector<16xi32>], vector<16xf32>,
      %bitcast3A_788 = vector.bitcast %gather3A_787 : vector<16xf32> to vector<16xi32>
      %add3A_789 = arith.constant 30720 : i32
      %add3A_790 = vector.broadcast %add3A_789 : i32 to vector<16xi32>
      %add3A_791 = arith.addi %get3A_786, %add3A_790 : vector<16xi32>
      %gather3A_792 = tpu.vector_load_idx %arg5[%add3A_791] : memref<61440xf32, #tpu.memory_space<vmem>>[vector<16xi32>], vector<16xf32>,
      %shift_left3A_793 = arith.constant 16 : i32
      %shift_left3A_794 = vector.broadcast %shift_left3A_793 : i32 to vector<16xi32>
      %shift_left3A_795 = arith.shli %bitcast3A_788, %shift_left3A_794 : vector<16xi32>
      %bitcast3A_796 = vector.bitcast %shift_left3A_795 : vector<16xi32> to vector<16xf32>
      %and3A_797 = arith.andi %bitcast3A_788, %broadcast_in_dim3A_284 : vector<16xi32>
      %bitcast3A_798 = vector.bitcast %and3A_797 : vector<16xi32> to vector<16xf32>
      %add3A_799 = arith.addf %add3A_637, %bitcast3A_796 : vector<16xf32>
      %add3A_800 = arith.addf %add3A_638, %bitcast3A_798 : vector<16xf32>
      %add3A_801 = arith.addf %add3A_639, %gather3A_792 : vector<16xf32>
      %get3A_802 = arith.constant 0 : i32
      %get3A_803 = arith.index_cast %get3A_802 : i32 to index
      %get3A_804 = arith.index_cast %scan3A_721 : i32 to index
      %get3A_805 = arith.constant 64 : index
      %get3A_806 = tpu.vector_load %arg6[%get3A_803, %get3A_804, %get3A_805] {strides = array<i32>} : memref<2x104x128xi32, #tpu.memory_space<vmem>>, vector<16xi32>,
      %gather3A_807 = tpu.vector_load_idx %arg5[%get3A_806] : memref<61440xf32, #tpu.memory_space<vmem>>[vector<16xi32>], vector<16xf32>,
      %bitcast3A_808 = vector.bitcast %gather3A_807 : vector<16xf32> to vector<16xi32>
      %add3A_809 = arith.constant 30720 : i32
      %add3A_810 = vector.broadcast %add3A_809 : i32 to vector<16xi32>
      %add3A_811 = arith.addi %get3A_806, %add3A_810 : vector<16xi32>
      %gather3A_812 = tpu.vector_load_idx %arg5[%add3A_811] : memref<61440xf32, #tpu.memory_space<vmem>>[vector<16xi32>], vector<16xf32>,
      %shift_left3A_813 = arith.constant 16 : i32
      %shift_left3A_814 = vector.broadcast %shift_left3A_813 : i32 to vector<16xi32>
      %shift_left3A_815 = arith.shli %bitcast3A_808, %shift_left3A_814 : vector<16xi32>
      %bitcast3A_816 = vector.bitcast %shift_left3A_815 : vector<16xi32> to vector<16xf32>
      %and3A_817 = arith.andi %bitcast3A_808, %broadcast_in_dim3A_284 : vector<16xi32>
      %bitcast3A_818 = vector.bitcast %and3A_817 : vector<16xi32> to vector<16xf32>
      %add3A_819 = arith.addf %add3A_657, %bitcast3A_816 : vector<16xf32>
      %add3A_820 = arith.addf %add3A_658, %bitcast3A_818 : vector<16xf32>
      %add3A_821 = arith.addf %add3A_659, %gather3A_812 : vector<16xf32>
      %get3A_822 = arith.constant 0 : i32
      %get3A_823 = arith.index_cast %get3A_822 : i32 to index
      %get3A_824 = arith.index_cast %scan3A_721 : i32 to index
      %get3A_825 = arith.constant 80 : index
      %get3A_826 = tpu.vector_load %arg6[%get3A_823, %get3A_824, %get3A_825] {strides = array<i32>} : memref<2x104x128xi32, #tpu.memory_space<vmem>>, vector<16xi32>,
      %gather3A_827 = tpu.vector_load_idx %arg5[%get3A_826] : memref<61440xf32, #tpu.memory_space<vmem>>[vector<16xi32>], vector<16xf32>,
      %bitcast3A_828 = vector.bitcast %gather3A_827 : vector<16xf32> to vector<16xi32>
      %add3A_829 = arith.constant 30720 : i32
      %add3A_830 = vector.broadcast %add3A_829 : i32 to vector<16xi32>
      %add3A_831 = arith.addi %get3A_826, %add3A_830 : vector<16xi32>
      %gather3A_832 = tpu.vector_load_idx %arg5[%add3A_831] : memref<61440xf32, #tpu.memory_space<vmem>>[vector<16xi32>], vector<16xf32>,
      %shift_left3A_833 = arith.constant 16 : i32
      %shift_left3A_834 = vector.broadcast %shift_left3A_833 : i32 to vector<16xi32>
      %shift_left3A_835 = arith.shli %bitcast3A_828, %shift_left3A_834 : vector<16xi32>
      %bitcast3A_836 = vector.bitcast %shift_left3A_835 : vector<16xi32> to vector<16xf32>
      %and3A_837 = arith.andi %bitcast3A_828, %broadcast_in_dim3A_284 : vector<16xi32>
      %bitcast3A_838 = vector.bitcast %and3A_837 : vector<16xi32> to vector<16xf32>
      %add3A_839 = arith.addf %add3A_677, %bitcast3A_836 : vector<16xf32>
      %add3A_840 = arith.addf %add3A_678, %bitcast3A_838 : vector<16xf32>
      %add3A_841 = arith.addf %add3A_679, %gather3A_832 : vector<16xf32>
      %get3A_842 = arith.constant 0 : i32
      %get3A_843 = arith.index_cast %get3A_842 : i32 to index
      %get3A_844 = arith.index_cast %scan3A_721 : i32 to index
      %get3A_845 = arith.constant 96 : index
      %get3A_846 = tpu.vector_load %arg6[%get3A_843, %get3A_844, %get3A_845] {strides = array<i32>} : memref<2x104x128xi32, #tpu.memory_space<vmem>>, vector<16xi32>,
      %gather3A_847 = tpu.vector_load_idx %arg5[%get3A_846] : memref<61440xf32, #tpu.memory_space<vmem>>[vector<16xi32>], vector<16xf32>,
      %bitcast3A_848 = vector.bitcast %gather3A_847 : vector<16xf32> to vector<16xi32>
      %add3A_849 = arith.constant 30720 : i32
      %add3A_850 = vector.broadcast %add3A_849 : i32 to vector<16xi32>
      %add3A_851 = arith.addi %get3A_846, %add3A_850 : vector<16xi32>
      %gather3A_852 = tpu.vector_load_idx %arg5[%add3A_851] : memref<61440xf32, #tpu.memory_space<vmem>>[vector<16xi32>], vector<16xf32>,
      %shift_left3A_853 = arith.constant 16 : i32
      %shift_left3A_854 = vector.broadcast %shift_left3A_853 : i32 to vector<16xi32>
      %shift_left3A_855 = arith.shli %bitcast3A_848, %shift_left3A_854 : vector<16xi32>
      %bitcast3A_856 = vector.bitcast %shift_left3A_855 : vector<16xi32> to vector<16xf32>
      %and3A_857 = arith.andi %bitcast3A_848, %broadcast_in_dim3A_284 : vector<16xi32>
      %bitcast3A_858 = vector.bitcast %and3A_857 : vector<16xi32> to vector<16xf32>
      %add3A_859 = arith.addf %add3A_697, %bitcast3A_856 : vector<16xf32>
      %add3A_860 = arith.addf %add3A_698, %bitcast3A_858 : vector<16xf32>
      %add3A_861 = arith.addf %add3A_699, %gather3A_852 : vector<16xf32>
      %get3A_862 = arith.constant 0 : i32
      %get3A_863 = arith.index_cast %get3A_862 : i32 to index
      %get3A_864 = arith.index_cast %scan3A_721 : i32 to index
      %get3A_865 = arith.constant 112 : index
      %get3A_866 = tpu.vector_load %arg6[%get3A_863, %get3A_864, %get3A_865] {strides = array<i32>} : memref<2x104x128xi32, #tpu.memory_space<vmem>>, vector<16xi32>,
      %gather3A_867 = tpu.vector_load_idx %arg5[%get3A_866] : memref<61440xf32, #tpu.memory_space<vmem>>[vector<16xi32>], vector<16xf32>,
      %bitcast3A_868 = vector.bitcast %gather3A_867 : vector<16xf32> to vector<16xi32>
      %add3A_869 = arith.constant 30720 : i32
      %add3A_870 = vector.broadcast %add3A_869 : i32 to vector<16xi32>
      %add3A_871 = arith.addi %get3A_866, %add3A_870 : vector<16xi32>
      %gather3A_872 = tpu.vector_load_idx %arg5[%add3A_871] : memref<61440xf32, #tpu.memory_space<vmem>>[vector<16xi32>], vector<16xf32>,
      %shift_left3A_873 = arith.constant 16 : i32
      %shift_left3A_874 = vector.broadcast %shift_left3A_873 : i32 to vector<16xi32>
      %shift_left3A_875 = arith.shli %bitcast3A_868, %shift_left3A_874 : vector<16xi32>
      %bitcast3A_876 = vector.bitcast %shift_left3A_875 : vector<16xi32> to vector<16xf32>
      %and3A_877 = arith.andi %bitcast3A_868, %broadcast_in_dim3A_284 : vector<16xi32>
      %bitcast3A_878 = vector.bitcast %and3A_877 : vector<16xi32> to vector<16xf32>
      %add3A_879 = arith.addf %add3A_717, %bitcast3A_876 : vector<16xf32>
      %add3A_880 = arith.addf %add3A_718, %bitcast3A_878 : vector<16xf32>
      %add3A_881 = arith.addf %add3A_719, %gather3A_872 : vector<16xf32>
      scf.yield %add3A_739, %add3A_740, %add3A_741, %add3A_759, %add3A_760, %add3A_761, %add3A_779, %add3A_780, %add3A_781, %add3A_799, %add3A_800, %add3A_801, %add3A_819, %add3A_820, %add3A_821, %add3A_839, %add3A_840, %add3A_841, %add3A_859, %add3A_860, %add3A_861, %add3A_879, %add3A_880, %add3A_881 : vector<16xf32>, vector<16xf32>, vector<16xf32>, vector<16xf32>, vector<16xf32>, vector<16xf32>, vector<16xf32>, vector<16xf32>, vector<16xf32>, vector<16xf32>, vector<16xf32>, vector<16xf32>, vector<16xf32>, vector<16xf32>, vector<16xf32>, vector<16xf32>, vector<16xf32>, vector<16xf32>, vector<16xf32>, vector<16xf32>, vector<16xf32>, vector<16xf32>, vector<16xf32>, vector<16xf32>
    }
    %scan3A_290 = arith.constant 96 : i32
    %add3A_291 = arith.constant 384 : i32
    %add3A_292 = arith.addi %mul3A_2, %add3A_291 : i32
    %dma_start3A_293 = arith.constant 0 : i32
    %dma_start3A_294 = arith.constant 0 : i32
    %dma_start3A_295 = arith.constant 0 : i32
    %dma_start3A_296 = tpu.memref_slice %arg6[%dma_start3A_293, %dma_start3A_294, %dma_start3A_295] : memref<2x104x128xi32, #tpu.memory_space<vmem>> -> memref<1x96x128xi32, #tpu.memory_space<vmem>>
    %dma_start3A_297 = tpu.memref_squeeze %dma_start3A_296 : memref<1x96x128xi32, #tpu.memory_space<vmem>> -> memref<96x128xi32, #tpu.memory_space<vmem>>
    %dma_start3A_298 = arith.constant 0 : i32
    %dma_start3A_299 = tpu.memref_slice %arg3[%dma_start3A_298, %add3A_292] : memref<200x16384xi32, #tpu.memory_space<hbm>> -> memref<96x128xi32, #tpu.memory_space<hbm>>
    %dma_start3A_300 = arith.constant 0 : i32
    %dma_start3A_301 = arith.constant 0 : i32
    %dma_start3A_302 = tpu.memref_slice %arg6[%dma_start3A_293, %dma_start3A_300, %dma_start3A_301] : memref<2x104x128xi32, #tpu.memory_space<vmem>> -> memref<1x96x128xi32, #tpu.memory_space<vmem>>
    %dma_start3A_303 = tpu.memref_squeeze %dma_start3A_302 : memref<1x96x128xi32, #tpu.memory_space<vmem>> -> memref<96x128xi32, #tpu.memory_space<vmem>>
    %dma_start3A_304 = arith.constant 0 : i32
    %dma_start3A_305 = tpu.memref_slice %arg3[%dma_start3A_304, %add3A_292] : memref<200x16384xi32, #tpu.memory_space<hbm>> -> memref<96x128xi32, #tpu.memory_space<hbm>>
    tpu.enqueue_dma source(%dma_start3A_305 : memref<96x128xi32, #tpu.memory_space<hbm>>) target(%dma_start3A_303 : memref<96x128xi32, #tpu.memory_space<vmem>>) target_semaphore(%arg9 : memref<!tpu.dma_semaphore, #tpu.memory_space<semaphore_mem>>)
    %dma_wait3A_306 = arith.constant 1 : i32
    %dma_wait3A_307 = arith.constant 0 : i32
    %dma_wait3A_308 = arith.constant 0 : i32
    %dma_wait3A_309 = tpu.memref_slice %arg6[%dma_wait3A_306, %dma_wait3A_307, %dma_wait3A_308] : memref<2x104x128xi32, #tpu.memory_space<vmem>> -> memref<1x104x128xi32, #tpu.memory_space<vmem>>
    %dma_wait3A_310 = tpu.memref_squeeze %dma_wait3A_309 : memref<1x104x128xi32, #tpu.memory_space<vmem>> -> memref<104x128xi32, #tpu.memory_space<vmem>>
    %dma_wait3A_311 = arith.constant 96 : i32
    %dma_wait3A_312 = tpu.memref_slice %arg3[%dma_wait3A_311, %add3A_256] : memref<200x16384xi32, #tpu.memory_space<hbm>> -> memref<104x128xi32, #tpu.memory_space<hbm>>
    %dma_wait3A_313 = arith.constant 0 : i32
    %dma_wait3A_314 = arith.constant 0 : i32
    %dma_wait3A_315 = tpu.memref_slice %arg6[%dma_wait3A_306, %dma_wait3A_313, %dma_wait3A_314] : memref<2x104x128xi32, #tpu.memory_space<vmem>> -> memref<1x104x128xi32, #tpu.memory_space<vmem>>
    %dma_wait3A_316 = tpu.memref_squeeze %dma_wait3A_315 : memref<1x104x128xi32, #tpu.memory_space<vmem>> -> memref<104x128xi32, #tpu.memory_space<vmem>>
    %dma_wait3A_317 = arith.constant 96 : i32
    %dma_wait3A_318 = tpu.memref_slice %arg3[%dma_wait3A_317, %add3A_256] : memref<200x16384xi32, #tpu.memory_space<hbm>> -> memref<104x128xi32, #tpu.memory_space<hbm>>
    tpu.wait_dma2 semaphore(%arg10 : memref<!tpu.dma_semaphore, #tpu.memory_space<semaphore_mem>>) src(%dma_wait3A_318 : memref<104x128xi32, #tpu.memory_space<hbm>>) dst(%dma_wait3A_316 : memref<104x128xi32, #tpu.memory_space<vmem>>)
    %broadcast_in_dim3A_319 = arith.constant -65536 : i32
    %broadcast_in_dim3A_320 = vector.broadcast %broadcast_in_dim3A_319 : i32 to vector<16xi32>
    %scan3A_321 = arith.constant 0 : i32
    %scan3A_322 = arith.constant 104 : i32
    %scan3A_323 = arith.addi %scan3A_321, %scan3A_322 : i32
    %scan3A_324 = arith.constant 2 : i32
    %scan3A_325:24 = scf.for %scan3A_540 = %scan3A_321 to %scan3A_323 step %scan3A_324 iter_args(%scan3A_541 = %scan3A_289#0, %scan3A_542 = %scan3A_289#1, %scan3A_543 = %scan3A_289#2, %scan3A_544 = %scan3A_289#3, %scan3A_545 = %scan3A_289#4, %scan3A_546 = %scan3A_289#5, %scan3A_547 = %scan3A_289#6, %scan3A_548 = %scan3A_289#7, %scan3A_549 = %scan3A_289#8, %scan3A_550 = %scan3A_289#9, %scan3A_551 = %scan3A_289#10, %scan3A_552 = %scan3A_289#11, %scan3A_553 = %scan3A_289#12, %scan3A_554 = %scan3A_289#13, %scan3A_555 = %scan3A_289#14, %scan3A_556 = %scan3A_289#15, %scan3A_557 = %scan3A_289#16, %scan3A_558 = %scan3A_289#17, %scan3A_559 = %scan3A_289#18, %scan3A_560 = %scan3A_289#19, %scan3A_561 = %scan3A_289#20, %scan3A_562 = %scan3A_289#21, %scan3A_563 = %scan3A_289#22, %scan3A_564 = %scan3A_289#23) -> (vector<16xf32>, vector<16xf32>, vector<16xf32>, vector<16xf32>, vector<16xf32>, vector<16xf32>, vector<16xf32>, vector<16xf32>, vector<16xf32>, vector<16xf32>, vector<16xf32>, vector<16xf32>, vector<16xf32>, vector<16xf32>, vector<16xf32>, vector<16xf32>, vector<16xf32>, vector<16xf32>, vector<16xf32>, vector<16xf32>, vector<16xf32>, vector<16xf32>, vector<16xf32>, vector<16xf32>)  : i32 {
      %get3A = arith.constant 1 : i32
      %get3A_565 = arith.index_cast %get3A : i32 to index
      %get3A_566 = arith.index_cast %scan3A_540 : i32 to index
      %get3A_567 = arith.constant 0 : index
      %get3A_568 = tpu.vector_load %arg6[%get3A_565, %get3A_566, %get3A_567] {strides = array<i32>} : memref<2x104x128xi32, #tpu.memory_space<vmem>>, vector<16xi32>,
      %gather3A = tpu.vector_load_idx %arg5[%get3A_568] : memref<61440xf32, #tpu.memory_space<vmem>>[vector<16xi32>], vector<16xf32>,
      %bitcast3A = vector.bitcast %gather3A : vector<16xf32> to vector<16xi32>
      %add3A_569 = arith.constant 30720 : i32
      %add3A_570 = vector.broadcast %add3A_569 : i32 to vector<16xi32>
      %add3A_571 = arith.addi %get3A_568, %add3A_570 : vector<16xi32>
      %gather3A_572 = tpu.vector_load_idx %arg5[%add3A_571] : memref<61440xf32, #tpu.memory_space<vmem>>[vector<16xi32>], vector<16xf32>,
      %shift_left3A = arith.constant 16 : i32
      %shift_left3A_573 = vector.broadcast %shift_left3A : i32 to vector<16xi32>
      %shift_left3A_574 = arith.shli %bitcast3A, %shift_left3A_573 : vector<16xi32>
      %bitcast3A_575 = vector.bitcast %shift_left3A_574 : vector<16xi32> to vector<16xf32>
      %and3A = arith.andi %bitcast3A, %broadcast_in_dim3A_320 : vector<16xi32>
      %bitcast3A_576 = vector.bitcast %and3A : vector<16xi32> to vector<16xf32>
      %add3A_577 = arith.addf %scan3A_541, %bitcast3A_575 : vector<16xf32>
      %add3A_578 = arith.addf %scan3A_542, %bitcast3A_576 : vector<16xf32>
      %add3A_579 = arith.addf %scan3A_543, %gather3A_572 : vector<16xf32>
      %get3A_580 = arith.constant 1 : i32
      %get3A_581 = arith.index_cast %get3A_580 : i32 to index
      %get3A_582 = arith.index_cast %scan3A_540 : i32 to index
      %get3A_583 = arith.constant 16 : index
      %get3A_584 = tpu.vector_load %arg6[%get3A_581, %get3A_582, %get3A_583] {strides = array<i32>} : memref<2x104x128xi32, #tpu.memory_space<vmem>>, vector<16xi32>,
      %gather3A_585 = tpu.vector_load_idx %arg5[%get3A_584] : memref<61440xf32, #tpu.memory_space<vmem>>[vector<16xi32>], vector<16xf32>,
      %bitcast3A_586 = vector.bitcast %gather3A_585 : vector<16xf32> to vector<16xi32>
      %add3A_587 = arith.constant 30720 : i32
      %add3A_588 = vector.broadcast %add3A_587 : i32 to vector<16xi32>
      %add3A_589 = arith.addi %get3A_584, %add3A_588 : vector<16xi32>
      %gather3A_590 = tpu.vector_load_idx %arg5[%add3A_589] : memref<61440xf32, #tpu.memory_space<vmem>>[vector<16xi32>], vector<16xf32>,
      %shift_left3A_591 = arith.constant 16 : i32
      %shift_left3A_592 = vector.broadcast %shift_left3A_591 : i32 to vector<16xi32>
      %shift_left3A_593 = arith.shli %bitcast3A_586, %shift_left3A_592 : vector<16xi32>
      %bitcast3A_594 = vector.bitcast %shift_left3A_593 : vector<16xi32> to vector<16xf32>
      %and3A_595 = arith.andi %bitcast3A_586, %broadcast_in_dim3A_320 : vector<16xi32>
      %bitcast3A_596 = vector.bitcast %and3A_595 : vector<16xi32> to vector<16xf32>
      %add3A_597 = arith.addf %scan3A_544, %bitcast3A_594 : vector<16xf32>
      %add3A_598 = arith.addf %scan3A_545, %bitcast3A_596 : vector<16xf32>
      %add3A_599 = arith.addf %scan3A_546, %gather3A_590 : vector<16xf32>
      %get3A_600 = arith.constant 1 : i32
      %get3A_601 = arith.index_cast %get3A_600 : i32 to index
      %get3A_602 = arith.index_cast %scan3A_540 : i32 to index
      %get3A_603 = arith.constant 32 : index
      %get3A_604 = tpu.vector_load %arg6[%get3A_601, %get3A_602, %get3A_603] {strides = array<i32>} : memref<2x104x128xi32, #tpu.memory_space<vmem>>, vector<16xi32>,
      %gather3A_605 = tpu.vector_load_idx %arg5[%get3A_604] : memref<61440xf32, #tpu.memory_space<vmem>>[vector<16xi32>], vector<16xf32>,
      %bitcast3A_606 = vector.bitcast %gather3A_605 : vector<16xf32> to vector<16xi32>
      %add3A_607 = arith.constant 30720 : i32
      %add3A_608 = vector.broadcast %add3A_607 : i32 to vector<16xi32>
      %add3A_609 = arith.addi %get3A_604, %add3A_608 : vector<16xi32>
      %gather3A_610 = tpu.vector_load_idx %arg5[%add3A_609] : memref<61440xf32, #tpu.memory_space<vmem>>[vector<16xi32>], vector<16xf32>,
      %shift_left3A_611 = arith.constant 16 : i32
      %shift_left3A_612 = vector.broadcast %shift_left3A_611 : i32 to vector<16xi32>
      %shift_left3A_613 = arith.shli %bitcast3A_606, %shift_left3A_612 : vector<16xi32>
      %bitcast3A_614 = vector.bitcast %shift_left3A_613 : vector<16xi32> to vector<16xf32>
      %and3A_615 = arith.andi %bitcast3A_606, %broadcast_in_dim3A_320 : vector<16xi32>
      %bitcast3A_616 = vector.bitcast %and3A_615 : vector<16xi32> to vector<16xf32>
      %add3A_617 = arith.addf %scan3A_547, %bitcast3A_614 : vector<16xf32>
      %add3A_618 = arith.addf %scan3A_548, %bitcast3A_616 : vector<16xf32>
      %add3A_619 = arith.addf %scan3A_549, %gather3A_610 : vector<16xf32>
      %get3A_620 = arith.constant 1 : i32
      %get3A_621 = arith.index_cast %get3A_620 : i32 to index
      %get3A_622 = arith.index_cast %scan3A_540 : i32 to index
      %get3A_623 = arith.constant 48 : index
      %get3A_624 = tpu.vector_load %arg6[%get3A_621, %get3A_622, %get3A_623] {strides = array<i32>} : memref<2x104x128xi32, #tpu.memory_space<vmem>>, vector<16xi32>,
      %gather3A_625 = tpu.vector_load_idx %arg5[%get3A_624] : memref<61440xf32, #tpu.memory_space<vmem>>[vector<16xi32>], vector<16xf32>,
      %bitcast3A_626 = vector.bitcast %gather3A_625 : vector<16xf32> to vector<16xi32>
      %add3A_627 = arith.constant 30720 : i32
      %add3A_628 = vector.broadcast %add3A_627 : i32 to vector<16xi32>
      %add3A_629 = arith.addi %get3A_624, %add3A_628 : vector<16xi32>
      %gather3A_630 = tpu.vector_load_idx %arg5[%add3A_629] : memref<61440xf32, #tpu.memory_space<vmem>>[vector<16xi32>], vector<16xf32>,
      %shift_left3A_631 = arith.constant 16 : i32
      %shift_left3A_632 = vector.broadcast %shift_left3A_631 : i32 to vector<16xi32>
      %shift_left3A_633 = arith.shli %bitcast3A_626, %shift_left3A_632 : vector<16xi32>
      %bitcast3A_634 = vector.bitcast %shift_left3A_633 : vector<16xi32> to vector<16xf32>
      %and3A_635 = arith.andi %bitcast3A_626, %broadcast_in_dim3A_320 : vector<16xi32>
      %bitcast3A_636 = vector.bitcast %and3A_635 : vector<16xi32> to vector<16xf32>
      %add3A_637 = arith.addf %scan3A_550, %bitcast3A_634 : vector<16xf32>
      %add3A_638 = arith.addf %scan3A_551, %bitcast3A_636 : vector<16xf32>
      %add3A_639 = arith.addf %scan3A_552, %gather3A_630 : vector<16xf32>
      %get3A_640 = arith.constant 1 : i32
      %get3A_641 = arith.index_cast %get3A_640 : i32 to index
      %get3A_642 = arith.index_cast %scan3A_540 : i32 to index
      %get3A_643 = arith.constant 64 : index
      %get3A_644 = tpu.vector_load %arg6[%get3A_641, %get3A_642, %get3A_643] {strides = array<i32>} : memref<2x104x128xi32, #tpu.memory_space<vmem>>, vector<16xi32>,
      %gather3A_645 = tpu.vector_load_idx %arg5[%get3A_644] : memref<61440xf32, #tpu.memory_space<vmem>>[vector<16xi32>], vector<16xf32>,
      %bitcast3A_646 = vector.bitcast %gather3A_645 : vector<16xf32> to vector<16xi32>
      %add3A_647 = arith.constant 30720 : i32
      %add3A_648 = vector.broadcast %add3A_647 : i32 to vector<16xi32>
      %add3A_649 = arith.addi %get3A_644, %add3A_648 : vector<16xi32>
      %gather3A_650 = tpu.vector_load_idx %arg5[%add3A_649] : memref<61440xf32, #tpu.memory_space<vmem>>[vector<16xi32>], vector<16xf32>,
      %shift_left3A_651 = arith.constant 16 : i32
      %shift_left3A_652 = vector.broadcast %shift_left3A_651 : i32 to vector<16xi32>
      %shift_left3A_653 = arith.shli %bitcast3A_646, %shift_left3A_652 : vector<16xi32>
      %bitcast3A_654 = vector.bitcast %shift_left3A_653 : vector<16xi32> to vector<16xf32>
      %and3A_655 = arith.andi %bitcast3A_646, %broadcast_in_dim3A_320 : vector<16xi32>
      %bitcast3A_656 = vector.bitcast %and3A_655 : vector<16xi32> to vector<16xf32>
      %add3A_657 = arith.addf %scan3A_553, %bitcast3A_654 : vector<16xf32>
      %add3A_658 = arith.addf %scan3A_554, %bitcast3A_656 : vector<16xf32>
      %add3A_659 = arith.addf %scan3A_555, %gather3A_650 : vector<16xf32>
      %get3A_660 = arith.constant 1 : i32
      %get3A_661 = arith.index_cast %get3A_660 : i32 to index
      %get3A_662 = arith.index_cast %scan3A_540 : i32 to index
      %get3A_663 = arith.constant 80 : index
      %get3A_664 = tpu.vector_load %arg6[%get3A_661, %get3A_662, %get3A_663] {strides = array<i32>} : memref<2x104x128xi32, #tpu.memory_space<vmem>>, vector<16xi32>,
      %gather3A_665 = tpu.vector_load_idx %arg5[%get3A_664] : memref<61440xf32, #tpu.memory_space<vmem>>[vector<16xi32>], vector<16xf32>,
      %bitcast3A_666 = vector.bitcast %gather3A_665 : vector<16xf32> to vector<16xi32>
      %add3A_667 = arith.constant 30720 : i32
      %add3A_668 = vector.broadcast %add3A_667 : i32 to vector<16xi32>
      %add3A_669 = arith.addi %get3A_664, %add3A_668 : vector<16xi32>
      %gather3A_670 = tpu.vector_load_idx %arg5[%add3A_669] : memref<61440xf32, #tpu.memory_space<vmem>>[vector<16xi32>], vector<16xf32>,
      %shift_left3A_671 = arith.constant 16 : i32
      %shift_left3A_672 = vector.broadcast %shift_left3A_671 : i32 to vector<16xi32>
      %shift_left3A_673 = arith.shli %bitcast3A_666, %shift_left3A_672 : vector<16xi32>
      %bitcast3A_674 = vector.bitcast %shift_left3A_673 : vector<16xi32> to vector<16xf32>
      %and3A_675 = arith.andi %bitcast3A_666, %broadcast_in_dim3A_320 : vector<16xi32>
      %bitcast3A_676 = vector.bitcast %and3A_675 : vector<16xi32> to vector<16xf32>
      %add3A_677 = arith.addf %scan3A_556, %bitcast3A_674 : vector<16xf32>
      %add3A_678 = arith.addf %scan3A_557, %bitcast3A_676 : vector<16xf32>
      %add3A_679 = arith.addf %scan3A_558, %gather3A_670 : vector<16xf32>
      %get3A_680 = arith.constant 1 : i32
      %get3A_681 = arith.index_cast %get3A_680 : i32 to index
      %get3A_682 = arith.index_cast %scan3A_540 : i32 to index
      %get3A_683 = arith.constant 96 : index
      %get3A_684 = tpu.vector_load %arg6[%get3A_681, %get3A_682, %get3A_683] {strides = array<i32>} : memref<2x104x128xi32, #tpu.memory_space<vmem>>, vector<16xi32>,
      %gather3A_685 = tpu.vector_load_idx %arg5[%get3A_684] : memref<61440xf32, #tpu.memory_space<vmem>>[vector<16xi32>], vector<16xf32>,
      %bitcast3A_686 = vector.bitcast %gather3A_685 : vector<16xf32> to vector<16xi32>
      %add3A_687 = arith.constant 30720 : i32
      %add3A_688 = vector.broadcast %add3A_687 : i32 to vector<16xi32>
      %add3A_689 = arith.addi %get3A_684, %add3A_688 : vector<16xi32>
      %gather3A_690 = tpu.vector_load_idx %arg5[%add3A_689] : memref<61440xf32, #tpu.memory_space<vmem>>[vector<16xi32>], vector<16xf32>,
      %shift_left3A_691 = arith.constant 16 : i32
      %shift_left3A_692 = vector.broadcast %shift_left3A_691 : i32 to vector<16xi32>
      %shift_left3A_693 = arith.shli %bitcast3A_686, %shift_left3A_692 : vector<16xi32>
      %bitcast3A_694 = vector.bitcast %shift_left3A_693 : vector<16xi32> to vector<16xf32>
      %and3A_695 = arith.andi %bitcast3A_686, %broadcast_in_dim3A_320 : vector<16xi32>
      %bitcast3A_696 = vector.bitcast %and3A_695 : vector<16xi32> to vector<16xf32>
      %add3A_697 = arith.addf %scan3A_559, %bitcast3A_694 : vector<16xf32>
      %add3A_698 = arith.addf %scan3A_560, %bitcast3A_696 : vector<16xf32>
      %add3A_699 = arith.addf %scan3A_561, %gather3A_690 : vector<16xf32>
      %get3A_700 = arith.constant 1 : i32
      %get3A_701 = arith.index_cast %get3A_700 : i32 to index
      %get3A_702 = arith.index_cast %scan3A_540 : i32 to index
      %get3A_703 = arith.constant 112 : index
      %get3A_704 = tpu.vector_load %arg6[%get3A_701, %get3A_702, %get3A_703] {strides = array<i32>} : memref<2x104x128xi32, #tpu.memory_space<vmem>>, vector<16xi32>,
      %gather3A_705 = tpu.vector_load_idx %arg5[%get3A_704] : memref<61440xf32, #tpu.memory_space<vmem>>[vector<16xi32>], vector<16xf32>,
      %bitcast3A_706 = vector.bitcast %gather3A_705 : vector<16xf32> to vector<16xi32>
      %add3A_707 = arith.constant 30720 : i32
      %add3A_708 = vector.broadcast %add3A_707 : i32 to vector<16xi32>
      %add3A_709 = arith.addi %get3A_704, %add3A_708 : vector<16xi32>
      %gather3A_710 = tpu.vector_load_idx %arg5[%add3A_709] : memref<61440xf32, #tpu.memory_space<vmem>>[vector<16xi32>], vector<16xf32>,
      %shift_left3A_711 = arith.constant 16 : i32
      %shift_left3A_712 = vector.broadcast %shift_left3A_711 : i32 to vector<16xi32>
      %shift_left3A_713 = arith.shli %bitcast3A_706, %shift_left3A_712 : vector<16xi32>
      %bitcast3A_714 = vector.bitcast %shift_left3A_713 : vector<16xi32> to vector<16xf32>
      %and3A_715 = arith.andi %bitcast3A_706, %broadcast_in_dim3A_320 : vector<16xi32>
      %bitcast3A_716 = vector.bitcast %and3A_715 : vector<16xi32> to vector<16xf32>
      %add3A_717 = arith.addf %scan3A_562, %bitcast3A_714 : vector<16xf32>
      %add3A_718 = arith.addf %scan3A_563, %bitcast3A_716 : vector<16xf32>
      %add3A_719 = arith.addf %scan3A_564, %gather3A_710 : vector<16xf32>
      %scan3A_720 = arith.constant 1 : i32
      %scan3A_721 = arith.addi %scan3A_540, %scan3A_720 : i32
      %get3A_722 = arith.constant 1 : i32
      %get3A_723 = arith.index_cast %get3A_722 : i32 to index
      %get3A_724 = arith.index_cast %scan3A_721 : i32 to index
      %get3A_725 = arith.constant 0 : index
      %get3A_726 = tpu.vector_load %arg6[%get3A_723, %get3A_724, %get3A_725] {strides = array<i32>} : memref<2x104x128xi32, #tpu.memory_space<vmem>>, vector<16xi32>,
      %gather3A_727 = tpu.vector_load_idx %arg5[%get3A_726] : memref<61440xf32, #tpu.memory_space<vmem>>[vector<16xi32>], vector<16xf32>,
      %bitcast3A_728 = vector.bitcast %gather3A_727 : vector<16xf32> to vector<16xi32>
      %add3A_729 = arith.constant 30720 : i32
      %add3A_730 = vector.broadcast %add3A_729 : i32 to vector<16xi32>
      %add3A_731 = arith.addi %get3A_726, %add3A_730 : vector<16xi32>
      %gather3A_732 = tpu.vector_load_idx %arg5[%add3A_731] : memref<61440xf32, #tpu.memory_space<vmem>>[vector<16xi32>], vector<16xf32>,
      %shift_left3A_733 = arith.constant 16 : i32
      %shift_left3A_734 = vector.broadcast %shift_left3A_733 : i32 to vector<16xi32>
      %shift_left3A_735 = arith.shli %bitcast3A_728, %shift_left3A_734 : vector<16xi32>
      %bitcast3A_736 = vector.bitcast %shift_left3A_735 : vector<16xi32> to vector<16xf32>
      %and3A_737 = arith.andi %bitcast3A_728, %broadcast_in_dim3A_320 : vector<16xi32>
      %bitcast3A_738 = vector.bitcast %and3A_737 : vector<16xi32> to vector<16xf32>
      %add3A_739 = arith.addf %add3A_577, %bitcast3A_736 : vector<16xf32>
      %add3A_740 = arith.addf %add3A_578, %bitcast3A_738 : vector<16xf32>
      %add3A_741 = arith.addf %add3A_579, %gather3A_732 : vector<16xf32>
      %get3A_742 = arith.constant 1 : i32
      %get3A_743 = arith.index_cast %get3A_742 : i32 to index
      %get3A_744 = arith.index_cast %scan3A_721 : i32 to index
      %get3A_745 = arith.constant 16 : index
      %get3A_746 = tpu.vector_load %arg6[%get3A_743, %get3A_744, %get3A_745] {strides = array<i32>} : memref<2x104x128xi32, #tpu.memory_space<vmem>>, vector<16xi32>,
      %gather3A_747 = tpu.vector_load_idx %arg5[%get3A_746] : memref<61440xf32, #tpu.memory_space<vmem>>[vector<16xi32>], vector<16xf32>,
      %bitcast3A_748 = vector.bitcast %gather3A_747 : vector<16xf32> to vector<16xi32>
      %add3A_749 = arith.constant 30720 : i32
      %add3A_750 = vector.broadcast %add3A_749 : i32 to vector<16xi32>
      %add3A_751 = arith.addi %get3A_746, %add3A_750 : vector<16xi32>
      %gather3A_752 = tpu.vector_load_idx %arg5[%add3A_751] : memref<61440xf32, #tpu.memory_space<vmem>>[vector<16xi32>], vector<16xf32>,
      %shift_left3A_753 = arith.constant 16 : i32
      %shift_left3A_754 = vector.broadcast %shift_left3A_753 : i32 to vector<16xi32>
      %shift_left3A_755 = arith.shli %bitcast3A_748, %shift_left3A_754 : vector<16xi32>
      %bitcast3A_756 = vector.bitcast %shift_left3A_755 : vector<16xi32> to vector<16xf32>
      %and3A_757 = arith.andi %bitcast3A_748, %broadcast_in_dim3A_320 : vector<16xi32>
      %bitcast3A_758 = vector.bitcast %and3A_757 : vector<16xi32> to vector<16xf32>
      %add3A_759 = arith.addf %add3A_597, %bitcast3A_756 : vector<16xf32>
      %add3A_760 = arith.addf %add3A_598, %bitcast3A_758 : vector<16xf32>
      %add3A_761 = arith.addf %add3A_599, %gather3A_752 : vector<16xf32>
      %get3A_762 = arith.constant 1 : i32
      %get3A_763 = arith.index_cast %get3A_762 : i32 to index
      %get3A_764 = arith.index_cast %scan3A_721 : i32 to index
      %get3A_765 = arith.constant 32 : index
      %get3A_766 = tpu.vector_load %arg6[%get3A_763, %get3A_764, %get3A_765] {strides = array<i32>} : memref<2x104x128xi32, #tpu.memory_space<vmem>>, vector<16xi32>,
      %gather3A_767 = tpu.vector_load_idx %arg5[%get3A_766] : memref<61440xf32, #tpu.memory_space<vmem>>[vector<16xi32>], vector<16xf32>,
      %bitcast3A_768 = vector.bitcast %gather3A_767 : vector<16xf32> to vector<16xi32>
      %add3A_769 = arith.constant 30720 : i32
      %add3A_770 = vector.broadcast %add3A_769 : i32 to vector<16xi32>
      %add3A_771 = arith.addi %get3A_766, %add3A_770 : vector<16xi32>
      %gather3A_772 = tpu.vector_load_idx %arg5[%add3A_771] : memref<61440xf32, #tpu.memory_space<vmem>>[vector<16xi32>], vector<16xf32>,
      %shift_left3A_773 = arith.constant 16 : i32
      %shift_left3A_774 = vector.broadcast %shift_left3A_773 : i32 to vector<16xi32>
      %shift_left3A_775 = arith.shli %bitcast3A_768, %shift_left3A_774 : vector<16xi32>
      %bitcast3A_776 = vector.bitcast %shift_left3A_775 : vector<16xi32> to vector<16xf32>
      %and3A_777 = arith.andi %bitcast3A_768, %broadcast_in_dim3A_320 : vector<16xi32>
      %bitcast3A_778 = vector.bitcast %and3A_777 : vector<16xi32> to vector<16xf32>
      %add3A_779 = arith.addf %add3A_617, %bitcast3A_776 : vector<16xf32>
      %add3A_780 = arith.addf %add3A_618, %bitcast3A_778 : vector<16xf32>
      %add3A_781 = arith.addf %add3A_619, %gather3A_772 : vector<16xf32>
      %get3A_782 = arith.constant 1 : i32
      %get3A_783 = arith.index_cast %get3A_782 : i32 to index
      %get3A_784 = arith.index_cast %scan3A_721 : i32 to index
      %get3A_785 = arith.constant 48 : index
      %get3A_786 = tpu.vector_load %arg6[%get3A_783, %get3A_784, %get3A_785] {strides = array<i32>} : memref<2x104x128xi32, #tpu.memory_space<vmem>>, vector<16xi32>,
      %gather3A_787 = tpu.vector_load_idx %arg5[%get3A_786] : memref<61440xf32, #tpu.memory_space<vmem>>[vector<16xi32>], vector<16xf32>,
      %bitcast3A_788 = vector.bitcast %gather3A_787 : vector<16xf32> to vector<16xi32>
      %add3A_789 = arith.constant 30720 : i32
      %add3A_790 = vector.broadcast %add3A_789 : i32 to vector<16xi32>
      %add3A_791 = arith.addi %get3A_786, %add3A_790 : vector<16xi32>
      %gather3A_792 = tpu.vector_load_idx %arg5[%add3A_791] : memref<61440xf32, #tpu.memory_space<vmem>>[vector<16xi32>], vector<16xf32>,
      %shift_left3A_793 = arith.constant 16 : i32
      %shift_left3A_794 = vector.broadcast %shift_left3A_793 : i32 to vector<16xi32>
      %shift_left3A_795 = arith.shli %bitcast3A_788, %shift_left3A_794 : vector<16xi32>
      %bitcast3A_796 = vector.bitcast %shift_left3A_795 : vector<16xi32> to vector<16xf32>
      %and3A_797 = arith.andi %bitcast3A_788, %broadcast_in_dim3A_320 : vector<16xi32>
      %bitcast3A_798 = vector.bitcast %and3A_797 : vector<16xi32> to vector<16xf32>
      %add3A_799 = arith.addf %add3A_637, %bitcast3A_796 : vector<16xf32>
      %add3A_800 = arith.addf %add3A_638, %bitcast3A_798 : vector<16xf32>
      %add3A_801 = arith.addf %add3A_639, %gather3A_792 : vector<16xf32>
      %get3A_802 = arith.constant 1 : i32
      %get3A_803 = arith.index_cast %get3A_802 : i32 to index
      %get3A_804 = arith.index_cast %scan3A_721 : i32 to index
      %get3A_805 = arith.constant 64 : index
      %get3A_806 = tpu.vector_load %arg6[%get3A_803, %get3A_804, %get3A_805] {strides = array<i32>} : memref<2x104x128xi32, #tpu.memory_space<vmem>>, vector<16xi32>,
      %gather3A_807 = tpu.vector_load_idx %arg5[%get3A_806] : memref<61440xf32, #tpu.memory_space<vmem>>[vector<16xi32>], vector<16xf32>,
      %bitcast3A_808 = vector.bitcast %gather3A_807 : vector<16xf32> to vector<16xi32>
      %add3A_809 = arith.constant 30720 : i32
      %add3A_810 = vector.broadcast %add3A_809 : i32 to vector<16xi32>
      %add3A_811 = arith.addi %get3A_806, %add3A_810 : vector<16xi32>
      %gather3A_812 = tpu.vector_load_idx %arg5[%add3A_811] : memref<61440xf32, #tpu.memory_space<vmem>>[vector<16xi32>], vector<16xf32>,
      %shift_left3A_813 = arith.constant 16 : i32
      %shift_left3A_814 = vector.broadcast %shift_left3A_813 : i32 to vector<16xi32>
      %shift_left3A_815 = arith.shli %bitcast3A_808, %shift_left3A_814 : vector<16xi32>
      %bitcast3A_816 = vector.bitcast %shift_left3A_815 : vector<16xi32> to vector<16xf32>
      %and3A_817 = arith.andi %bitcast3A_808, %broadcast_in_dim3A_320 : vector<16xi32>
      %bitcast3A_818 = vector.bitcast %and3A_817 : vector<16xi32> to vector<16xf32>
      %add3A_819 = arith.addf %add3A_657, %bitcast3A_816 : vector<16xf32>
      %add3A_820 = arith.addf %add3A_658, %bitcast3A_818 : vector<16xf32>
      %add3A_821 = arith.addf %add3A_659, %gather3A_812 : vector<16xf32>
      %get3A_822 = arith.constant 1 : i32
      %get3A_823 = arith.index_cast %get3A_822 : i32 to index
      %get3A_824 = arith.index_cast %scan3A_721 : i32 to index
      %get3A_825 = arith.constant 80 : index
      %get3A_826 = tpu.vector_load %arg6[%get3A_823, %get3A_824, %get3A_825] {strides = array<i32>} : memref<2x104x128xi32, #tpu.memory_space<vmem>>, vector<16xi32>,
      %gather3A_827 = tpu.vector_load_idx %arg5[%get3A_826] : memref<61440xf32, #tpu.memory_space<vmem>>[vector<16xi32>], vector<16xf32>,
      %bitcast3A_828 = vector.bitcast %gather3A_827 : vector<16xf32> to vector<16xi32>
      %add3A_829 = arith.constant 30720 : i32
      %add3A_830 = vector.broadcast %add3A_829 : i32 to vector<16xi32>
      %add3A_831 = arith.addi %get3A_826, %add3A_830 : vector<16xi32>
      %gather3A_832 = tpu.vector_load_idx %arg5[%add3A_831] : memref<61440xf32, #tpu.memory_space<vmem>>[vector<16xi32>], vector<16xf32>,
      %shift_left3A_833 = arith.constant 16 : i32
      %shift_left3A_834 = vector.broadcast %shift_left3A_833 : i32 to vector<16xi32>
      %shift_left3A_835 = arith.shli %bitcast3A_828, %shift_left3A_834 : vector<16xi32>
      %bitcast3A_836 = vector.bitcast %shift_left3A_835 : vector<16xi32> to vector<16xf32>
      %and3A_837 = arith.andi %bitcast3A_828, %broadcast_in_dim3A_320 : vector<16xi32>
      %bitcast3A_838 = vector.bitcast %and3A_837 : vector<16xi32> to vector<16xf32>
      %add3A_839 = arith.addf %add3A_677, %bitcast3A_836 : vector<16xf32>
      %add3A_840 = arith.addf %add3A_678, %bitcast3A_838 : vector<16xf32>
      %add3A_841 = arith.addf %add3A_679, %gather3A_832 : vector<16xf32>
      %get3A_842 = arith.constant 1 : i32
      %get3A_843 = arith.index_cast %get3A_842 : i32 to index
      %get3A_844 = arith.index_cast %scan3A_721 : i32 to index
      %get3A_845 = arith.constant 96 : index
      %get3A_846 = tpu.vector_load %arg6[%get3A_843, %get3A_844, %get3A_845] {strides = array<i32>} : memref<2x104x128xi32, #tpu.memory_space<vmem>>, vector<16xi32>,
      %gather3A_847 = tpu.vector_load_idx %arg5[%get3A_846] : memref<61440xf32, #tpu.memory_space<vmem>>[vector<16xi32>], vector<16xf32>,
      %bitcast3A_848 = vector.bitcast %gather3A_847 : vector<16xf32> to vector<16xi32>
      %add3A_849 = arith.constant 30720 : i32
      %add3A_850 = vector.broadcast %add3A_849 : i32 to vector<16xi32>
      %add3A_851 = arith.addi %get3A_846, %add3A_850 : vector<16xi32>
      %gather3A_852 = tpu.vector_load_idx %arg5[%add3A_851] : memref<61440xf32, #tpu.memory_space<vmem>>[vector<16xi32>], vector<16xf32>,
      %shift_left3A_853 = arith.constant 16 : i32
      %shift_left3A_854 = vector.broadcast %shift_left3A_853 : i32 to vector<16xi32>
      %shift_left3A_855 = arith.shli %bitcast3A_848, %shift_left3A_854 : vector<16xi32>
      %bitcast3A_856 = vector.bitcast %shift_left3A_855 : vector<16xi32> to vector<16xf32>
      %and3A_857 = arith.andi %bitcast3A_848, %broadcast_in_dim3A_320 : vector<16xi32>
      %bitcast3A_858 = vector.bitcast %and3A_857 : vector<16xi32> to vector<16xf32>
      %add3A_859 = arith.addf %add3A_697, %bitcast3A_856 : vector<16xf32>
      %add3A_860 = arith.addf %add3A_698, %bitcast3A_858 : vector<16xf32>
      %add3A_861 = arith.addf %add3A_699, %gather3A_852 : vector<16xf32>
      %get3A_862 = arith.constant 1 : i32
      %get3A_863 = arith.index_cast %get3A_862 : i32 to index
      %get3A_864 = arith.index_cast %scan3A_721 : i32 to index
      %get3A_865 = arith.constant 112 : index
      %get3A_866 = tpu.vector_load %arg6[%get3A_863, %get3A_864, %get3A_865] {strides = array<i32>} : memref<2x104x128xi32, #tpu.memory_space<vmem>>, vector<16xi32>,
      %gather3A_867 = tpu.vector_load_idx %arg5[%get3A_866] : memref<61440xf32, #tpu.memory_space<vmem>>[vector<16xi32>], vector<16xf32>,
      %bitcast3A_868 = vector.bitcast %gather3A_867 : vector<16xf32> to vector<16xi32>
      %add3A_869 = arith.constant 30720 : i32
      %add3A_870 = vector.broadcast %add3A_869 : i32 to vector<16xi32>
      %add3A_871 = arith.addi %get3A_866, %add3A_870 : vector<16xi32>
      %gather3A_872 = tpu.vector_load_idx %arg5[%add3A_871] : memref<61440xf32, #tpu.memory_space<vmem>>[vector<16xi32>], vector<16xf32>,
      %shift_left3A_873 = arith.constant 16 : i32
      %shift_left3A_874 = vector.broadcast %shift_left3A_873 : i32 to vector<16xi32>
      %shift_left3A_875 = arith.shli %bitcast3A_868, %shift_left3A_874 : vector<16xi32>
      %bitcast3A_876 = vector.bitcast %shift_left3A_875 : vector<16xi32> to vector<16xf32>
      %and3A_877 = arith.andi %bitcast3A_868, %broadcast_in_dim3A_320 : vector<16xi32>
      %bitcast3A_878 = vector.bitcast %and3A_877 : vector<16xi32> to vector<16xf32>
      %add3A_879 = arith.addf %add3A_717, %bitcast3A_876 : vector<16xf32>
      %add3A_880 = arith.addf %add3A_718, %bitcast3A_878 : vector<16xf32>
      %add3A_881 = arith.addf %add3A_719, %gather3A_872 : vector<16xf32>
      scf.yield %add3A_739, %add3A_740, %add3A_741, %add3A_759, %add3A_760, %add3A_761, %add3A_779, %add3A_780, %add3A_781, %add3A_799, %add3A_800, %add3A_801, %add3A_819, %add3A_820, %add3A_821, %add3A_839, %add3A_840, %add3A_841, %add3A_859, %add3A_860, %add3A_861, %add3A_879, %add3A_880, %add3A_881 : vector<16xf32>, vector<16xf32>, vector<16xf32>, vector<16xf32>, vector<16xf32>, vector<16xf32>, vector<16xf32>, vector<16xf32>, vector<16xf32>, vector<16xf32>, vector<16xf32>, vector<16xf32>, vector<16xf32>, vector<16xf32>, vector<16xf32>, vector<16xf32>, vector<16xf32>, vector<16xf32>, vector<16xf32>, vector<16xf32>, vector<16xf32>, vector<16xf32>, vector<16xf32>, vector<16xf32>
    }
    %scan3A_326 = arith.constant 104 : i32
    %swap3A_327 = arith.constant 256 : index
    %swap3A_328 = tpu.vector_load %arg7[%swap3A_327] {strides = array<i32>} : memref<1536xf32, #tpu.memory_space<vmem>>, vector<16xf32>,
    tpu.vector_store %arg7[%swap3A_327], %scan3A_325#0 {strides = array<i32>} : memref<1536xf32, #tpu.memory_space<vmem>>, vector<16xf32>,
    %swap3A_329 = arith.constant 768 : index
    %swap3A_330 = tpu.vector_load %arg7[%swap3A_329] {strides = array<i32>} : memref<1536xf32, #tpu.memory_space<vmem>>, vector<16xf32>,
    tpu.vector_store %arg7[%swap3A_329], %scan3A_325#1 {strides = array<i32>} : memref<1536xf32, #tpu.memory_space<vmem>>, vector<16xf32>,
    %swap3A_331 = arith.constant 1280 : index
    %swap3A_332 = tpu.vector_load %arg7[%swap3A_331] {strides = array<i32>} : memref<1536xf32, #tpu.memory_space<vmem>>, vector<16xf32>,
    tpu.vector_store %arg7[%swap3A_331], %scan3A_325#2 {strides = array<i32>} : memref<1536xf32, #tpu.memory_space<vmem>>, vector<16xf32>,
    %swap3A_333 = arith.constant 272 : index
    %swap3A_334 = tpu.vector_load %arg7[%swap3A_333] {strides = array<i32>} : memref<1536xf32, #tpu.memory_space<vmem>>, vector<16xf32>,
    tpu.vector_store %arg7[%swap3A_333], %scan3A_325#3 {strides = array<i32>} : memref<1536xf32, #tpu.memory_space<vmem>>, vector<16xf32>,
    %swap3A_335 = arith.constant 784 : index
    %swap3A_336 = tpu.vector_load %arg7[%swap3A_335] {strides = array<i32>} : memref<1536xf32, #tpu.memory_space<vmem>>, vector<16xf32>,
    tpu.vector_store %arg7[%swap3A_335], %scan3A_325#4 {strides = array<i32>} : memref<1536xf32, #tpu.memory_space<vmem>>, vector<16xf32>,
    %swap3A_337 = arith.constant 1296 : index
    %swap3A_338 = tpu.vector_load %arg7[%swap3A_337] {strides = array<i32>} : memref<1536xf32, #tpu.memory_space<vmem>>, vector<16xf32>,
    tpu.vector_store %arg7[%swap3A_337], %scan3A_325#5 {strides = array<i32>} : memref<1536xf32, #tpu.memory_space<vmem>>, vector<16xf32>,
    %swap3A_339 = arith.constant 288 : index
    %swap3A_340 = tpu.vector_load %arg7[%swap3A_339] {strides = array<i32>} : memref<1536xf32, #tpu.memory_space<vmem>>, vector<16xf32>,
    tpu.vector_store %arg7[%swap3A_339], %scan3A_325#6 {strides = array<i32>} : memref<1536xf32, #tpu.memory_space<vmem>>, vector<16xf32>,
    %swap3A_341 = arith.constant 800 : index
    %swap3A_342 = tpu.vector_load %arg7[%swap3A_341] {strides = array<i32>} : memref<1536xf32, #tpu.memory_space<vmem>>, vector<16xf32>,
    tpu.vector_store %arg7[%swap3A_341], %scan3A_325#7 {strides = array<i32>} : memref<1536xf32, #tpu.memory_space<vmem>>, vector<16xf32>,
    %swap3A_343 = arith.constant 1312 : index
    %swap3A_344 = tpu.vector_load %arg7[%swap3A_343] {strides = array<i32>} : memref<1536xf32, #tpu.memory_space<vmem>>, vector<16xf32>,
    tpu.vector_store %arg7[%swap3A_343], %scan3A_325#8 {strides = array<i32>} : memref<1536xf32, #tpu.memory_space<vmem>>, vector<16xf32>,
    %swap3A_345 = arith.constant 304 : index
    %swap3A_346 = tpu.vector_load %arg7[%swap3A_345] {strides = array<i32>} : memref<1536xf32, #tpu.memory_space<vmem>>, vector<16xf32>,
    tpu.vector_store %arg7[%swap3A_345], %scan3A_325#9 {strides = array<i32>} : memref<1536xf32, #tpu.memory_space<vmem>>, vector<16xf32>,
    %swap3A_347 = arith.constant 816 : index
    %swap3A_348 = tpu.vector_load %arg7[%swap3A_347] {strides = array<i32>} : memref<1536xf32, #tpu.memory_space<vmem>>, vector<16xf32>,
    tpu.vector_store %arg7[%swap3A_347], %scan3A_325#10 {strides = array<i32>} : memref<1536xf32, #tpu.memory_space<vmem>>, vector<16xf32>,
    %swap3A_349 = arith.constant 1328 : index
    %swap3A_350 = tpu.vector_load %arg7[%swap3A_349] {strides = array<i32>} : memref<1536xf32, #tpu.memory_space<vmem>>, vector<16xf32>,
    tpu.vector_store %arg7[%swap3A_349], %scan3A_325#11 {strides = array<i32>} : memref<1536xf32, #tpu.memory_space<vmem>>, vector<16xf32>,
    %swap3A_351 = arith.constant 320 : index
    %swap3A_352 = tpu.vector_load %arg7[%swap3A_351] {strides = array<i32>} : memref<1536xf32, #tpu.memory_space<vmem>>, vector<16xf32>,
    tpu.vector_store %arg7[%swap3A_351], %scan3A_325#12 {strides = array<i32>} : memref<1536xf32, #tpu.memory_space<vmem>>, vector<16xf32>,
    %swap3A_353 = arith.constant 832 : index
    %swap3A_354 = tpu.vector_load %arg7[%swap3A_353] {strides = array<i32>} : memref<1536xf32, #tpu.memory_space<vmem>>, vector<16xf32>,
    tpu.vector_store %arg7[%swap3A_353], %scan3A_325#13 {strides = array<i32>} : memref<1536xf32, #tpu.memory_space<vmem>>, vector<16xf32>,
    %swap3A_355 = arith.constant 1344 : index
    %swap3A_356 = tpu.vector_load %arg7[%swap3A_355] {strides = array<i32>} : memref<1536xf32, #tpu.memory_space<vmem>>, vector<16xf32>,
    tpu.vector_store %arg7[%swap3A_355], %scan3A_325#14 {strides = array<i32>} : memref<1536xf32, #tpu.memory_space<vmem>>, vector<16xf32>,
    %swap3A_357 = arith.constant 336 : index
    %swap3A_358 = tpu.vector_load %arg7[%swap3A_357] {strides = array<i32>} : memref<1536xf32, #tpu.memory_space<vmem>>, vector<16xf32>,
    tpu.vector_store %arg7[%swap3A_357], %scan3A_325#15 {strides = array<i32>} : memref<1536xf32, #tpu.memory_space<vmem>>, vector<16xf32>,
    %swap3A_359 = arith.constant 848 : index
    %swap3A_360 = tpu.vector_load %arg7[%swap3A_359] {strides = array<i32>} : memref<1536xf32, #tpu.memory_space<vmem>>, vector<16xf32>,
    tpu.vector_store %arg7[%swap3A_359], %scan3A_325#16 {strides = array<i32>} : memref<1536xf32, #tpu.memory_space<vmem>>, vector<16xf32>,
    %swap3A_361 = arith.constant 1360 : index
    %swap3A_362 = tpu.vector_load %arg7[%swap3A_361] {strides = array<i32>} : memref<1536xf32, #tpu.memory_space<vmem>>, vector<16xf32>,
    tpu.vector_store %arg7[%swap3A_361], %scan3A_325#17 {strides = array<i32>} : memref<1536xf32, #tpu.memory_space<vmem>>, vector<16xf32>,
    %swap3A_363 = arith.constant 352 : index
    %swap3A_364 = tpu.vector_load %arg7[%swap3A_363] {strides = array<i32>} : memref<1536xf32, #tpu.memory_space<vmem>>, vector<16xf32>,
    tpu.vector_store %arg7[%swap3A_363], %scan3A_325#18 {strides = array<i32>} : memref<1536xf32, #tpu.memory_space<vmem>>, vector<16xf32>,
    %swap3A_365 = arith.constant 864 : index
    %swap3A_366 = tpu.vector_load %arg7[%swap3A_365] {strides = array<i32>} : memref<1536xf32, #tpu.memory_space<vmem>>, vector<16xf32>,
    tpu.vector_store %arg7[%swap3A_365], %scan3A_325#19 {strides = array<i32>} : memref<1536xf32, #tpu.memory_space<vmem>>, vector<16xf32>,
    %swap3A_367 = arith.constant 1376 : index
    %swap3A_368 = tpu.vector_load %arg7[%swap3A_367] {strides = array<i32>} : memref<1536xf32, #tpu.memory_space<vmem>>, vector<16xf32>,
    tpu.vector_store %arg7[%swap3A_367], %scan3A_325#20 {strides = array<i32>} : memref<1536xf32, #tpu.memory_space<vmem>>, vector<16xf32>,
    %swap3A_369 = arith.constant 368 : index
    %swap3A_370 = tpu.vector_load %arg7[%swap3A_369] {strides = array<i32>} : memref<1536xf32, #tpu.memory_space<vmem>>, vector<16xf32>,
    tpu.vector_store %arg7[%swap3A_369], %scan3A_325#21 {strides = array<i32>} : memref<1536xf32, #tpu.memory_space<vmem>>, vector<16xf32>,
    %swap3A_371 = arith.constant 880 : index
    %swap3A_372 = tpu.vector_load %arg7[%swap3A_371] {strides = array<i32>} : memref<1536xf32, #tpu.memory_space<vmem>>, vector<16xf32>,
    tpu.vector_store %arg7[%swap3A_371], %scan3A_325#22 {strides = array<i32>} : memref<1536xf32, #tpu.memory_space<vmem>>, vector<16xf32>,
    %swap3A_373 = arith.constant 1392 : index
    %swap3A_374 = tpu.vector_load %arg7[%swap3A_373] {strides = array<i32>} : memref<1536xf32, #tpu.memory_space<vmem>>, vector<16xf32>,
    tpu.vector_store %arg7[%swap3A_373], %scan3A_325#23 {strides = array<i32>} : memref<1536xf32, #tpu.memory_space<vmem>>, vector<16xf32>,
    %add3A_375 = arith.constant 384 : i32
    %add3A_376 = arith.addi %mul3A_2, %add3A_375 : i32
    %dma_start3A_377 = arith.constant 1 : i32
    %dma_start3A_378 = arith.constant 0 : i32
    %dma_start3A_379 = arith.constant 0 : i32
    %dma_start3A_380 = tpu.memref_slice %arg6[%dma_start3A_377, %dma_start3A_378, %dma_start3A_379] : memref<2x104x128xi32, #tpu.memory_space<vmem>> -> memref<1x104x128xi32, #tpu.memory_space<vmem>>
    %dma_start3A_381 = tpu.memref_squeeze %dma_start3A_380 : memref<1x104x128xi32, #tpu.memory_space<vmem>> -> memref<104x128xi32, #tpu.memory_space<vmem>>
    %dma_start3A_382 = arith.constant 96 : i32
    %dma_start3A_383 = tpu.memref_slice %arg3[%dma_start3A_382, %add3A_376] : memref<200x16384xi32, #tpu.memory_space<hbm>> -> memref<104x128xi32, #tpu.memory_space<hbm>>
    %dma_start3A_384 = arith.constant 0 : i32
    %dma_start3A_385 = arith.constant 0 : i32
    %dma_start3A_386 = tpu.memref_slice %arg6[%dma_start3A_377, %dma_start3A_384, %dma_start3A_385] : memref<2x104x128xi32, #tpu.memory_space<vmem>> -> memref<1x104x128xi32, #tpu.memory_space<vmem>>
    %dma_start3A_387 = tpu.memref_squeeze %dma_start3A_386 : memref<1x104x128xi32, #tpu.memory_space<vmem>> -> memref<104x128xi32, #tpu.memory_space<vmem>>
    %dma_start3A_388 = arith.constant 96 : i32
    %dma_start3A_389 = tpu.memref_slice %arg3[%dma_start3A_388, %add3A_376] : memref<200x16384xi32, #tpu.memory_space<hbm>> -> memref<104x128xi32, #tpu.memory_space<hbm>>
    tpu.enqueue_dma source(%dma_start3A_389 : memref<104x128xi32, #tpu.memory_space<hbm>>) target(%dma_start3A_387 : memref<104x128xi32, #tpu.memory_space<vmem>>) target_semaphore(%arg10 : memref<!tpu.dma_semaphore, #tpu.memory_space<semaphore_mem>>)
    %dma_wait3A_390 = arith.constant 0 : i32
    %dma_wait3A_391 = arith.constant 0 : i32
    %dma_wait3A_392 = arith.constant 0 : i32
    %dma_wait3A_393 = tpu.memref_slice %arg6[%dma_wait3A_390, %dma_wait3A_391, %dma_wait3A_392] : memref<2x104x128xi32, #tpu.memory_space<vmem>> -> memref<1x96x128xi32, #tpu.memory_space<vmem>>
    %dma_wait3A_394 = tpu.memref_squeeze %dma_wait3A_393 : memref<1x96x128xi32, #tpu.memory_space<vmem>> -> memref<96x128xi32, #tpu.memory_space<vmem>>
    %dma_wait3A_395 = arith.constant 0 : i32
    %dma_wait3A_396 = tpu.memref_slice %arg3[%dma_wait3A_395, %add3A_292] : memref<200x16384xi32, #tpu.memory_space<hbm>> -> memref<96x128xi32, #tpu.memory_space<hbm>>
    %dma_wait3A_397 = arith.constant 0 : i32
    %dma_wait3A_398 = arith.constant 0 : i32
    %dma_wait3A_399 = tpu.memref_slice %arg6[%dma_wait3A_390, %dma_wait3A_397, %dma_wait3A_398] : memref<2x104x128xi32, #tpu.memory_space<vmem>> -> memref<1x96x128xi32, #tpu.memory_space<vmem>>
    %dma_wait3A_400 = tpu.memref_squeeze %dma_wait3A_399 : memref<1x96x128xi32, #tpu.memory_space<vmem>> -> memref<96x128xi32, #tpu.memory_space<vmem>>
    %dma_wait3A_401 = arith.constant 0 : i32
    %dma_wait3A_402 = tpu.memref_slice %arg3[%dma_wait3A_401, %add3A_292] : memref<200x16384xi32, #tpu.memory_space<hbm>> -> memref<96x128xi32, #tpu.memory_space<hbm>>
    tpu.wait_dma2 semaphore(%arg9 : memref<!tpu.dma_semaphore, #tpu.memory_space<semaphore_mem>>) src(%dma_wait3A_402 : memref<96x128xi32, #tpu.memory_space<hbm>>) dst(%dma_wait3A_400 : memref<96x128xi32, #tpu.memory_space<vmem>>)
    %broadcast_in_dim3A_403 = arith.constant -65536 : i32
    %broadcast_in_dim3A_404 = vector.broadcast %broadcast_in_dim3A_403 : i32 to vector<16xi32>
    %scan3A_405 = arith.constant 0 : i32
    %scan3A_406 = arith.constant 96 : i32
    %scan3A_407 = arith.addi %scan3A_405, %scan3A_406 : i32
    %scan3A_408 = arith.constant 2 : i32
    %scan3A_409:24 = scf.for %scan3A_540 = %scan3A_405 to %scan3A_407 step %scan3A_408 iter_args(%scan3A_541 = %broadcast_in_dim3A_17, %scan3A_542 = %broadcast_in_dim3A_17, %scan3A_543 = %broadcast_in_dim3A_17, %scan3A_544 = %broadcast_in_dim3A_17, %scan3A_545 = %broadcast_in_dim3A_17, %scan3A_546 = %broadcast_in_dim3A_17, %scan3A_547 = %broadcast_in_dim3A_17, %scan3A_548 = %broadcast_in_dim3A_17, %scan3A_549 = %broadcast_in_dim3A_17, %scan3A_550 = %broadcast_in_dim3A_17, %scan3A_551 = %broadcast_in_dim3A_17, %scan3A_552 = %broadcast_in_dim3A_17, %scan3A_553 = %broadcast_in_dim3A_17, %scan3A_554 = %broadcast_in_dim3A_17, %scan3A_555 = %broadcast_in_dim3A_17, %scan3A_556 = %broadcast_in_dim3A_17, %scan3A_557 = %broadcast_in_dim3A_17, %scan3A_558 = %broadcast_in_dim3A_17, %scan3A_559 = %broadcast_in_dim3A_17, %scan3A_560 = %broadcast_in_dim3A_17, %scan3A_561 = %broadcast_in_dim3A_17, %scan3A_562 = %broadcast_in_dim3A_17, %scan3A_563 = %broadcast_in_dim3A_17, %scan3A_564 = %broadcast_in_dim3A_17) -> (vector<16xf32>, vector<16xf32>, vector<16xf32>, vector<16xf32>, vector<16xf32>, vector<16xf32>, vector<16xf32>, vector<16xf32>, vector<16xf32>, vector<16xf32>, vector<16xf32>, vector<16xf32>, vector<16xf32>, vector<16xf32>, vector<16xf32>, vector<16xf32>, vector<16xf32>, vector<16xf32>, vector<16xf32>, vector<16xf32>, vector<16xf32>, vector<16xf32>, vector<16xf32>, vector<16xf32>)  : i32 {
      %get3A = arith.constant 0 : i32
      %get3A_565 = arith.index_cast %get3A : i32 to index
      %get3A_566 = arith.index_cast %scan3A_540 : i32 to index
      %get3A_567 = arith.constant 0 : index
      %get3A_568 = tpu.vector_load %arg6[%get3A_565, %get3A_566, %get3A_567] {strides = array<i32>} : memref<2x104x128xi32, #tpu.memory_space<vmem>>, vector<16xi32>,
      %gather3A = tpu.vector_load_idx %arg5[%get3A_568] : memref<61440xf32, #tpu.memory_space<vmem>>[vector<16xi32>], vector<16xf32>,
      %bitcast3A = vector.bitcast %gather3A : vector<16xf32> to vector<16xi32>
      %add3A_569 = arith.constant 30720 : i32
      %add3A_570 = vector.broadcast %add3A_569 : i32 to vector<16xi32>
      %add3A_571 = arith.addi %get3A_568, %add3A_570 : vector<16xi32>
      %gather3A_572 = tpu.vector_load_idx %arg5[%add3A_571] : memref<61440xf32, #tpu.memory_space<vmem>>[vector<16xi32>], vector<16xf32>,
      %shift_left3A = arith.constant 16 : i32
      %shift_left3A_573 = vector.broadcast %shift_left3A : i32 to vector<16xi32>
      %shift_left3A_574 = arith.shli %bitcast3A, %shift_left3A_573 : vector<16xi32>
      %bitcast3A_575 = vector.bitcast %shift_left3A_574 : vector<16xi32> to vector<16xf32>
      %and3A = arith.andi %bitcast3A, %broadcast_in_dim3A_404 : vector<16xi32>
      %bitcast3A_576 = vector.bitcast %and3A : vector<16xi32> to vector<16xf32>
      %add3A_577 = arith.addf %scan3A_541, %bitcast3A_575 : vector<16xf32>
      %add3A_578 = arith.addf %scan3A_542, %bitcast3A_576 : vector<16xf32>
      %add3A_579 = arith.addf %scan3A_543, %gather3A_572 : vector<16xf32>
      %get3A_580 = arith.constant 0 : i32
      %get3A_581 = arith.index_cast %get3A_580 : i32 to index
      %get3A_582 = arith.index_cast %scan3A_540 : i32 to index
      %get3A_583 = arith.constant 16 : index
      %get3A_584 = tpu.vector_load %arg6[%get3A_581, %get3A_582, %get3A_583] {strides = array<i32>} : memref<2x104x128xi32, #tpu.memory_space<vmem>>, vector<16xi32>,
      %gather3A_585 = tpu.vector_load_idx %arg5[%get3A_584] : memref<61440xf32, #tpu.memory_space<vmem>>[vector<16xi32>], vector<16xf32>,
      %bitcast3A_586 = vector.bitcast %gather3A_585 : vector<16xf32> to vector<16xi32>
      %add3A_587 = arith.constant 30720 : i32
      %add3A_588 = vector.broadcast %add3A_587 : i32 to vector<16xi32>
      %add3A_589 = arith.addi %get3A_584, %add3A_588 : vector<16xi32>
      %gather3A_590 = tpu.vector_load_idx %arg5[%add3A_589] : memref<61440xf32, #tpu.memory_space<vmem>>[vector<16xi32>], vector<16xf32>,
      %shift_left3A_591 = arith.constant 16 : i32
      %shift_left3A_592 = vector.broadcast %shift_left3A_591 : i32 to vector<16xi32>
      %shift_left3A_593 = arith.shli %bitcast3A_586, %shift_left3A_592 : vector<16xi32>
      %bitcast3A_594 = vector.bitcast %shift_left3A_593 : vector<16xi32> to vector<16xf32>
      %and3A_595 = arith.andi %bitcast3A_586, %broadcast_in_dim3A_404 : vector<16xi32>
      %bitcast3A_596 = vector.bitcast %and3A_595 : vector<16xi32> to vector<16xf32>
      %add3A_597 = arith.addf %scan3A_544, %bitcast3A_594 : vector<16xf32>
      %add3A_598 = arith.addf %scan3A_545, %bitcast3A_596 : vector<16xf32>
      %add3A_599 = arith.addf %scan3A_546, %gather3A_590 : vector<16xf32>
      %get3A_600 = arith.constant 0 : i32
      %get3A_601 = arith.index_cast %get3A_600 : i32 to index
      %get3A_602 = arith.index_cast %scan3A_540 : i32 to index
      %get3A_603 = arith.constant 32 : index
      %get3A_604 = tpu.vector_load %arg6[%get3A_601, %get3A_602, %get3A_603] {strides = array<i32>} : memref<2x104x128xi32, #tpu.memory_space<vmem>>, vector<16xi32>,
      %gather3A_605 = tpu.vector_load_idx %arg5[%get3A_604] : memref<61440xf32, #tpu.memory_space<vmem>>[vector<16xi32>], vector<16xf32>,
      %bitcast3A_606 = vector.bitcast %gather3A_605 : vector<16xf32> to vector<16xi32>
      %add3A_607 = arith.constant 30720 : i32
      %add3A_608 = vector.broadcast %add3A_607 : i32 to vector<16xi32>
      %add3A_609 = arith.addi %get3A_604, %add3A_608 : vector<16xi32>
      %gather3A_610 = tpu.vector_load_idx %arg5[%add3A_609] : memref<61440xf32, #tpu.memory_space<vmem>>[vector<16xi32>], vector<16xf32>,
      %shift_left3A_611 = arith.constant 16 : i32
      %shift_left3A_612 = vector.broadcast %shift_left3A_611 : i32 to vector<16xi32>
      %shift_left3A_613 = arith.shli %bitcast3A_606, %shift_left3A_612 : vector<16xi32>
      %bitcast3A_614 = vector.bitcast %shift_left3A_613 : vector<16xi32> to vector<16xf32>
      %and3A_615 = arith.andi %bitcast3A_606, %broadcast_in_dim3A_404 : vector<16xi32>
      %bitcast3A_616 = vector.bitcast %and3A_615 : vector<16xi32> to vector<16xf32>
      %add3A_617 = arith.addf %scan3A_547, %bitcast3A_614 : vector<16xf32>
      %add3A_618 = arith.addf %scan3A_548, %bitcast3A_616 : vector<16xf32>
      %add3A_619 = arith.addf %scan3A_549, %gather3A_610 : vector<16xf32>
      %get3A_620 = arith.constant 0 : i32
      %get3A_621 = arith.index_cast %get3A_620 : i32 to index
      %get3A_622 = arith.index_cast %scan3A_540 : i32 to index
      %get3A_623 = arith.constant 48 : index
      %get3A_624 = tpu.vector_load %arg6[%get3A_621, %get3A_622, %get3A_623] {strides = array<i32>} : memref<2x104x128xi32, #tpu.memory_space<vmem>>, vector<16xi32>,
      %gather3A_625 = tpu.vector_load_idx %arg5[%get3A_624] : memref<61440xf32, #tpu.memory_space<vmem>>[vector<16xi32>], vector<16xf32>,
      %bitcast3A_626 = vector.bitcast %gather3A_625 : vector<16xf32> to vector<16xi32>
      %add3A_627 = arith.constant 30720 : i32
      %add3A_628 = vector.broadcast %add3A_627 : i32 to vector<16xi32>
      %add3A_629 = arith.addi %get3A_624, %add3A_628 : vector<16xi32>
      %gather3A_630 = tpu.vector_load_idx %arg5[%add3A_629] : memref<61440xf32, #tpu.memory_space<vmem>>[vector<16xi32>], vector<16xf32>,
      %shift_left3A_631 = arith.constant 16 : i32
      %shift_left3A_632 = vector.broadcast %shift_left3A_631 : i32 to vector<16xi32>
      %shift_left3A_633 = arith.shli %bitcast3A_626, %shift_left3A_632 : vector<16xi32>
      %bitcast3A_634 = vector.bitcast %shift_left3A_633 : vector<16xi32> to vector<16xf32>
      %and3A_635 = arith.andi %bitcast3A_626, %broadcast_in_dim3A_404 : vector<16xi32>
      %bitcast3A_636 = vector.bitcast %and3A_635 : vector<16xi32> to vector<16xf32>
      %add3A_637 = arith.addf %scan3A_550, %bitcast3A_634 : vector<16xf32>
      %add3A_638 = arith.addf %scan3A_551, %bitcast3A_636 : vector<16xf32>
      %add3A_639 = arith.addf %scan3A_552, %gather3A_630 : vector<16xf32>
      %get3A_640 = arith.constant 0 : i32
      %get3A_641 = arith.index_cast %get3A_640 : i32 to index
      %get3A_642 = arith.index_cast %scan3A_540 : i32 to index
      %get3A_643 = arith.constant 64 : index
      %get3A_644 = tpu.vector_load %arg6[%get3A_641, %get3A_642, %get3A_643] {strides = array<i32>} : memref<2x104x128xi32, #tpu.memory_space<vmem>>, vector<16xi32>,
      %gather3A_645 = tpu.vector_load_idx %arg5[%get3A_644] : memref<61440xf32, #tpu.memory_space<vmem>>[vector<16xi32>], vector<16xf32>,
      %bitcast3A_646 = vector.bitcast %gather3A_645 : vector<16xf32> to vector<16xi32>
      %add3A_647 = arith.constant 30720 : i32
      %add3A_648 = vector.broadcast %add3A_647 : i32 to vector<16xi32>
      %add3A_649 = arith.addi %get3A_644, %add3A_648 : vector<16xi32>
      %gather3A_650 = tpu.vector_load_idx %arg5[%add3A_649] : memref<61440xf32, #tpu.memory_space<vmem>>[vector<16xi32>], vector<16xf32>,
      %shift_left3A_651 = arith.constant 16 : i32
      %shift_left3A_652 = vector.broadcast %shift_left3A_651 : i32 to vector<16xi32>
      %shift_left3A_653 = arith.shli %bitcast3A_646, %shift_left3A_652 : vector<16xi32>
      %bitcast3A_654 = vector.bitcast %shift_left3A_653 : vector<16xi32> to vector<16xf32>
      %and3A_655 = arith.andi %bitcast3A_646, %broadcast_in_dim3A_404 : vector<16xi32>
      %bitcast3A_656 = vector.bitcast %and3A_655 : vector<16xi32> to vector<16xf32>
      %add3A_657 = arith.addf %scan3A_553, %bitcast3A_654 : vector<16xf32>
      %add3A_658 = arith.addf %scan3A_554, %bitcast3A_656 : vector<16xf32>
      %add3A_659 = arith.addf %scan3A_555, %gather3A_650 : vector<16xf32>
      %get3A_660 = arith.constant 0 : i32
      %get3A_661 = arith.index_cast %get3A_660 : i32 to index
      %get3A_662 = arith.index_cast %scan3A_540 : i32 to index
      %get3A_663 = arith.constant 80 : index
      %get3A_664 = tpu.vector_load %arg6[%get3A_661, %get3A_662, %get3A_663] {strides = array<i32>} : memref<2x104x128xi32, #tpu.memory_space<vmem>>, vector<16xi32>,
      %gather3A_665 = tpu.vector_load_idx %arg5[%get3A_664] : memref<61440xf32, #tpu.memory_space<vmem>>[vector<16xi32>], vector<16xf32>,
      %bitcast3A_666 = vector.bitcast %gather3A_665 : vector<16xf32> to vector<16xi32>
      %add3A_667 = arith.constant 30720 : i32
      %add3A_668 = vector.broadcast %add3A_667 : i32 to vector<16xi32>
      %add3A_669 = arith.addi %get3A_664, %add3A_668 : vector<16xi32>
      %gather3A_670 = tpu.vector_load_idx %arg5[%add3A_669] : memref<61440xf32, #tpu.memory_space<vmem>>[vector<16xi32>], vector<16xf32>,
      %shift_left3A_671 = arith.constant 16 : i32
      %shift_left3A_672 = vector.broadcast %shift_left3A_671 : i32 to vector<16xi32>
      %shift_left3A_673 = arith.shli %bitcast3A_666, %shift_left3A_672 : vector<16xi32>
      %bitcast3A_674 = vector.bitcast %shift_left3A_673 : vector<16xi32> to vector<16xf32>
      %and3A_675 = arith.andi %bitcast3A_666, %broadcast_in_dim3A_404 : vector<16xi32>
      %bitcast3A_676 = vector.bitcast %and3A_675 : vector<16xi32> to vector<16xf32>
      %add3A_677 = arith.addf %scan3A_556, %bitcast3A_674 : vector<16xf32>
      %add3A_678 = arith.addf %scan3A_557, %bitcast3A_676 : vector<16xf32>
      %add3A_679 = arith.addf %scan3A_558, %gather3A_670 : vector<16xf32>
      %get3A_680 = arith.constant 0 : i32
      %get3A_681 = arith.index_cast %get3A_680 : i32 to index
      %get3A_682 = arith.index_cast %scan3A_540 : i32 to index
      %get3A_683 = arith.constant 96 : index
      %get3A_684 = tpu.vector_load %arg6[%get3A_681, %get3A_682, %get3A_683] {strides = array<i32>} : memref<2x104x128xi32, #tpu.memory_space<vmem>>, vector<16xi32>,
      %gather3A_685 = tpu.vector_load_idx %arg5[%get3A_684] : memref<61440xf32, #tpu.memory_space<vmem>>[vector<16xi32>], vector<16xf32>,
      %bitcast3A_686 = vector.bitcast %gather3A_685 : vector<16xf32> to vector<16xi32>
      %add3A_687 = arith.constant 30720 : i32
      %add3A_688 = vector.broadcast %add3A_687 : i32 to vector<16xi32>
      %add3A_689 = arith.addi %get3A_684, %add3A_688 : vector<16xi32>
      %gather3A_690 = tpu.vector_load_idx %arg5[%add3A_689] : memref<61440xf32, #tpu.memory_space<vmem>>[vector<16xi32>], vector<16xf32>,
      %shift_left3A_691 = arith.constant 16 : i32
      %shift_left3A_692 = vector.broadcast %shift_left3A_691 : i32 to vector<16xi32>
      %shift_left3A_693 = arith.shli %bitcast3A_686, %shift_left3A_692 : vector<16xi32>
      %bitcast3A_694 = vector.bitcast %shift_left3A_693 : vector<16xi32> to vector<16xf32>
      %and3A_695 = arith.andi %bitcast3A_686, %broadcast_in_dim3A_404 : vector<16xi32>
      %bitcast3A_696 = vector.bitcast %and3A_695 : vector<16xi32> to vector<16xf32>
      %add3A_697 = arith.addf %scan3A_559, %bitcast3A_694 : vector<16xf32>
      %add3A_698 = arith.addf %scan3A_560, %bitcast3A_696 : vector<16xf32>
      %add3A_699 = arith.addf %scan3A_561, %gather3A_690 : vector<16xf32>
      %get3A_700 = arith.constant 0 : i32
      %get3A_701 = arith.index_cast %get3A_700 : i32 to index
      %get3A_702 = arith.index_cast %scan3A_540 : i32 to index
      %get3A_703 = arith.constant 112 : index
      %get3A_704 = tpu.vector_load %arg6[%get3A_701, %get3A_702, %get3A_703] {strides = array<i32>} : memref<2x104x128xi32, #tpu.memory_space<vmem>>, vector<16xi32>,
      %gather3A_705 = tpu.vector_load_idx %arg5[%get3A_704] : memref<61440xf32, #tpu.memory_space<vmem>>[vector<16xi32>], vector<16xf32>,
      %bitcast3A_706 = vector.bitcast %gather3A_705 : vector<16xf32> to vector<16xi32>
      %add3A_707 = arith.constant 30720 : i32
      %add3A_708 = vector.broadcast %add3A_707 : i32 to vector<16xi32>
      %add3A_709 = arith.addi %get3A_704, %add3A_708 : vector<16xi32>
      %gather3A_710 = tpu.vector_load_idx %arg5[%add3A_709] : memref<61440xf32, #tpu.memory_space<vmem>>[vector<16xi32>], vector<16xf32>,
      %shift_left3A_711 = arith.constant 16 : i32
      %shift_left3A_712 = vector.broadcast %shift_left3A_711 : i32 to vector<16xi32>
      %shift_left3A_713 = arith.shli %bitcast3A_706, %shift_left3A_712 : vector<16xi32>
      %bitcast3A_714 = vector.bitcast %shift_left3A_713 : vector<16xi32> to vector<16xf32>
      %and3A_715 = arith.andi %bitcast3A_706, %broadcast_in_dim3A_404 : vector<16xi32>
      %bitcast3A_716 = vector.bitcast %and3A_715 : vector<16xi32> to vector<16xf32>
      %add3A_717 = arith.addf %scan3A_562, %bitcast3A_714 : vector<16xf32>
      %add3A_718 = arith.addf %scan3A_563, %bitcast3A_716 : vector<16xf32>
      %add3A_719 = arith.addf %scan3A_564, %gather3A_710 : vector<16xf32>
      %scan3A_720 = arith.constant 1 : i32
      %scan3A_721 = arith.addi %scan3A_540, %scan3A_720 : i32
      %get3A_722 = arith.constant 0 : i32
      %get3A_723 = arith.index_cast %get3A_722 : i32 to index
      %get3A_724 = arith.index_cast %scan3A_721 : i32 to index
      %get3A_725 = arith.constant 0 : index
      %get3A_726 = tpu.vector_load %arg6[%get3A_723, %get3A_724, %get3A_725] {strides = array<i32>} : memref<2x104x128xi32, #tpu.memory_space<vmem>>, vector<16xi32>,
      %gather3A_727 = tpu.vector_load_idx %arg5[%get3A_726] : memref<61440xf32, #tpu.memory_space<vmem>>[vector<16xi32>], vector<16xf32>,
      %bitcast3A_728 = vector.bitcast %gather3A_727 : vector<16xf32> to vector<16xi32>
      %add3A_729 = arith.constant 30720 : i32
      %add3A_730 = vector.broadcast %add3A_729 : i32 to vector<16xi32>
      %add3A_731 = arith.addi %get3A_726, %add3A_730 : vector<16xi32>
      %gather3A_732 = tpu.vector_load_idx %arg5[%add3A_731] : memref<61440xf32, #tpu.memory_space<vmem>>[vector<16xi32>], vector<16xf32>,
      %shift_left3A_733 = arith.constant 16 : i32
      %shift_left3A_734 = vector.broadcast %shift_left3A_733 : i32 to vector<16xi32>
      %shift_left3A_735 = arith.shli %bitcast3A_728, %shift_left3A_734 : vector<16xi32>
      %bitcast3A_736 = vector.bitcast %shift_left3A_735 : vector<16xi32> to vector<16xf32>
      %and3A_737 = arith.andi %bitcast3A_728, %broadcast_in_dim3A_404 : vector<16xi32>
      %bitcast3A_738 = vector.bitcast %and3A_737 : vector<16xi32> to vector<16xf32>
      %add3A_739 = arith.addf %add3A_577, %bitcast3A_736 : vector<16xf32>
      %add3A_740 = arith.addf %add3A_578, %bitcast3A_738 : vector<16xf32>
      %add3A_741 = arith.addf %add3A_579, %gather3A_732 : vector<16xf32>
      %get3A_742 = arith.constant 0 : i32
      %get3A_743 = arith.index_cast %get3A_742 : i32 to index
      %get3A_744 = arith.index_cast %scan3A_721 : i32 to index
      %get3A_745 = arith.constant 16 : index
      %get3A_746 = tpu.vector_load %arg6[%get3A_743, %get3A_744, %get3A_745] {strides = array<i32>} : memref<2x104x128xi32, #tpu.memory_space<vmem>>, vector<16xi32>,
      %gather3A_747 = tpu.vector_load_idx %arg5[%get3A_746] : memref<61440xf32, #tpu.memory_space<vmem>>[vector<16xi32>], vector<16xf32>,
      %bitcast3A_748 = vector.bitcast %gather3A_747 : vector<16xf32> to vector<16xi32>
      %add3A_749 = arith.constant 30720 : i32
      %add3A_750 = vector.broadcast %add3A_749 : i32 to vector<16xi32>
      %add3A_751 = arith.addi %get3A_746, %add3A_750 : vector<16xi32>
      %gather3A_752 = tpu.vector_load_idx %arg5[%add3A_751] : memref<61440xf32, #tpu.memory_space<vmem>>[vector<16xi32>], vector<16xf32>,
      %shift_left3A_753 = arith.constant 16 : i32
      %shift_left3A_754 = vector.broadcast %shift_left3A_753 : i32 to vector<16xi32>
      %shift_left3A_755 = arith.shli %bitcast3A_748, %shift_left3A_754 : vector<16xi32>
      %bitcast3A_756 = vector.bitcast %shift_left3A_755 : vector<16xi32> to vector<16xf32>
      %and3A_757 = arith.andi %bitcast3A_748, %broadcast_in_dim3A_404 : vector<16xi32>
      %bitcast3A_758 = vector.bitcast %and3A_757 : vector<16xi32> to vector<16xf32>
      %add3A_759 = arith.addf %add3A_597, %bitcast3A_756 : vector<16xf32>
      %add3A_760 = arith.addf %add3A_598, %bitcast3A_758 : vector<16xf32>
      %add3A_761 = arith.addf %add3A_599, %gather3A_752 : vector<16xf32>
      %get3A_762 = arith.constant 0 : i32
      %get3A_763 = arith.index_cast %get3A_762 : i32 to index
      %get3A_764 = arith.index_cast %scan3A_721 : i32 to index
      %get3A_765 = arith.constant 32 : index
      %get3A_766 = tpu.vector_load %arg6[%get3A_763, %get3A_764, %get3A_765] {strides = array<i32>} : memref<2x104x128xi32, #tpu.memory_space<vmem>>, vector<16xi32>,
      %gather3A_767 = tpu.vector_load_idx %arg5[%get3A_766] : memref<61440xf32, #tpu.memory_space<vmem>>[vector<16xi32>], vector<16xf32>,
      %bitcast3A_768 = vector.bitcast %gather3A_767 : vector<16xf32> to vector<16xi32>
      %add3A_769 = arith.constant 30720 : i32
      %add3A_770 = vector.broadcast %add3A_769 : i32 to vector<16xi32>
      %add3A_771 = arith.addi %get3A_766, %add3A_770 : vector<16xi32>
      %gather3A_772 = tpu.vector_load_idx %arg5[%add3A_771] : memref<61440xf32, #tpu.memory_space<vmem>>[vector<16xi32>], vector<16xf32>,
      %shift_left3A_773 = arith.constant 16 : i32
      %shift_left3A_774 = vector.broadcast %shift_left3A_773 : i32 to vector<16xi32>
      %shift_left3A_775 = arith.shli %bitcast3A_768, %shift_left3A_774 : vector<16xi32>
      %bitcast3A_776 = vector.bitcast %shift_left3A_775 : vector<16xi32> to vector<16xf32>
      %and3A_777 = arith.andi %bitcast3A_768, %broadcast_in_dim3A_404 : vector<16xi32>
      %bitcast3A_778 = vector.bitcast %and3A_777 : vector<16xi32> to vector<16xf32>
      %add3A_779 = arith.addf %add3A_617, %bitcast3A_776 : vector<16xf32>
      %add3A_780 = arith.addf %add3A_618, %bitcast3A_778 : vector<16xf32>
      %add3A_781 = arith.addf %add3A_619, %gather3A_772 : vector<16xf32>
      %get3A_782 = arith.constant 0 : i32
      %get3A_783 = arith.index_cast %get3A_782 : i32 to index
      %get3A_784 = arith.index_cast %scan3A_721 : i32 to index
      %get3A_785 = arith.constant 48 : index
      %get3A_786 = tpu.vector_load %arg6[%get3A_783, %get3A_784, %get3A_785] {strides = array<i32>} : memref<2x104x128xi32, #tpu.memory_space<vmem>>, vector<16xi32>,
      %gather3A_787 = tpu.vector_load_idx %arg5[%get3A_786] : memref<61440xf32, #tpu.memory_space<vmem>>[vector<16xi32>], vector<16xf32>,
      %bitcast3A_788 = vector.bitcast %gather3A_787 : vector<16xf32> to vector<16xi32>
      %add3A_789 = arith.constant 30720 : i32
      %add3A_790 = vector.broadcast %add3A_789 : i32 to vector<16xi32>
      %add3A_791 = arith.addi %get3A_786, %add3A_790 : vector<16xi32>
      %gather3A_792 = tpu.vector_load_idx %arg5[%add3A_791] : memref<61440xf32, #tpu.memory_space<vmem>>[vector<16xi32>], vector<16xf32>,
      %shift_left3A_793 = arith.constant 16 : i32
      %shift_left3A_794 = vector.broadcast %shift_left3A_793 : i32 to vector<16xi32>
      %shift_left3A_795 = arith.shli %bitcast3A_788, %shift_left3A_794 : vector<16xi32>
      %bitcast3A_796 = vector.bitcast %shift_left3A_795 : vector<16xi32> to vector<16xf32>
      %and3A_797 = arith.andi %bitcast3A_788, %broadcast_in_dim3A_404 : vector<16xi32>
      %bitcast3A_798 = vector.bitcast %and3A_797 : vector<16xi32> to vector<16xf32>
      %add3A_799 = arith.addf %add3A_637, %bitcast3A_796 : vector<16xf32>
      %add3A_800 = arith.addf %add3A_638, %bitcast3A_798 : vector<16xf32>
      %add3A_801 = arith.addf %add3A_639, %gather3A_792 : vector<16xf32>
      %get3A_802 = arith.constant 0 : i32
      %get3A_803 = arith.index_cast %get3A_802 : i32 to index
      %get3A_804 = arith.index_cast %scan3A_721 : i32 to index
      %get3A_805 = arith.constant 64 : index
      %get3A_806 = tpu.vector_load %arg6[%get3A_803, %get3A_804, %get3A_805] {strides = array<i32>} : memref<2x104x128xi32, #tpu.memory_space<vmem>>, vector<16xi32>,
      %gather3A_807 = tpu.vector_load_idx %arg5[%get3A_806] : memref<61440xf32, #tpu.memory_space<vmem>>[vector<16xi32>], vector<16xf32>,
      %bitcast3A_808 = vector.bitcast %gather3A_807 : vector<16xf32> to vector<16xi32>
      %add3A_809 = arith.constant 30720 : i32
      %add3A_810 = vector.broadcast %add3A_809 : i32 to vector<16xi32>
      %add3A_811 = arith.addi %get3A_806, %add3A_810 : vector<16xi32>
      %gather3A_812 = tpu.vector_load_idx %arg5[%add3A_811] : memref<61440xf32, #tpu.memory_space<vmem>>[vector<16xi32>], vector<16xf32>,
      %shift_left3A_813 = arith.constant 16 : i32
      %shift_left3A_814 = vector.broadcast %shift_left3A_813 : i32 to vector<16xi32>
      %shift_left3A_815 = arith.shli %bitcast3A_808, %shift_left3A_814 : vector<16xi32>
      %bitcast3A_816 = vector.bitcast %shift_left3A_815 : vector<16xi32> to vector<16xf32>
      %and3A_817 = arith.andi %bitcast3A_808, %broadcast_in_dim3A_404 : vector<16xi32>
      %bitcast3A_818 = vector.bitcast %and3A_817 : vector<16xi32> to vector<16xf32>
      %add3A_819 = arith.addf %add3A_657, %bitcast3A_816 : vector<16xf32>
      %add3A_820 = arith.addf %add3A_658, %bitcast3A_818 : vector<16xf32>
      %add3A_821 = arith.addf %add3A_659, %gather3A_812 : vector<16xf32>
      %get3A_822 = arith.constant 0 : i32
      %get3A_823 = arith.index_cast %get3A_822 : i32 to index
      %get3A_824 = arith.index_cast %scan3A_721 : i32 to index
      %get3A_825 = arith.constant 80 : index
      %get3A_826 = tpu.vector_load %arg6[%get3A_823, %get3A_824, %get3A_825] {strides = array<i32>} : memref<2x104x128xi32, #tpu.memory_space<vmem>>, vector<16xi32>,
      %gather3A_827 = tpu.vector_load_idx %arg5[%get3A_826] : memref<61440xf32, #tpu.memory_space<vmem>>[vector<16xi32>], vector<16xf32>,
      %bitcast3A_828 = vector.bitcast %gather3A_827 : vector<16xf32> to vector<16xi32>
      %add3A_829 = arith.constant 30720 : i32
      %add3A_830 = vector.broadcast %add3A_829 : i32 to vector<16xi32>
      %add3A_831 = arith.addi %get3A_826, %add3A_830 : vector<16xi32>
      %gather3A_832 = tpu.vector_load_idx %arg5[%add3A_831] : memref<61440xf32, #tpu.memory_space<vmem>>[vector<16xi32>], vector<16xf32>,
      %shift_left3A_833 = arith.constant 16 : i32
      %shift_left3A_834 = vector.broadcast %shift_left3A_833 : i32 to vector<16xi32>
      %shift_left3A_835 = arith.shli %bitcast3A_828, %shift_left3A_834 : vector<16xi32>
      %bitcast3A_836 = vector.bitcast %shift_left3A_835 : vector<16xi32> to vector<16xf32>
      %and3A_837 = arith.andi %bitcast3A_828, %broadcast_in_dim3A_404 : vector<16xi32>
      %bitcast3A_838 = vector.bitcast %and3A_837 : vector<16xi32> to vector<16xf32>
      %add3A_839 = arith.addf %add3A_677, %bitcast3A_836 : vector<16xf32>
      %add3A_840 = arith.addf %add3A_678, %bitcast3A_838 : vector<16xf32>
      %add3A_841 = arith.addf %add3A_679, %gather3A_832 : vector<16xf32>
      %get3A_842 = arith.constant 0 : i32
      %get3A_843 = arith.index_cast %get3A_842 : i32 to index
      %get3A_844 = arith.index_cast %scan3A_721 : i32 to index
      %get3A_845 = arith.constant 96 : index
      %get3A_846 = tpu.vector_load %arg6[%get3A_843, %get3A_844, %get3A_845] {strides = array<i32>} : memref<2x104x128xi32, #tpu.memory_space<vmem>>, vector<16xi32>,
      %gather3A_847 = tpu.vector_load_idx %arg5[%get3A_846] : memref<61440xf32, #tpu.memory_space<vmem>>[vector<16xi32>], vector<16xf32>,
      %bitcast3A_848 = vector.bitcast %gather3A_847 : vector<16xf32> to vector<16xi32>
      %add3A_849 = arith.constant 30720 : i32
      %add3A_850 = vector.broadcast %add3A_849 : i32 to vector<16xi32>
      %add3A_851 = arith.addi %get3A_846, %add3A_850 : vector<16xi32>
      %gather3A_852 = tpu.vector_load_idx %arg5[%add3A_851] : memref<61440xf32, #tpu.memory_space<vmem>>[vector<16xi32>], vector<16xf32>,
      %shift_left3A_853 = arith.constant 16 : i32
      %shift_left3A_854 = vector.broadcast %shift_left3A_853 : i32 to vector<16xi32>
      %shift_left3A_855 = arith.shli %bitcast3A_848, %shift_left3A_854 : vector<16xi32>
      %bitcast3A_856 = vector.bitcast %shift_left3A_855 : vector<16xi32> to vector<16xf32>
      %and3A_857 = arith.andi %bitcast3A_848, %broadcast_in_dim3A_404 : vector<16xi32>
      %bitcast3A_858 = vector.bitcast %and3A_857 : vector<16xi32> to vector<16xf32>
      %add3A_859 = arith.addf %add3A_697, %bitcast3A_856 : vector<16xf32>
      %add3A_860 = arith.addf %add3A_698, %bitcast3A_858 : vector<16xf32>
      %add3A_861 = arith.addf %add3A_699, %gather3A_852 : vector<16xf32>
      %get3A_862 = arith.constant 0 : i32
      %get3A_863 = arith.index_cast %get3A_862 : i32 to index
      %get3A_864 = arith.index_cast %scan3A_721 : i32 to index
      %get3A_865 = arith.constant 112 : index
      %get3A_866 = tpu.vector_load %arg6[%get3A_863, %get3A_864, %get3A_865] {strides = array<i32>} : memref<2x104x128xi32, #tpu.memory_space<vmem>>, vector<16xi32>,
      %gather3A_867 = tpu.vector_load_idx %arg5[%get3A_866] : memref<61440xf32, #tpu.memory_space<vmem>>[vector<16xi32>], vector<16xf32>,
      %bitcast3A_868 = vector.bitcast %gather3A_867 : vector<16xf32> to vector<16xi32>
      %add3A_869 = arith.constant 30720 : i32
      %add3A_870 = vector.broadcast %add3A_869 : i32 to vector<16xi32>
      %add3A_871 = arith.addi %get3A_866, %add3A_870 : vector<16xi32>
      %gather3A_872 = tpu.vector_load_idx %arg5[%add3A_871] : memref<61440xf32, #tpu.memory_space<vmem>>[vector<16xi32>], vector<16xf32>,
      %shift_left3A_873 = arith.constant 16 : i32
      %shift_left3A_874 = vector.broadcast %shift_left3A_873 : i32 to vector<16xi32>
      %shift_left3A_875 = arith.shli %bitcast3A_868, %shift_left3A_874 : vector<16xi32>
      %bitcast3A_876 = vector.bitcast %shift_left3A_875 : vector<16xi32> to vector<16xf32>
      %and3A_877 = arith.andi %bitcast3A_868, %broadcast_in_dim3A_404 : vector<16xi32>
      %bitcast3A_878 = vector.bitcast %and3A_877 : vector<16xi32> to vector<16xf32>
      %add3A_879 = arith.addf %add3A_717, %bitcast3A_876 : vector<16xf32>
      %add3A_880 = arith.addf %add3A_718, %bitcast3A_878 : vector<16xf32>
      %add3A_881 = arith.addf %add3A_719, %gather3A_872 : vector<16xf32>
      scf.yield %add3A_739, %add3A_740, %add3A_741, %add3A_759, %add3A_760, %add3A_761, %add3A_779, %add3A_780, %add3A_781, %add3A_799, %add3A_800, %add3A_801, %add3A_819, %add3A_820, %add3A_821, %add3A_839, %add3A_840, %add3A_841, %add3A_859, %add3A_860, %add3A_861, %add3A_879, %add3A_880, %add3A_881 : vector<16xf32>, vector<16xf32>, vector<16xf32>, vector<16xf32>, vector<16xf32>, vector<16xf32>, vector<16xf32>, vector<16xf32>, vector<16xf32>, vector<16xf32>, vector<16xf32>, vector<16xf32>, vector<16xf32>, vector<16xf32>, vector<16xf32>, vector<16xf32>, vector<16xf32>, vector<16xf32>, vector<16xf32>, vector<16xf32>, vector<16xf32>, vector<16xf32>, vector<16xf32>, vector<16xf32>
    }
    %scan3A_410 = arith.constant 96 : i32
    %dma_wait3A_411 = arith.constant 1 : i32
    %dma_wait3A_412 = arith.constant 0 : i32
    %dma_wait3A_413 = arith.constant 0 : i32
    %dma_wait3A_414 = tpu.memref_slice %arg6[%dma_wait3A_411, %dma_wait3A_412, %dma_wait3A_413] : memref<2x104x128xi32, #tpu.memory_space<vmem>> -> memref<1x104x128xi32, #tpu.memory_space<vmem>>
    %dma_wait3A_415 = tpu.memref_squeeze %dma_wait3A_414 : memref<1x104x128xi32, #tpu.memory_space<vmem>> -> memref<104x128xi32, #tpu.memory_space<vmem>>
    %dma_wait3A_416 = arith.constant 96 : i32
    %dma_wait3A_417 = tpu.memref_slice %arg3[%dma_wait3A_416, %add3A_376] : memref<200x16384xi32, #tpu.memory_space<hbm>> -> memref<104x128xi32, #tpu.memory_space<hbm>>
    %dma_wait3A_418 = arith.constant 0 : i32
    %dma_wait3A_419 = arith.constant 0 : i32
    %dma_wait3A_420 = tpu.memref_slice %arg6[%dma_wait3A_411, %dma_wait3A_418, %dma_wait3A_419] : memref<2x104x128xi32, #tpu.memory_space<vmem>> -> memref<1x104x128xi32, #tpu.memory_space<vmem>>
    %dma_wait3A_421 = tpu.memref_squeeze %dma_wait3A_420 : memref<1x104x128xi32, #tpu.memory_space<vmem>> -> memref<104x128xi32, #tpu.memory_space<vmem>>
    %dma_wait3A_422 = arith.constant 96 : i32
    %dma_wait3A_423 = tpu.memref_slice %arg3[%dma_wait3A_422, %add3A_376] : memref<200x16384xi32, #tpu.memory_space<hbm>> -> memref<104x128xi32, #tpu.memory_space<hbm>>
    tpu.wait_dma2 semaphore(%arg10 : memref<!tpu.dma_semaphore, #tpu.memory_space<semaphore_mem>>) src(%dma_wait3A_423 : memref<104x128xi32, #tpu.memory_space<hbm>>) dst(%dma_wait3A_421 : memref<104x128xi32, #tpu.memory_space<vmem>>)
    %broadcast_in_dim3A_424 = arith.constant -65536 : i32
    %broadcast_in_dim3A_425 = vector.broadcast %broadcast_in_dim3A_424 : i32 to vector<16xi32>
    %scan3A_426 = arith.constant 0 : i32
    %scan3A_427 = arith.constant 104 : i32
    %scan3A_428 = arith.addi %scan3A_426, %scan3A_427 : i32
    %scan3A_429 = arith.constant 2 : i32
    %scan3A_430:24 = scf.for %scan3A_540 = %scan3A_426 to %scan3A_428 step %scan3A_429 iter_args(%scan3A_541 = %scan3A_409#0, %scan3A_542 = %scan3A_409#1, %scan3A_543 = %scan3A_409#2, %scan3A_544 = %scan3A_409#3, %scan3A_545 = %scan3A_409#4, %scan3A_546 = %scan3A_409#5, %scan3A_547 = %scan3A_409#6, %scan3A_548 = %scan3A_409#7, %scan3A_549 = %scan3A_409#8, %scan3A_550 = %scan3A_409#9, %scan3A_551 = %scan3A_409#10, %scan3A_552 = %scan3A_409#11, %scan3A_553 = %scan3A_409#12, %scan3A_554 = %scan3A_409#13, %scan3A_555 = %scan3A_409#14, %scan3A_556 = %scan3A_409#15, %scan3A_557 = %scan3A_409#16, %scan3A_558 = %scan3A_409#17, %scan3A_559 = %scan3A_409#18, %scan3A_560 = %scan3A_409#19, %scan3A_561 = %scan3A_409#20, %scan3A_562 = %scan3A_409#21, %scan3A_563 = %scan3A_409#22, %scan3A_564 = %scan3A_409#23) -> (vector<16xf32>, vector<16xf32>, vector<16xf32>, vector<16xf32>, vector<16xf32>, vector<16xf32>, vector<16xf32>, vector<16xf32>, vector<16xf32>, vector<16xf32>, vector<16xf32>, vector<16xf32>, vector<16xf32>, vector<16xf32>, vector<16xf32>, vector<16xf32>, vector<16xf32>, vector<16xf32>, vector<16xf32>, vector<16xf32>, vector<16xf32>, vector<16xf32>, vector<16xf32>, vector<16xf32>)  : i32 {
      %get3A = arith.constant 1 : i32
      %get3A_565 = arith.index_cast %get3A : i32 to index
      %get3A_566 = arith.index_cast %scan3A_540 : i32 to index
      %get3A_567 = arith.constant 0 : index
      %get3A_568 = tpu.vector_load %arg6[%get3A_565, %get3A_566, %get3A_567] {strides = array<i32>} : memref<2x104x128xi32, #tpu.memory_space<vmem>>, vector<16xi32>,
      %gather3A = tpu.vector_load_idx %arg5[%get3A_568] : memref<61440xf32, #tpu.memory_space<vmem>>[vector<16xi32>], vector<16xf32>,
      %bitcast3A = vector.bitcast %gather3A : vector<16xf32> to vector<16xi32>
      %add3A_569 = arith.constant 30720 : i32
      %add3A_570 = vector.broadcast %add3A_569 : i32 to vector<16xi32>
      %add3A_571 = arith.addi %get3A_568, %add3A_570 : vector<16xi32>
      %gather3A_572 = tpu.vector_load_idx %arg5[%add3A_571] : memref<61440xf32, #tpu.memory_space<vmem>>[vector<16xi32>], vector<16xf32>,
      %shift_left3A = arith.constant 16 : i32
      %shift_left3A_573 = vector.broadcast %shift_left3A : i32 to vector<16xi32>
      %shift_left3A_574 = arith.shli %bitcast3A, %shift_left3A_573 : vector<16xi32>
      %bitcast3A_575 = vector.bitcast %shift_left3A_574 : vector<16xi32> to vector<16xf32>
      %and3A = arith.andi %bitcast3A, %broadcast_in_dim3A_425 : vector<16xi32>
      %bitcast3A_576 = vector.bitcast %and3A : vector<16xi32> to vector<16xf32>
      %add3A_577 = arith.addf %scan3A_541, %bitcast3A_575 : vector<16xf32>
      %add3A_578 = arith.addf %scan3A_542, %bitcast3A_576 : vector<16xf32>
      %add3A_579 = arith.addf %scan3A_543, %gather3A_572 : vector<16xf32>
      %get3A_580 = arith.constant 1 : i32
      %get3A_581 = arith.index_cast %get3A_580 : i32 to index
      %get3A_582 = arith.index_cast %scan3A_540 : i32 to index
      %get3A_583 = arith.constant 16 : index
      %get3A_584 = tpu.vector_load %arg6[%get3A_581, %get3A_582, %get3A_583] {strides = array<i32>} : memref<2x104x128xi32, #tpu.memory_space<vmem>>, vector<16xi32>,
      %gather3A_585 = tpu.vector_load_idx %arg5[%get3A_584] : memref<61440xf32, #tpu.memory_space<vmem>>[vector<16xi32>], vector<16xf32>,
      %bitcast3A_586 = vector.bitcast %gather3A_585 : vector<16xf32> to vector<16xi32>
      %add3A_587 = arith.constant 30720 : i32
      %add3A_588 = vector.broadcast %add3A_587 : i32 to vector<16xi32>
      %add3A_589 = arith.addi %get3A_584, %add3A_588 : vector<16xi32>
      %gather3A_590 = tpu.vector_load_idx %arg5[%add3A_589] : memref<61440xf32, #tpu.memory_space<vmem>>[vector<16xi32>], vector<16xf32>,
      %shift_left3A_591 = arith.constant 16 : i32
      %shift_left3A_592 = vector.broadcast %shift_left3A_591 : i32 to vector<16xi32>
      %shift_left3A_593 = arith.shli %bitcast3A_586, %shift_left3A_592 : vector<16xi32>
      %bitcast3A_594 = vector.bitcast %shift_left3A_593 : vector<16xi32> to vector<16xf32>
      %and3A_595 = arith.andi %bitcast3A_586, %broadcast_in_dim3A_425 : vector<16xi32>
      %bitcast3A_596 = vector.bitcast %and3A_595 : vector<16xi32> to vector<16xf32>
      %add3A_597 = arith.addf %scan3A_544, %bitcast3A_594 : vector<16xf32>
      %add3A_598 = arith.addf %scan3A_545, %bitcast3A_596 : vector<16xf32>
      %add3A_599 = arith.addf %scan3A_546, %gather3A_590 : vector<16xf32>
      %get3A_600 = arith.constant 1 : i32
      %get3A_601 = arith.index_cast %get3A_600 : i32 to index
      %get3A_602 = arith.index_cast %scan3A_540 : i32 to index
      %get3A_603 = arith.constant 32 : index
      %get3A_604 = tpu.vector_load %arg6[%get3A_601, %get3A_602, %get3A_603] {strides = array<i32>} : memref<2x104x128xi32, #tpu.memory_space<vmem>>, vector<16xi32>,
      %gather3A_605 = tpu.vector_load_idx %arg5[%get3A_604] : memref<61440xf32, #tpu.memory_space<vmem>>[vector<16xi32>], vector<16xf32>,
      %bitcast3A_606 = vector.bitcast %gather3A_605 : vector<16xf32> to vector<16xi32>
      %add3A_607 = arith.constant 30720 : i32
      %add3A_608 = vector.broadcast %add3A_607 : i32 to vector<16xi32>
      %add3A_609 = arith.addi %get3A_604, %add3A_608 : vector<16xi32>
      %gather3A_610 = tpu.vector_load_idx %arg5[%add3A_609] : memref<61440xf32, #tpu.memory_space<vmem>>[vector<16xi32>], vector<16xf32>,
      %shift_left3A_611 = arith.constant 16 : i32
      %shift_left3A_612 = vector.broadcast %shift_left3A_611 : i32 to vector<16xi32>
      %shift_left3A_613 = arith.shli %bitcast3A_606, %shift_left3A_612 : vector<16xi32>
      %bitcast3A_614 = vector.bitcast %shift_left3A_613 : vector<16xi32> to vector<16xf32>
      %and3A_615 = arith.andi %bitcast3A_606, %broadcast_in_dim3A_425 : vector<16xi32>
      %bitcast3A_616 = vector.bitcast %and3A_615 : vector<16xi32> to vector<16xf32>
      %add3A_617 = arith.addf %scan3A_547, %bitcast3A_614 : vector<16xf32>
      %add3A_618 = arith.addf %scan3A_548, %bitcast3A_616 : vector<16xf32>
      %add3A_619 = arith.addf %scan3A_549, %gather3A_610 : vector<16xf32>
      %get3A_620 = arith.constant 1 : i32
      %get3A_621 = arith.index_cast %get3A_620 : i32 to index
      %get3A_622 = arith.index_cast %scan3A_540 : i32 to index
      %get3A_623 = arith.constant 48 : index
      %get3A_624 = tpu.vector_load %arg6[%get3A_621, %get3A_622, %get3A_623] {strides = array<i32>} : memref<2x104x128xi32, #tpu.memory_space<vmem>>, vector<16xi32>,
      %gather3A_625 = tpu.vector_load_idx %arg5[%get3A_624] : memref<61440xf32, #tpu.memory_space<vmem>>[vector<16xi32>], vector<16xf32>,
      %bitcast3A_626 = vector.bitcast %gather3A_625 : vector<16xf32> to vector<16xi32>
      %add3A_627 = arith.constant 30720 : i32
      %add3A_628 = vector.broadcast %add3A_627 : i32 to vector<16xi32>
      %add3A_629 = arith.addi %get3A_624, %add3A_628 : vector<16xi32>
      %gather3A_630 = tpu.vector_load_idx %arg5[%add3A_629] : memref<61440xf32, #tpu.memory_space<vmem>>[vector<16xi32>], vector<16xf32>,
      %shift_left3A_631 = arith.constant 16 : i32
      %shift_left3A_632 = vector.broadcast %shift_left3A_631 : i32 to vector<16xi32>
      %shift_left3A_633 = arith.shli %bitcast3A_626, %shift_left3A_632 : vector<16xi32>
      %bitcast3A_634 = vector.bitcast %shift_left3A_633 : vector<16xi32> to vector<16xf32>
      %and3A_635 = arith.andi %bitcast3A_626, %broadcast_in_dim3A_425 : vector<16xi32>
      %bitcast3A_636 = vector.bitcast %and3A_635 : vector<16xi32> to vector<16xf32>
      %add3A_637 = arith.addf %scan3A_550, %bitcast3A_634 : vector<16xf32>
      %add3A_638 = arith.addf %scan3A_551, %bitcast3A_636 : vector<16xf32>
      %add3A_639 = arith.addf %scan3A_552, %gather3A_630 : vector<16xf32>
      %get3A_640 = arith.constant 1 : i32
      %get3A_641 = arith.index_cast %get3A_640 : i32 to index
      %get3A_642 = arith.index_cast %scan3A_540 : i32 to index
      %get3A_643 = arith.constant 64 : index
      %get3A_644 = tpu.vector_load %arg6[%get3A_641, %get3A_642, %get3A_643] {strides = array<i32>} : memref<2x104x128xi32, #tpu.memory_space<vmem>>, vector<16xi32>,
      %gather3A_645 = tpu.vector_load_idx %arg5[%get3A_644] : memref<61440xf32, #tpu.memory_space<vmem>>[vector<16xi32>], vector<16xf32>,
      %bitcast3A_646 = vector.bitcast %gather3A_645 : vector<16xf32> to vector<16xi32>
      %add3A_647 = arith.constant 30720 : i32
      %add3A_648 = vector.broadcast %add3A_647 : i32 to vector<16xi32>
      %add3A_649 = arith.addi %get3A_644, %add3A_648 : vector<16xi32>
      %gather3A_650 = tpu.vector_load_idx %arg5[%add3A_649] : memref<61440xf32, #tpu.memory_space<vmem>>[vector<16xi32>], vector<16xf32>,
      %shift_left3A_651 = arith.constant 16 : i32
      %shift_left3A_652 = vector.broadcast %shift_left3A_651 : i32 to vector<16xi32>
      %shift_left3A_653 = arith.shli %bitcast3A_646, %shift_left3A_652 : vector<16xi32>
      %bitcast3A_654 = vector.bitcast %shift_left3A_653 : vector<16xi32> to vector<16xf32>
      %and3A_655 = arith.andi %bitcast3A_646, %broadcast_in_dim3A_425 : vector<16xi32>
      %bitcast3A_656 = vector.bitcast %and3A_655 : vector<16xi32> to vector<16xf32>
      %add3A_657 = arith.addf %scan3A_553, %bitcast3A_654 : vector<16xf32>
      %add3A_658 = arith.addf %scan3A_554, %bitcast3A_656 : vector<16xf32>
      %add3A_659 = arith.addf %scan3A_555, %gather3A_650 : vector<16xf32>
      %get3A_660 = arith.constant 1 : i32
      %get3A_661 = arith.index_cast %get3A_660 : i32 to index
      %get3A_662 = arith.index_cast %scan3A_540 : i32 to index
      %get3A_663 = arith.constant 80 : index
      %get3A_664 = tpu.vector_load %arg6[%get3A_661, %get3A_662, %get3A_663] {strides = array<i32>} : memref<2x104x128xi32, #tpu.memory_space<vmem>>, vector<16xi32>,
      %gather3A_665 = tpu.vector_load_idx %arg5[%get3A_664] : memref<61440xf32, #tpu.memory_space<vmem>>[vector<16xi32>], vector<16xf32>,
      %bitcast3A_666 = vector.bitcast %gather3A_665 : vector<16xf32> to vector<16xi32>
      %add3A_667 = arith.constant 30720 : i32
      %add3A_668 = vector.broadcast %add3A_667 : i32 to vector<16xi32>
      %add3A_669 = arith.addi %get3A_664, %add3A_668 : vector<16xi32>
      %gather3A_670 = tpu.vector_load_idx %arg5[%add3A_669] : memref<61440xf32, #tpu.memory_space<vmem>>[vector<16xi32>], vector<16xf32>,
      %shift_left3A_671 = arith.constant 16 : i32
      %shift_left3A_672 = vector.broadcast %shift_left3A_671 : i32 to vector<16xi32>
      %shift_left3A_673 = arith.shli %bitcast3A_666, %shift_left3A_672 : vector<16xi32>
      %bitcast3A_674 = vector.bitcast %shift_left3A_673 : vector<16xi32> to vector<16xf32>
      %and3A_675 = arith.andi %bitcast3A_666, %broadcast_in_dim3A_425 : vector<16xi32>
      %bitcast3A_676 = vector.bitcast %and3A_675 : vector<16xi32> to vector<16xf32>
      %add3A_677 = arith.addf %scan3A_556, %bitcast3A_674 : vector<16xf32>
      %add3A_678 = arith.addf %scan3A_557, %bitcast3A_676 : vector<16xf32>
      %add3A_679 = arith.addf %scan3A_558, %gather3A_670 : vector<16xf32>
      %get3A_680 = arith.constant 1 : i32
      %get3A_681 = arith.index_cast %get3A_680 : i32 to index
      %get3A_682 = arith.index_cast %scan3A_540 : i32 to index
      %get3A_683 = arith.constant 96 : index
      %get3A_684 = tpu.vector_load %arg6[%get3A_681, %get3A_682, %get3A_683] {strides = array<i32>} : memref<2x104x128xi32, #tpu.memory_space<vmem>>, vector<16xi32>,
      %gather3A_685 = tpu.vector_load_idx %arg5[%get3A_684] : memref<61440xf32, #tpu.memory_space<vmem>>[vector<16xi32>], vector<16xf32>,
      %bitcast3A_686 = vector.bitcast %gather3A_685 : vector<16xf32> to vector<16xi32>
      %add3A_687 = arith.constant 30720 : i32
      %add3A_688 = vector.broadcast %add3A_687 : i32 to vector<16xi32>
      %add3A_689 = arith.addi %get3A_684, %add3A_688 : vector<16xi32>
      %gather3A_690 = tpu.vector_load_idx %arg5[%add3A_689] : memref<61440xf32, #tpu.memory_space<vmem>>[vector<16xi32>], vector<16xf32>,
      %shift_left3A_691 = arith.constant 16 : i32
      %shift_left3A_692 = vector.broadcast %shift_left3A_691 : i32 to vector<16xi32>
      %shift_left3A_693 = arith.shli %bitcast3A_686, %shift_left3A_692 : vector<16xi32>
      %bitcast3A_694 = vector.bitcast %shift_left3A_693 : vector<16xi32> to vector<16xf32>
      %and3A_695 = arith.andi %bitcast3A_686, %broadcast_in_dim3A_425 : vector<16xi32>
      %bitcast3A_696 = vector.bitcast %and3A_695 : vector<16xi32> to vector<16xf32>
      %add3A_697 = arith.addf %scan3A_559, %bitcast3A_694 : vector<16xf32>
      %add3A_698 = arith.addf %scan3A_560, %bitcast3A_696 : vector<16xf32>
      %add3A_699 = arith.addf %scan3A_561, %gather3A_690 : vector<16xf32>
      %get3A_700 = arith.constant 1 : i32
      %get3A_701 = arith.index_cast %get3A_700 : i32 to index
      %get3A_702 = arith.index_cast %scan3A_540 : i32 to index
      %get3A_703 = arith.constant 112 : index
      %get3A_704 = tpu.vector_load %arg6[%get3A_701, %get3A_702, %get3A_703] {strides = array<i32>} : memref<2x104x128xi32, #tpu.memory_space<vmem>>, vector<16xi32>,
      %gather3A_705 = tpu.vector_load_idx %arg5[%get3A_704] : memref<61440xf32, #tpu.memory_space<vmem>>[vector<16xi32>], vector<16xf32>,
      %bitcast3A_706 = vector.bitcast %gather3A_705 : vector<16xf32> to vector<16xi32>
      %add3A_707 = arith.constant 30720 : i32
      %add3A_708 = vector.broadcast %add3A_707 : i32 to vector<16xi32>
      %add3A_709 = arith.addi %get3A_704, %add3A_708 : vector<16xi32>
      %gather3A_710 = tpu.vector_load_idx %arg5[%add3A_709] : memref<61440xf32, #tpu.memory_space<vmem>>[vector<16xi32>], vector<16xf32>,
      %shift_left3A_711 = arith.constant 16 : i32
      %shift_left3A_712 = vector.broadcast %shift_left3A_711 : i32 to vector<16xi32>
      %shift_left3A_713 = arith.shli %bitcast3A_706, %shift_left3A_712 : vector<16xi32>
      %bitcast3A_714 = vector.bitcast %shift_left3A_713 : vector<16xi32> to vector<16xf32>
      %and3A_715 = arith.andi %bitcast3A_706, %broadcast_in_dim3A_425 : vector<16xi32>
      %bitcast3A_716 = vector.bitcast %and3A_715 : vector<16xi32> to vector<16xf32>
      %add3A_717 = arith.addf %scan3A_562, %bitcast3A_714 : vector<16xf32>
      %add3A_718 = arith.addf %scan3A_563, %bitcast3A_716 : vector<16xf32>
      %add3A_719 = arith.addf %scan3A_564, %gather3A_710 : vector<16xf32>
      %scan3A_720 = arith.constant 1 : i32
      %scan3A_721 = arith.addi %scan3A_540, %scan3A_720 : i32
      %get3A_722 = arith.constant 1 : i32
      %get3A_723 = arith.index_cast %get3A_722 : i32 to index
      %get3A_724 = arith.index_cast %scan3A_721 : i32 to index
      %get3A_725 = arith.constant 0 : index
      %get3A_726 = tpu.vector_load %arg6[%get3A_723, %get3A_724, %get3A_725] {strides = array<i32>} : memref<2x104x128xi32, #tpu.memory_space<vmem>>, vector<16xi32>,
      %gather3A_727 = tpu.vector_load_idx %arg5[%get3A_726] : memref<61440xf32, #tpu.memory_space<vmem>>[vector<16xi32>], vector<16xf32>,
      %bitcast3A_728 = vector.bitcast %gather3A_727 : vector<16xf32> to vector<16xi32>
      %add3A_729 = arith.constant 30720 : i32
      %add3A_730 = vector.broadcast %add3A_729 : i32 to vector<16xi32>
      %add3A_731 = arith.addi %get3A_726, %add3A_730 : vector<16xi32>
      %gather3A_732 = tpu.vector_load_idx %arg5[%add3A_731] : memref<61440xf32, #tpu.memory_space<vmem>>[vector<16xi32>], vector<16xf32>,
      %shift_left3A_733 = arith.constant 16 : i32
      %shift_left3A_734 = vector.broadcast %shift_left3A_733 : i32 to vector<16xi32>
      %shift_left3A_735 = arith.shli %bitcast3A_728, %shift_left3A_734 : vector<16xi32>
      %bitcast3A_736 = vector.bitcast %shift_left3A_735 : vector<16xi32> to vector<16xf32>
      %and3A_737 = arith.andi %bitcast3A_728, %broadcast_in_dim3A_425 : vector<16xi32>
      %bitcast3A_738 = vector.bitcast %and3A_737 : vector<16xi32> to vector<16xf32>
      %add3A_739 = arith.addf %add3A_577, %bitcast3A_736 : vector<16xf32>
      %add3A_740 = arith.addf %add3A_578, %bitcast3A_738 : vector<16xf32>
      %add3A_741 = arith.addf %add3A_579, %gather3A_732 : vector<16xf32>
      %get3A_742 = arith.constant 1 : i32
      %get3A_743 = arith.index_cast %get3A_742 : i32 to index
      %get3A_744 = arith.index_cast %scan3A_721 : i32 to index
      %get3A_745 = arith.constant 16 : index
      %get3A_746 = tpu.vector_load %arg6[%get3A_743, %get3A_744, %get3A_745] {strides = array<i32>} : memref<2x104x128xi32, #tpu.memory_space<vmem>>, vector<16xi32>,
      %gather3A_747 = tpu.vector_load_idx %arg5[%get3A_746] : memref<61440xf32, #tpu.memory_space<vmem>>[vector<16xi32>], vector<16xf32>,
      %bitcast3A_748 = vector.bitcast %gather3A_747 : vector<16xf32> to vector<16xi32>
      %add3A_749 = arith.constant 30720 : i32
      %add3A_750 = vector.broadcast %add3A_749 : i32 to vector<16xi32>
      %add3A_751 = arith.addi %get3A_746, %add3A_750 : vector<16xi32>
      %gather3A_752 = tpu.vector_load_idx %arg5[%add3A_751] : memref<61440xf32, #tpu.memory_space<vmem>>[vector<16xi32>], vector<16xf32>,
      %shift_left3A_753 = arith.constant 16 : i32
      %shift_left3A_754 = vector.broadcast %shift_left3A_753 : i32 to vector<16xi32>
      %shift_left3A_755 = arith.shli %bitcast3A_748, %shift_left3A_754 : vector<16xi32>
      %bitcast3A_756 = vector.bitcast %shift_left3A_755 : vector<16xi32> to vector<16xf32>
      %and3A_757 = arith.andi %bitcast3A_748, %broadcast_in_dim3A_425 : vector<16xi32>
      %bitcast3A_758 = vector.bitcast %and3A_757 : vector<16xi32> to vector<16xf32>
      %add3A_759 = arith.addf %add3A_597, %bitcast3A_756 : vector<16xf32>
      %add3A_760 = arith.addf %add3A_598, %bitcast3A_758 : vector<16xf32>
      %add3A_761 = arith.addf %add3A_599, %gather3A_752 : vector<16xf32>
      %get3A_762 = arith.constant 1 : i32
      %get3A_763 = arith.index_cast %get3A_762 : i32 to index
      %get3A_764 = arith.index_cast %scan3A_721 : i32 to index
      %get3A_765 = arith.constant 32 : index
      %get3A_766 = tpu.vector_load %arg6[%get3A_763, %get3A_764, %get3A_765] {strides = array<i32>} : memref<2x104x128xi32, #tpu.memory_space<vmem>>, vector<16xi32>,
      %gather3A_767 = tpu.vector_load_idx %arg5[%get3A_766] : memref<61440xf32, #tpu.memory_space<vmem>>[vector<16xi32>], vector<16xf32>,
      %bitcast3A_768 = vector.bitcast %gather3A_767 : vector<16xf32> to vector<16xi32>
      %add3A_769 = arith.constant 30720 : i32
      %add3A_770 = vector.broadcast %add3A_769 : i32 to vector<16xi32>
      %add3A_771 = arith.addi %get3A_766, %add3A_770 : vector<16xi32>
      %gather3A_772 = tpu.vector_load_idx %arg5[%add3A_771] : memref<61440xf32, #tpu.memory_space<vmem>>[vector<16xi32>], vector<16xf32>,
      %shift_left3A_773 = arith.constant 16 : i32
      %shift_left3A_774 = vector.broadcast %shift_left3A_773 : i32 to vector<16xi32>
      %shift_left3A_775 = arith.shli %bitcast3A_768, %shift_left3A_774 : vector<16xi32>
      %bitcast3A_776 = vector.bitcast %shift_left3A_775 : vector<16xi32> to vector<16xf32>
      %and3A_777 = arith.andi %bitcast3A_768, %broadcast_in_dim3A_425 : vector<16xi32>
      %bitcast3A_778 = vector.bitcast %and3A_777 : vector<16xi32> to vector<16xf32>
      %add3A_779 = arith.addf %add3A_617, %bitcast3A_776 : vector<16xf32>
      %add3A_780 = arith.addf %add3A_618, %bitcast3A_778 : vector<16xf32>
      %add3A_781 = arith.addf %add3A_619, %gather3A_772 : vector<16xf32>
      %get3A_782 = arith.constant 1 : i32
      %get3A_783 = arith.index_cast %get3A_782 : i32 to index
      %get3A_784 = arith.index_cast %scan3A_721 : i32 to index
      %get3A_785 = arith.constant 48 : index
      %get3A_786 = tpu.vector_load %arg6[%get3A_783, %get3A_784, %get3A_785] {strides = array<i32>} : memref<2x104x128xi32, #tpu.memory_space<vmem>>, vector<16xi32>,
      %gather3A_787 = tpu.vector_load_idx %arg5[%get3A_786] : memref<61440xf32, #tpu.memory_space<vmem>>[vector<16xi32>], vector<16xf32>,
      %bitcast3A_788 = vector.bitcast %gather3A_787 : vector<16xf32> to vector<16xi32>
      %add3A_789 = arith.constant 30720 : i32
      %add3A_790 = vector.broadcast %add3A_789 : i32 to vector<16xi32>
      %add3A_791 = arith.addi %get3A_786, %add3A_790 : vector<16xi32>
      %gather3A_792 = tpu.vector_load_idx %arg5[%add3A_791] : memref<61440xf32, #tpu.memory_space<vmem>>[vector<16xi32>], vector<16xf32>,
      %shift_left3A_793 = arith.constant 16 : i32
      %shift_left3A_794 = vector.broadcast %shift_left3A_793 : i32 to vector<16xi32>
      %shift_left3A_795 = arith.shli %bitcast3A_788, %shift_left3A_794 : vector<16xi32>
      %bitcast3A_796 = vector.bitcast %shift_left3A_795 : vector<16xi32> to vector<16xf32>
      %and3A_797 = arith.andi %bitcast3A_788, %broadcast_in_dim3A_425 : vector<16xi32>
      %bitcast3A_798 = vector.bitcast %and3A_797 : vector<16xi32> to vector<16xf32>
      %add3A_799 = arith.addf %add3A_637, %bitcast3A_796 : vector<16xf32>
      %add3A_800 = arith.addf %add3A_638, %bitcast3A_798 : vector<16xf32>
      %add3A_801 = arith.addf %add3A_639, %gather3A_792 : vector<16xf32>
      %get3A_802 = arith.constant 1 : i32
      %get3A_803 = arith.index_cast %get3A_802 : i32 to index
      %get3A_804 = arith.index_cast %scan3A_721 : i32 to index
      %get3A_805 = arith.constant 64 : index
      %get3A_806 = tpu.vector_load %arg6[%get3A_803, %get3A_804, %get3A_805] {strides = array<i32>} : memref<2x104x128xi32, #tpu.memory_space<vmem>>, vector<16xi32>,
      %gather3A_807 = tpu.vector_load_idx %arg5[%get3A_806] : memref<61440xf32, #tpu.memory_space<vmem>>[vector<16xi32>], vector<16xf32>,
      %bitcast3A_808 = vector.bitcast %gather3A_807 : vector<16xf32> to vector<16xi32>
      %add3A_809 = arith.constant 30720 : i32
      %add3A_810 = vector.broadcast %add3A_809 : i32 to vector<16xi32>
      %add3A_811 = arith.addi %get3A_806, %add3A_810 : vector<16xi32>
      %gather3A_812 = tpu.vector_load_idx %arg5[%add3A_811] : memref<61440xf32, #tpu.memory_space<vmem>>[vector<16xi32>], vector<16xf32>,
      %shift_left3A_813 = arith.constant 16 : i32
      %shift_left3A_814 = vector.broadcast %shift_left3A_813 : i32 to vector<16xi32>
      %shift_left3A_815 = arith.shli %bitcast3A_808, %shift_left3A_814 : vector<16xi32>
      %bitcast3A_816 = vector.bitcast %shift_left3A_815 : vector<16xi32> to vector<16xf32>
      %and3A_817 = arith.andi %bitcast3A_808, %broadcast_in_dim3A_425 : vector<16xi32>
      %bitcast3A_818 = vector.bitcast %and3A_817 : vector<16xi32> to vector<16xf32>
      %add3A_819 = arith.addf %add3A_657, %bitcast3A_816 : vector<16xf32>
      %add3A_820 = arith.addf %add3A_658, %bitcast3A_818 : vector<16xf32>
      %add3A_821 = arith.addf %add3A_659, %gather3A_812 : vector<16xf32>
      %get3A_822 = arith.constant 1 : i32
      %get3A_823 = arith.index_cast %get3A_822 : i32 to index
      %get3A_824 = arith.index_cast %scan3A_721 : i32 to index
      %get3A_825 = arith.constant 80 : index
      %get3A_826 = tpu.vector_load %arg6[%get3A_823, %get3A_824, %get3A_825] {strides = array<i32>} : memref<2x104x128xi32, #tpu.memory_space<vmem>>, vector<16xi32>,
      %gather3A_827 = tpu.vector_load_idx %arg5[%get3A_826] : memref<61440xf32, #tpu.memory_space<vmem>>[vector<16xi32>], vector<16xf32>,
      %bitcast3A_828 = vector.bitcast %gather3A_827 : vector<16xf32> to vector<16xi32>
      %add3A_829 = arith.constant 30720 : i32
      %add3A_830 = vector.broadcast %add3A_829 : i32 to vector<16xi32>
      %add3A_831 = arith.addi %get3A_826, %add3A_830 : vector<16xi32>
      %gather3A_832 = tpu.vector_load_idx %arg5[%add3A_831] : memref<61440xf32, #tpu.memory_space<vmem>>[vector<16xi32>], vector<16xf32>,
      %shift_left3A_833 = arith.constant 16 : i32
      %shift_left3A_834 = vector.broadcast %shift_left3A_833 : i32 to vector<16xi32>
      %shift_left3A_835 = arith.shli %bitcast3A_828, %shift_left3A_834 : vector<16xi32>
      %bitcast3A_836 = vector.bitcast %shift_left3A_835 : vector<16xi32> to vector<16xf32>
      %and3A_837 = arith.andi %bitcast3A_828, %broadcast_in_dim3A_425 : vector<16xi32>
      %bitcast3A_838 = vector.bitcast %and3A_837 : vector<16xi32> to vector<16xf32>
      %add3A_839 = arith.addf %add3A_677, %bitcast3A_836 : vector<16xf32>
      %add3A_840 = arith.addf %add3A_678, %bitcast3A_838 : vector<16xf32>
      %add3A_841 = arith.addf %add3A_679, %gather3A_832 : vector<16xf32>
      %get3A_842 = arith.constant 1 : i32
      %get3A_843 = arith.index_cast %get3A_842 : i32 to index
      %get3A_844 = arith.index_cast %scan3A_721 : i32 to index
      %get3A_845 = arith.constant 96 : index
      %get3A_846 = tpu.vector_load %arg6[%get3A_843, %get3A_844, %get3A_845] {strides = array<i32>} : memref<2x104x128xi32, #tpu.memory_space<vmem>>, vector<16xi32>,
      %gather3A_847 = tpu.vector_load_idx %arg5[%get3A_846] : memref<61440xf32, #tpu.memory_space<vmem>>[vector<16xi32>], vector<16xf32>,
      %bitcast3A_848 = vector.bitcast %gather3A_847 : vector<16xf32> to vector<16xi32>
      %add3A_849 = arith.constant 30720 : i32
      %add3A_850 = vector.broadcast %add3A_849 : i32 to vector<16xi32>
      %add3A_851 = arith.addi %get3A_846, %add3A_850 : vector<16xi32>
      %gather3A_852 = tpu.vector_load_idx %arg5[%add3A_851] : memref<61440xf32, #tpu.memory_space<vmem>>[vector<16xi32>], vector<16xf32>,
      %shift_left3A_853 = arith.constant 16 : i32
      %shift_left3A_854 = vector.broadcast %shift_left3A_853 : i32 to vector<16xi32>
      %shift_left3A_855 = arith.shli %bitcast3A_848, %shift_left3A_854 : vector<16xi32>
      %bitcast3A_856 = vector.bitcast %shift_left3A_855 : vector<16xi32> to vector<16xf32>
      %and3A_857 = arith.andi %bitcast3A_848, %broadcast_in_dim3A_425 : vector<16xi32>
      %bitcast3A_858 = vector.bitcast %and3A_857 : vector<16xi32> to vector<16xf32>
      %add3A_859 = arith.addf %add3A_697, %bitcast3A_856 : vector<16xf32>
      %add3A_860 = arith.addf %add3A_698, %bitcast3A_858 : vector<16xf32>
      %add3A_861 = arith.addf %add3A_699, %gather3A_852 : vector<16xf32>
      %get3A_862 = arith.constant 1 : i32
      %get3A_863 = arith.index_cast %get3A_862 : i32 to index
      %get3A_864 = arith.index_cast %scan3A_721 : i32 to index
      %get3A_865 = arith.constant 112 : index
      %get3A_866 = tpu.vector_load %arg6[%get3A_863, %get3A_864, %get3A_865] {strides = array<i32>} : memref<2x104x128xi32, #tpu.memory_space<vmem>>, vector<16xi32>,
      %gather3A_867 = tpu.vector_load_idx %arg5[%get3A_866] : memref<61440xf32, #tpu.memory_space<vmem>>[vector<16xi32>], vector<16xf32>,
      %bitcast3A_868 = vector.bitcast %gather3A_867 : vector<16xf32> to vector<16xi32>
      %add3A_869 = arith.constant 30720 : i32
      %add3A_870 = vector.broadcast %add3A_869 : i32 to vector<16xi32>
      %add3A_871 = arith.addi %get3A_866, %add3A_870 : vector<16xi32>
      %gather3A_872 = tpu.vector_load_idx %arg5[%add3A_871] : memref<61440xf32, #tpu.memory_space<vmem>>[vector<16xi32>], vector<16xf32>,
      %shift_left3A_873 = arith.constant 16 : i32
      %shift_left3A_874 = vector.broadcast %shift_left3A_873 : i32 to vector<16xi32>
      %shift_left3A_875 = arith.shli %bitcast3A_868, %shift_left3A_874 : vector<16xi32>
      %bitcast3A_876 = vector.bitcast %shift_left3A_875 : vector<16xi32> to vector<16xf32>
      %and3A_877 = arith.andi %bitcast3A_868, %broadcast_in_dim3A_425 : vector<16xi32>
      %bitcast3A_878 = vector.bitcast %and3A_877 : vector<16xi32> to vector<16xf32>
      %add3A_879 = arith.addf %add3A_717, %bitcast3A_876 : vector<16xf32>
      %add3A_880 = arith.addf %add3A_718, %bitcast3A_878 : vector<16xf32>
      %add3A_881 = arith.addf %add3A_719, %gather3A_872 : vector<16xf32>
      scf.yield %add3A_739, %add3A_740, %add3A_741, %add3A_759, %add3A_760, %add3A_761, %add3A_779, %add3A_780, %add3A_781, %add3A_799, %add3A_800, %add3A_801, %add3A_819, %add3A_820, %add3A_821, %add3A_839, %add3A_840, %add3A_841, %add3A_859, %add3A_860, %add3A_861, %add3A_879, %add3A_880, %add3A_881 : vector<16xf32>, vector<16xf32>, vector<16xf32>, vector<16xf32>, vector<16xf32>, vector<16xf32>, vector<16xf32>, vector<16xf32>, vector<16xf32>, vector<16xf32>, vector<16xf32>, vector<16xf32>, vector<16xf32>, vector<16xf32>, vector<16xf32>, vector<16xf32>, vector<16xf32>, vector<16xf32>, vector<16xf32>, vector<16xf32>, vector<16xf32>, vector<16xf32>, vector<16xf32>, vector<16xf32>
    }
    %scan3A_431 = arith.constant 104 : i32
    %swap3A_432 = arith.constant 384 : index
    %swap3A_433 = tpu.vector_load %arg7[%swap3A_432] {strides = array<i32>} : memref<1536xf32, #tpu.memory_space<vmem>>, vector<16xf32>,
    tpu.vector_store %arg7[%swap3A_432], %scan3A_430#0 {strides = array<i32>} : memref<1536xf32, #tpu.memory_space<vmem>>, vector<16xf32>,
    %swap3A_434 = arith.constant 896 : index
    %swap3A_435 = tpu.vector_load %arg7[%swap3A_434] {strides = array<i32>} : memref<1536xf32, #tpu.memory_space<vmem>>, vector<16xf32>,
    tpu.vector_store %arg7[%swap3A_434], %scan3A_430#1 {strides = array<i32>} : memref<1536xf32, #tpu.memory_space<vmem>>, vector<16xf32>,
    %swap3A_436 = arith.constant 1408 : index
    %swap3A_437 = tpu.vector_load %arg7[%swap3A_436] {strides = array<i32>} : memref<1536xf32, #tpu.memory_space<vmem>>, vector<16xf32>,
    tpu.vector_store %arg7[%swap3A_436], %scan3A_430#2 {strides = array<i32>} : memref<1536xf32, #tpu.memory_space<vmem>>, vector<16xf32>,
    %swap3A_438 = arith.constant 400 : index
    %swap3A_439 = tpu.vector_load %arg7[%swap3A_438] {strides = array<i32>} : memref<1536xf32, #tpu.memory_space<vmem>>, vector<16xf32>,
    tpu.vector_store %arg7[%swap3A_438], %scan3A_430#3 {strides = array<i32>} : memref<1536xf32, #tpu.memory_space<vmem>>, vector<16xf32>,
    %swap3A_440 = arith.constant 912 : index
    %swap3A_441 = tpu.vector_load %arg7[%swap3A_440] {strides = array<i32>} : memref<1536xf32, #tpu.memory_space<vmem>>, vector<16xf32>,
    tpu.vector_store %arg7[%swap3A_440], %scan3A_430#4 {strides = array<i32>} : memref<1536xf32, #tpu.memory_space<vmem>>, vector<16xf32>,
    %swap3A_442 = arith.constant 1424 : index
    %swap3A_443 = tpu.vector_load %arg7[%swap3A_442] {strides = array<i32>} : memref<1536xf32, #tpu.memory_space<vmem>>, vector<16xf32>,
    tpu.vector_store %arg7[%swap3A_442], %scan3A_430#5 {strides = array<i32>} : memref<1536xf32, #tpu.memory_space<vmem>>, vector<16xf32>,
    %swap3A_444 = arith.constant 416 : index
    %swap3A_445 = tpu.vector_load %arg7[%swap3A_444] {strides = array<i32>} : memref<1536xf32, #tpu.memory_space<vmem>>, vector<16xf32>,
    tpu.vector_store %arg7[%swap3A_444], %scan3A_430#6 {strides = array<i32>} : memref<1536xf32, #tpu.memory_space<vmem>>, vector<16xf32>,
    %swap3A_446 = arith.constant 928 : index
    %swap3A_447 = tpu.vector_load %arg7[%swap3A_446] {strides = array<i32>} : memref<1536xf32, #tpu.memory_space<vmem>>, vector<16xf32>,
    tpu.vector_store %arg7[%swap3A_446], %scan3A_430#7 {strides = array<i32>} : memref<1536xf32, #tpu.memory_space<vmem>>, vector<16xf32>,
    %swap3A_448 = arith.constant 1440 : index
    %swap3A_449 = tpu.vector_load %arg7[%swap3A_448] {strides = array<i32>} : memref<1536xf32, #tpu.memory_space<vmem>>, vector<16xf32>,
    tpu.vector_store %arg7[%swap3A_448], %scan3A_430#8 {strides = array<i32>} : memref<1536xf32, #tpu.memory_space<vmem>>, vector<16xf32>,
    %swap3A_450 = arith.constant 432 : index
    %swap3A_451 = tpu.vector_load %arg7[%swap3A_450] {strides = array<i32>} : memref<1536xf32, #tpu.memory_space<vmem>>, vector<16xf32>,
    tpu.vector_store %arg7[%swap3A_450], %scan3A_430#9 {strides = array<i32>} : memref<1536xf32, #tpu.memory_space<vmem>>, vector<16xf32>,
    %swap3A_452 = arith.constant 944 : index
    %swap3A_453 = tpu.vector_load %arg7[%swap3A_452] {strides = array<i32>} : memref<1536xf32, #tpu.memory_space<vmem>>, vector<16xf32>,
    tpu.vector_store %arg7[%swap3A_452], %scan3A_430#10 {strides = array<i32>} : memref<1536xf32, #tpu.memory_space<vmem>>, vector<16xf32>,
    %swap3A_454 = arith.constant 1456 : index
    %swap3A_455 = tpu.vector_load %arg7[%swap3A_454] {strides = array<i32>} : memref<1536xf32, #tpu.memory_space<vmem>>, vector<16xf32>,
    tpu.vector_store %arg7[%swap3A_454], %scan3A_430#11 {strides = array<i32>} : memref<1536xf32, #tpu.memory_space<vmem>>, vector<16xf32>,
    %swap3A_456 = arith.constant 448 : index
    %swap3A_457 = tpu.vector_load %arg7[%swap3A_456] {strides = array<i32>} : memref<1536xf32, #tpu.memory_space<vmem>>, vector<16xf32>,
    tpu.vector_store %arg7[%swap3A_456], %scan3A_430#12 {strides = array<i32>} : memref<1536xf32, #tpu.memory_space<vmem>>, vector<16xf32>,
    %swap3A_458 = arith.constant 960 : index
    %swap3A_459 = tpu.vector_load %arg7[%swap3A_458] {strides = array<i32>} : memref<1536xf32, #tpu.memory_space<vmem>>, vector<16xf32>,
    tpu.vector_store %arg7[%swap3A_458], %scan3A_430#13 {strides = array<i32>} : memref<1536xf32, #tpu.memory_space<vmem>>, vector<16xf32>,
    %swap3A_460 = arith.constant 1472 : index
    %swap3A_461 = tpu.vector_load %arg7[%swap3A_460] {strides = array<i32>} : memref<1536xf32, #tpu.memory_space<vmem>>, vector<16xf32>,
    tpu.vector_store %arg7[%swap3A_460], %scan3A_430#14 {strides = array<i32>} : memref<1536xf32, #tpu.memory_space<vmem>>, vector<16xf32>,
    %swap3A_462 = arith.constant 464 : index
    %swap3A_463 = tpu.vector_load %arg7[%swap3A_462] {strides = array<i32>} : memref<1536xf32, #tpu.memory_space<vmem>>, vector<16xf32>,
    tpu.vector_store %arg7[%swap3A_462], %scan3A_430#15 {strides = array<i32>} : memref<1536xf32, #tpu.memory_space<vmem>>, vector<16xf32>,
    %swap3A_464 = arith.constant 976 : index
    %swap3A_465 = tpu.vector_load %arg7[%swap3A_464] {strides = array<i32>} : memref<1536xf32, #tpu.memory_space<vmem>>, vector<16xf32>,
    tpu.vector_store %arg7[%swap3A_464], %scan3A_430#16 {strides = array<i32>} : memref<1536xf32, #tpu.memory_space<vmem>>, vector<16xf32>,
    %swap3A_466 = arith.constant 1488 : index
    %swap3A_467 = tpu.vector_load %arg7[%swap3A_466] {strides = array<i32>} : memref<1536xf32, #tpu.memory_space<vmem>>, vector<16xf32>,
    tpu.vector_store %arg7[%swap3A_466], %scan3A_430#17 {strides = array<i32>} : memref<1536xf32, #tpu.memory_space<vmem>>, vector<16xf32>,
    %swap3A_468 = arith.constant 480 : index
    %swap3A_469 = tpu.vector_load %arg7[%swap3A_468] {strides = array<i32>} : memref<1536xf32, #tpu.memory_space<vmem>>, vector<16xf32>,
    tpu.vector_store %arg7[%swap3A_468], %scan3A_430#18 {strides = array<i32>} : memref<1536xf32, #tpu.memory_space<vmem>>, vector<16xf32>,
    %swap3A_470 = arith.constant 992 : index
    %swap3A_471 = tpu.vector_load %arg7[%swap3A_470] {strides = array<i32>} : memref<1536xf32, #tpu.memory_space<vmem>>, vector<16xf32>,
    tpu.vector_store %arg7[%swap3A_470], %scan3A_430#19 {strides = array<i32>} : memref<1536xf32, #tpu.memory_space<vmem>>, vector<16xf32>,
    %swap3A_472 = arith.constant 1504 : index
    %swap3A_473 = tpu.vector_load %arg7[%swap3A_472] {strides = array<i32>} : memref<1536xf32, #tpu.memory_space<vmem>>, vector<16xf32>,
    tpu.vector_store %arg7[%swap3A_472], %scan3A_430#20 {strides = array<i32>} : memref<1536xf32, #tpu.memory_space<vmem>>, vector<16xf32>,
    %swap3A_474 = arith.constant 496 : index
    %swap3A_475 = tpu.vector_load %arg7[%swap3A_474] {strides = array<i32>} : memref<1536xf32, #tpu.memory_space<vmem>>, vector<16xf32>,
    tpu.vector_store %arg7[%swap3A_474], %scan3A_430#21 {strides = array<i32>} : memref<1536xf32, #tpu.memory_space<vmem>>, vector<16xf32>,
    %swap3A_476 = arith.constant 1008 : index
    %swap3A_477 = tpu.vector_load %arg7[%swap3A_476] {strides = array<i32>} : memref<1536xf32, #tpu.memory_space<vmem>>, vector<16xf32>,
    tpu.vector_store %arg7[%swap3A_476], %scan3A_430#22 {strides = array<i32>} : memref<1536xf32, #tpu.memory_space<vmem>>, vector<16xf32>,
    %swap3A_478 = arith.constant 1520 : index
    %swap3A_479 = tpu.vector_load %arg7[%swap3A_478] {strides = array<i32>} : memref<1536xf32, #tpu.memory_space<vmem>>, vector<16xf32>,
    tpu.vector_store %arg7[%swap3A_478], %scan3A_430#23 {strides = array<i32>} : memref<1536xf32, #tpu.memory_space<vmem>>, vector<16xf32>,
    %mul3A_480 = arith.constant 512 : i32
    %mul3A_481 = arith.muli %add3A, %mul3A_480 : i32
    %add3A_482 = arith.constant 0 : i32
    %add3A_483 = arith.addi %add3A_482, %mul3A_481 : i32
    %dma_start3A_484 = arith.constant 0 : i32
    %dma_start3A_485 = tpu.memref_slice %arg7[%dma_start3A_484] : memref<1536xf32, #tpu.memory_space<vmem>> -> memref<512xf32, #tpu.memory_space<vmem>>
    %dma_start3A_486 = tpu.memref_slice %arg4[%add3A_483] : memref<49152xf32, #tpu.memory_space<hbm>> -> memref<512xf32, #tpu.memory_space<hbm>>
    %dma_start3A_487 = tpu.memref_slice %arg4[%add3A_483] : memref<49152xf32, #tpu.memory_space<hbm>> -> memref<512xf32, #tpu.memory_space<hbm>>
    %dma_start3A_488 = arith.constant 0 : i32
    %dma_start3A_489 = tpu.memref_slice %arg7[%dma_start3A_488] : memref<1536xf32, #tpu.memory_space<vmem>> -> memref<512xf32, #tpu.memory_space<vmem>>
    tpu.enqueue_dma source(%dma_start3A_489 : memref<512xf32, #tpu.memory_space<vmem>>) target(%dma_start3A_487 : memref<512xf32, #tpu.memory_space<hbm>>) target_semaphore(%arg11 : memref<!tpu.dma_semaphore, #tpu.memory_space<semaphore_mem>>)
    %mul3A_490 = arith.constant 512 : i32
    %mul3A_491 = arith.muli %add3A, %mul3A_490 : i32
    %add3A_492 = arith.constant 16384 : i32
    %add3A_493 = arith.addi %add3A_492, %mul3A_491 : i32
    %dma_start3A_494 = arith.constant 512 : i32
    %dma_start3A_495 = tpu.memref_slice %arg7[%dma_start3A_494] : memref<1536xf32, #tpu.memory_space<vmem>> -> memref<512xf32, #tpu.memory_space<vmem>>
    %dma_start3A_496 = tpu.memref_slice %arg4[%add3A_493] : memref<49152xf32, #tpu.memory_space<hbm>> -> memref<512xf32, #tpu.memory_space<hbm>>
    %dma_start3A_497 = tpu.memref_slice %arg4[%add3A_493] : memref<49152xf32, #tpu.memory_space<hbm>> -> memref<512xf32, #tpu.memory_space<hbm>>
    %dma_start3A_498 = arith.constant 512 : i32
    %dma_start3A_499 = tpu.memref_slice %arg7[%dma_start3A_498] : memref<1536xf32, #tpu.memory_space<vmem>> -> memref<512xf32, #tpu.memory_space<vmem>>
    tpu.enqueue_dma source(%dma_start3A_499 : memref<512xf32, #tpu.memory_space<vmem>>) target(%dma_start3A_497 : memref<512xf32, #tpu.memory_space<hbm>>) target_semaphore(%arg11 : memref<!tpu.dma_semaphore, #tpu.memory_space<semaphore_mem>>)
    %mul3A_500 = arith.constant 512 : i32
    %mul3A_501 = arith.muli %add3A, %mul3A_500 : i32
    %add3A_502 = arith.constant 32768 : i32
    %add3A_503 = arith.addi %add3A_502, %mul3A_501 : i32
    %dma_start3A_504 = arith.constant 1024 : i32
    %dma_start3A_505 = tpu.memref_slice %arg7[%dma_start3A_504] : memref<1536xf32, #tpu.memory_space<vmem>> -> memref<512xf32, #tpu.memory_space<vmem>>
    %dma_start3A_506 = tpu.memref_slice %arg4[%add3A_503] : memref<49152xf32, #tpu.memory_space<hbm>> -> memref<512xf32, #tpu.memory_space<hbm>>
    %dma_start3A_507 = tpu.memref_slice %arg4[%add3A_503] : memref<49152xf32, #tpu.memory_space<hbm>> -> memref<512xf32, #tpu.memory_space<hbm>>
    %dma_start3A_508 = arith.constant 1024 : i32
    %dma_start3A_509 = tpu.memref_slice %arg7[%dma_start3A_508] : memref<1536xf32, #tpu.memory_space<vmem>> -> memref<512xf32, #tpu.memory_space<vmem>>
    tpu.enqueue_dma source(%dma_start3A_509 : memref<512xf32, #tpu.memory_space<vmem>>) target(%dma_start3A_507 : memref<512xf32, #tpu.memory_space<hbm>>) target_semaphore(%arg11 : memref<!tpu.dma_semaphore, #tpu.memory_space<semaphore_mem>>)
    %mul3A_510 = arith.constant 512 : i32
    %mul3A_511 = arith.muli %add3A, %mul3A_510 : i32
    %add3A_512 = arith.constant 0 : i32
    %add3A_513 = arith.addi %add3A_512, %mul3A_511 : i32
    %dma_wait3A_514 = arith.constant 0 : i32
    %dma_wait3A_515 = tpu.memref_slice %arg7[%dma_wait3A_514] : memref<1536xf32, #tpu.memory_space<vmem>> -> memref<512xf32, #tpu.memory_space<vmem>>
    %dma_wait3A_516 = tpu.memref_slice %arg4[%add3A_513] : memref<49152xf32, #tpu.memory_space<hbm>> -> memref<512xf32, #tpu.memory_space<hbm>>
    %dma_wait3A_517 = tpu.memref_slice %arg4[%add3A_513] : memref<49152xf32, #tpu.memory_space<hbm>> -> memref<512xf32, #tpu.memory_space<hbm>>
    %dma_wait3A_518 = arith.constant 0 : i32
    %dma_wait3A_519 = tpu.memref_slice %arg7[%dma_wait3A_518] : memref<1536xf32, #tpu.memory_space<vmem>> -> memref<512xf32, #tpu.memory_space<vmem>>
    tpu.wait_dma2 semaphore(%arg11 : memref<!tpu.dma_semaphore, #tpu.memory_space<semaphore_mem>>) src(%dma_wait3A_519 : memref<512xf32, #tpu.memory_space<vmem>>) dst(%dma_wait3A_517 : memref<512xf32, #tpu.memory_space<hbm>>)
    %mul3A_520 = arith.constant 512 : i32
    %mul3A_521 = arith.muli %add3A, %mul3A_520 : i32
    %add3A_522 = arith.constant 16384 : i32
    %add3A_523 = arith.addi %add3A_522, %mul3A_521 : i32
    %dma_wait3A_524 = arith.constant 512 : i32
    %dma_wait3A_525 = tpu.memref_slice %arg7[%dma_wait3A_524] : memref<1536xf32, #tpu.memory_space<vmem>> -> memref<512xf32, #tpu.memory_space<vmem>>
    %dma_wait3A_526 = tpu.memref_slice %arg4[%add3A_523] : memref<49152xf32, #tpu.memory_space<hbm>> -> memref<512xf32, #tpu.memory_space<hbm>>
    %dma_wait3A_527 = tpu.memref_slice %arg4[%add3A_523] : memref<49152xf32, #tpu.memory_space<hbm>> -> memref<512xf32, #tpu.memory_space<hbm>>
    %dma_wait3A_528 = arith.constant 512 : i32
    %dma_wait3A_529 = tpu.memref_slice %arg7[%dma_wait3A_528] : memref<1536xf32, #tpu.memory_space<vmem>> -> memref<512xf32, #tpu.memory_space<vmem>>
    tpu.wait_dma2 semaphore(%arg11 : memref<!tpu.dma_semaphore, #tpu.memory_space<semaphore_mem>>) src(%dma_wait3A_529 : memref<512xf32, #tpu.memory_space<vmem>>) dst(%dma_wait3A_527 : memref<512xf32, #tpu.memory_space<hbm>>)
    %mul3A_530 = arith.constant 512 : i32
    %mul3A_531 = arith.muli %add3A, %mul3A_530 : i32
    %add3A_532 = arith.constant 32768 : i32
    %add3A_533 = arith.addi %add3A_532, %mul3A_531 : i32
    %dma_wait3A_534 = arith.constant 1024 : i32
    %dma_wait3A_535 = tpu.memref_slice %arg7[%dma_wait3A_534] : memref<1536xf32, #tpu.memory_space<vmem>> -> memref<512xf32, #tpu.memory_space<vmem>>
    %dma_wait3A_536 = tpu.memref_slice %arg4[%add3A_533] : memref<49152xf32, #tpu.memory_space<hbm>> -> memref<512xf32, #tpu.memory_space<hbm>>
    %dma_wait3A_537 = tpu.memref_slice %arg4[%add3A_533] : memref<49152xf32, #tpu.memory_space<hbm>> -> memref<512xf32, #tpu.memory_space<hbm>>
    %dma_wait3A_538 = arith.constant 1024 : i32
    %dma_wait3A_539 = tpu.memref_slice %arg7[%dma_wait3A_538] : memref<1536xf32, #tpu.memory_space<vmem>> -> memref<512xf32, #tpu.memory_space<vmem>>
    tpu.wait_dma2 semaphore(%arg11 : memref<!tpu.dma_semaphore, #tpu.memory_space<semaphore_mem>>) src(%dma_wait3A_539 : memref<512xf32, #tpu.memory_space<vmem>>) dst(%dma_wait3A_537 : memref<512xf32, #tpu.memory_space<hbm>>)
    return
  }
}

module attributes {stable_mosaic.version = 14 : i64} {
  func.func @_table_body(%arg0: i32, %arg1: memref<7680x128xf32, #tpu.memory_space<vmem>>, %arg2: memref<200x128xf32, #tpu.memory_space<vmem>>, %arg3: memref<3x128xf32, #tpu.memory_space<vmem>>, %arg4: memref<3x1xf32, #tpu.memory_space<vmem>>, %arg5: memref<2x7680xf32, #tpu.memory_space<vmem>>) attributes {dimension_semantics = [#tpu.dimension_semantics<arbitrary>], iteration_bounds = array<i64: 4>, scalar_prefetch = 0 : i64, scratch_operands = 0 : i64, tpu.core_type = #tpu.core_type<tc>, window_params = [{transform_indices = @transform_0, window_bounds = array<i64: 7680, 128>}, {pipeline_mode = #tpu.pipeline_mode<synchronous>, transform_indices = @transform_1, window_bounds = array<i64: 200, 128>}, {pipeline_mode = #tpu.pipeline_mode<synchronous>, transform_indices = @transform_2, window_bounds = array<i64: 3, 128>}, {pipeline_mode = #tpu.pipeline_mode<synchronous>, transform_indices = @transform_3, window_bounds = array<i64: 3, 1>}, {transform_indices = @transform_4, window_bounds = array<i64: 2, 7680>}]} {
    %get3A = arith.constant 0 : index
    %get3A_0 = arith.constant 0 : index
    %get3A_1 = vector.load %arg3[%get3A, %get3A_0] : memref<3x128xf32, #tpu.memory_space<vmem>>, vector<3x128xf32>
    %get3A_2 = arith.constant 0 : index
    %get3A_3 = arith.constant 0 : index
    %get3A_4 = vector.load %arg2[%get3A_2, %get3A_3] : memref<200x128xf32, #tpu.memory_space<vmem>>, vector<200x128xf32>
    %dot_general3A = arith.constant dense<0.000000e+00> : vector<3x200xf32>
    %dot_general3A_5 = tpu.matmul %get3A_1, %get3A_4, %dot_general3A {dimension_numbers = #tpu.dot_dimension_numbers<[1], [1], [0], [0], [0, 0, 1, 0], [], []>, transpose_lhs_hint = false} : vector<3x128xf32>, vector<200x128xf32>, vector<3x200xf32> -> vector<3x200xf32>
    %reduce_sum3A = arith.constant dense<0.000000e+00> : vector<3xf32>
    %reduce_sum3A_6 = vector.multi_reduction <add>, %dot_general3A_5, %reduce_sum3A [1] : vector<3x200xf32> to vector<3xf32>
    %broadcast_in_dim3A = vector.shape_cast %reduce_sum3A_6 : vector<3xf32> to vector<3x1xf32>
    %div3A = arith.constant 2.000000e+02 : f32
    %div3A_7 = vector.broadcast %div3A : f32 to vector<3x1xf32>
    %div3A_8 = arith.divf %broadcast_in_dim3A, %div3A_7 : vector<3x1xf32>
    %get3A_9 = arith.constant 0 : index
    %get3A_10 = arith.constant 0 : index
    %get3A_11 = vector.load %arg4[%get3A_9, %get3A_10] : memref<3x1xf32, #tpu.memory_space<vmem>>, vector<3x1xf32>
    %add3A = arith.addf %div3A_8, %get3A_11 : vector<3x1xf32>
    %convert_element_type3A = arith.truncf %get3A_1 : vector<3x128xf32> to vector<3x128xbf16>
    %get3A_12 = arith.constant 0 : index
    %get3A_13 = arith.constant 0 : index
    %get3A_14 = vector.load %arg1[%get3A_12, %get3A_13] : memref<7680x128xf32, #tpu.memory_space<vmem>>, vector<7680x128xf32>
    %convert_element_type3A_15 = arith.truncf %get3A_14 : vector<7680x128xf32> to vector<7680x128xbf16>
    %dot_general3A_16 = arith.constant dense<0.000000e+00> : vector<3x7680xf32>
    %dot_general3A_17 = tpu.matmul %convert_element_type3A, %convert_element_type3A_15, %dot_general3A_16 {dimension_numbers = #tpu.dot_dimension_numbers<[1], [1], [0], [0], [0, 0, 1, 0], [], []>, transpose_lhs_hint = false} : vector<3x128xbf16>, vector<7680x128xbf16>, vector<3x7680xf32> -> vector<3x7680xf32>
    %add3A_18 = vector.broadcast %add3A : vector<3x1xf32> to vector<3x7680xf32>
    %add3A_19 = arith.addf %dot_general3A_17, %add3A_18 : vector<3x7680xf32>
    %mul3A = arith.constant 5.000000e-03 : f32
    %mul3A_20 = vector.broadcast %mul3A : f32 to vector<3x7680xf32>
    %mul3A_21 = arith.mulf %add3A_19, %mul3A_20 : vector<3x7680xf32>
    %mul3A_22 = arith.constant 7680 : i32
    %mul3A_23 = arith.muli %arg0, %mul3A_22 : i32
    %iota3A = tpu.iota {dimensions = array<i32: 1>} : vector<3x7680xi32>
    %add3A_24 = vector.broadcast %mul3A_23 : i32 to vector<3x7680xi32>
    %add3A_25 = arith.addi %add3A_24, %iota3A : vector<3x7680xi32>
    %lt3A = arith.constant 30522 : i32
    %lt3A_26 = vector.broadcast %lt3A : i32 to vector<3x7680xi32>
    %lt3A_27 = arith.cmpi slt, %add3A_25, %lt3A_26 : vector<3x7680xi32>
    %jit3A = arith.constant 0.000000e+00 : f32
    %broadcast_in_dim3A_28 = vector.broadcast %jit3A : f32 to vector<3x7680xf32>
    %select_n3A = arith.select %lt3A_27, %mul3A_21, %broadcast_in_dim3A_28 : vector<3x7680xi1>, vector<3x7680xf32>
    %slice3A = vector.extract_strided_slice %select_n3A {offsets = [0, 0], sizes = [1, 7680], strides = [1, 1]} : vector<3x7680xf32> to vector<1x7680xf32>
    %convert_element_type3A_29 = arith.truncf %slice3A : vector<1x7680xf32> to vector<1x7680xbf16>
    %bitcast_convert_type3A = tpu.bitcast %convert_element_type3A_29 : vector<1x7680xbf16> -> vector<1x7680xi16>
    %convert_element_type3A_30 = arith.extui %bitcast_convert_type3A : vector<1x7680xi16> to vector<1x7680xi32>
    %slice3A_31 = vector.extract_strided_slice %select_n3A {offsets = [1, 0], sizes = [1, 7680], strides = [1, 1]} : vector<3x7680xf32> to vector<1x7680xf32>
    %convert_element_type3A_32 = arith.truncf %slice3A_31 : vector<1x7680xf32> to vector<1x7680xbf16>
    %bitcast_convert_type3A_33 = tpu.bitcast %convert_element_type3A_32 : vector<1x7680xbf16> -> vector<1x7680xi16>
    %convert_element_type3A_34 = arith.extui %bitcast_convert_type3A_33 : vector<1x7680xi16> to vector<1x7680xi32>
    %shift_left3A = arith.constant 16 : i32
    %shift_left3A_35 = vector.broadcast %shift_left3A : i32 to vector<1x7680xi32>
    %shift_left3A_36 = arith.shli %convert_element_type3A_34, %shift_left3A_35 : vector<1x7680xi32>
    %or3A = arith.ori %convert_element_type3A_30, %shift_left3A_36 : vector<1x7680xi32>
    %bitcast_convert_type3A_37 = tpu.bitcast %or3A : vector<1x7680xi32> -> vector<1x7680xf32>
    %slice3A_38 = vector.extract_strided_slice %select_n3A {offsets = [2, 0], sizes = [1, 7680], strides = [1, 1]} : vector<3x7680xf32> to vector<1x7680xf32>
    %concatenate3A = tpu.concatenate %bitcast_convert_type3A_37, %slice3A_38 in 0 : vector<1x7680xf32>, vector<1x7680xf32> -> vector<2x7680xf32>
    %swap3A = arith.constant 0 : index
    %swap3A_39 = arith.constant 0 : index
    %swap3A_40 = vector.load %arg5[%swap3A, %swap3A_39] : memref<2x7680xf32, #tpu.memory_space<vmem>>, vector<2x7680xf32>
    tpu.vector_store %arg5[%swap3A, %swap3A_39], %concatenate3A {strides = array<i32>} : memref<2x7680xf32, #tpu.memory_space<vmem>>, vector<2x7680xf32>,
    return
  }
  func.func @transform_0(%arg0: i32) -> (i32, i32) {
    %c0_i32 = arith.constant 0 : i32
    %c0_i32_0 = arith.constant 0 : i32
    return %arg0, %c0_i32 : i32, i32
  }
  func.func @transform_1(%arg0: i32) -> (i32, i32) {
    %c0_i32 = arith.constant 0 : i32
    %c0_i32_0 = arith.constant 0 : i32
    %c0_i32_1 = arith.constant 0 : i32
    return %c0_i32, %c0_i32_0 : i32, i32
  }
  func.func @transform_2(%arg0: i32) -> (i32, i32) {
    %c0_i32 = arith.constant 0 : i32
    %c0_i32_0 = arith.constant 0 : i32
    %c0_i32_1 = arith.constant 0 : i32
    return %c0_i32, %c0_i32_0 : i32, i32
  }
  func.func @transform_3(%arg0: i32) -> (i32, i32) {
    %c0_i32 = arith.constant 0 : i32
    %c0_i32_0 = arith.constant 0 : i32
    %c0_i32_1 = arith.constant 0 : i32
    return %c0_i32, %c0_i32_0 : i32, i32
  }
  func.func @transform_4(%arg0: i32) -> (i32, i32) {
    %c0_i32 = arith.constant 0 : i32
    %c0_i32_0 = arith.constant 0 : i32
    return %c0_i32, %arg0 : i32, i32
  }
}

</mosaic_0001>

<sc_bundles>
// kernel: kernel.4.cloned.1.call-start
scs
__scs_entry_jumppad:
0x0: {  	(pc) =	sbr.rel $0x88, $3  }
0x1: {  	(tag) =	ssettag $0x0;
	lr =	simm.s32 $0x1  }
0x2: {  	[smem:$0x3F9C] =	sst lr;
	_ =	strace $0xD0000000  }
0x3: {  	_ = 	snop  }
0x4: {  	_ = 	snop  }
0x5: {  	_ = 	snop  }
0x6: {  	_ = 	snop  }
0x7: {  	_ = 	snop  }
__scs_overlays_trampoline_lowered:
0x8: {  	[smem:$0x3FAB] =	sst s0  }
0x9: {  	[smem:$0x3FAC] =	sst s1  }
0xa: {  	[smem:$0x3FAD] =	sst s2  }
0xb: {  	[smem:$0x3FAE] =	sst s3  }
0xc: {  	[smem:$0x3FAF] =	sst s4  }
0xd: {  	[smem:$0x3FB0] =	sst s5  }
0xe: {  	[smem:$0x3FB1] =	sst s6  }
0xf: {  	[smem:$0x3FB2] =	sst s7  }
0x10: {  	[smem:$0x3FB3] =	sst s8  }
0x11: {  	[smem:$0x3FB4] =	sst s9;
	s0 =	simm.s32 @!p0 $0x0  }
0x12: {  	s1 =	sld [smem:$0x3F9A];
	s0 =	simm.s32 @p0 $0x1  }
0x13: {  	[smem:$0x3FB5] =	sst s0;
	s0 =	simm.s32 @!p1 $0x0  }
0x14: {  	s2 =	sld [smem:$0x3F99];
	s0 =	simm.s32 @p1 $0x1  }
0x15: {  	[smem:$0x3FB6] =	sst s0;
	s0 =	simm.s32 @!p2 $0x0  }
0x16: {  	s3 =	sld [smem:$0x3FDB];
	s0 =	simm.s32 @p2 $0x1  }
0x17: {  	s4 =	simm.s32 $0x1BF5;
	[smem:$0x3FB8] =	sst s0  }
0x18: {  	s0 =	sld [smem:$0x3F9B];
	_ =	swait.ge [sflag:s4], $0x0  }
0x19: {  	s7 =	sld [smem:$0x3F9C]  }
0x1a: {  	s8 =	sadd.s32 $0xFFFFE003, lr  }
0x1b: {  	s9 =	sadd.s32 $0xFFFFFEF7, lr;
	s5 =	simm.s32 $0xFFFFFFFF;
	p2 =	slt.u32 s8, $0xFFFFF086  }
0x1c: {  	p1 =	slt.u32 s9, $0xF7A;
	s5 =	simm.s32 @!p2 $0x0  }
0x1d: {  	s5 =	simm.s32 @p1 $0x1;
	p0 =	seq.s32 s7, s2  }
0x1e: {  	s7 =	smul.u32 @!p0 $0xF7A, s2;
	p2 =	seq.s32 @!p0 s5, $0x0  }
0x1f: {  	s9 =	smul.u32 $0xF7A, s1;
	s8 =	simm.s32 @!p0 $0x1BF5;
	p2 =	por !p2, p0  }
0x20: {  	[sflag:s8] =	ssyncset.s32 @!p0 $0xFFFFF086;
	s6 =	sadd.s32 @!p0 s3, s7;
	s7 =	simm.s32 @!p0 $0x108  }
0x21: {  	s3 =	sadd.s32 s3, s9;
	s6 =	sadd.s32 @!p0 $0x88, s6;
	s7 =	simm.s32 @p2 $0x1082  }
0x22: {  	[simem:s7], [sflag:s8] =	dma.local @!p0 [hbm:s6], $0xF7A  }
0x23: {  	s9 =	sor.u32 $0xD0000000, s2;
	s6 =	simm.s32 $0x108;
	_ =	swait.ge @!p0 [sflag:s8], $0x0  }
0x24: {  	s3 =	sadd.s32 $0x88, s3;
	s6 =	simm.s32 @!p1 $0x1082;
	[sflag:s4] =	ssyncset.s32 $0xFFFFF086  }
0x25: {  	[simem:s6], [sflag:s4] =	dma.local [hbm:s3], $0xF7A  }
0x26: {  	[smem:$0x3F9C] =	sst s1;
	(tag) =	ssettag s2;
	_ =	strace s9  }
0x27: {  	s1 =	sld [smem:$0x3FAC]  }
0x28: {  	s2 =	sld [smem:$0x3FAD]  }
0x29: {  	s4 =	sld [smem:$0x3FAF]  }
0x2a: {  	p0 =	seq.s32 s5, $0x0;
	s5 =	sld [smem:$0x3FB0]  }
0x2b: {  	s6 =	sld [smem:$0x3FB1]  }
0x2c: {  	s7 =	sld [smem:$0x3FB2]  }
0x2d: {  	s3 =	simm.s32 $0x108;
	s8 =	sld [smem:$0x3FB3]  }
0x2e: {  	s3 =	simm.s32 @!p0 $0x1082;
	s9 =	sld [smem:$0x3FB4]  }
0x2f: {  	lr =	sadd.s32 s0, s3;
	s0 =	sld [smem:$0x3FAB]  }
0x30: {  	s3 =	sld [smem:$0x3FAE]  }
0x31: {  	[smem:$0x3FB7] =	sst s10  }
0x32: {  	s10 =	sld [smem:$0x3FB5];
	_ =	sdelay $0x3  }
0x33: {  	p0 =	seq.s32 s10, $0x1;
	s10 =	sld [smem:$0x3FB7];
	_ =	sdelay $0x3  }
0x34: {  	[smem:$0x3FB7] =	sst s10  }
0x35: {  	s10 =	sld [smem:$0x3FB6];
	_ =	sdelay $0x3  }
0x36: {  	p1 =	seq.s32 s10, $0x1;
	s10 =	sld [smem:$0x3FB7];
	_ =	sdelay $0x3  }
0x37: {  	[smem:$0x3FB7] =	sst s10  }
0x38: {  	s10 =	sld [smem:$0x3FB8]  }
0x39: {  	_ = 	snop;
	(pc) =	sbr.ind lr, $3  }
0x3a: {  	_ = 	snop  }
0x3b: {  	_ = 	snop  }
0x3c: {  	p2 =	seq.s32 s10, $0x1;
	s10 =	sld [smem:$0x3FB7]  }
0x3d: {  	_ =	shalt  }
0x3e: {  	_ =	shalt  }
0x3f: {  	_ =	shalt  }
0x40: {  	_ =	shalt  }
0x41: {  	_ =	shalt  }
0x42: {  	_ =	shalt  }
0x43: {  	_ =	shalt  }
0x44: {  	_ =	shalt  }
0x45: {  	_ =	shalt  }
0x46: {  	_ =	shalt  }
0x47: {  	_ =	shalt  }
0x48: {  	_ =	shalt  }
0x49: {  	_ =	shalt  }
0x4a: {  	_ =	shalt  }
0x4b: {  	_ =	shalt  }
0x4c: {  	_ =	shalt  }
0x4d: {  	_ =	shalt  }
0x4e: {  	_ =	shalt  }
0x4f: {  	_ =	shalt  }
0x50: {  	_ =	shalt  }
0x51: {  	_ =	shalt  }
0x52: {  	_ =	shalt  }
0x53: {  	_ =	shalt  }
0x54: {  	_ =	shalt  }
0x55: {  	_ =	shalt  }
0x56: {  	_ =	shalt  }
0x57: {  	_ =	shalt  }
0x58: {  	_ =	shalt  }
0x59: {  	_ =	shalt  }
0x5a: {  	_ =	shalt  }
0x5b: {  	_ =	shalt  }
0x5c: {  	_ =	shalt  }
0x5d: {  	_ =	shalt  }
0x5e: {  	_ =	shalt  }
0x5f: {  	_ =	shalt  }
0x60: {  	_ =	shalt  }
0x61: {  	_ =	shalt  }
0x62: {  	_ =	shalt  }
0x63: {  	_ =	shalt  }
0x64: {  	_ =	shalt  }
0x65: {  	_ =	shalt  }
0x66: {  	_ =	shalt  }
0x67: {  	_ =	shalt  }
0x68: {  	_ =	shalt  }
0x69: {  	_ =	shalt  }
0x6a: {  	_ =	shalt  }
0x6b: {  	_ =	shalt  }
0x6c: {  	_ =	shalt  }
0x6d: {  	_ =	shalt  }
0x6e: {  	_ =	shalt  }
0x6f: {  	_ =	shalt  }
0x70: {  	_ =	shalt  }
0x71: {  	_ =	shalt  }
0x72: {  	_ =	shalt  }
0x73: {  	_ =	shalt  }
0x74: {  	_ =	shalt  }
0x75: {  	_ =	shalt  }
0x76: {  	_ =	shalt  }
0x77: {  	_ =	shalt  }
0x78: {  	_ =	shalt  }
0x79: {  	_ =	shalt  }
0x7a: {  	_ =	shalt  }
0x7b: {  	_ =	shalt  }
0x7c: {  	_ =	shalt  }
0x7d: {  	_ =	shalt  }
0x7e: {  	_ =	shalt  }
0x7f: {  	_ =	shalt  }
0x80: {  	_ =	shalt  }
0x81: {  	_ =	shalt  }
0x82: {  	_ =	shalt  }
0x83: {  	_ =	shalt  }
0x84: {  	_ =	shalt  }
0x85: {  	_ =	shalt  }
0x86: {  	_ =	shalt  }
0x87: {  	_ =	shalt  }
.Lfunc_end0:
.L_simem_size_0:
called_computation_lowered:
.L_overlay_start_0:
0x88: {  	s2 =	sld [smem:$0x3FD9]  }
0x89: {  	s3 =	sld [smem:$0x3FFE];
	_ =	sdelay $0x1  }
0x8a: {  	s1 =	srdreg.scid  }
0x8b: {  	s0 =	sand.u32 $0x1, s1  }
0x8c: {  	s17 =	sshll.u32 s0, $0xA;
	s2 =	sadd.s32 s3, s2  }
0x8d: {  	s2 =	sadd.s32 s2, s17  }
0x8e: {  	[smem:$0x3FC3] =	sst s2  }
0x8f: {  	_ = 	snop  }
0x90: {  	s2 =	sld [smem:$0x3FC9]  }
0x91: {  	s18 =	sld [smem:$0x3FD0];
	(tm) =	ssettm $0x1  }
0x92: {  	s4 =	sld [smem:$0x3FFB];
	_ =	sdelay $0x3  }
0x93: {  	_ =	strace s4  }
0x94: {  	s4 =	sld [smem:$0x3FFC];
	_ =	sdelay $0x3  }
0x95: {  	_ =	strace s4  }
0x96: {  	s4 =	sld [smem:$0x3FFD];
	_ =	sdelay $0x3  }
0x97: {  	_ =	strace s4  }
0x98: {  	_ =	strace $0x8FFFFFFF  }
0x99: {  	s19 =	sld [smem:$0x3FDB];
	_ =	sdelay $0x1  }
0x9a: {  	s5 =	simm.s32 $_scs_section_size  }
0x9b: {  	s6 =	simm.s32 $_size__tile_overlayer_lowered;
	s7 =	simm.s32 $_tile_overlayer_lowered  }
0x9c: {  	s22 =	simm.s32 $0x1BFF;
	s21 =	sshll.u32 s7, $0x1;
	s4 =	sadd.s32 s5, s19  }
0x9d: {  	s8 =	simm.s32 $0x0;
	s20 =	sshll.u32 s6, $0x1;
	s6 =	sadd.s32 s21, s4  }
0x9e: {  	[timem:s8], [sflag:s22] =	dma.local [hbm:s6], s20  }
0x9f: {  	_ =	swait.ge [sflag:s22], s20  }
0xa0: {  	s5 =	ssub.s32 $0x0, s20;
	[sflag:s22] =	ssyncset.done $0x0  }
0xa1: {  	[sflag:s22] =	ssyncadd.s32 s5;
	_ =	sdelay $0x1  }
0xa2: {  	s23 =	simm.s32 $0x1B8B  }
0xa3: {  	_ =	swait.ge [sflag:s23], $0x1  }
0xa4: {  	[sflag:s23] =	ssyncset.done $0x0  }
0xa5: {  	s25 =	simm.s32 $0x1B8E;
	s24 =	sld [smem:$0x3FFE];
	[sflag:s23] =	ssyncadd.s32 $0xFFFFFFFF  }
0xa6: {  	s26 =	simm.s32 $execute0_lowered;
	[smem:$0x3FD2] =	sst s25  }
0xa7: {  	s6 =	sshll.u32 s26, $0x1;
	_ =	strace $0x80000046;
	[dreg:$0x1] =	wrdreg $0xFFFFFFFF  }
0xa8: {  	s28 =	simm.s32 $_size_execute0_lowered;
	s4 =	sadd.s32 s4, s6;
	[dreg:$0x0] =	wrdreg $0x0  }
0xa9: {  	s6 =	sshll.u32 s28, $0x1;
	[dreg:$0x2] =	wrdreg s4  }
0xaa: {  	[dreg:$0x3] =	wrdreg s6  }
0xab: {  	[dreg:$0x4] =	wrdreg $0xC0  }
0xac: {  	_ =	task [dreg:s8], $0x5FFFF  }
0xad: {  	[dreg:$0x1] =	wrdreg $0xFFFFFFFF  }
0xae: {  	[dreg:$0x0] =	wrdreg $0x60  }
0xaf: {  	[dreg:$0x2] =	wrdreg s18  }
0xb0: {  	[dreg:$0x3] =	wrdreg s2  }
0xb1: {  	[dreg:$0x4] =	wrdreg s24  }
0xb2: {  	[dreg:$0x5] =	wrdreg $0x9  }
0xb3: {  	_ =	task.clear_ibuf [dreg:s8], $0x6FFFF;
	_ =	strace $0x90000046  }
0xb4: {  	s29 =	simm.s32 $0x9;
	_ =	strace $0x80000048  }
0xb5: {  	_ =	swait.ge [sflag:s29], $0x1  }
0xb6: {  	[sflag:s29] =	ssyncadd.s32 $0xFFFFFFFF  }
0xb7: {  	_ =	strace $0x90000048  }
0xb8: {  	_ =	sfence  }
0xb9: {  	s30 =	sld [smem:$0x0];
	_ =	sdelay $0x2  }
0xba: {  	s31 =	sshll.u32 s1, $0xD;
	s1 =	sshrl.u32 s1, $0x2  }
0xbb: {  	s3 =	sand.u32 $0x4000, s31;
	s1 =	sadd.s32 s1, s30  }
0xbc: {  	s0 =	sor.u32 s3, s0;
	s1 =	sshll.u32 s1, $0x11  }
0xbd: {  	s0 =	sor.u32 s1, s0  }
0xbe: {  	s0 =	sadd.s32 $0x8F2B, s0  }
0xbf: {  	[sflag:s0] =	ssyncadd.remote.s32 $0x1  }
0xc0: {  	_ =	sfence.sel $0xFFFF  }
0xc1: {  	[dreg:$0x0] =	wrdreg $0xFFFFFFFF;
	(pc) =	sbr.abs _section_cstart, $3  }
0xc2: {  	[dreg:$0x1] =	wrdreg $0xFFFFFFFF  }
0xc3: {  	_ =	task.clear_ibuf [dreg:s8], $0x2FFFF;
	_ =	strace $0x9FFFFFFF  }
0xc4: {  	(tm) =	ssettm $0x7FFFFFFF  }
0xc5: {  	_ =	shalt  }
tec
execute0_lowered:
.L_overlay_start_1:
0x0: {  	(tag) =	ssettag $0x1  }
0x1: {  	s1 =	rddreg [dreg:$0x0]  }
0x2: {  	s4 =	rddreg [dreg:$0x1]  }
0x3: {  	s5 =	rddreg [dreg:$0x2];
	s3 =	srdreg.scid  }
0x4: {  	s0 =	rddreg [dreg:$0x3];
	s2 =	stileid.u32  }
0x5: {  	s16 =	simm.s32 $0x400;
	s17 =	simm.s32 $0x20000;
	s18 =	simm.s32 $0xF000  }
0x6: {  	s19 =	simm.s32 $0x1;
	s20 =	simm.s32 $0x12400;
	s21 =	simm.s32 $0x2  }
0x7: {  	s22 =	simm.s32 $0x3;
	s23 =	simm.s32 $0x15800;
	s24 =	simm.s32 $0x15A00  }
0x8: {  	s25 =	simm.s32 $0x15C00;
	s26 =	simm.s32 $0x4;
	s28 =	simm.s32 $0x0  }
0x9: {  	s6 =	sand.u32 $0x1, s3;
	s3 =	simm.s32 $0x0;
	s7 =	sshll.u32 s2, $0xA  }
0xa: {  	s8 =	sshll.u32 s6, $0x9;
	[smem:$0x7FF] =	sst s3;
	s6 =	ssub.s32 $0x2, s6  }
0xb: {  	s7 =	sor.u32 s8, s7;
	_ =	strace $0x80000047;
	s31 =	sshrl.u32 s6, $0x1  }
0xc: {  	s8 =	sshrl.u32 s7, $0x3;
	s4 =	sadd.s32 s4, s7;
	s15 =	ssub.s32 s6, s31  }
0xd: {  	s14 =	sadd.s32 s8, s5;
	s5 =	sadd.s32 $0x30000, s4;
	s6 =	sadd.s32 $0x80, s4  }
0xe: {  	s7 =	sadd.s32 $0x30080, s4;
	s8 =	sadd.s32 $0x100, s4;
	s9 =	sadd.s32 $0x30100, s4  }
0xf: {  	s10 =	sadd.s32 $0x180, s4;
	s11 =	sadd.s32 $0x30180, s4;
	s15 =	smax.u32 s15, $0x1  }
0x10: {  	s12 =	sadd.s32 $0xA00, s14;
	s13 =	sadd.s32 $0x1200, s14;
	s14 =	sadd.s32 $0x1A00, s14  }
.LBB2_1:
0x11: {  	[tilespmem:s3], [sflag:$0x1] =	stream.linear.gather [hbm4b:s1+s3], $0xF000, $0x38;
	[tilespmem:$0x15E00] =	vst v63  }
0x12: {  	_ = 	snop  }
0x13: {  	[tilespmem:s18], [sflag:$0x2] =	stream.strided.gather [hbm4b:s4+s16], $0x3000, s17, s16, $0x38;
	[tilespmem:$0x15E00] =	vst v63  }
0x14: {  	_ =	swait.ge [sflag:s19], $0xF000  }
0x15: {  	[sflag:s19] =	ssyncset.done $0x0  }
0x16: {  	[sflag:s19] =	ssyncadd.s32 $0xFFFF1000  }
0x17: {  	[tilespmem:s20], [sflag:$0x3] =	stream.strided.gather [hbm4b:s5+s16], $0x3400, s17, s16, $0x38;
	[tilespmem:$0x15E00] =	vst v63  }
0x18: {  	_ =	swait.ge [sflag:s21], $0x3000  }
0x19: {  	[sflag:s21] =	ssyncset.done $0x0  }
0x1a: {  	s29 =	simm.s32 $0xF080;
	[sflag:s21] =	ssyncadd.s32 $0xFFFFD000  }
0x1b: {  	v0 =	vld [tilespmem:s29+$0x0]  }
0x1c: {  	v1 =	vld [tilespmem:s29+$0x10]  }
0x1d: {  	v2 =	vld [tilespmem:s29+$0x20]  }
0x1e: {  	v3 =	vld [tilespmem:s29+$0x30]  }
0x1f: {  	v4 =	vld [tilespmem:s29+$0x40]  }
0x20: {  	v5 =	vld [tilespmem:s29+$0x50]  }
0x21: {  	v6 =	vld [tilespmem:s29+$0x60]  }
0x22: {  	v10 =	vld [tilespmem:s29+$0x70]  }
0x23: {  	v7 =	vld [tilespmem:s29+$0xFFFFFF80]  }
0x24: {  	v8 =	vld [tilespmem:s29+$0xFFFFFF90]  }
0x25: {  	v9 =	vld [tilespmem:s29+$0xFFFFFFA0]  }
0x26: {  	v11 =	vld [tilespmem:s29+$0xFFFFFFB0]  }
0x27: {  	v12 =	vld [tilespmem:s29+$0xFFFFFFC0]  }
0x28: {  	v13 =	vld [tilespmem:s29+$0xFFFFFFD0]  }
0x29: {  	v18 =	vld [tilespmem:s29+$0xFFFFFFE0]  }
0x2a: {  	v19 =	vld [tilespmem:s29+$0xFFFFFFF0]  }
0x2b: {  	v15 =	vld.idx.msk [tilespmem:v0+s3+$0x0], $0xffff  }
0x2c: {  	v16 =	vld.idx.msk [tilespmem:v1+s3+$0x0], $0xffff  }
0x2d: {  	v20 =	vld.idx.msk [tilespmem:v2+s3+$0x0], $0xffff  }
0x2e: {  	v21 =	vld.idx.msk [tilespmem:v3+s3+$0x0], $0xffff  }
0x2f: {  	v23 =	vld.idx.msk [tilespmem:v4+s3+$0x0], $0xffff  }
0x30: {  	v14 =	vimm.f32 $0.0e+00;
	v22 =	vadd.s32 $0x7800, v7;
	v24 =	vld.idx.msk [tilespmem:v5+s3+$0x0], $0xffff  }
0x31: {  	v25 =	vadd.s32 $0x7800, v8;
	v26 =	vadd.s32 $0x7800, v5;
	v28 =	vadd.s32 $0x7800, v6;
	v17 =	vld.idx.msk [tilespmem:v6+s3+$0x0], $0xffff  }
0x32: {  	v34 =	vadd.s32 $0x7800, v10;
	v27 =	vadd.s32 $0x7800, v11;
	v29 =	vadd.s32 $0x7800, v12;
	v7 =	vld.idx.msk [tilespmem:v7+s3+$0x0], $0xffff  }
0x33: {  	v30 =	vadd.s32 $0x7800, v18;
	v31 =	vadd.s32 $0x7800, v19;
	v0 =	vadd.s32 $0x7800, v0;
	v5 =	vld.idx.msk [tilespmem:v8+s3+$0x0], $0xffff  }
0x34: {  	v1 =	vadd.s32 $0x7800, v1;
	v2 =	vadd.s32 $0x7800, v2;
	v3 =	vadd.s32 $0x7800, v3;
	v11 =	vld.idx.msk [tilespmem:v11+s3+$0x0], $0xffff  }
0x35: {  	v4 =	vadd.s32 $0x7800, v4;
	v8 =	vadd.s32 $0x7800, v9;
	v6 =	vld.idx.msk [tilespmem:v22+s3+$0x0], $0xffff;
	v22 =	vadd.s32 $0x7800, v13  }
0x36: {  	v9 =	vld.idx.msk [tilespmem:v9+s3+$0x0], $0xffff;
	v32 =	vshll.u32 v15, $0x10;
	v15 =	vand.u32 $0xFFFF0000, v15;
	v33 =	vshll.u32 v16, $0x10  }
0x37: {  	v25 =	vld.idx.msk [tilespmem:v25+s3+$0x0], $0xffff;
	v16 =	vand.u32 $0xFFFF0000, v16;
	v35 =	vshll.u32 v20, $0x10;
	v20 =	vand.u32 $0xFFFF0000, v20  }
0x38: {  	v0 =	vld.idx.msk [tilespmem:v0+s3+$0x0], $0xffff;
	v36 =	vshll.u32 v7, $0x10;
	v7 =	vand.u32 $0xFFFF0000, v7;
	v37 =	vshll.u32 v21, $0x10  }
0x39: {  	v38 =	vshll.u32 v5, $0x10;
	v61 =	vld.idx.msk [tilespmem:v3+s3+$0x0], $0xffff;
	v3 =	vshll.u32 v11, $0x10;
	v36 =	vadd.f32 v36, v14  }
0x3a: {  	v12 =	vld.idx.msk [tilespmem:v12+s3+$0x0], $0xffff;
	v11 =	vand.u32 $0xFFFF0000, v11;
	v7 =	vadd.f32 v7, v14;
	v38 =	vadd.f32 v38, v14  }
0x3b: {  	v39 =	vld.idx.msk [tilespmem:v1+s3+$0x0], $0xffff;
	v21 =	vand.u32 $0xFFFF0000, v21;
	v3 =	vadd.f32 v3, v14;
	v11 =	vadd.f32 v11, v14  }
0x3c: {  	v40 =	vand.u32 $0xFFFF0000, v5;
	v59 =	vld.idx.msk [tilespmem:v8+s3+$0x0], $0xffff;
	v1 =	vadd.f32 v6, v14;
	v25 =	vadd.f32 v25, v14  }
0x3d: {  	v60 =	vshll.u32 v23, $0x10;
	v22 =	vld.idx.msk [tilespmem:v22+s3+$0x0], $0xffff;
	v5 =	vadd.f32 v32, v36;
	v6 =	vadd.f32 v15, v7  }
0x3e: {  	v15 =	vshll.u32 v9, $0x10;
	v8 =	vadd.f32 v33, v38;
	v7 =	vadd.f32 v0, v1;
	v0 =	vld.idx.msk [tilespmem:v27+s3+$0x0], $0xffff  }
0x3f: {  	v13 =	vld.idx.msk [tilespmem:v13+s3+$0x0], $0xffff;
	v9 =	vand.u32 $0xFFFF0000, v9;
	v15 =	vadd.f32 v15, v14;
	v1 =	vadd.f32 v40, v14  }
0x40: {  	v23 =	vand.u32 $0xFFFF0000, v23;
	v9 =	vadd.f32 v9, v14;
	v27 =	vld.idx.msk [tilespmem:v2+s3+$0x0], $0xffff;
	v2 =	vadd.f32 v39, v25  }
0x41: {  	v62 =	vshll.u32 v24, $0x10;
	v15 =	vadd.f32 v35, v15;
	v1 =	vadd.f32 v16, v1  }
0x42: {  	v32 =	vand.u32 $0xFFFF0000, v24;
	v16 =	vadd.f32 v20, v9;
	v20 =	vld.idx.msk [tilespmem:v29+s3+$0x0], $0xffff;
	v9 =	vadd.f32 v59, v14  }
0x43: {  	v18 =	vld.idx.msk [tilespmem:v18+s3+$0x0], $0xffff;
	v29 =	vshll.u32 v12, $0x10;
	v22 =	vadd.f32 v22, v14;
	v25 =	vadd.f32 v0, v14  }
0x44: {  	v63 =	vld.idx.msk [tilespmem:v4+s3+$0x0], $0xffff;
	v12 =	vand.u32 $0xFFFF0000, v12;
	v0 =	vadd.f32 v37, v3;
	v3 =	vadd.f32 v21, v11  }
0x45: {  	v11 =	vadd.f32 v12, v14;
	v12 =	vshll.u32 v13, $0x10;
	v4 =	vadd.f32 v61, v25;
	v25 =	vld.idx.msk [tilespmem:v10+s3+$0x0], $0xffff  }
0x46: {  	v33 =	vshll.u32 v17, $0x10;
	v21 =	vadd.f32 v12, v14;
	v10 =	vadd.f32 v29, v14;
	v29 =	vld.idx.msk [tilespmem:v26+s3+$0x0], $0xffff  }
0x47: {  	v9 =	vadd.f32 v27, v9;
	v20 =	vadd.f32 v20, v14;
	v26 =	vld.idx.msk [tilespmem:v19+s3+$0x0], $0xffff;
	v19 =	vand.u32 $0xFFFF0000, v13  }
0x48: {  	v30 =	vld.idx.msk [tilespmem:v30+s3+$0x0], $0xffff;
	v11 =	vadd.f32 v23, v11;
	v23 =	vshll.u32 v18, $0x10;
	v13 =	vadd.f32 v62, v21  }
0x49: {  	v27 =	vld.idx.msk [tilespmem:v31+s3+$0x0], $0xffff;
	v18 =	vand.u32 $0xFFFF0000, v18;
	v21 =	vadd.f32 v19, v14;
	v23 =	vadd.f32 v23, v14  }
0x4a: {  	v31 =	vld.idx.msk [tilespmem:v28+s3+$0x0], $0xffff;
	v24 =	vadd.f32 v18, v14;
	v19 =	vimm.f32 $0.0e+00;
	v18 =	vimm.f32 $0.0e+00  }
0x4b: {  	s30 =	simm.s32 $0xF180;
	s29 =	simm.s32 $0x0;
	v28 =	vld.idx.msk [tilespmem:v34+s3+$0x0], $0xffff;
	v10 =	vadd.f32 v60, v10;
	v12 =	vadd.f32 v63, v20;
	v20 =	vimm.f32 $0.0e+00  }
.LBB2_2:
0x4c: {  	v34 =	vld [tilespmem:s30+$0x0];
	v21 =	vadd.f32 v32, v21;
	v22 =	vadd.f32 v29, v22;
	v17 =	vand.u32 $0xFFFF0000, v17  }
0x4d: {  	v32 =	vshll.u32 v26, $0x10;
	v29 =	vld [tilespmem:s30+$0x10];
	v23 =	vadd.f32 v33, v23;
	v24 =	vadd.f32 v17, v24  }
0x4e: {  	v26 =	vand.u32 $0xFFFF0000, v26;
	v14 =	vadd.f32 v30, v14;
	v19 =	vadd.f32 v32, v19;
	v17 =	vld [tilespmem:s30+$0x20]  }
0x4f: {  	v20 =	vadd.f32 v26, v20;
	v26 =	vshll.u32 v25, $0x10;
	v18 =	vadd.f32 v27, v18;
	v30 =	vld [tilespmem:s30+$0x30]  }
0x50: {  	v25 =	vand.u32 $0xFFFF0000, v25;
	v14 =	vadd.f32 v31, v14;
	v19 =	vadd.f32 v26, v19;
	v27 =	vld [tilespmem:s30+$0x40]  }
0x51: {  	v20 =	vadd.f32 v25, v20;
	v18 =	vadd.f32 v28, v18;
	v26 =	vld [tilespmem:s30+$0x50]  }
0x52: {  	v28 =	vld [tilespmem:s30+$0x60]  }
0x53: {  	v25 =	vld [tilespmem:s30+$0x70]  }
0x54: {  	v31 =	vld [tilespmem:s30+$0xFFFFFF80]  }
0x55: {  	v32 =	vld [tilespmem:s30+$0xFFFFFF90]  }
0x56: {  	v33 =	vld [tilespmem:s30+$0xFFFFFFA0]  }
0x57: {  	v35 =	vld [tilespmem:s30+$0xFFFFFFB0]  }
0x58: {  	v36 =	vld [tilespmem:s30+$0xFFFFFFC0]  }
0x59: {  	v37 =	vld [tilespmem:s30+$0xFFFFFFD0]  }
0x5a: {  	v38 =	vld [tilespmem:s30+$0xFFFFFFE0]  }
0x5b: {  	v39 =	vld [tilespmem:s30+$0xFFFFFFF0]  }
0x5c: {  	v40 =	vld.idx.msk [tilespmem:v34+s3+$0x0], $0xffff  }
0x5d: {  	v41 =	vld.idx.msk [tilespmem:v29+s3+$0x0], $0xffff  }
0x5e: {  	v42 =	vld.idx.msk [tilespmem:v17+s3+$0x0], $0xffff  }
0x5f: {  	v43 =	vld.idx.msk [tilespmem:v30+s3+$0x0], $0xffff  }
0x60: {  	v44 =	vadd.s32 $0x7800, v31;
	v45 =	vld.idx.msk [tilespmem:v27+s3+$0x0], $0xffff  }
0x61: {  	v46 =	vld.idx.msk [tilespmem:v26+s3+$0x0], $0xffff  }
0x62: {  	v47 =	vadd.s32 $0x7800, v17;
	v34 =	vadd.s32 $0x7800, v34;
	v29 =	vadd.s32 $0x7800, v29;
	v17 =	vld.idx.msk [tilespmem:v28+s3+$0x0], $0xffff  }
0x63: {  	v48 =	vadd.s32 $0x7800, v32;
	v30 =	vadd.s32 $0x7800, v30;
	v27 =	vadd.s32 $0x7800, v27;
	v31 =	vld.idx.msk [tilespmem:v31+s3+$0x0], $0xffff  }
0x64: {  	v49 =	vadd.s32 $0x7800, v25;
	v26 =	vadd.s32 $0x7800, v26;
	v28 =	vadd.s32 $0x7800, v28;
	v32 =	vld.idx.msk [tilespmem:v32+s3+$0x0], $0xffff  }
0x65: {  	v50 =	vadd.s32 $0x7800, v33;
	v51 =	vadd.s32 $0x7800, v35;
	v52 =	vadd.s32 $0x7800, v36;
	v44 =	vld.idx.msk [tilespmem:v44+s3+$0x0], $0xffff  }
0x66: {  	v53 =	vadd.s32 $0x7800, v37;
	v54 =	vadd.s32 $0x7800, v38;
	v55 =	vadd.s32 $0x7800, v39;
	v33 =	vld.idx.msk [tilespmem:v33+s3+$0x0], $0xffff  }
0x67: {  	v56 =	vshll.u32 v40, $0x10;
	v40 =	vand.u32 $0xFFFF0000, v40;
	v57 =	vshll.u32 v41, $0x10;
	v34 =	vld.idx.msk [tilespmem:v34+s3+$0x0], $0xffff  }
0x68: {  	v41 =	vand.u32 $0xFFFF0000, v41;
	v58 =	vshll.u32 v42, $0x10;
	v42 =	vand.u32 $0xFFFF0000, v42;
	v48 =	vld.idx.msk [tilespmem:v48+s3+$0x0], $0xffff  }
0x69: {  	v60 =	vshll.u32 v43, $0x10;
	v59 =	vshll.u32 v31, $0x10;
	v31 =	vand.u32 $0xFFFF0000, v31;
	v35 =	vld.idx.msk [tilespmem:v35+s3+$0x0], $0xffff  }
0x6a: {  	v5 =	vadd.f32 v59, v5;
	v6 =	vadd.f32 v31, v6;
	v31 =	vshll.u32 v32, $0x10;
	v29 =	vld.idx.msk [tilespmem:v29+s3+$0x0], $0xffff  }
0x6b: {  	v7 =	vadd.f32 v44, v7;
	v8 =	vadd.f32 v31, v8;
	v31 =	vld.idx.msk [tilespmem:v36+s3+$0x0], $0xffff;
	v36 =	vand.u32 $0xFFFF0000, v43  }
0x6c: {  	v32 =	vand.u32 $0xFFFF0000, v32;
	v5 =	vadd.f32 v56, v5;
	v6 =	vadd.f32 v40, v6;
	v43 =	vld.idx.msk [tilespmem:v50+s3+$0x0], $0xffff  }
0x6d: {  	v40 =	vshll.u32 v33, $0x10;
	v7 =	vadd.f32 v34, v7;
	v8 =	vadd.f32 v57, v8;
	v44 =	vld.idx.msk [tilespmem:v51+s3+$0x0], $0xffff  }
0x6e: {  	v1 =	vadd.f32 v32, v1;
	v32 =	vand.u32 $0xFFFF0000, v33;
	v2 =	vadd.f32 v48, v2;
	v33 =	vld.idx.msk [tilespmem:v47+s3+$0x0], $0xffff  }
0x6f: {  	s29 =	sadd.s32 $0x2, s29;
	v15 =	vadd.f32 v40, v15;
	v16 =	vadd.f32 v32, v16;
	v34 =	vshll.u32 v45, $0x10;
	v30 =	vld.idx.msk [tilespmem:v30+s3+$0x0], $0xffff  }
0x70: {  	p0 =	slt.u32 s29, $0x5E;
	v1 =	vadd.f32 v41, v1;
	v40 =	vand.u32 $0xFFFF0000, v45;
	v2 =	vadd.f32 v29, v2;
	v37 =	vld.idx.msk [tilespmem:v37+s3+$0x0], $0xffff  }
0x71: {  	v15 =	vadd.f32 v58, v15;
	v16 =	vadd.f32 v42, v16;
	v29 =	vshll.u32 v35, $0x10;
	v32 =	vld.idx.msk [tilespmem:v52+s3+$0x0], $0xffff  }
0x72: {  	v35 =	vand.u32 $0xFFFF0000, v35;
	v0 =	vadd.f32 v29, v0;
	v9 =	vadd.f32 v43, v9;
	v38 =	vld.idx.msk [tilespmem:v38+s3+$0x0], $0xffff  }
0x73: {  	v41 =	vshll.u32 v46, $0x10;
	v3 =	vadd.f32 v35, v3;
	v4 =	vadd.f32 v44, v4;
	v35 =	vld.idx.msk [tilespmem:v27+s3+$0x0], $0xffff  }
0x74: {  	v0 =	vadd.f32 v60, v0;
	v27 =	vshll.u32 v31, $0x10;
	v9 =	vadd.f32 v33, v9;
	v42 =	vld.idx.msk [tilespmem:v53+s3+$0x0], $0xffff  }
0x75: {  	v29 =	vand.u32 $0xFFFF0000, v31;
	v3 =	vadd.f32 v36, v3;
	v4 =	vadd.f32 v30, v4;
	v25 =	vld.idx.msk [tilespmem:v25+s3+$0x0], $0xffff  }
0x76: {  	v11 =	vadd.f32 v29, v11;
	v10 =	vadd.f32 v27, v10;
	v27 =	vshll.u32 v37, $0x10;
	v29 =	vld.idx.msk [tilespmem:v26+s3+$0x0], $0xffff  }
.Ltmp0:
0x77: {  	v12 =	vadd.f32 v32, v12;
	v13 =	vadd.f32 v27, v13;
	v32 =	vand.u32 $0xFFFF0000, v46;
	v26 =	vld.idx.msk [tilespmem:v39+s3+$0x0], $0xffff;
	(pc) =	sbr.rel @p0 .LBB2_2-.Ltmp0, $4  }
0x78: {  	v11 =	vadd.f32 v40, v11;
	v31 =	vand.u32 $0xFFFF0000, v37;
	v10 =	vadd.f32 v34, v10;
	v30 =	vld.idx.msk [tilespmem:v54+s3+$0x0], $0xffff  }
0x79: {  	v33 =	vshll.u32 v38, $0x10;
	v12 =	vadd.f32 v35, v12;
	v13 =	vadd.f32 v41, v13;
	v27 =	vld.idx.msk [tilespmem:v55+s3+$0x0], $0xffff  }
0x7a: {  	v21 =	vadd.f32 v31, v21;
	v34 =	vand.u32 $0xFFFF0000, v38;
	v22 =	vadd.f32 v42, v22;
	v31 =	vld.idx.msk [tilespmem:v28+s3+$0x0], $0xffff  }
0x7b: {  	s30 =	sadd.s32 $0x100, s30;
	v23 =	vadd.f32 v33, v23;
	v24 =	vadd.f32 v34, v24;
	v33 =	vshll.u32 v17, $0x10;
	v28 =	vld.idx.msk [tilespmem:v49+s3+$0x0], $0xffff  }
0x7c: {  	[tilespmem:s18], [sflag:$0x2] =	stream.strided.gather [hbm4b:s6+s16], $0x3000, s17, s16, $0x38;
	[tilespmem:$0x15E00] =	vst v63  }
0x7d: {  	_ =	swait.ge [sflag:s22], $0x3400  }
0x7e: {  	[sflag:s22] =	ssyncset.done $0x0  }
0x7f: {  	s29 =	simm.s32 $0x124F0;
	[sflag:s22] =	ssyncadd.s32 $0xFFFFCC00  }
0x80: {  	v34 =	vld [tilespmem:s29+$0xFFFFFF90]  }
0x81: {  	v35 =	vld [tilespmem:s29+$0xFFFFFFA0]  }
0x82: {  	v36 =	vld [tilespmem:s29+$0xFFFFFFB0]  }
0x83: {  	v37 =	vld [tilespmem:s29+$0xFFFFFFC0]  }
0x84: {  	v38 =	vld [tilespmem:s29+$0xFFFFFFD0]  }
0x85: {  	v39 =	vld [tilespmem:s29+$0xFFFFFFE0]  }
0x86: {  	v40 =	vld [tilespmem:s29+$0xFFFFFFF0]  }
0x87: {  	v41 =	vld [tilespmem:s29+$0x0]  }
0x88: {  	v42 =	vld [tilespmem:s29+$0xFFFFFF10]  }
0x89: {  	v43 =	vld [tilespmem:s29+$0xFFFFFF20]  }
0x8a: {  	v44 =	vld [tilespmem:s29+$0xFFFFFF30]  }
0x8b: {  	v45 =	vld [tilespmem:s29+$0xFFFFFF40]  }
0x8c: {  	v46 =	vld [tilespmem:s29+$0xFFFFFF50]  }
0x8d: {  	v47 =	vld [tilespmem:s29+$0xFFFFFF60]  }
0x8e: {  	v48 =	vld [tilespmem:s29+$0xFFFFFF70]  }
0x8f: {  	v21 =	vadd.f32 v32, v21;
	v22 =	vadd.f32 v29, v22;
	v17 =	vand.u32 $0xFFFF0000, v17;
	v29 =	vld [tilespmem:s29+$0xFFFFFF80]  }
0x90: {  	v62 =	vshll.u32 v26, $0x10;
	v23 =	vadd.f32 v33, v23;
	v24 =	vadd.f32 v17, v24;
	v63 =	vld.idx.msk [tilespmem:v34+s3+$0x0], $0xffff  }
0x91: {  	v14 =	vadd.f32 v30, v14;
	v17 =	vand.u32 $0xFFFF0000, v26;
	v19 =	vadd.f32 v62, v19;
	v26 =	vld.idx.msk [tilespmem:v35+s3+$0x0], $0xffff  }
0x92: {  	v20 =	vadd.f32 v17, v20;
	v27 =	vadd.f32 v27, v18;
	v30 =	vld.idx.msk [tilespmem:v36+s3+$0x0], $0xffff  }
0x93: {  	v17 =	vshll.u32 v25, $0x10;
	v18 =	vadd.f32 v31, v14;
	v14 =	vand.u32 $0xFFFF0000, v25;
	v31 =	vld.idx.msk [tilespmem:v37+s3+$0x0], $0xffff  }
0x94: {  	v17 =	vadd.f32 v17, v19;
	v19 =	vadd.f32 v14, v20;
	v32 =	vld.idx.msk [tilespmem:v38+s3+$0x0], $0xffff  }
0x95: {  	v14 =	vadd.f32 v28, v27;
	v25 =	vadd.s32 $0x7800, v42;
	v28 =	vadd.s32 $0x7800, v34;
	v27 =	vld.idx.msk [tilespmem:v39+s3+$0x0], $0xffff  }
0x96: {  	v61 =	vadd.s32 $0x7800, v43;
	v49 =	vadd.s32 $0x7800, v41;
	v50 =	vadd.s32 $0x7800, v44;
	v20 =	vld.idx.msk [tilespmem:v40+s3+$0x0], $0xffff  }
0x97: {  	v51 =	vadd.s32 $0x7800, v45;
	v52 =	vadd.s32 $0x7800, v46;
	v53 =	vadd.s32 $0x7800, v47;
	v60 =	vld.idx.msk [tilespmem:v42+s3+$0x0], $0xffff  }
0x98: {  	v54 =	vadd.s32 $0x7800, v48;
	v55 =	vadd.s32 $0x7800, v29;
	v34 =	vadd.s32 $0x7800, v35;
	v43 =	vld.idx.msk [tilespmem:v43+s3+$0x0], $0xffff  }
0x99: {  	v35 =	vadd.s32 $0x7800, v36;
	v37 =	vadd.s32 $0x7800, v37;
	v38 =	vadd.s32 $0x7800, v38;
	v44 =	vld.idx.msk [tilespmem:v44+s3+$0x0], $0xffff  }
0x9a: {  	v39 =	vadd.s32 $0x7800, v39;
	v40 =	vadd.s32 $0x7800, v40;
	v45 =	vld.idx.msk [tilespmem:v45+s3+$0x0], $0xffff;
	v56 =	vshll.u32 v63, $0x10  }
0x9b: {  	v25 =	vld.idx.msk [tilespmem:v25+s3+$0x0], $0xffff;
	v33 =	vand.u32 $0xFFFF0000, v63;
	v57 =	vshll.u32 v26, $0x10;
	v26 =	vand.u32 $0xFFFF0000, v26  }
0x9c: {  	v42 =	vld.idx.msk [tilespmem:v61+s3+$0x0], $0xffff;
	v58 =	vshll.u32 v30, $0x10;
	v30 =	vand.u32 $0xFFFF0000, v30;
	v59 =	vshll.u32 v60, $0x10  }
0x9d: {  	v28 =	vld.idx.msk [tilespmem:v28+s3+$0x0], $0xffff;
	v36 =	vand.u32 $0xFFFF0000, v60;
	v60 =	vshll.u32 v31, $0x10;
	v62 =	vshll.u32 v43, $0x10  }
0x9e: {  	v52 =	vld.idx.msk [tilespmem:v52+s3+$0x0], $0xffff;
	v63 =	vand.u32 $0xFFFF0000, v43;
	v5 =	vadd.f32 v59, v5;
	v6 =	vadd.f32 v36, v6  }
0x9f: {  	v34 =	vld.idx.msk [tilespmem:v34+s3+$0x0], $0xffff;
	v61 =	vshll.u32 v44, $0x10;
	v8 =	vadd.f32 v62, v8;
	v1 =	vadd.f32 v63, v1  }
0xa0: {  	v31 =	vand.u32 $0xFFFF0000, v31;
	v59 =	vld.idx.msk [tilespmem:v50+s3+$0x0], $0xffff;
	v15 =	vadd.f32 v61, v15;
	v7 =	vadd.f32 v25, v7  }
0xa1: {  	v63 =	vshll.u32 v32, $0x10;
	v50 =	vld.idx.msk [tilespmem:v47+s3+$0x0], $0xffff;
	v2 =	vadd.f32 v42, v2;
	v5 =	vadd.f32 v56, v5  }
0xa2: {  	v62 =	vld.idx.msk [tilespmem:v51+s3+$0x0], $0xffff;
	v51 =	vand.u32 $0xFFFF0000, v32;
	v6 =	vadd.f32 v33, v6;
	v8 =	vadd.f32 v57, v8  }
0xa3: {  	v25 =	vld.idx.msk [tilespmem:v46+s3+$0x0], $0xffff;
	v1 =	vadd.f32 v26, v1;
	v26 =	vshll.u32 v45, $0x10;
	v15 =	vadd.f32 v58, v15  }
0xa4: {  	v35 =	vld.idx.msk [tilespmem:v35+s3+$0x0], $0xffff;
	v7 =	vadd.f32 v28, v7;
	v28 =	vand.u32 $0xFFFF0000, v44;
	v0 =	vadd.f32 v26, v0  }
0xa5: {  	v32 =	vand.u32 $0xFFFF0000, v27;
	v16 =	vadd.f32 v28, v16;
	v28 =	vld.idx.msk [tilespmem:v37+s3+$0x0], $0xffff;
	v2 =	vadd.f32 v34, v2  }
0xa6: {  	v38 =	vld.idx.msk [tilespmem:v38+s3+$0x0], $0xffff;
	v9 =	vadd.f32 v59, v9;
	v0 =	vadd.f32 v60, v0;
	v36 =	vand.u32 $0xFFFF0000, v50  }
0xa7: {  	v56 =	vld.idx.msk [tilespmem:v48+s3+$0x0], $0xffff;
	v16 =	vadd.f32 v30, v16;
	v30 =	vand.u32 $0xFFFF0000, v45;
	v21 =	vadd.f32 v36, v21  }
0xa8: {  	v59 =	vld.idx.msk [tilespmem:v53+s3+$0x0], $0xffff;
	v58 =	vshll.u32 v25, $0x10;
	v26 =	vadd.f32 v30, v3;
	v30 =	vadd.f32 v62, v4  }
0xa9: {  	v57 =	vshll.u32 v27, $0x10;
	v27 =	vld.idx.msk [tilespmem:v55+s3+$0x0], $0xffff;
	v3 =	vadd.f32 v35, v9;
	v10 =	vadd.f32 v58, v10  }
0xaa: {  	v61 =	vand.u32 $0xFFFF0000, v25;
	v25 =	vld.idx.msk [tilespmem:v41+s3+$0x0], $0xffff;
	v4 =	vadd.f32 v31, v26;
	v9 =	vadd.f32 v28, v30  }
0xab: {  	v30 =	vadd.f32 v61, v11;
	v11 =	vshll.u32 v50, $0x10;
	v28 =	vld.idx.msk [tilespmem:v39+s3+$0x0], $0xffff;
	v31 =	vadd.f32 v52, v12  }
0xac: {  	v26 =	vld.idx.msk [tilespmem:v29+s3+$0x0], $0xffff;
	v62 =	vadd.f32 v11, v13;
	v11 =	vadd.f32 v63, v10  }
0xad: {  	v29 =	vld.idx.msk [tilespmem:v54+s3+$0x0], $0xffff;
	v22 =	vadd.f32 v59, v22;
	v63 =	vand.u32 $0xFFFF0000, v56;
	v12 =	vadd.f32 v51, v30  }
0xae: {  	v30 =	vshll.u32 v56, $0x10;
	v13 =	vadd.f32 v38, v31;
	v31 =	vld.idx.msk [tilespmem:v40+s3+$0x0], $0xffff;
	v24 =	vadd.f32 v63, v24  }
0xaf: {  	s30 =	simm.s32 $0x125F0;
	s29 =	simm.s32 $0x0;
	v33 =	vshll.u32 v20, $0x10;
	v10 =	vadd.f32 v57, v62;
	v23 =	vadd.f32 v30, v23;
	v30 =	vld.idx.msk [tilespmem:v49+s3+$0x0], $0xffff  }
.LBB2_4:
0xb0: {  	v34 =	vld [tilespmem:s30+$0xFFFFFF90];
	v21 =	vadd.f32 v32, v21;
	v22 =	vadd.f32 v28, v22;
	v20 =	vand.u32 $0xFFFF0000, v20  }
0xb1: {  	v32 =	vshll.u32 v26, $0x10;
	v28 =	vld [tilespmem:s30+$0xFFFFFFA0];
	v23 =	vadd.f32 v33, v23;
	v24 =	vadd.f32 v20, v24  }
0xb2: {  	v26 =	vand.u32 $0xFFFF0000, v26;
	v18 =	vadd.f32 v29, v18;
	v17 =	vadd.f32 v32, v17;
	v20 =	vld [tilespmem:s30+$0xFFFFFFB0]  }
0xb3: {  	v19 =	vadd.f32 v26, v19;
	v26 =	vshll.u32 v25, $0x10;
	v14 =	vadd.f32 v27, v14;
	v29 =	vld [tilespmem:s30+$0xFFFFFFC0]  }
0xb4: {  	v25 =	vand.u32 $0xFFFF0000, v25;
	v18 =	vadd.f32 v31, v18;
	v17 =	vadd.f32 v26, v17;
	v27 =	vld [tilespmem:s30+$0xFFFFFFD0]  }
0xb5: {  	v19 =	vadd.f32 v25, v19;
	v14 =	vadd.f32 v30, v14;
	v26 =	vld [tilespmem:s30+$0xFFFFFFE0]  }
0xb6: {  	v30 =	vld [tilespmem:s30+$0xFFFFFFF0]  }
0xb7: {  	v25 =	vld [tilespmem:s30+$0x0]  }
0xb8: {  	v31 =	vld [tilespmem:s30+$0xFFFFFF10]  }
0xb9: {  	v32 =	vld [tilespmem:s30+$0xFFFFFF20]  }
0xba: {  	v33 =	vld [tilespmem:s30+$0xFFFFFF30]  }
0xbb: {  	v35 =	vld [tilespmem:s30+$0xFFFFFF40]  }
0xbc: {  	v36 =	vld [tilespmem:s30+$0xFFFFFF50]  }
0xbd: {  	v37 =	vld [tilespmem:s30+$0xFFFFFF60]  }
0xbe: {  	v38 =	vld [tilespmem:s30+$0xFFFFFF70]  }
0xbf: {  	v39 =	vld [tilespmem:s30+$0xFFFFFF80]  }
0xc0: {  	v40 =	vld.idx.msk [tilespmem:v34+s3+$0x0], $0xffff  }
0xc1: {  	v41 =	vld.idx.msk [tilespmem:v28+s3+$0x0], $0xffff  }
0xc2: {  	v42 =	vld.idx.msk [tilespmem:v20+s3+$0x0], $0xffff  }
0xc3: {  	v43 =	vld.idx.msk [tilespmem:v29+s3+$0x0], $0xffff  }
0xc4: {  	v44 =	vadd.s32 $0x7800, v31;
	v45 =	vld.idx.msk [tilespmem:v27+s3+$0x0], $0xffff  }
0xc5: {  	v46 =	vld.idx.msk [tilespmem:v26+s3+$0x0], $0xffff  }
0xc6: {  	v47 =	vadd.s32 $0x7800, v20;
	v34 =	vadd.s32 $0x7800, v34;
	v28 =	vadd.s32 $0x7800, v28;
	v20 =	vld.idx.msk [tilespmem:v30+s3+$0x0], $0xffff  }
0xc7: {  	v48 =	vadd.s32 $0x7800, v32;
	v29 =	vadd.s32 $0x7800, v29;
	v27 =	vadd.s32 $0x7800, v27;
	v31 =	vld.idx.msk [tilespmem:v31+s3+$0x0], $0xffff  }
0xc8: {  	v49 =	vadd.s32 $0x7800, v25;
	v26 =	vadd.s32 $0x7800, v26;
	v30 =	vadd.s32 $0x7800, v30;
	v32 =	vld.idx.msk [tilespmem:v32+s3+$0x0], $0xffff  }
0xc9: {  	v50 =	vadd.s32 $0x7800, v33;
	v51 =	vadd.s32 $0x7800, v35;
	v52 =	vadd.s32 $0x7800, v36;
	v44 =	vld.idx.msk [tilespmem:v44+s3+$0x0], $0xffff  }
0xca: {  	v53 =	vadd.s32 $0x7800, v37;
	v54 =	vadd.s32 $0x7800, v38;
	v55 =	vadd.s32 $0x7800, v39;
	v33 =	vld.idx.msk [tilespmem:v33+s3+$0x0], $0xffff  }
0xcb: {  	v56 =	vshll.u32 v40, $0x10;
	v40 =	vand.u32 $0xFFFF0000, v40;
	v57 =	vshll.u32 v41, $0x10;
	v34 =	vld.idx.msk [tilespmem:v34+s3+$0x0], $0xffff  }
0xcc: {  	v41 =	vand.u32 $0xFFFF0000, v41;
	v58 =	vshll.u32 v42, $0x10;
	v42 =	vand.u32 $0xFFFF0000, v42;
	v48 =	vld.idx.msk [tilespmem:v48+s3+$0x0], $0xffff  }
0xcd: {  	v60 =	vshll.u32 v43, $0x10;
	v59 =	vshll.u32 v31, $0x10;
	v31 =	vand.u32 $0xFFFF0000, v31;
	v35 =	vld.idx.msk [tilespmem:v35+s3+$0x0], $0xffff  }
0xce: {  	v5 =	vadd.f32 v59, v5;
	v6 =	vadd.f32 v31, v6;
	v31 =	vshll.u32 v32, $0x10;
	v28 =	vld.idx.msk [tilespmem:v28+s3+$0x0], $0xffff  }
0xcf: {  	v7 =	vadd.f32 v44, v7;
	v8 =	vadd.f32 v31, v8;
	v31 =	vld.idx.msk [tilespmem:v36+s3+$0x0], $0xffff;
	v36 =	vand.u32 $0xFFFF0000, v43  }
0xd0: {  	v32 =	vand.u32 $0xFFFF0000, v32;
	v5 =	vadd.f32 v56, v5;
	v6 =	vadd.f32 v40, v6;
	v43 =	vld.idx.msk [tilespmem:v50+s3+$0x0], $0xffff  }
0xd1: {  	v40 =	vshll.u32 v33, $0x10;
	v7 =	vadd.f32 v34, v7;
	v8 =	vadd.f32 v57, v8;
	v44 =	vld.idx.msk [tilespmem:v51+s3+$0x0], $0xffff  }
0xd2: {  	v1 =	vadd.f32 v32, v1;
	v32 =	vand.u32 $0xFFFF0000, v33;
	v2 =	vadd.f32 v48, v2;
	v33 =	vld.idx.msk [tilespmem:v47+s3+$0x0], $0xffff  }
0xd3: {  	s29 =	sadd.s32 $0x2, s29;
	v15 =	vadd.f32 v40, v15;
	v16 =	vadd.f32 v32, v16;
	v34 =	vshll.u32 v45, $0x10;
	v29 =	vld.idx.msk [tilespmem:v29+s3+$0x0], $0xffff  }
0xd4: {  	p0 =	slt.u32 s29, $0x66;
	v1 =	vadd.f32 v41, v1;
	v40 =	vand.u32 $0xFFFF0000, v45;
	v2 =	vadd.f32 v28, v2;
	v37 =	vld.idx.msk [tilespmem:v37+s3+$0x0], $0xffff  }
0xd5: {  	v15 =	vadd.f32 v58, v15;
	v16 =	vadd.f32 v42, v16;
	v28 =	vshll.u32 v35, $0x10;
	v32 =	vld.idx.msk [tilespmem:v52+s3+$0x0], $0xffff  }
0xd6: {  	v35 =	vand.u32 $0xFFFF0000, v35;
	v0 =	vadd.f32 v28, v0;
	v3 =	vadd.f32 v43, v3;
	v38 =	vld.idx.msk [tilespmem:v38+s3+$0x0], $0xffff  }
0xd7: {  	v41 =	vshll.u32 v46, $0x10;
	v4 =	vadd.f32 v35, v4;
	v9 =	vadd.f32 v44, v9;
	v35 =	vld.idx.msk [tilespmem:v27+s3+$0x0], $0xffff  }
0xd8: {  	v0 =	vadd.f32 v60, v0;
	v27 =	vshll.u32 v31, $0x10;
	v3 =	vadd.f32 v33, v3;
	v42 =	vld.idx.msk [tilespmem:v53+s3+$0x0], $0xffff  }
0xd9: {  	v28 =	vand.u32 $0xFFFF0000, v31;
	v4 =	vadd.f32 v36, v4;
	v9 =	vadd.f32 v29, v9;
	v25 =	vld.idx.msk [tilespmem:v25+s3+$0x0], $0xffff  }
0xda: {  	v12 =	vadd.f32 v28, v12;
	v11 =	vadd.f32 v27, v11;
	v27 =	vshll.u32 v37, $0x10;
	v28 =	vld.idx.msk [tilespmem:v26+s3+$0x0], $0xffff  }
.Ltmp1:
0xdb: {  	v13 =	vadd.f32 v32, v13;
	v10 =	vadd.f32 v27, v10;
	v32 =	vand.u32 $0xFFFF0000, v46;
	v26 =	vld.idx.msk [tilespmem:v39+s3+$0x0], $0xffff;
	(pc) =	sbr.rel @p0 .LBB2_4-.Ltmp1, $4  }
0xdc: {  	v12 =	vadd.f32 v40, v12;
	v31 =	vand.u32 $0xFFFF0000, v37;
	v11 =	vadd.f32 v34, v11;
	v29 =	vld.idx.msk [tilespmem:v54+s3+$0x0], $0xffff  }
0xdd: {  	v33 =	vshll.u32 v38, $0x10;
	v13 =	vadd.f32 v35, v13;
	v10 =	vadd.f32 v41, v10;
	v27 =	vld.idx.msk [tilespmem:v55+s3+$0x0], $0xffff  }
0xde: {  	v21 =	vadd.f32 v31, v21;
	v34 =	vand.u32 $0xFFFF0000, v38;
	v22 =	vadd.f32 v42, v22;
	v31 =	vld.idx.msk [tilespmem:v30+s3+$0x0], $0xffff  }
0xdf: {  	s30 =	sadd.s32 $0x100, s30;
	v23 =	vadd.f32 v33, v23;
	v24 =	vadd.f32 v34, v24;
	v33 =	vshll.u32 v20, $0x10;
	v30 =	vld.idx.msk [tilespmem:v49+s3+$0x0], $0xffff  }
0xe0: {  	[tilespmem:$0x15800] =	vst v5  }
0xe1: {  	[tilespmem:$0x15A00] =	vst v6  }
0xe2: {  	[tilespmem:$0x15C00] =	vst v7  }
0xe3: {  	[tilespmem:$0x15810] =	vst v8  }
0xe4: {  	[tilespmem:$0x15A10] =	vst v1  }
0xe5: {  	[tilespmem:$0x15C10] =	vst v2  }
0xe6: {  	[tilespmem:$0x15820] =	vst v15  }
0xe7: {  	[tilespmem:$0x15A20] =	vst v16  }
0xe8: {  	[tilespmem:$0x15C20] =	vst v3  }
0xe9: {  	[tilespmem:$0x15830] =	vst v0  }
0xea: {  	[tilespmem:$0x15A30] =	vst v4  }
0xeb: {  	[tilespmem:$0x15C30] =	vst v9  }
0xec: {  	[tilespmem:$0x15840] =	vst v11  }
0xed: {  	[tilespmem:$0x15A40] =	vst v12  }
0xee: {  	v0 =	vadd.f32 v32, v21;
	[tilespmem:$0x15C40] =	vst v13  }
0xef: {  	v1 =	vadd.f32 v28, v22;
	v2 =	vand.u32 $0xFFFF0000, v20;
	[tilespmem:$0x15850] =	vst v10  }
0xf0: {  	v3 =	vshll.u32 v26, $0x10;
	v4 =	vadd.f32 v33, v23;
	v5 =	vadd.f32 v29, v18;
	[tilespmem:$0x15A50] =	vst v0  }
0xf1: {  	v3 =	vadd.f32 v3, v17;
	v0 =	vadd.f32 v2, v24;
	v2 =	vand.u32 $0xFFFF0000, v26;
	[tilespmem:$0x15C50] =	vst v1  }
0xf2: {  	v1 =	vadd.f32 v2, v19;
	v2 =	vshll.u32 v25, $0x10;
	v5 =	vadd.f32 v31, v5;
	[tilespmem:$0x15860] =	vst v4  }
0xf3: {  	v6 =	vand.u32 $0xFFFF0000, v25;
	v4 =	vadd.f32 v27, v14;
	v2 =	vadd.f32 v2, v3;
	[tilespmem:$0x15A60] =	vst v0  }
0xf4: {  	v0 =	vadd.f32 v6, v1;
	[tilespmem:$0x15C60] =	vst v5  }
0xf5: {  	v1 =	vadd.f32 v30, v4;
	[tilespmem:$0x15870] =	vst v2  }
0xf6: {  	[tilespmem:$0x15A70] =	vst v0  }
0xf7: {  	[tilespmem:$0x15C70] =	vst v1  }
0xf8: {  	[tilespmem:s20], [sflag:$0x3] =	stream.strided.gather [hbm4b:s7+s16], $0x3400, s17, s16, $0x38;
	[tilespmem:$0x15E00] =	vst v63  }
0xf9: {  	_ =	swait.ge [sflag:s21], $0x3000  }
0xfa: {  	[sflag:s21] =	ssyncset.done $0x0  }
0xfb: {  	s29 =	simm.s32 $0xF080;
	[sflag:s21] =	ssyncadd.s32 $0xFFFFD000  }
0xfc: {  	v0 =	vld [tilespmem:s29+$0x0]  }
0xfd: {  	v1 =	vld [tilespmem:s29+$0x10]  }
0xfe: {  	v2 =	vld [tilespmem:s29+$0x20]  }
0xff: {  	v3 =	vld [tilespmem:s29+$0x30]  }
0x100: {  	v4 =	vld [tilespmem:s29+$0x40]  }
0x101: {  	v5 =	vld [tilespmem:s29+$0x50]  }
0x102: {  	v6 =	vld [tilespmem:s29+$0x60]  }
0x103: {  	v10 =	vld [tilespmem:s29+$0x70]  }
0x104: {  	v7 =	vld [tilespmem:s29+$0xFFFFFF80]  }
0x105: {  	v8 =	vld [tilespmem:s29+$0xFFFFFF90]  }
0x106: {  	v9 =	vld [tilespmem:s29+$0xFFFFFFA0]  }
0x107: {  	v11 =	vld [tilespmem:s29+$0xFFFFFFB0]  }
0x108: {  	v12 =	vld [tilespmem:s29+$0xFFFFFFC0]  }
0x109: {  	v13 =	vld [tilespmem:s29+$0xFFFFFFD0]  }
0x10a: {  	v18 =	vld [tilespmem:s29+$0xFFFFFFE0]  }
0x10b: {  	v19 =	vld [tilespmem:s29+$0xFFFFFFF0]  }
0x10c: {  	v15 =	vld.idx.msk [tilespmem:v0+s3+$0x0], $0xffff  }
0x10d: {  	v16 =	vld.idx.msk [tilespmem:v1+s3+$0x0], $0xffff  }
0x10e: {  	v20 =	vld.idx.msk [tilespmem:v2+s3+$0x0], $0xffff  }
0x10f: {  	v21 =	vld.idx.msk [tilespmem:v3+s3+$0x0], $0xffff  }
0x110: {  	v23 =	vld.idx.msk [tilespmem:v4+s3+$0x0], $0xffff  }
0x111: {  	v14 =	vimm.f32 $0.0e+00;
	v22 =	vadd.s32 $0x7800, v7;
	v24 =	vld.idx.msk [tilespmem:v5+s3+$0x0], $0xffff  }
0x112: {  	v25 =	vadd.s32 $0x7800, v8;
	v26 =	vadd.s32 $0x7800, v5;
	v28 =	vadd.s32 $0x7800, v6;
	v17 =	vld.idx.msk [tilespmem:v6+s3+$0x0], $0xffff  }
0x113: {  	v34 =	vadd.s32 $0x7800, v10;
	v27 =	vadd.s32 $0x7800, v11;
	v29 =	vadd.s32 $0x7800, v12;
	v7 =	vld.idx.msk [tilespmem:v7+s3+$0x0], $0xffff  }
0x114: {  	v30 =	vadd.s32 $0x7800, v18;
	v31 =	vadd.s32 $0x7800, v19;
	v0 =	vadd.s32 $0x7800, v0;
	v5 =	vld.idx.msk [tilespmem:v8+s3+$0x0], $0xffff  }
0x115: {  	v1 =	vadd.s32 $0x7800, v1;
	v2 =	vadd.s32 $0x7800, v2;
	v3 =	vadd.s32 $0x7800, v3;
	v11 =	vld.idx.msk [tilespmem:v11+s3+$0x0], $0xffff  }
0x116: {  	v4 =	vadd.s32 $0x7800, v4;
	v8 =	vadd.s32 $0x7800, v9;
	v6 =	vld.idx.msk [tilespmem:v22+s3+$0x0], $0xffff;
	v22 =	vadd.s32 $0x7800, v13  }
0x117: {  	v9 =	vld.idx.msk [tilespmem:v9+s3+$0x0], $0xffff;
	v57 =	vshll.u32 v15, $0x10;
	v15 =	vand.u32 $0xFFFF0000, v15;
	v58 =	vshll.u32 v16, $0x10  }
0x118: {  	v25 =	vld.idx.msk [tilespmem:v25+s3+$0x0], $0xffff;
	v16 =	vand.u32 $0xFFFF0000, v16;
	v35 =	vshll.u32 v20, $0x10;
	v20 =	vand.u32 $0xFFFF0000, v20  }
0x119: {  	v0 =	vld.idx.msk [tilespmem:v0+s3+$0x0], $0xffff;
	v36 =	vshll.u32 v7, $0x10;
	v7 =	vand.u32 $0xFFFF0000, v7;
	v37 =	vshll.u32 v21, $0x10  }
0x11a: {  	v38 =	vshll.u32 v5, $0x10;
	v61 =	vld.idx.msk [tilespmem:v3+s3+$0x0], $0xffff;
	v3 =	vshll.u32 v11, $0x10;
	v36 =	vadd.f32 v36, v14  }
0x11b: {  	v12 =	vld.idx.msk [tilespmem:v12+s3+$0x0], $0xffff;
	v11 =	vand.u32 $0xFFFF0000, v11;
	v7 =	vadd.f32 v7, v14;
	v38 =	vadd.f32 v38, v14  }
0x11c: {  	v39 =	vld.idx.msk [tilespmem:v1+s3+$0x0], $0xffff;
	v21 =	vand.u32 $0xFFFF0000, v21;
	v3 =	vadd.f32 v3, v14;
	v11 =	vadd.f32 v11, v14  }
0x11d: {  	v40 =	vand.u32 $0xFFFF0000, v5;
	v59 =	vld.idx.msk [tilespmem:v8+s3+$0x0], $0xffff;
	v1 =	vadd.f32 v6, v14;
	v25 =	vadd.f32 v25, v14  }
0x11e: {  	v60 =	vshll.u32 v23, $0x10;
	v22 =	vld.idx.msk [tilespmem:v22+s3+$0x0], $0xffff;
	v5 =	vadd.f32 v57, v36;
	v6 =	vadd.f32 v15, v7  }
0x11f: {  	v15 =	vshll.u32 v9, $0x10;
	v8 =	vadd.f32 v58, v38;
	v7 =	vadd.f32 v0, v1;
	v0 =	vld.idx.msk [tilespmem:v27+s3+$0x0], $0xffff  }
0x120: {  	v13 =	vld.idx.msk [tilespmem:v13+s3+$0x0], $0xffff;
	v9 =	vand.u32 $0xFFFF0000, v9;
	v15 =	vadd.f32 v15, v14;
	v1 =	vadd.f32 v40, v14  }
0x121: {  	v23 =	vand.u32 $0xFFFF0000, v23;
	v9 =	vadd.f32 v9, v14;
	v27 =	vld.idx.msk [tilespmem:v2+s3+$0x0], $0xffff;
	v2 =	vadd.f32 v39, v25  }
0x122: {  	v62 =	vshll.u32 v24, $0x10;
	v15 =	vadd.f32 v35, v15;
	v1 =	vadd.f32 v16, v1  }
0x123: {  	v32 =	vand.u32 $0xFFFF0000, v24;
	v16 =	vadd.f32 v20, v9;
	v20 =	vld.idx.msk [tilespmem:v29+s3+$0x0], $0xffff;
	v9 =	vadd.f32 v59, v14  }
0x124: {  	v18 =	vld.idx.msk [tilespmem:v18+s3+$0x0], $0xffff;
	v29 =	vshll.u32 v12, $0x10;
	v22 =	vadd.f32 v22, v14;
	v25 =	vadd.f32 v0, v14  }
0x125: {  	v63 =	vld.idx.msk [tilespmem:v4+s3+$0x0], $0xffff;
	v12 =	vand.u32 $0xFFFF0000, v12;
	v0 =	vadd.f32 v37, v3;
	v3 =	vadd.f32 v21, v11  }
0x126: {  	v11 =	vadd.f32 v12, v14;
	v12 =	vshll.u32 v13, $0x10;
	v4 =	vadd.f32 v61, v25;
	v25 =	vld.idx.msk [tilespmem:v10+s3+$0x0], $0xffff  }
0x127: {  	v33 =	vshll.u32 v17, $0x10;
	v21 =	vadd.f32 v12, v14;
	v10 =	vadd.f32 v29, v14;
	v29 =	vld.idx.msk [tilespmem:v26+s3+$0x0], $0xffff  }
0x128: {  	v9 =	vadd.f32 v27, v9;
	v20 =	vadd.f32 v20, v14;
	v26 =	vld.idx.msk [tilespmem:v19+s3+$0x0], $0xffff;
	v19 =	vand.u32 $0xFFFF0000, v13  }
0x129: {  	v30 =	vld.idx.msk [tilespmem:v30+s3+$0x0], $0xffff;
	v11 =	vadd.f32 v23, v11;
	v23 =	vshll.u32 v18, $0x10;
	v13 =	vadd.f32 v62, v21  }
0x12a: {  	v27 =	vld.idx.msk [tilespmem:v31+s3+$0x0], $0xffff;
	v18 =	vand.u32 $0xFFFF0000, v18;
	v21 =	vadd.f32 v19, v14;
	v23 =	vadd.f32 v23, v14  }
0x12b: {  	v31 =	vld.idx.msk [tilespmem:v28+s3+$0x0], $0xffff;
	v24 =	vadd.f32 v18, v14;
	v19 =	vimm.f32 $0.0e+00;
	v18 =	vimm.f32 $0.0e+00  }
0x12c: {  	s30 =	simm.s32 $0xF180;
	s29 =	simm.s32 $0x0;
	v28 =	vld.idx.msk [tilespmem:v34+s3+$0x0], $0xffff;
	v10 =	vadd.f32 v60, v10;
	v12 =	vadd.f32 v63, v20;
	v20 =	vimm.f32 $0.0e+00  }
.LBB2_6:
0x12d: {  	v34 =	vld [tilespmem:s30+$0x0];
	v21 =	vadd.f32 v32, v21;
	v22 =	vadd.f32 v29, v22;
	v17 =	vand.u32 $0xFFFF0000, v17  }
0x12e: {  	v32 =	vshll.u32 v26, $0x10;
	v29 =	vld [tilespmem:s30+$0x10];
	v23 =	vadd.f32 v33, v23;
	v24 =	vadd.f32 v17, v24  }
0x12f: {  	v26 =	vand.u32 $0xFFFF0000, v26;
	v14 =	vadd.f32 v30, v14;
	v19 =	vadd.f32 v32, v19;
	v17 =	vld [tilespmem:s30+$0x20]  }
0x130: {  	v20 =	vadd.f32 v26, v20;
	v26 =	vshll.u32 v25, $0x10;
	v18 =	vadd.f32 v27, v18;
	v30 =	vld [tilespmem:s30+$0x30]  }
0x131: {  	v25 =	vand.u32 $0xFFFF0000, v25;
	v14 =	vadd.f32 v31, v14;
	v19 =	vadd.f32 v26, v19;
	v27 =	vld [tilespmem:s30+$0x40]  }
0x132: {  	v20 =	vadd.f32 v25, v20;
	v18 =	vadd.f32 v28, v18;
	v26 =	vld [tilespmem:s30+$0x50]  }
0x133: {  	v28 =	vld [tilespmem:s30+$0x60]  }
0x134: {  	v25 =	vld [tilespmem:s30+$0x70]  }
0x135: {  	v31 =	vld [tilespmem:s30+$0xFFFFFF80]  }
0x136: {  	v32 =	vld [tilespmem:s30+$0xFFFFFF90]  }
0x137: {  	v33 =	vld [tilespmem:s30+$0xFFFFFFA0]  }
0x138: {  	v35 =	vld [tilespmem:s30+$0xFFFFFFB0]  }
0x139: {  	v36 =	vld [tilespmem:s30+$0xFFFFFFC0]  }
0x13a: {  	v37 =	vld [tilespmem:s30+$0xFFFFFFD0]  }
0x13b: {  	v38 =	vld [tilespmem:s30+$0xFFFFFFE0]  }
0x13c: {  	v39 =	vld [tilespmem:s30+$0xFFFFFFF0]  }
0x13d: {  	v40 =	vld.idx.msk [tilespmem:v34+s3+$0x0], $0xffff  }
0x13e: {  	v41 =	vld.idx.msk [tilespmem:v29+s3+$0x0], $0xffff  }
0x13f: {  	v42 =	vld.idx.msk [tilespmem:v17+s3+$0x0], $0xffff  }
0x140: {  	v43 =	vld.idx.msk [tilespmem:v30+s3+$0x0], $0xffff  }
0x141: {  	v44 =	vadd.s32 $0x7800, v31;
	v45 =	vld.idx.msk [tilespmem:v27+s3+$0x0], $0xffff  }
0x142: {  	v46 =	vld.idx.msk [tilespmem:v26+s3+$0x0], $0xffff  }
0x143: {  	v47 =	vadd.s32 $0x7800, v17;
	v34 =	vadd.s32 $0x7800, v34;
	v29 =	vadd.s32 $0x7800, v29;
	v17 =	vld.idx.msk [tilespmem:v28+s3+$0x0], $0xffff  }
0x144: {  	v48 =	vadd.s32 $0x7800, v32;
	v30 =	vadd.s32 $0x7800, v30;
	v27 =	vadd.s32 $0x7800, v27;
	v31 =	vld.idx.msk [tilespmem:v31+s3+$0x0], $0xffff  }
0x145: {  	v49 =	vadd.s32 $0x7800, v25;
	v26 =	vadd.s32 $0x7800, v26;
	v28 =	vadd.s32 $0x7800, v28;
	v32 =	vld.idx.msk [tilespmem:v32+s3+$0x0], $0xffff  }
0x146: {  	v50 =	vadd.s32 $0x7800, v33;
	v51 =	vadd.s32 $0x7800, v35;
	v52 =	vadd.s32 $0x7800, v36;
	v44 =	vld.idx.msk [tilespmem:v44+s3+$0x0], $0xffff  }
0x147: {  	v53 =	vadd.s32 $0x7800, v37;
	v54 =	vadd.s32 $0x7800, v38;
	v55 =	vadd.s32 $0x7800, v39;
	v33 =	vld.idx.msk [tilespmem:v33+s3+$0x0], $0xffff  }
0x148: {  	v56 =	vshll.u32 v40, $0x10;
	v40 =	vand.u32 $0xFFFF0000, v40;
	v57 =	vshll.u32 v41, $0x10;
	v34 =	vld.idx.msk [tilespmem:v34+s3+$0x0], $0xffff  }
0x149: {  	v41 =	vand.u32 $0xFFFF0000, v41;
	v58 =	vshll.u32 v42, $0x10;
	v42 =	vand.u32 $0xFFFF0000, v42;
	v48 =	vld.idx.msk [tilespmem:v48+s3+$0x0], $0xffff  }
0x14a: {  	v60 =	vshll.u32 v43, $0x10;
	v59 =	vshll.u32 v31, $0x10;
	v31 =	vand.u32 $0xFFFF0000, v31;
	v35 =	vld.idx.msk [tilespmem:v35+s3+$0x0], $0xffff  }
0x14b: {  	v5 =	vadd.f32 v59, v5;
	v6 =	vadd.f32 v31, v6;
	v31 =	vshll.u32 v32, $0x10;
	v29 =	vld.idx.msk [tilespmem:v29+s3+$0x0], $0xffff  }
0x14c: {  	v7 =	vadd.f32 v44, v7;
	v8 =	vadd.f32 v31, v8;
	v31 =	vld.idx.msk [tilespmem:v36+s3+$0x0], $0xffff;
	v36 =	vand.u32 $0xFFFF0000, v43  }
0x14d: {  	v32 =	vand.u32 $0xFFFF0000, v32;
	v5 =	vadd.f32 v56, v5;
	v6 =	vadd.f32 v40, v6;
	v43 =	vld.idx.msk [tilespmem:v50+s3+$0x0], $0xffff  }
0x14e: {  	v40 =	vshll.u32 v33, $0x10;
	v7 =	vadd.f32 v34, v7;
	v8 =	vadd.f32 v57, v8;
	v44 =	vld.idx.msk [tilespmem:v51+s3+$0x0], $0xffff  }
0x14f: {  	v1 =	vadd.f32 v32, v1;
	v32 =	vand.u32 $0xFFFF0000, v33;
	v2 =	vadd.f32 v48, v2;
	v33 =	vld.idx.msk [tilespmem:v47+s3+$0x0], $0xffff  }
0x150: {  	s29 =	sadd.s32 $0x2, s29;
	v15 =	vadd.f32 v40, v15;
	v16 =	vadd.f32 v32, v16;
	v34 =	vshll.u32 v45, $0x10;
	v30 =	vld.idx.msk [tilespmem:v30+s3+$0x0], $0xffff  }
0x151: {  	p0 =	slt.u32 s29, $0x5E;
	v1 =	vadd.f32 v41, v1;
	v40 =	vand.u32 $0xFFFF0000, v45;
	v2 =	vadd.f32 v29, v2;
	v37 =	vld.idx.msk [tilespmem:v37+s3+$0x0], $0xffff  }
0x152: {  	v15 =	vadd.f32 v58, v15;
	v16 =	vadd.f32 v42, v16;
	v29 =	vshll.u32 v35, $0x10;
	v32 =	vld.idx.msk [tilespmem:v52+s3+$0x0], $0xffff  }
0x153: {  	v35 =	vand.u32 $0xFFFF0000, v35;
	v0 =	vadd.f32 v29, v0;
	v9 =	vadd.f32 v43, v9;
	v38 =	vld.idx.msk [tilespmem:v38+s3+$0x0], $0xffff  }
0x154: {  	v41 =	vshll.u32 v46, $0x10;
	v3 =	vadd.f32 v35, v3;
	v4 =	vadd.f32 v44, v4;
	v35 =	vld.idx.msk [tilespmem:v27+s3+$0x0], $0xffff  }
0x155: {  	v0 =	vadd.f32 v60, v0;
	v27 =	vshll.u32 v31, $0x10;
	v9 =	vadd.f32 v33, v9;
	v42 =	vld.idx.msk [tilespmem:v53+s3+$0x0], $0xffff  }
0x156: {  	v29 =	vand.u32 $0xFFFF0000, v31;
	v3 =	vadd.f32 v36, v3;
	v4 =	vadd.f32 v30, v4;
	v25 =	vld.idx.msk [tilespmem:v25+s3+$0x0], $0xffff  }
0x157: {  	v11 =	vadd.f32 v29, v11;
	v10 =	vadd.f32 v27, v10;
	v27 =	vshll.u32 v37, $0x10;
	v29 =	vld.idx.msk [tilespmem:v26+s3+$0x0], $0xffff  }
.Ltmp2:
0x158: {  	v12 =	vadd.f32 v32, v12;
	v13 =	vadd.f32 v27, v13;
	v32 =	vand.u32 $0xFFFF0000, v46;
	v26 =	vld.idx.msk [tilespmem:v39+s3+$0x0], $0xffff;
	(pc) =	sbr.rel @p0 .LBB2_6-.Ltmp2, $4  }
0x159: {  	v11 =	vadd.f32 v40, v11;
	v31 =	vand.u32 $0xFFFF0000, v37;
	v10 =	vadd.f32 v34, v10;
	v30 =	vld.idx.msk [tilespmem:v54+s3+$0x0], $0xffff  }
0x15a: {  	v33 =	vshll.u32 v38, $0x10;
	v12 =	vadd.f32 v35, v12;
	v13 =	vadd.f32 v41, v13;
	v27 =	vld.idx.msk [tilespmem:v55+s3+$0x0], $0xffff  }
0x15b: {  	v21 =	vadd.f32 v31, v21;
	v34 =	vand.u32 $0xFFFF0000, v38;
	v22 =	vadd.f32 v42, v22;
	v31 =	vld.idx.msk [tilespmem:v28+s3+$0x0], $0xffff  }
0x15c: {  	s30 =	sadd.s32 $0x100, s30;
	v23 =	vadd.f32 v33, v23;
	v24 =	vadd.f32 v34, v24;
	v33 =	vshll.u32 v17, $0x10;
	v28 =	vld.idx.msk [tilespmem:v49+s3+$0x0], $0xffff  }
0x15d: {  	[tilespmem:s18], [sflag:$0x2] =	stream.strided.gather [hbm4b:s8+s16], $0x3000, s17, s16, $0x38;
	[tilespmem:$0x15E00] =	vst v63  }
0x15e: {  	_ =	swait.ge [sflag:s22], $0x3400  }
0x15f: {  	[sflag:s22] =	ssyncset.done $0x0  }
0x160: {  	s29 =	simm.s32 $0x124F0;
	[sflag:s22] =	ssyncadd.s32 $0xFFFFCC00  }
0x161: {  	v34 =	vld [tilespmem:s29+$0xFFFFFF90]  }
0x162: {  	v35 =	vld [tilespmem:s29+$0xFFFFFFA0]  }
0x163: {  	v36 =	vld [tilespmem:s29+$0xFFFFFFB0]  }
0x164: {  	v37 =	vld [tilespmem:s29+$0xFFFFFFC0]  }
0x165: {  	v38 =	vld [tilespmem:s29+$0xFFFFFFD0]  }
0x166: {  	v39 =	vld [tilespmem:s29+$0xFFFFFFE0]  }
0x167: {  	v40 =	vld [tilespmem:s29+$0xFFFFFFF0]  }
0x168: {  	v41 =	vld [tilespmem:s29+$0x0]  }
0x169: {  	v42 =	vld [tilespmem:s29+$0xFFFFFF10]  }
0x16a: {  	v43 =	vld [tilespmem:s29+$0xFFFFFF20]  }
0x16b: {  	v44 =	vld [tilespmem:s29+$0xFFFFFF30]  }
0x16c: {  	v45 =	vld [tilespmem:s29+$0xFFFFFF40]  }
0x16d: {  	v46 =	vld [tilespmem:s29+$0xFFFFFF50]  }
0x16e: {  	v47 =	vld [tilespmem:s29+$0xFFFFFF60]  }
0x16f: {  	v48 =	vld [tilespmem:s29+$0xFFFFFF70]  }
0x170: {  	v21 =	vadd.f32 v32, v21;
	v22 =	vadd.f32 v29, v22;
	v17 =	vand.u32 $0xFFFF0000, v17;
	v29 =	vld [tilespmem:s29+$0xFFFFFF80]  }
0x171: {  	v62 =	vshll.u32 v26, $0x10;
	v23 =	vadd.f32 v33, v23;
	v24 =	vadd.f32 v17, v24;
	v63 =	vld.idx.msk [tilespmem:v34+s3+$0x0], $0xffff  }
0x172: {  	v14 =	vadd.f32 v30, v14;
	v17 =	vand.u32 $0xFFFF0000, v26;
	v19 =	vadd.f32 v62, v19;
	v26 =	vld.idx.msk [tilespmem:v35+s3+$0x0], $0xffff  }
0x173: {  	v20 =	vadd.f32 v17, v20;
	v27 =	vadd.f32 v27, v18;
	v30 =	vld.idx.msk [tilespmem:v36+s3+$0x0], $0xffff  }
0x174: {  	v17 =	vshll.u32 v25, $0x10;
	v18 =	vadd.f32 v31, v14;
	v14 =	vand.u32 $0xFFFF0000, v25;
	v31 =	vld.idx.msk [tilespmem:v37+s3+$0x0], $0xffff  }
0x175: {  	v17 =	vadd.f32 v17, v19;
	v19 =	vadd.f32 v14, v20;
	v32 =	vld.idx.msk [tilespmem:v38+s3+$0x0], $0xffff  }
0x176: {  	v14 =	vadd.f32 v28, v27;
	v25 =	vadd.s32 $0x7800, v42;
	v28 =	vadd.s32 $0x7800, v34;
	v27 =	vld.idx.msk [tilespmem:v39+s3+$0x0], $0xffff  }
0x177: {  	v61 =	vadd.s32 $0x7800, v43;
	v49 =	vadd.s32 $0x7800, v41;
	v50 =	vadd.s32 $0x7800, v44;
	v20 =	vld.idx.msk [tilespmem:v40+s3+$0x0], $0xffff  }
0x178: {  	v51 =	vadd.s32 $0x7800, v45;
	v52 =	vadd.s32 $0x7800, v46;
	v53 =	vadd.s32 $0x7800, v47;
	v60 =	vld.idx.msk [tilespmem:v42+s3+$0x0], $0xffff  }
0x179: {  	v54 =	vadd.s32 $0x7800, v48;
	v55 =	vadd.s32 $0x7800, v29;
	v34 =	vadd.s32 $0x7800, v35;
	v43 =	vld.idx.msk [tilespmem:v43+s3+$0x0], $0xffff  }
0x17a: {  	v35 =	vadd.s32 $0x7800, v36;
	v37 =	vadd.s32 $0x7800, v37;
	v38 =	vadd.s32 $0x7800, v38;
	v44 =	vld.idx.msk [tilespmem:v44+s3+$0x0], $0xffff  }
0x17b: {  	v39 =	vadd.s32 $0x7800, v39;
	v40 =	vadd.s32 $0x7800, v40;
	v45 =	vld.idx.msk [tilespmem:v45+s3+$0x0], $0xffff;
	v56 =	vshll.u32 v63, $0x10  }
0x17c: {  	v25 =	vld.idx.msk [tilespmem:v25+s3+$0x0], $0xffff;
	v33 =	vand.u32 $0xFFFF0000, v63;
	v57 =	vshll.u32 v26, $0x10;
	v26 =	vand.u32 $0xFFFF0000, v26  }
0x17d: {  	v42 =	vld.idx.msk [tilespmem:v61+s3+$0x0], $0xffff;
	v58 =	vshll.u32 v30, $0x10;
	v30 =	vand.u32 $0xFFFF0000, v30;
	v59 =	vshll.u32 v60, $0x10  }
0x17e: {  	v28 =	vld.idx.msk [tilespmem:v28+s3+$0x0], $0xffff;
	v36 =	vand.u32 $0xFFFF0000, v60;
	v60 =	vshll.u32 v31, $0x10;
	v62 =	vshll.u32 v43, $0x10  }
0x17f: {  	v52 =	vld.idx.msk [tilespmem:v52+s3+$0x0], $0xffff;
	v63 =	vand.u32 $0xFFFF0000, v43;
	v5 =	vadd.f32 v59, v5;
	v6 =	vadd.f32 v36, v6  }
0x180: {  	v34 =	vld.idx.msk [tilespmem:v34+s3+$0x0], $0xffff;
	v61 =	vshll.u32 v44, $0x10;
	v8 =	vadd.f32 v62, v8;
	v1 =	vadd.f32 v63, v1  }
0x181: {  	v31 =	vand.u32 $0xFFFF0000, v31;
	v59 =	vld.idx.msk [tilespmem:v50+s3+$0x0], $0xffff;
	v15 =	vadd.f32 v61, v15;
	v7 =	vadd.f32 v25, v7  }
0x182: {  	v63 =	vshll.u32 v32, $0x10;
	v50 =	vld.idx.msk [tilespmem:v47+s3+$0x0], $0xffff;
	v2 =	vadd.f32 v42, v2;
	v5 =	vadd.f32 v56, v5  }
0x183: {  	v62 =	vld.idx.msk [tilespmem:v51+s3+$0x0], $0xffff;
	v51 =	vand.u32 $0xFFFF0000, v32;
	v6 =	vadd.f32 v33, v6;
	v8 =	vadd.f32 v57, v8  }
0x184: {  	v25 =	vld.idx.msk [tilespmem:v46+s3+$0x0], $0xffff;
	v1 =	vadd.f32 v26, v1;
	v26 =	vshll.u32 v45, $0x10;
	v15 =	vadd.f32 v58, v15  }
0x185: {  	v35 =	vld.idx.msk [tilespmem:v35+s3+$0x0], $0xffff;
	v7 =	vadd.f32 v28, v7;
	v28 =	vand.u32 $0xFFFF0000, v44;
	v0 =	vadd.f32 v26, v0  }
0x186: {  	v32 =	vand.u32 $0xFFFF0000, v27;
	v16 =	vadd.f32 v28, v16;
	v28 =	vld.idx.msk [tilespmem:v37+s3+$0x0], $0xffff;
	v2 =	vadd.f32 v34, v2  }
0x187: {  	v38 =	vld.idx.msk [tilespmem:v38+s3+$0x0], $0xffff;
	v9 =	vadd.f32 v59, v9;
	v0 =	vadd.f32 v60, v0;
	v36 =	vand.u32 $0xFFFF0000, v50  }
0x188: {  	v56 =	vld.idx.msk [tilespmem:v48+s3+$0x0], $0xffff;
	v16 =	vadd.f32 v30, v16;
	v30 =	vand.u32 $0xFFFF0000, v45;
	v21 =	vadd.f32 v36, v21  }
0x189: {  	v59 =	vld.idx.msk [tilespmem:v53+s3+$0x0], $0xffff;
	v58 =	vshll.u32 v25, $0x10;
	v26 =	vadd.f32 v30, v3;
	v30 =	vadd.f32 v62, v4  }
0x18a: {  	v57 =	vshll.u32 v27, $0x10;
	v27 =	vld.idx.msk [tilespmem:v55+s3+$0x0], $0xffff;
	v3 =	vadd.f32 v35, v9;
	v10 =	vadd.f32 v58, v10  }
0x18b: {  	v61 =	vand.u32 $0xFFFF0000, v25;
	v25 =	vld.idx.msk [tilespmem:v41+s3+$0x0], $0xffff;
	v4 =	vadd.f32 v31, v26;
	v9 =	vadd.f32 v28, v30  }
0x18c: {  	v30 =	vadd.f32 v61, v11;
	v11 =	vshll.u32 v50, $0x10;
	v28 =	vld.idx.msk [tilespmem:v39+s3+$0x0], $0xffff;
	v31 =	vadd.f32 v52, v12  }
0x18d: {  	v26 =	vld.idx.msk [tilespmem:v29+s3+$0x0], $0xffff;
	v62 =	vadd.f32 v11, v13;
	v11 =	vadd.f32 v63, v10  }
0x18e: {  	v29 =	vld.idx.msk [tilespmem:v54+s3+$0x0], $0xffff;
	v22 =	vadd.f32 v59, v22;
	v63 =	vand.u32 $0xFFFF0000, v56;
	v12 =	vadd.f32 v51, v30  }
0x18f: {  	v30 =	vshll.u32 v56, $0x10;
	v13 =	vadd.f32 v38, v31;
	v31 =	vld.idx.msk [tilespmem:v40+s3+$0x0], $0xffff;
	v24 =	vadd.f32 v63, v24  }
0x190: {  	s30 =	simm.s32 $0x125F0;
	s29 =	simm.s32 $0x0;
	v33 =	vshll.u32 v20, $0x10;
	v10 =	vadd.f32 v57, v62;
	v23 =	vadd.f32 v30, v23;
	v30 =	vld.idx.msk [tilespmem:v49+s3+$0x0], $0xffff  }
.LBB2_8:
0x191: {  	v34 =	vld [tilespmem:s30+$0xFFFFFF90];
	v21 =	vadd.f32 v32, v21;
	v22 =	vadd.f32 v28, v22;
	v20 =	vand.u32 $0xFFFF0000, v20  }
0x192: {  	v32 =	vshll.u32 v26, $0x10;
	v28 =	vld [tilespmem:s30+$0xFFFFFFA0];
	v23 =	vadd.f32 v33, v23;
	v24 =	vadd.f32 v20, v24  }
0x193: {  	v26 =	vand.u32 $0xFFFF0000, v26;
	v18 =	vadd.f32 v29, v18;
	v17 =	vadd.f32 v32, v17;
	v20 =	vld [tilespmem:s30+$0xFFFFFFB0]  }
0x194: {  	v19 =	vadd.f32 v26, v19;
	v26 =	vshll.u32 v25, $0x10;
	v14 =	vadd.f32 v27, v14;
	v29 =	vld [tilespmem:s30+$0xFFFFFFC0]  }
0x195: {  	v25 =	vand.u32 $0xFFFF0000, v25;
	v18 =	vadd.f32 v31, v18;
	v17 =	vadd.f32 v26, v17;
	v27 =	vld [tilespmem:s30+$0xFFFFFFD0]  }
0x196: {  	v19 =	vadd.f32 v25, v19;
	v14 =	vadd.f32 v30, v14;
	v26 =	vld [tilespmem:s30+$0xFFFFFFE0]  }
0x197: {  	v30 =	vld [tilespmem:s30+$0xFFFFFFF0]  }
0x198: {  	v25 =	vld [tilespmem:s30+$0x0]  }
0x199: {  	v31 =	vld [tilespmem:s30+$0xFFFFFF10]  }
0x19a: {  	v32 =	vld [tilespmem:s30+$0xFFFFFF20]  }
0x19b: {  	v33 =	vld [tilespmem:s30+$0xFFFFFF30]  }
0x19c: {  	v35 =	vld [tilespmem:s30+$0xFFFFFF40]  }
0x19d: {  	v36 =	vld [tilespmem:s30+$0xFFFFFF50]  }
0x19e: {  	v37 =	vld [tilespmem:s30+$0xFFFFFF60]  }
0x19f: {  	v38 =	vld [tilespmem:s30+$0xFFFFFF70]  }
0x1a0: {  	v39 =	vld [tilespmem:s30+$0xFFFFFF80]  }
0x1a1: {  	v40 =	vld.idx.msk [tilespmem:v34+s3+$0x0], $0xffff  }
0x1a2: {  	v41 =	vld.idx.msk [tilespmem:v28+s3+$0x0], $0xffff  }
0x1a3: {  	v42 =	vld.idx.msk [tilespmem:v20+s3+$0x0], $0xffff  }
0x1a4: {  	v43 =	vld.idx.msk [tilespmem:v29+s3+$0x0], $0xffff  }
0x1a5: {  	v44 =	vadd.s32 $0x7800, v31;
	v45 =	vld.idx.msk [tilespmem:v27+s3+$0x0], $0xffff  }
0x1a6: {  	v46 =	vld.idx.msk [tilespmem:v26+s3+$0x0], $0xffff  }
0x1a7: {  	v47 =	vadd.s32 $0x7800, v20;
	v34 =	vadd.s32 $0x7800, v34;
	v28 =	vadd.s32 $0x7800, v28;
	v20 =	vld.idx.msk [tilespmem:v30+s3+$0x0], $0xffff  }
0x1a8: {  	v48 =	vadd.s32 $0x7800, v32;
	v29 =	vadd.s32 $0x7800, v29;
	v27 =	vadd.s32 $0x7800, v27;
	v31 =	vld.idx.msk [tilespmem:v31+s3+$0x0], $0xffff  }
0x1a9: {  	v49 =	vadd.s32 $0x7800, v25;
	v26 =	vadd.s32 $0x7800, v26;
	v30 =	vadd.s32 $0x7800, v30;
	v32 =	vld.idx.msk [tilespmem:v32+s3+$0x0], $0xffff  }
0x1aa: {  	v50 =	vadd.s32 $0x7800, v33;
	v51 =	vadd.s32 $0x7800, v35;
	v52 =	vadd.s32 $0x7800, v36;
	v44 =	vld.idx.msk [tilespmem:v44+s3+$0x0], $0xffff  }
0x1ab: {  	v53 =	vadd.s32 $0x7800, v37;
	v54 =	vadd.s32 $0x7800, v38;
	v55 =	vadd.s32 $0x7800, v39;
	v33 =	vld.idx.msk [tilespmem:v33+s3+$0x0], $0xffff  }
0x1ac: {  	v56 =	vshll.u32 v40, $0x10;
	v40 =	vand.u32 $0xFFFF0000, v40;
	v57 =	vshll.u32 v41, $0x10;
	v34 =	vld.idx.msk [tilespmem:v34+s3+$0x0], $0xffff  }
0x1ad: {  	v41 =	vand.u32 $0xFFFF0000, v41;
	v58 =	vshll.u32 v42, $0x10;
	v42 =	vand.u32 $0xFFFF0000, v42;
	v48 =	vld.idx.msk [tilespmem:v48+s3+$0x0], $0xffff  }
0x1ae: {  	v60 =	vshll.u32 v43, $0x10;
	v59 =	vshll.u32 v31, $0x10;
	v31 =	vand.u32 $0xFFFF0000, v31;
	v35 =	vld.idx.msk [tilespmem:v35+s3+$0x0], $0xffff  }
0x1af: {  	v5 =	vadd.f32 v59, v5;
	v6 =	vadd.f32 v31, v6;
	v31 =	vshll.u32 v32, $0x10;
	v28 =	vld.idx.msk [tilespmem:v28+s3+$0x0], $0xffff  }
0x1b0: {  	v7 =	vadd.f32 v44, v7;
	v8 =	vadd.f32 v31, v8;
	v31 =	vld.idx.msk [tilespmem:v36+s3+$0x0], $0xffff;
	v36 =	vand.u32 $0xFFFF0000, v43  }
0x1b1: {  	v32 =	vand.u32 $0xFFFF0000, v32;
	v5 =	vadd.f32 v56, v5;
	v6 =	vadd.f32 v40, v6;
	v43 =	vld.idx.msk [tilespmem:v50+s3+$0x0], $0xffff  }
0x1b2: {  	v40 =	vshll.u32 v33, $0x10;
	v7 =	vadd.f32 v34, v7;
	v8 =	vadd.f32 v57, v8;
	v44 =	vld.idx.msk [tilespmem:v51+s3+$0x0], $0xffff  }
0x1b3: {  	v1 =	vadd.f32 v32, v1;
	v32 =	vand.u32 $0xFFFF0000, v33;
	v2 =	vadd.f32 v48, v2;
	v33 =	vld.idx.msk [tilespmem:v47+s3+$0x0], $0xffff  }
0x1b4: {  	s29 =	sadd.s32 $0x2, s29;
	v15 =	vadd.f32 v40, v15;
	v16 =	vadd.f32 v32, v16;
	v34 =	vshll.u32 v45, $0x10;
	v29 =	vld.idx.msk [tilespmem:v29+s3+$0x0], $0xffff  }
0x1b5: {  	p0 =	slt.u32 s29, $0x66;
	v1 =	vadd.f32 v41, v1;
	v40 =	vand.u32 $0xFFFF0000, v45;
	v2 =	vadd.f32 v28, v2;
	v37 =	vld.idx.msk [tilespmem:v37+s3+$0x0], $0xffff  }
0x1b6: {  	v15 =	vadd.f32 v58, v15;
	v16 =	vadd.f32 v42, v16;
	v28 =	vshll.u32 v35, $0x10;
	v32 =	vld.idx.msk [tilespmem:v52+s3+$0x0], $0xffff  }
0x1b7: {  	v35 =	vand.u32 $0xFFFF0000, v35;
	v0 =	vadd.f32 v28, v0;
	v3 =	vadd.f32 v43, v3;
	v38 =	vld.idx.msk [tilespmem:v38+s3+$0x0], $0xffff  }
0x1b8: {  	v41 =	vshll.u32 v46, $0x10;
	v4 =	vadd.f32 v35, v4;
	v9 =	vadd.f32 v44, v9;
	v35 =	vld.idx.msk [tilespmem:v27+s3+$0x0], $0xffff  }
0x1b9: {  	v0 =	vadd.f32 v60, v0;
	v27 =	vshll.u32 v31, $0x10;
	v3 =	vadd.f32 v33, v3;
	v42 =	vld.idx.msk [tilespmem:v53+s3+$0x0], $0xffff  }
0x1ba: {  	v28 =	vand.u32 $0xFFFF0000, v31;
	v4 =	vadd.f32 v36, v4;
	v9 =	vadd.f32 v29, v9;
	v25 =	vld.idx.msk [tilespmem:v25+s3+$0x0], $0xffff  }
0x1bb: {  	v12 =	vadd.f32 v28, v12;
	v11 =	vadd.f32 v27, v11;
	v27 =	vshll.u32 v37, $0x10;
	v28 =	vld.idx.msk [tilespmem:v26+s3+$0x0], $0xffff  }
.Ltmp3:
0x1bc: {  	v13 =	vadd.f32 v32, v13;
	v10 =	vadd.f32 v27, v10;
	v32 =	vand.u32 $0xFFFF0000, v46;
	v26 =	vld.idx.msk [tilespmem:v39+s3+$0x0], $0xffff;
	(pc) =	sbr.rel @p0 .LBB2_8-.Ltmp3, $4  }
0x1bd: {  	v12 =	vadd.f32 v40, v12;
	v31 =	vand.u32 $0xFFFF0000, v37;
	v11 =	vadd.f32 v34, v11;
	v29 =	vld.idx.msk [tilespmem:v54+s3+$0x0], $0xffff  }
0x1be: {  	v33 =	vshll.u32 v38, $0x10;
	v13 =	vadd.f32 v35, v13;
	v10 =	vadd.f32 v41, v10;
	v27 =	vld.idx.msk [tilespmem:v55+s3+$0x0], $0xffff  }
0x1bf: {  	v21 =	vadd.f32 v31, v21;
	v34 =	vand.u32 $0xFFFF0000, v38;
	v22 =	vadd.f32 v42, v22;
	v31 =	vld.idx.msk [tilespmem:v30+s3+$0x0], $0xffff  }
0x1c0: {  	s30 =	sadd.s32 $0x100, s30;
	v23 =	vadd.f32 v33, v23;
	v24 =	vadd.f32 v34, v24;
	v33 =	vshll.u32 v20, $0x10;
	v30 =	vld.idx.msk [tilespmem:v49+s3+$0x0], $0xffff  }
0x1c1: {  	[tilespmem:$0x15880] =	vst v5  }
0x1c2: {  	[tilespmem:$0x15A80] =	vst v6  }
0x1c3: {  	[tilespmem:$0x15C80] =	vst v7  }
0x1c4: {  	[tilespmem:$0x15890] =	vst v8  }
0x1c5: {  	[tilespmem:$0x15A90] =	vst v1  }
0x1c6: {  	[tilespmem:$0x15C90] =	vst v2  }
0x1c7: {  	[tilespmem:$0x158A0] =	vst v15  }
0x1c8: {  	[tilespmem:$0x15AA0] =	vst v16  }
0x1c9: {  	[tilespmem:$0x15CA0] =	vst v3  }
0x1ca: {  	[tilespmem:$0x158B0] =	vst v0  }
0x1cb: {  	[tilespmem:$0x15AB0] =	vst v4  }
0x1cc: {  	[tilespmem:$0x15CB0] =	vst v9  }
0x1cd: {  	[tilespmem:$0x158C0] =	vst v11  }
0x1ce: {  	[tilespmem:$0x15AC0] =	vst v12  }
0x1cf: {  	v0 =	vadd.f32 v32, v21;
	[tilespmem:$0x15CC0] =	vst v13  }
0x1d0: {  	v1 =	vadd.f32 v28, v22;
	v2 =	vand.u32 $0xFFFF0000, v20;
	[tilespmem:$0x158D0] =	vst v10  }
0x1d1: {  	v3 =	vshll.u32 v26, $0x10;
	v4 =	vadd.f32 v33, v23;
	v5 =	vadd.f32 v29, v18;
	[tilespmem:$0x15AD0] =	vst v0  }
0x1d2: {  	v3 =	vadd.f32 v3, v17;
	v0 =	vadd.f32 v2, v24;
	v2 =	vand.u32 $0xFFFF0000, v26;
	[tilespmem:$0x15CD0] =	vst v1  }
0x1d3: {  	v1 =	vadd.f32 v2, v19;
	v2 =	vshll.u32 v25, $0x10;
	v5 =	vadd.f32 v31, v5;
	[tilespmem:$0x158E0] =	vst v4  }
0x1d4: {  	v6 =	vand.u32 $0xFFFF0000, v25;
	v4 =	vadd.f32 v27, v14;
	v2 =	vadd.f32 v2, v3;
	[tilespmem:$0x15AE0] =	vst v0  }
0x1d5: {  	v0 =	vadd.f32 v6, v1;
	[tilespmem:$0x15CE0] =	vst v5  }
0x1d6: {  	v1 =	vadd.f32 v30, v4;
	[tilespmem:$0x158F0] =	vst v2  }
0x1d7: {  	[tilespmem:$0x15AF0] =	vst v0  }
0x1d8: {  	[tilespmem:$0x15CF0] =	vst v1  }
0x1d9: {  	[tilespmem:s20], [sflag:$0x3] =	stream.strided.gather [hbm4b:s9+s16], $0x3400, s17, s16, $0x38;
	[tilespmem:$0x15E00] =	vst v63  }
0x1da: {  	_ =	swait.ge [sflag:s21], $0x3000  }
0x1db: {  	[sflag:s21] =	ssyncset.done $0x0  }
0x1dc: {  	s29 =	simm.s32 $0xF080;
	[sflag:s21] =	ssyncadd.s32 $0xFFFFD000  }
0x1dd: {  	v0 =	vld [tilespmem:s29+$0x0]  }
0x1de: {  	v1 =	vld [tilespmem:s29+$0x10]  }
0x1df: {  	v2 =	vld [tilespmem:s29+$0x20]  }
0x1e0: {  	v3 =	vld [tilespmem:s29+$0x30]  }
0x1e1: {  	v4 =	vld [tilespmem:s29+$0x40]  }
0x1e2: {  	v5 =	vld [tilespmem:s29+$0x50]  }
0x1e3: {  	v6 =	vld [tilespmem:s29+$0x60]  }
0x1e4: {  	v10 =	vld [tilespmem:s29+$0x70]  }
0x1e5: {  	v7 =	vld [tilespmem:s29+$0xFFFFFF80]  }
0x1e6: {  	v8 =	vld [tilespmem:s29+$0xFFFFFF90]  }
0x1e7: {  	v9 =	vld [tilespmem:s29+$0xFFFFFFA0]  }
0x1e8: {  	v11 =	vld [tilespmem:s29+$0xFFFFFFB0]  }
0x1e9: {  	v12 =	vld [tilespmem:s29+$0xFFFFFFC0]  }
0x1ea: {  	v13 =	vld [tilespmem:s29+$0xFFFFFFD0]  }
0x1eb: {  	v18 =	vld [tilespmem:s29+$0xFFFFFFE0]  }
0x1ec: {  	v19 =	vld [tilespmem:s29+$0xFFFFFFF0]  }
0x1ed: {  	v15 =	vld.idx.msk [tilespmem:v0+s3+$0x0], $0xffff  }
0x1ee: {  	v16 =	vld.idx.msk [tilespmem:v1+s3+$0x0], $0xffff  }
0x1ef: {  	v20 =	vld.idx.msk [tilespmem:v2+s3+$0x0], $0xffff  }
0x1f0: {  	v21 =	vld.idx.msk [tilespmem:v3+s3+$0x0], $0xffff  }
0x1f1: {  	v23 =	vld.idx.msk [tilespmem:v4+s3+$0x0], $0xffff  }
0x1f2: {  	v14 =	vimm.f32 $0.0e+00;
	v22 =	vadd.s32 $0x7800, v7;
	v24 =	vld.idx.msk [tilespmem:v5+s3+$0x0], $0xffff  }
0x1f3: {  	v25 =	vadd.s32 $0x7800, v8;
	v26 =	vadd.s32 $0x7800, v5;
	v28 =	vadd.s32 $0x7800, v6;
	v17 =	vld.idx.msk [tilespmem:v6+s3+$0x0], $0xffff  }
0x1f4: {  	v34 =	vadd.s32 $0x7800, v10;
	v27 =	vadd.s32 $0x7800, v11;
	v29 =	vadd.s32 $0x7800, v12;
	v7 =	vld.idx.msk [tilespmem:v7+s3+$0x0], $0xffff  }
0x1f5: {  	v30 =	vadd.s32 $0x7800, v18;
	v31 =	vadd.s32 $0x7800, v19;
	v0 =	vadd.s32 $0x7800, v0;
	v5 =	vld.idx.msk [tilespmem:v8+s3+$0x0], $0xffff  }
0x1f6: {  	v1 =	vadd.s32 $0x7800, v1;
	v2 =	vadd.s32 $0x7800, v2;
	v3 =	vadd.s32 $0x7800, v3;
	v11 =	vld.idx.msk [tilespmem:v11+s3+$0x0], $0xffff  }
0x1f7: {  	v4 =	vadd.s32 $0x7800, v4;
	v8 =	vadd.s32 $0x7800, v9;
	v6 =	vld.idx.msk [tilespmem:v22+s3+$0x0], $0xffff;
	v22 =	vadd.s32 $0x7800, v13  }
0x1f8: {  	v9 =	vld.idx.msk [tilespmem:v9+s3+$0x0], $0xffff;
	v57 =	vshll.u32 v15, $0x10;
	v15 =	vand.u32 $0xFFFF0000, v15;
	v58 =	vshll.u32 v16, $0x10  }
0x1f9: {  	v25 =	vld.idx.msk [tilespmem:v25+s3+$0x0], $0xffff;
	v16 =	vand.u32 $0xFFFF0000, v16;
	v35 =	vshll.u32 v20, $0x10;
	v20 =	vand.u32 $0xFFFF0000, v20  }
0x1fa: {  	v0 =	vld.idx.msk [tilespmem:v0+s3+$0x0], $0xffff;
	v36 =	vshll.u32 v7, $0x10;
	v7 =	vand.u32 $0xFFFF0000, v7;
	v37 =	vshll.u32 v21, $0x10  }
0x1fb: {  	v38 =	vshll.u32 v5, $0x10;
	v61 =	vld.idx.msk [tilespmem:v3+s3+$0x0], $0xffff;
	v3 =	vshll.u32 v11, $0x10;
	v36 =	vadd.f32 v36, v14  }
0x1fc: {  	v12 =	vld.idx.msk [tilespmem:v12+s3+$0x0], $0xffff;
	v11 =	vand.u32 $0xFFFF0000, v11;
	v7 =	vadd.f32 v7, v14;
	v38 =	vadd.f32 v38, v14  }
0x1fd: {  	v39 =	vld.idx.msk [tilespmem:v1+s3+$0x0], $0xffff;
	v21 =	vand.u32 $0xFFFF0000, v21;
	v3 =	vadd.f32 v3, v14;
	v11 =	vadd.f32 v11, v14  }
0x1fe: {  	v40 =	vand.u32 $0xFFFF0000, v5;
	v59 =	vld.idx.msk [tilespmem:v8+s3+$0x0], $0xffff;
	v1 =	vadd.f32 v6, v14;
	v25 =	vadd.f32 v25, v14  }
0x1ff: {  	v60 =	vshll.u32 v23, $0x10;
	v22 =	vld.idx.msk [tilespmem:v22+s3+$0x0], $0xffff;
	v5 =	vadd.f32 v57, v36;
	v6 =	vadd.f32 v15, v7  }
0x200: {  	v15 =	vshll.u32 v9, $0x10;
	v8 =	vadd.f32 v58, v38;
	v7 =	vadd.f32 v0, v1;
	v0 =	vld.idx.msk [tilespmem:v27+s3+$0x0], $0xffff  }
0x201: {  	v13 =	vld.idx.msk [tilespmem:v13+s3+$0x0], $0xffff;
	v9 =	vand.u32 $0xFFFF0000, v9;
	v15 =	vadd.f32 v15, v14;
	v1 =	vadd.f32 v40, v14  }
0x202: {  	v23 =	vand.u32 $0xFFFF0000, v23;
	v9 =	vadd.f32 v9, v14;
	v27 =	vld.idx.msk [tilespmem:v2+s3+$0x0], $0xffff;
	v2 =	vadd.f32 v39, v25  }
0x203: {  	v62 =	vshll.u32 v24, $0x10;
	v15 =	vadd.f32 v35, v15;
	v1 =	vadd.f32 v16, v1  }
0x204: {  	v32 =	vand.u32 $0xFFFF0000, v24;
	v16 =	vadd.f32 v20, v9;
	v20 =	vld.idx.msk [tilespmem:v29+s3+$0x0], $0xffff;
	v9 =	vadd.f32 v59, v14  }
0x205: {  	v18 =	vld.idx.msk [tilespmem:v18+s3+$0x0], $0xffff;
	v29 =	vshll.u32 v12, $0x10;
	v22 =	vadd.f32 v22, v14;
	v25 =	vadd.f32 v0, v14  }
0x206: {  	v63 =	vld.idx.msk [tilespmem:v4+s3+$0x0], $0xffff;
	v12 =	vand.u32 $0xFFFF0000, v12;
	v0 =	vadd.f32 v37, v3;
	v3 =	vadd.f32 v21, v11  }
0x207: {  	v11 =	vadd.f32 v12, v14;
	v12 =	vshll.u32 v13, $0x10;
	v4 =	vadd.f32 v61, v25;
	v25 =	vld.idx.msk [tilespmem:v10+s3+$0x0], $0xffff  }
0x208: {  	v33 =	vshll.u32 v17, $0x10;
	v21 =	vadd.f32 v12, v14;
	v10 =	vadd.f32 v29, v14;
	v29 =	vld.idx.msk [tilespmem:v26+s3+$0x0], $0xffff  }
0x209: {  	v9 =	vadd.f32 v27, v9;
	v20 =	vadd.f32 v20, v14;
	v26 =	vld.idx.msk [tilespmem:v19+s3+$0x0], $0xffff;
	v19 =	vand.u32 $0xFFFF0000, v13  }
0x20a: {  	v30 =	vld.idx.msk [tilespmem:v30+s3+$0x0], $0xffff;
	v11 =	vadd.f32 v23, v11;
	v23 =	vshll.u32 v18, $0x10;
	v13 =	vadd.f32 v62, v21  }
0x20b: {  	v27 =	vld.idx.msk [tilespmem:v31+s3+$0x0], $0xffff;
	v18 =	vand.u32 $0xFFFF0000, v18;
	v21 =	vadd.f32 v19, v14;
	v23 =	vadd.f32 v23, v14  }
0x20c: {  	v31 =	vld.idx.msk [tilespmem:v28+s3+$0x0], $0xffff;
	v24 =	vadd.f32 v18, v14;
	v19 =	vimm.f32 $0.0e+00;
	v18 =	vimm.f32 $0.0e+00  }
0x20d: {  	s30 =	simm.s32 $0xF180;
	s29 =	simm.s32 $0x0;
	v28 =	vld.idx.msk [tilespmem:v34+s3+$0x0], $0xffff;
	v10 =	vadd.f32 v60, v10;
	v12 =	vadd.f32 v63, v20;
	v20 =	vimm.f32 $0.0e+00  }
.LBB2_10:
0x20e: {  	v34 =	vld [tilespmem:s30+$0x0];
	v21 =	vadd.f32 v32, v21;
	v22 =	vadd.f32 v29, v22;
	v17 =	vand.u32 $0xFFFF0000, v17  }
0x20f: {  	v32 =	vshll.u32 v26, $0x10;
	v29 =	vld [tilespmem:s30+$0x10];
	v23 =	vadd.f32 v33, v23;
	v24 =	vadd.f32 v17, v24  }
0x210: {  	v26 =	vand.u32 $0xFFFF0000, v26;
	v14 =	vadd.f32 v30, v14;
	v19 =	vadd.f32 v32, v19;
	v17 =	vld [tilespmem:s30+$0x20]  }
0x211: {  	v20 =	vadd.f32 v26, v20;
	v26 =	vshll.u32 v25, $0x10;
	v18 =	vadd.f32 v27, v18;
	v30 =	vld [tilespmem:s30+$0x30]  }
0x212: {  	v25 =	vand.u32 $0xFFFF0000, v25;
	v14 =	vadd.f32 v31, v14;
	v19 =	vadd.f32 v26, v19;
	v27 =	vld [tilespmem:s30+$0x40]  }
0x213: {  	v20 =	vadd.f32 v25, v20;
	v18 =	vadd.f32 v28, v18;
	v26 =	vld [tilespmem:s30+$0x50]  }
0x214: {  	v28 =	vld [tilespmem:s30+$0x60]  }
0x215: {  	v25 =	vld [tilespmem:s30+$0x70]  }
0x216: {  	v31 =	vld [tilespmem:s30+$0xFFFFFF80]  }
0x217: {  	v32 =	vld [tilespmem:s30+$0xFFFFFF90]  }
0x218: {  	v33 =	vld [tilespmem:s30+$0xFFFFFFA0]  }
0x219: {  	v35 =	vld [tilespmem:s30+$0xFFFFFFB0]  }
0x21a: {  	v36 =	vld [tilespmem:s30+$0xFFFFFFC0]  }
0x21b: {  	v37 =	vld [tilespmem:s30+$0xFFFFFFD0]  }
0x21c: {  	v38 =	vld [tilespmem:s30+$0xFFFFFFE0]  }
0x21d: {  	v39 =	vld [tilespmem:s30+$0xFFFFFFF0]  }
0x21e: {  	v40 =	vld.idx.msk [tilespmem:v34+s3+$0x0], $0xffff  }
0x21f: {  	v41 =	vld.idx.msk [tilespmem:v29+s3+$0x0], $0xffff  }
0x220: {  	v42 =	vld.idx.msk [tilespmem:v17+s3+$0x0], $0xffff  }
0x221: {  	v43 =	vld.idx.msk [tilespmem:v30+s3+$0x0], $0xffff  }
0x222: {  	v44 =	vadd.s32 $0x7800, v31;
	v45 =	vld.idx.msk [tilespmem:v27+s3+$0x0], $0xffff  }
0x223: {  	v46 =	vld.idx.msk [tilespmem:v26+s3+$0x0], $0xffff  }
0x224: {  	v47 =	vadd.s32 $0x7800, v17;
	v34 =	vadd.s32 $0x7800, v34;
	v29 =	vadd.s32 $0x7800, v29;
	v17 =	vld.idx.msk [tilespmem:v28+s3+$0x0], $0xffff  }
0x225: {  	v48 =	vadd.s32 $0x7800, v32;
	v30 =	vadd.s32 $0x7800, v30;
	v27 =	vadd.s32 $0x7800, v27;
	v31 =	vld.idx.msk [tilespmem:v31+s3+$0x0], $0xffff  }
0x226: {  	v49 =	vadd.s32 $0x7800, v25;
	v26 =	vadd.s32 $0x7800, v26;
	v28 =	vadd.s32 $0x7800, v28;
	v32 =	vld.idx.msk [tilespmem:v32+s3+$0x0], $0xffff  }
0x227: {  	v50 =	vadd.s32 $0x7800, v33;
	v51 =	vadd.s32 $0x7800, v35;
	v52 =	vadd.s32 $0x7800, v36;
	v44 =	vld.idx.msk [tilespmem:v44+s3+$0x0], $0xffff  }
0x228: {  	v53 =	vadd.s32 $0x7800, v37;
	v54 =	vadd.s32 $0x7800, v38;
	v55 =	vadd.s32 $0x7800, v39;
	v33 =	vld.idx.msk [tilespmem:v33+s3+$0x0], $0xffff  }
0x229: {  	v56 =	vshll.u32 v40, $0x10;
	v40 =	vand.u32 $0xFFFF0000, v40;
	v57 =	vshll.u32 v41, $0x10;
	v34 =	vld.idx.msk [tilespmem:v34+s3+$0x0], $0xffff  }
0x22a: {  	v41 =	vand.u32 $0xFFFF0000, v41;
	v58 =	vshll.u32 v42, $0x10;
	v42 =	vand.u32 $0xFFFF0000, v42;
	v48 =	vld.idx.msk [tilespmem:v48+s3+$0x0], $0xffff  }
0x22b: {  	v60 =	vshll.u32 v43, $0x10;
	v59 =	vshll.u32 v31, $0x10;
	v31 =	vand.u32 $0xFFFF0000, v31;
	v35 =	vld.idx.msk [tilespmem:v35+s3+$0x0], $0xffff  }
0x22c: {  	v5 =	vadd.f32 v59, v5;
	v6 =	vadd.f32 v31, v6;
	v31 =	vshll.u32 v32, $0x10;
	v29 =	vld.idx.msk [tilespmem:v29+s3+$0x0], $0xffff  }
0x22d: {  	v7 =	vadd.f32 v44, v7;
	v8 =	vadd.f32 v31, v8;
	v31 =	vld.idx.msk [tilespmem:v36+s3+$0x0], $0xffff;
	v36 =	vand.u32 $0xFFFF0000, v43  }
0x22e: {  	v32 =	vand.u32 $0xFFFF0000, v32;
	v5 =	vadd.f32 v56, v5;
	v6 =	vadd.f32 v40, v6;
	v43 =	vld.idx.msk [tilespmem:v50+s3+$0x0], $0xffff  }
0x22f: {  	v40 =	vshll.u32 v33, $0x10;
	v7 =	vadd.f32 v34, v7;
	v8 =	vadd.f32 v57, v8;
	v44 =	vld.idx.msk [tilespmem:v51+s3+$0x0], $0xffff  }
0x230: {  	v1 =	vadd.f32 v32, v1;
	v32 =	vand.u32 $0xFFFF0000, v33;
	v2 =	vadd.f32 v48, v2;
	v33 =	vld.idx.msk [tilespmem:v47+s3+$0x0], $0xffff  }
0x231: {  	s29 =	sadd.s32 $0x2, s29;
	v15 =	vadd.f32 v40, v15;
	v16 =	vadd.f32 v32, v16;
	v34 =	vshll.u32 v45, $0x10;
	v30 =	vld.idx.msk [tilespmem:v30+s3+$0x0], $0xffff  }
0x232: {  	p0 =	slt.u32 s29, $0x5E;
	v1 =	vadd.f32 v41, v1;
	v40 =	vand.u32 $0xFFFF0000, v45;
	v2 =	vadd.f32 v29, v2;
	v37 =	vld.idx.msk [tilespmem:v37+s3+$0x0], $0xffff  }
0x233: {  	v15 =	vadd.f32 v58, v15;
	v16 =	vadd.f32 v42, v16;
	v29 =	vshll.u32 v35, $0x10;
	v32 =	vld.idx.msk [tilespmem:v52+s3+$0x0], $0xffff  }
0x234: {  	v35 =	vand.u32 $0xFFFF0000, v35;
	v0 =	vadd.f32 v29, v0;
	v9 =	vadd.f32 v43, v9;
	v38 =	vld.idx.msk [tilespmem:v38+s3+$0x0], $0xffff  }
0x235: {  	v41 =	vshll.u32 v46, $0x10;
	v3 =	vadd.f32 v35, v3;
	v4 =	vadd.f32 v44, v4;
	v35 =	vld.idx.msk [tilespmem:v27+s3+$0x0], $0xffff  }
0x236: {  	v0 =	vadd.f32 v60, v0;
	v27 =	vshll.u32 v31, $0x10;
	v9 =	vadd.f32 v33, v9;
	v42 =	vld.idx.msk [tilespmem:v53+s3+$0x0], $0xffff  }
0x237: {  	v29 =	vand.u32 $0xFFFF0000, v31;
	v3 =	vadd.f32 v36, v3;
	v4 =	vadd.f32 v30, v4;
	v25 =	vld.idx.msk [tilespmem:v25+s3+$0x0], $0xffff  }
0x238: {  	v11 =	vadd.f32 v29, v11;
	v10 =	vadd.f32 v27, v10;
	v27 =	vshll.u32 v37, $0x10;
	v29 =	vld.idx.msk [tilespmem:v26+s3+$0x0], $0xffff  }
.Ltmp4:
0x239: {  	v12 =	vadd.f32 v32, v12;
	v13 =	vadd.f32 v27, v13;
	v32 =	vand.u32 $0xFFFF0000, v46;
	v26 =	vld.idx.msk [tilespmem:v39+s3+$0x0], $0xffff;
	(pc) =	sbr.rel @p0 .LBB2_10-.Ltmp4, $4  }
0x23a: {  	v11 =	vadd.f32 v40, v11;
	v31 =	vand.u32 $0xFFFF0000, v37;
	v10 =	vadd.f32 v34, v10;
	v30 =	vld.idx.msk [tilespmem:v54+s3+$0x0], $0xffff  }
0x23b: {  	v33 =	vshll.u32 v38, $0x10;
	v12 =	vadd.f32 v35, v12;
	v13 =	vadd.f32 v41, v13;
	v27 =	vld.idx.msk [tilespmem:v55+s3+$0x0], $0xffff  }
0x23c: {  	v21 =	vadd.f32 v31, v21;
	v34 =	vand.u32 $0xFFFF0000, v38;
	v22 =	vadd.f32 v42, v22;
	v31 =	vld.idx.msk [tilespmem:v28+s3+$0x0], $0xffff  }
0x23d: {  	s30 =	sadd.s32 $0x100, s30;
	v23 =	vadd.f32 v33, v23;
	v24 =	vadd.f32 v34, v24;
	v33 =	vshll.u32 v17, $0x10;
	v28 =	vld.idx.msk [tilespmem:v49+s3+$0x0], $0xffff  }
0x23e: {  	[tilespmem:s18], [sflag:$0x2] =	stream.strided.gather [hbm4b:s10+s16], $0x3000, s17, s16, $0x38;
	[tilespmem:$0x15E00] =	vst v63  }
0x23f: {  	_ =	swait.ge [sflag:s22], $0x3400  }
0x240: {  	[sflag:s22] =	ssyncset.done $0x0  }
0x241: {  	s29 =	simm.s32 $0x124F0;
	[sflag:s22] =	ssyncadd.s32 $0xFFFFCC00  }
0x242: {  	v34 =	vld [tilespmem:s29+$0xFFFFFF90]  }
0x243: {  	v35 =	vld [tilespmem:s29+$0xFFFFFFA0]  }
0x244: {  	v36 =	vld [tilespmem:s29+$0xFFFFFFB0]  }
0x245: {  	v37 =	vld [tilespmem:s29+$0xFFFFFFC0]  }
0x246: {  	v38 =	vld [tilespmem:s29+$0xFFFFFFD0]  }
0x247: {  	v39 =	vld [tilespmem:s29+$0xFFFFFFE0]  }
0x248: {  	v40 =	vld [tilespmem:s29+$0xFFFFFFF0]  }
0x249: {  	v41 =	vld [tilespmem:s29+$0x0]  }
0x24a: {  	v42 =	vld [tilespmem:s29+$0xFFFFFF10]  }
0x24b: {  	v43 =	vld [tilespmem:s29+$0xFFFFFF20]  }
0x24c: {  	v44 =	vld [tilespmem:s29+$0xFFFFFF30]  }
0x24d: {  	v45 =	vld [tilespmem:s29+$0xFFFFFF40]  }
0x24e: {  	v46 =	vld [tilespmem:s29+$0xFFFFFF50]  }
0x24f: {  	v47 =	vld [tilespmem:s29+$0xFFFFFF60]  }
0x250: {  	v48 =	vld [tilespmem:s29+$0xFFFFFF70]  }
0x251: {  	v21 =	vadd.f32 v32, v21;
	v22 =	vadd.f32 v29, v22;
	v17 =	vand.u32 $0xFFFF0000, v17;
	v29 =	vld [tilespmem:s29+$0xFFFFFF80]  }
0x252: {  	v62 =	vshll.u32 v26, $0x10;
	v23 =	vadd.f32 v33, v23;
	v24 =	vadd.f32 v17, v24;
	v63 =	vld.idx.msk [tilespmem:v34+s3+$0x0], $0xffff  }
0x253: {  	v14 =	vadd.f32 v30, v14;
	v17 =	vand.u32 $0xFFFF0000, v26;
	v19 =	vadd.f32 v62, v19;
	v26 =	vld.idx.msk [tilespmem:v35+s3+$0x0], $0xffff  }
0x254: {  	v20 =	vadd.f32 v17, v20;
	v27 =	vadd.f32 v27, v18;
	v30 =	vld.idx.msk [tilespmem:v36+s3+$0x0], $0xffff  }
0x255: {  	v17 =	vshll.u32 v25, $0x10;
	v18 =	vadd.f32 v31, v14;
	v14 =	vand.u32 $0xFFFF0000, v25;
	v31 =	vld.idx.msk [tilespmem:v37+s3+$0x0], $0xffff  }
0x256: {  	v17 =	vadd.f32 v17, v19;
	v19 =	vadd.f32 v14, v20;
	v32 =	vld.idx.msk [tilespmem:v38+s3+$0x0], $0xffff  }
0x257: {  	v14 =	vadd.f32 v28, v27;
	v25 =	vadd.s32 $0x7800, v42;
	v28 =	vadd.s32 $0x7800, v34;
	v27 =	vld.idx.msk [tilespmem:v39+s3+$0x0], $0xffff  }
0x258: {  	v61 =	vadd.s32 $0x7800, v43;
	v49 =	vadd.s32 $0x7800, v41;
	v50 =	vadd.s32 $0x7800, v44;
	v20 =	vld.idx.msk [tilespmem:v40+s3+$0x0], $0xffff  }
0x259: {  	v51 =	vadd.s32 $0x7800, v45;
	v52 =	vadd.s32 $0x7800, v46;
	v53 =	vadd.s32 $0x7800, v47;
	v60 =	vld.idx.msk [tilespmem:v42+s3+$0x0], $0xffff  }
0x25a: {  	v54 =	vadd.s32 $0x7800, v48;
	v55 =	vadd.s32 $0x7800, v29;
	v34 =	vadd.s32 $0x7800, v35;
	v43 =	vld.idx.msk [tilespmem:v43+s3+$0x0], $0xffff  }
0x25b: {  	v35 =	vadd.s32 $0x7800, v36;
	v37 =	vadd.s32 $0x7800, v37;
	v38 =	vadd.s32 $0x7800, v38;
	v44 =	vld.idx.msk [tilespmem:v44+s3+$0x0], $0xffff  }
0x25c: {  	v39 =	vadd.s32 $0x7800, v39;
	v40 =	vadd.s32 $0x7800, v40;
	v45 =	vld.idx.msk [tilespmem:v45+s3+$0x0], $0xffff;
	v56 =	vshll.u32 v63, $0x10  }
0x25d: {  	v25 =	vld.idx.msk [tilespmem:v25+s3+$0x0], $0xffff;
	v33 =	vand.u32 $0xFFFF0000, v63;
	v57 =	vshll.u32 v26, $0x10;
	v26 =	vand.u32 $0xFFFF0000, v26  }
0x25e: {  	v42 =	vld.idx.msk [tilespmem:v61+s3+$0x0], $0xffff;
	v58 =	vshll.u32 v30, $0x10;
	v30 =	vand.u32 $0xFFFF0000, v30;
	v59 =	vshll.u32 v60, $0x10  }
0x25f: {  	v28 =	vld.idx.msk [tilespmem:v28+s3+$0x0], $0xffff;
	v36 =	vand.u32 $0xFFFF0000, v60;
	v60 =	vshll.u32 v31, $0x10;
	v62 =	vshll.u32 v43, $0x10  }
0x260: {  	v52 =	vld.idx.msk [tilespmem:v52+s3+$0x0], $0xffff;
	v63 =	vand.u32 $0xFFFF0000, v43;
	v5 =	vadd.f32 v59, v5;
	v6 =	vadd.f32 v36, v6  }
0x261: {  	v34 =	vld.idx.msk [tilespmem:v34+s3+$0x0], $0xffff;
	v61 =	vshll.u32 v44, $0x10;
	v8 =	vadd.f32 v62, v8;
	v1 =	vadd.f32 v63, v1  }
0x262: {  	v31 =	vand.u32 $0xFFFF0000, v31;
	v59 =	vld.idx.msk [tilespmem:v50+s3+$0x0], $0xffff;
	v15 =	vadd.f32 v61, v15;
	v7 =	vadd.f32 v25, v7  }
0x263: {  	v63 =	vshll.u32 v32, $0x10;
	v50 =	vld.idx.msk [tilespmem:v47+s3+$0x0], $0xffff;
	v2 =	vadd.f32 v42, v2;
	v5 =	vadd.f32 v56, v5  }
0x264: {  	v62 =	vld.idx.msk [tilespmem:v51+s3+$0x0], $0xffff;
	v51 =	vand.u32 $0xFFFF0000, v32;
	v6 =	vadd.f32 v33, v6;
	v8 =	vadd.f32 v57, v8  }
0x265: {  	v25 =	vld.idx.msk [tilespmem:v46+s3+$0x0], $0xffff;
	v1 =	vadd.f32 v26, v1;
	v26 =	vshll.u32 v45, $0x10;
	v15 =	vadd.f32 v58, v15  }
0x266: {  	v35 =	vld.idx.msk [tilespmem:v35+s3+$0x0], $0xffff;
	v7 =	vadd.f32 v28, v7;
	v28 =	vand.u32 $0xFFFF0000, v44;
	v0 =	vadd.f32 v26, v0  }
0x267: {  	v32 =	vand.u32 $0xFFFF0000, v27;
	v16 =	vadd.f32 v28, v16;
	v28 =	vld.idx.msk [tilespmem:v37+s3+$0x0], $0xffff;
	v2 =	vadd.f32 v34, v2  }
0x268: {  	v38 =	vld.idx.msk [tilespmem:v38+s3+$0x0], $0xffff;
	v9 =	vadd.f32 v59, v9;
	v0 =	vadd.f32 v60, v0;
	v36 =	vand.u32 $0xFFFF0000, v50  }
0x269: {  	v56 =	vld.idx.msk [tilespmem:v48+s3+$0x0], $0xffff;
	v16 =	vadd.f32 v30, v16;
	v30 =	vand.u32 $0xFFFF0000, v45;
	v21 =	vadd.f32 v36, v21  }
0x26a: {  	v59 =	vld.idx.msk [tilespmem:v53+s3+$0x0], $0xffff;
	v58 =	vshll.u32 v25, $0x10;
	v26 =	vadd.f32 v30, v3;
	v30 =	vadd.f32 v62, v4  }
0x26b: {  	v57 =	vshll.u32 v27, $0x10;
	v27 =	vld.idx.msk [tilespmem:v55+s3+$0x0], $0xffff;
	v3 =	vadd.f32 v35, v9;
	v10 =	vadd.f32 v58, v10  }
0x26c: {  	v61 =	vand.u32 $0xFFFF0000, v25;
	v25 =	vld.idx.msk [tilespmem:v41+s3+$0x0], $0xffff;
	v4 =	vadd.f32 v31, v26;
	v9 =	vadd.f32 v28, v30  }
0x26d: {  	v30 =	vadd.f32 v61, v11;
	v11 =	vshll.u32 v50, $0x10;
	v28 =	vld.idx.msk [tilespmem:v39+s3+$0x0], $0xffff;
	v31 =	vadd.f32 v52, v12  }
0x26e: {  	v26 =	vld.idx.msk [tilespmem:v29+s3+$0x0], $0xffff;
	v62 =	vadd.f32 v11, v13;
	v11 =	vadd.f32 v63, v10  }
0x26f: {  	v29 =	vld.idx.msk [tilespmem:v54+s3+$0x0], $0xffff;
	v22 =	vadd.f32 v59, v22;
	v63 =	vand.u32 $0xFFFF0000, v56;
	v12 =	vadd.f32 v51, v30  }
0x270: {  	v30 =	vshll.u32 v56, $0x10;
	v13 =	vadd.f32 v38, v31;
	v31 =	vld.idx.msk [tilespmem:v40+s3+$0x0], $0xffff;
	v24 =	vadd.f32 v63, v24  }
0x271: {  	s30 =	simm.s32 $0x125F0;
	s29 =	simm.s32 $0x0;
	v33 =	vshll.u32 v20, $0x10;
	v10 =	vadd.f32 v57, v62;
	v23 =	vadd.f32 v30, v23;
	v30 =	vld.idx.msk [tilespmem:v49+s3+$0x0], $0xffff  }
.LBB2_12:
0x272: {  	v34 =	vld [tilespmem:s30+$0xFFFFFF90];
	v21 =	vadd.f32 v32, v21;
	v22 =	vadd.f32 v28, v22;
	v20 =	vand.u32 $0xFFFF0000, v20  }
0x273: {  	v32 =	vshll.u32 v26, $0x10;
	v28 =	vld [tilespmem:s30+$0xFFFFFFA0];
	v23 =	vadd.f32 v33, v23;
	v24 =	vadd.f32 v20, v24  }
0x274: {  	v26 =	vand.u32 $0xFFFF0000, v26;
	v18 =	vadd.f32 v29, v18;
	v17 =	vadd.f32 v32, v17;
	v20 =	vld [tilespmem:s30+$0xFFFFFFB0]  }
0x275: {  	v19 =	vadd.f32 v26, v19;
	v26 =	vshll.u32 v25, $0x10;
	v14 =	vadd.f32 v27, v14;
	v29 =	vld [tilespmem:s30+$0xFFFFFFC0]  }
0x276: {  	v25 =	vand.u32 $0xFFFF0000, v25;
	v18 =	vadd.f32 v31, v18;
	v17 =	vadd.f32 v26, v17;
	v27 =	vld [tilespmem:s30+$0xFFFFFFD0]  }
0x277: {  	v19 =	vadd.f32 v25, v19;
	v14 =	vadd.f32 v30, v14;
	v26 =	vld [tilespmem:s30+$0xFFFFFFE0]  }
0x278: {  	v30 =	vld [tilespmem:s30+$0xFFFFFFF0]  }
0x279: {  	v25 =	vld [tilespmem:s30+$0x0]  }
0x27a: {  	v31 =	vld [tilespmem:s30+$0xFFFFFF10]  }
0x27b: {  	v32 =	vld [tilespmem:s30+$0xFFFFFF20]  }
0x27c: {  	v33 =	vld [tilespmem:s30+$0xFFFFFF30]  }
0x27d: {  	v35 =	vld [tilespmem:s30+$0xFFFFFF40]  }
0x27e: {  	v36 =	vld [tilespmem:s30+$0xFFFFFF50]  }
0x27f: {  	v37 =	vld [tilespmem:s30+$0xFFFFFF60]  }
0x280: {  	v38 =	vld [tilespmem:s30+$0xFFFFFF70]  }
0x281: {  	v39 =	vld [tilespmem:s30+$0xFFFFFF80]  }
0x282: {  	v40 =	vld.idx.msk [tilespmem:v34+s3+$0x0], $0xffff  }
0x283: {  	v41 =	vld.idx.msk [tilespmem:v28+s3+$0x0], $0xffff  }
0x284: {  	v42 =	vld.idx.msk [tilespmem:v20+s3+$0x0], $0xffff  }
0x285: {  	v43 =	vld.idx.msk [tilespmem:v29+s3+$0x0], $0xffff  }
0x286: {  	v44 =	vadd.s32 $0x7800, v31;
	v45 =	vld.idx.msk [tilespmem:v27+s3+$0x0], $0xffff  }
0x287: {  	v46 =	vld.idx.msk [tilespmem:v26+s3+$0x0], $0xffff  }
0x288: {  	v47 =	vadd.s32 $0x7800, v20;
	v34 =	vadd.s32 $0x7800, v34;
	v28 =	vadd.s32 $0x7800, v28;
	v20 =	vld.idx.msk [tilespmem:v30+s3+$0x0], $0xffff  }
0x289: {  	v48 =	vadd.s32 $0x7800, v32;
	v29 =	vadd.s32 $0x7800, v29;
	v27 =	vadd.s32 $0x7800, v27;
	v31 =	vld.idx.msk [tilespmem:v31+s3+$0x0], $0xffff  }
0x28a: {  	v49 =	vadd.s32 $0x7800, v25;
	v26 =	vadd.s32 $0x7800, v26;
	v30 =	vadd.s32 $0x7800, v30;
	v32 =	vld.idx.msk [tilespmem:v32+s3+$0x0], $0xffff  }
0x28b: {  	v50 =	vadd.s32 $0x7800, v33;
	v51 =	vadd.s32 $0x7800, v35;
	v52 =	vadd.s32 $0x7800, v36;
	v44 =	vld.idx.msk [tilespmem:v44+s3+$0x0], $0xffff  }
0x28c: {  	v53 =	vadd.s32 $0x7800, v37;
	v54 =	vadd.s32 $0x7800, v38;
	v55 =	vadd.s32 $0x7800, v39;
	v33 =	vld.idx.msk [tilespmem:v33+s3+$0x0], $0xffff  }
0x28d: {  	v56 =	vshll.u32 v40, $0x10;
	v40 =	vand.u32 $0xFFFF0000, v40;
	v57 =	vshll.u32 v41, $0x10;
	v34 =	vld.idx.msk [tilespmem:v34+s3+$0x0], $0xffff  }
0x28e: {  	v41 =	vand.u32 $0xFFFF0000, v41;
	v58 =	vshll.u32 v42, $0x10;
	v42 =	vand.u32 $0xFFFF0000, v42;
	v48 =	vld.idx.msk [tilespmem:v48+s3+$0x0], $0xffff  }
0x28f: {  	v60 =	vshll.u32 v43, $0x10;
	v59 =	vshll.u32 v31, $0x10;
	v31 =	vand.u32 $0xFFFF0000, v31;
	v35 =	vld.idx.msk [tilespmem:v35+s3+$0x0], $0xffff  }
0x290: {  	v5 =	vadd.f32 v59, v5;
	v6 =	vadd.f32 v31, v6;
	v31 =	vshll.u32 v32, $0x10;
	v28 =	vld.idx.msk [tilespmem:v28+s3+$0x0], $0xffff  }
0x291: {  	v7 =	vadd.f32 v44, v7;
	v8 =	vadd.f32 v31, v8;
	v31 =	vld.idx.msk [tilespmem:v36+s3+$0x0], $0xffff;
	v36 =	vand.u32 $0xFFFF0000, v43  }
0x292: {  	v32 =	vand.u32 $0xFFFF0000, v32;
	v5 =	vadd.f32 v56, v5;
	v6 =	vadd.f32 v40, v6;
	v43 =	vld.idx.msk [tilespmem:v50+s3+$0x0], $0xffff  }
0x293: {  	v40 =	vshll.u32 v33, $0x10;
	v7 =	vadd.f32 v34, v7;
	v8 =	vadd.f32 v57, v8;
	v44 =	vld.idx.msk [tilespmem:v51+s3+$0x0], $0xffff  }
0x294: {  	v1 =	vadd.f32 v32, v1;
	v32 =	vand.u32 $0xFFFF0000, v33;
	v2 =	vadd.f32 v48, v2;
	v33 =	vld.idx.msk [tilespmem:v47+s3+$0x0], $0xffff  }
0x295: {  	s29 =	sadd.s32 $0x2, s29;
	v15 =	vadd.f32 v40, v15;
	v16 =	vadd.f32 v32, v16;
	v34 =	vshll.u32 v45, $0x10;
	v29 =	vld.idx.msk [tilespmem:v29+s3+$0x0], $0xffff  }
0x296: {  	p0 =	slt.u32 s29, $0x66;
	v1 =	vadd.f32 v41, v1;
	v40 =	vand.u32 $0xFFFF0000, v45;
	v2 =	vadd.f32 v28, v2;
	v37 =	vld.idx.msk [tilespmem:v37+s3+$0x0], $0xffff  }
0x297: {  	v15 =	vadd.f32 v58, v15;
	v16 =	vadd.f32 v42, v16;
	v28 =	vshll.u32 v35, $0x10;
	v32 =	vld.idx.msk [tilespmem:v52+s3+$0x0], $0xffff  }
0x298: {  	v35 =	vand.u32 $0xFFFF0000, v35;
	v0 =	vadd.f32 v28, v0;
	v3 =	vadd.f32 v43, v3;
	v38 =	vld.idx.msk [tilespmem:v38+s3+$0x0], $0xffff  }
0x299: {  	v41 =	vshll.u32 v46, $0x10;
	v4 =	vadd.f32 v35, v4;
	v9 =	vadd.f32 v44, v9;
	v35 =	vld.idx.msk [tilespmem:v27+s3+$0x0], $0xffff  }
0x29a: {  	v0 =	vadd.f32 v60, v0;
	v27 =	vshll.u32 v31, $0x10;
	v3 =	vadd.f32 v33, v3;
	v42 =	vld.idx.msk [tilespmem:v53+s3+$0x0], $0xffff  }
0x29b: {  	v28 =	vand.u32 $0xFFFF0000, v31;
	v4 =	vadd.f32 v36, v4;
	v9 =	vadd.f32 v29, v9;
	v25 =	vld.idx.msk [tilespmem:v25+s3+$0x0], $0xffff  }
0x29c: {  	v12 =	vadd.f32 v28, v12;
	v11 =	vadd.f32 v27, v11;
	v27 =	vshll.u32 v37, $0x10;
	v28 =	vld.idx.msk [tilespmem:v26+s3+$0x0], $0xffff  }
.Ltmp5:
0x29d: {  	v13 =	vadd.f32 v32, v13;
	v10 =	vadd.f32 v27, v10;
	v32 =	vand.u32 $0xFFFF0000, v46;
	v26 =	vld.idx.msk [tilespmem:v39+s3+$0x0], $0xffff;
	(pc) =	sbr.rel @p0 .LBB2_12-.Ltmp5, $4  }
0x29e: {  	v12 =	vadd.f32 v40, v12;
	v31 =	vand.u32 $0xFFFF0000, v37;
	v11 =	vadd.f32 v34, v11;
	v29 =	vld.idx.msk [tilespmem:v54+s3+$0x0], $0xffff  }
0x29f: {  	v33 =	vshll.u32 v38, $0x10;
	v13 =	vadd.f32 v35, v13;
	v10 =	vadd.f32 v41, v10;
	v27 =	vld.idx.msk [tilespmem:v55+s3+$0x0], $0xffff  }
0x2a0: {  	v21 =	vadd.f32 v31, v21;
	v34 =	vand.u32 $0xFFFF0000, v38;
	v22 =	vadd.f32 v42, v22;
	v31 =	vld.idx.msk [tilespmem:v30+s3+$0x0], $0xffff  }
0x2a1: {  	s30 =	sadd.s32 $0x100, s30;
	v23 =	vadd.f32 v33, v23;
	v24 =	vadd.f32 v34, v24;
	v33 =	vshll.u32 v20, $0x10;
	v30 =	vld.idx.msk [tilespmem:v49+s3+$0x0], $0xffff  }
0x2a2: {  	[tilespmem:$0x15900] =	vst v5  }
0x2a3: {  	[tilespmem:$0x15B00] =	vst v6  }
0x2a4: {  	[tilespmem:$0x15D00] =	vst v7  }
0x2a5: {  	[tilespmem:$0x15910] =	vst v8  }
0x2a6: {  	[tilespmem:$0x15B10] =	vst v1  }
0x2a7: {  	[tilespmem:$0x15D10] =	vst v2  }
0x2a8: {  	[tilespmem:$0x15920] =	vst v15  }
0x2a9: {  	[tilespmem:$0x15B20] =	vst v16  }
0x2aa: {  	[tilespmem:$0x15D20] =	vst v3  }
0x2ab: {  	[tilespmem:$0x15930] =	vst v0  }
0x2ac: {  	[tilespmem:$0x15B30] =	vst v4  }
0x2ad: {  	[tilespmem:$0x15D30] =	vst v9  }
0x2ae: {  	[tilespmem:$0x15940] =	vst v11  }
0x2af: {  	[tilespmem:$0x15B40] =	vst v12  }
0x2b0: {  	v0 =	vadd.f32 v32, v21;
	[tilespmem:$0x15D40] =	vst v13  }
0x2b1: {  	v1 =	vadd.f32 v28, v22;
	v2 =	vand.u32 $0xFFFF0000, v20;
	[tilespmem:$0x15950] =	vst v10  }
0x2b2: {  	v3 =	vshll.u32 v26, $0x10;
	v4 =	vadd.f32 v33, v23;
	v5 =	vadd.f32 v29, v18;
	[tilespmem:$0x15B50] =	vst v0  }
0x2b3: {  	v3 =	vadd.f32 v3, v17;
	v0 =	vadd.f32 v2, v24;
	v2 =	vand.u32 $0xFFFF0000, v26;
	[tilespmem:$0x15D50] =	vst v1  }
0x2b4: {  	v1 =	vadd.f32 v2, v19;
	v2 =	vshll.u32 v25, $0x10;
	v5 =	vadd.f32 v31, v5;
	[tilespmem:$0x15960] =	vst v4  }
0x2b5: {  	v6 =	vand.u32 $0xFFFF0000, v25;
	v4 =	vadd.f32 v27, v14;
	v2 =	vadd.f32 v2, v3;
	[tilespmem:$0x15B60] =	vst v0  }
0x2b6: {  	v0 =	vadd.f32 v6, v1;
	[tilespmem:$0x15D60] =	vst v5  }
0x2b7: {  	v1 =	vadd.f32 v30, v4;
	[tilespmem:$0x15970] =	vst v2  }
0x2b8: {  	[tilespmem:$0x15B70] =	vst v0  }
0x2b9: {  	[tilespmem:$0x15D70] =	vst v1  }
0x2ba: {  	[tilespmem:s20], [sflag:$0x3] =	stream.strided.gather [hbm4b:s11+s16], $0x3400, s17, s16, $0x38;
	[tilespmem:$0x15E00] =	vst v63  }
0x2bb: {  	_ =	swait.ge [sflag:s21], $0x3000  }
0x2bc: {  	[sflag:s21] =	ssyncset.done $0x0  }
0x2bd: {  	s29 =	simm.s32 $0xF080;
	[sflag:s21] =	ssyncadd.s32 $0xFFFFD000  }
0x2be: {  	v0 =	vld [tilespmem:s29+$0x0]  }
0x2bf: {  	v1 =	vld [tilespmem:s29+$0x10]  }
0x2c0: {  	v2 =	vld [tilespmem:s29+$0x20]  }
0x2c1: {  	v3 =	vld [tilespmem:s29+$0x30]  }
0x2c2: {  	v4 =	vld [tilespmem:s29+$0x40]  }
0x2c3: {  	v5 =	vld [tilespmem:s29+$0x50]  }
0x2c4: {  	v6 =	vld [tilespmem:s29+$0x60]  }
0x2c5: {  	v10 =	vld [tilespmem:s29+$0x70]  }
0x2c6: {  	v7 =	vld [tilespmem:s29+$0xFFFFFF80]  }
0x2c7: {  	v8 =	vld [tilespmem:s29+$0xFFFFFF90]  }
0x2c8: {  	v9 =	vld [tilespmem:s29+$0xFFFFFFA0]  }
0x2c9: {  	v11 =	vld [tilespmem:s29+$0xFFFFFFB0]  }
0x2ca: {  	v12 =	vld [tilespmem:s29+$0xFFFFFFC0]  }
0x2cb: {  	v13 =	vld [tilespmem:s29+$0xFFFFFFD0]  }
0x2cc: {  	v18 =	vld [tilespmem:s29+$0xFFFFFFE0]  }
0x2cd: {  	v19 =	vld [tilespmem:s29+$0xFFFFFFF0]  }
0x2ce: {  	v15 =	vld.idx.msk [tilespmem:v0+s3+$0x0], $0xffff  }
0x2cf: {  	v16 =	vld.idx.msk [tilespmem:v1+s3+$0x0], $0xffff  }
0x2d0: {  	v20 =	vld.idx.msk [tilespmem:v2+s3+$0x0], $0xffff  }
0x2d1: {  	v21 =	vld.idx.msk [tilespmem:v3+s3+$0x0], $0xffff  }
0x2d2: {  	v23 =	vld.idx.msk [tilespmem:v4+s3+$0x0], $0xffff  }
0x2d3: {  	v14 =	vimm.f32 $0.0e+00;
	v22 =	vadd.s32 $0x7800, v7;
	v24 =	vld.idx.msk [tilespmem:v5+s3+$0x0], $0xffff  }
0x2d4: {  	v25 =	vadd.s32 $0x7800, v8;
	v26 =	vadd.s32 $0x7800, v5;
	v28 =	vadd.s32 $0x7800, v6;
	v17 =	vld.idx.msk [tilespmem:v6+s3+$0x0], $0xffff  }
0x2d5: {  	v34 =	vadd.s32 $0x7800, v10;
	v27 =	vadd.s32 $0x7800, v11;
	v29 =	vadd.s32 $0x7800, v12;
	v7 =	vld.idx.msk [tilespmem:v7+s3+$0x0], $0xffff  }
0x2d6: {  	v30 =	vadd.s32 $0x7800, v18;
	v31 =	vadd.s32 $0x7800, v19;
	v0 =	vadd.s32 $0x7800, v0;
	v5 =	vld.idx.msk [tilespmem:v8+s3+$0x0], $0xffff  }
0x2d7: {  	v1 =	vadd.s32 $0x7800, v1;
	v2 =	vadd.s32 $0x7800, v2;
	v3 =	vadd.s32 $0x7800, v3;
	v11 =	vld.idx.msk [tilespmem:v11+s3+$0x0], $0xffff  }
0x2d8: {  	v4 =	vadd.s32 $0x7800, v4;
	v8 =	vadd.s32 $0x7800, v9;
	v6 =	vld.idx.msk [tilespmem:v22+s3+$0x0], $0xffff;
	v22 =	vadd.s32 $0x7800, v13  }
0x2d9: {  	v9 =	vld.idx.msk [tilespmem:v9+s3+$0x0], $0xffff;
	v57 =	vshll.u32 v15, $0x10;
	v15 =	vand.u32 $0xFFFF0000, v15;
	v58 =	vshll.u32 v16, $0x10  }
0x2da: {  	v25 =	vld.idx.msk [tilespmem:v25+s3+$0x0], $0xffff;
	v16 =	vand.u32 $0xFFFF0000, v16;
	v35 =	vshll.u32 v20, $0x10;
	v20 =	vand.u32 $0xFFFF0000, v20  }
0x2db: {  	v0 =	vld.idx.msk [tilespmem:v0+s3+$0x0], $0xffff;
	v36 =	vshll.u32 v7, $0x10;
	v7 =	vand.u32 $0xFFFF0000, v7;
	v37 =	vshll.u32 v21, $0x10  }
0x2dc: {  	v38 =	vshll.u32 v5, $0x10;
	v61 =	vld.idx.msk [tilespmem:v3+s3+$0x0], $0xffff;
	v3 =	vshll.u32 v11, $0x10;
	v36 =	vadd.f32 v36, v14  }
0x2dd: {  	v12 =	vld.idx.msk [tilespmem:v12+s3+$0x0], $0xffff;
	v11 =	vand.u32 $0xFFFF0000, v11;
	v7 =	vadd.f32 v7, v14;
	v38 =	vadd.f32 v38, v14  }
0x2de: {  	v39 =	vld.idx.msk [tilespmem:v1+s3+$0x0], $0xffff;
	v21 =	vand.u32 $0xFFFF0000, v21;
	v3 =	vadd.f32 v3, v14;
	v11 =	vadd.f32 v11, v14  }
0x2df: {  	v40 =	vand.u32 $0xFFFF0000, v5;
	v59 =	vld.idx.msk [tilespmem:v8+s3+$0x0], $0xffff;
	v1 =	vadd.f32 v6, v14;
	v25 =	vadd.f32 v25, v14  }
0x2e0: {  	v60 =	vshll.u32 v23, $0x10;
	v22 =	vld.idx.msk [tilespmem:v22+s3+$0x0], $0xffff;
	v5 =	vadd.f32 v57, v36;
	v6 =	vadd.f32 v15, v7  }
0x2e1: {  	v15 =	vshll.u32 v9, $0x10;
	v8 =	vadd.f32 v58, v38;
	v7 =	vadd.f32 v0, v1;
	v0 =	vld.idx.msk [tilespmem:v27+s3+$0x0], $0xffff  }
0x2e2: {  	v13 =	vld.idx.msk [tilespmem:v13+s3+$0x0], $0xffff;
	v9 =	vand.u32 $0xFFFF0000, v9;
	v15 =	vadd.f32 v15, v14;
	v1 =	vadd.f32 v40, v14  }
0x2e3: {  	v23 =	vand.u32 $0xFFFF0000, v23;
	v9 =	vadd.f32 v9, v14;
	v27 =	vld.idx.msk [tilespmem:v2+s3+$0x0], $0xffff;
	v2 =	vadd.f32 v39, v25  }
0x2e4: {  	v62 =	vshll.u32 v24, $0x10;
	v15 =	vadd.f32 v35, v15;
	v1 =	vadd.f32 v16, v1  }
0x2e5: {  	v32 =	vand.u32 $0xFFFF0000, v24;
	v16 =	vadd.f32 v20, v9;
	v20 =	vld.idx.msk [tilespmem:v29+s3+$0x0], $0xffff;
	v9 =	vadd.f32 v59, v14  }
0x2e6: {  	v18 =	vld.idx.msk [tilespmem:v18+s3+$0x0], $0xffff;
	v29 =	vshll.u32 v12, $0x10;
	v22 =	vadd.f32 v22, v14;
	v25 =	vadd.f32 v0, v14  }
0x2e7: {  	v63 =	vld.idx.msk [tilespmem:v4+s3+$0x0], $0xffff;
	v12 =	vand.u32 $0xFFFF0000, v12;
	v0 =	vadd.f32 v37, v3;
	v3 =	vadd.f32 v21, v11  }
0x2e8: {  	v11 =	vadd.f32 v12, v14;
	v12 =	vshll.u32 v13, $0x10;
	v4 =	vadd.f32 v61, v25;
	v25 =	vld.idx.msk [tilespmem:v10+s3+$0x0], $0xffff  }
0x2e9: {  	v33 =	vshll.u32 v17, $0x10;
	v21 =	vadd.f32 v12, v14;
	v10 =	vadd.f32 v29, v14;
	v29 =	vld.idx.msk [tilespmem:v26+s3+$0x0], $0xffff  }
0x2ea: {  	v9 =	vadd.f32 v27, v9;
	v20 =	vadd.f32 v20, v14;
	v26 =	vld.idx.msk [tilespmem:v19+s3+$0x0], $0xffff;
	v19 =	vand.u32 $0xFFFF0000, v13  }
0x2eb: {  	v30 =	vld.idx.msk [tilespmem:v30+s3+$0x0], $0xffff;
	v11 =	vadd.f32 v23, v11;
	v23 =	vshll.u32 v18, $0x10;
	v13 =	vadd.f32 v62, v21  }
0x2ec: {  	v27 =	vld.idx.msk [tilespmem:v31+s3+$0x0], $0xffff;
	v18 =	vand.u32 $0xFFFF0000, v18;
	v21 =	vadd.f32 v19, v14;
	v23 =	vadd.f32 v23, v14  }
0x2ed: {  	v31 =	vld.idx.msk [tilespmem:v28+s3+$0x0], $0xffff;
	v24 =	vadd.f32 v18, v14;
	v19 =	vimm.f32 $0.0e+00;
	v18 =	vimm.f32 $0.0e+00  }
0x2ee: {  	s30 =	simm.s32 $0xF180;
	s29 =	simm.s32 $0x0;
	v28 =	vld.idx.msk [tilespmem:v34+s3+$0x0], $0xffff;
	v10 =	vadd.f32 v60, v10;
	v12 =	vadd.f32 v63, v20;
	v20 =	vimm.f32 $0.0e+00  }
.LBB2_14:
0x2ef: {  	v34 =	vld [tilespmem:s30+$0x0];
	v21 =	vadd.f32 v32, v21;
	v22 =	vadd.f32 v29, v22;
	v17 =	vand.u32 $0xFFFF0000, v17  }
0x2f0: {  	v32 =	vshll.u32 v26, $0x10;
	v29 =	vld [tilespmem:s30+$0x10];
	v23 =	vadd.f32 v33, v23;
	v24 =	vadd.f32 v17, v24  }
0x2f1: {  	v26 =	vand.u32 $0xFFFF0000, v26;
	v14 =	vadd.f32 v30, v14;
	v19 =	vadd.f32 v32, v19;
	v17 =	vld [tilespmem:s30+$0x20]  }
0x2f2: {  	v20 =	vadd.f32 v26, v20;
	v26 =	vshll.u32 v25, $0x10;
	v18 =	vadd.f32 v27, v18;
	v30 =	vld [tilespmem:s30+$0x30]  }
0x2f3: {  	v25 =	vand.u32 $0xFFFF0000, v25;
	v14 =	vadd.f32 v31, v14;
	v19 =	vadd.f32 v26, v19;
	v27 =	vld [tilespmem:s30+$0x40]  }
0x2f4: {  	v20 =	vadd.f32 v25, v20;
	v18 =	vadd.f32 v28, v18;
	v26 =	vld [tilespmem:s30+$0x50]  }
0x2f5: {  	v28 =	vld [tilespmem:s30+$0x60]  }
0x2f6: {  	v25 =	vld [tilespmem:s30+$0x70]  }
0x2f7: {  	v31 =	vld [tilespmem:s30+$0xFFFFFF80]  }
0x2f8: {  	v32 =	vld [tilespmem:s30+$0xFFFFFF90]  }
0x2f9: {  	v33 =	vld [tilespmem:s30+$0xFFFFFFA0]  }
0x2fa: {  	v35 =	vld [tilespmem:s30+$0xFFFFFFB0]  }
0x2fb: {  	v36 =	vld [tilespmem:s30+$0xFFFFFFC0]  }
0x2fc: {  	v37 =	vld [tilespmem:s30+$0xFFFFFFD0]  }
0x2fd: {  	v38 =	vld [tilespmem:s30+$0xFFFFFFE0]  }
0x2fe: {  	v39 =	vld [tilespmem:s30+$0xFFFFFFF0]  }
0x2ff: {  	v40 =	vld.idx.msk [tilespmem:v34+s3+$0x0], $0xffff  }
0x300: {  	v41 =	vld.idx.msk [tilespmem:v29+s3+$0x0], $0xffff  }
0x301: {  	v42 =	vld.idx.msk [tilespmem:v17+s3+$0x0], $0xffff  }
0x302: {  	v43 =	vld.idx.msk [tilespmem:v30+s3+$0x0], $0xffff  }
0x303: {  	v44 =	vadd.s32 $0x7800, v31;
	v45 =	vld.idx.msk [tilespmem:v27+s3+$0x0], $0xffff  }
0x304: {  	v46 =	vld.idx.msk [tilespmem:v26+s3+$0x0], $0xffff  }
0x305: {  	v47 =	vadd.s32 $0x7800, v17;
	v34 =	vadd.s32 $0x7800, v34;
	v29 =	vadd.s32 $0x7800, v29;
	v17 =	vld.idx.msk [tilespmem:v28+s3+$0x0], $0xffff  }
0x306: {  	v48 =	vadd.s32 $0x7800, v32;
	v30 =	vadd.s32 $0x7800, v30;
	v27 =	vadd.s32 $0x7800, v27;
	v31 =	vld.idx.msk [tilespmem:v31+s3+$0x0], $0xffff  }
0x307: {  	v49 =	vadd.s32 $0x7800, v25;
	v26 =	vadd.s32 $0x7800, v26;
	v28 =	vadd.s32 $0x7800, v28;
	v32 =	vld.idx.msk [tilespmem:v32+s3+$0x0], $0xffff  }
0x308: {  	v50 =	vadd.s32 $0x7800, v33;
	v51 =	vadd.s32 $0x7800, v35;
	v52 =	vadd.s32 $0x7800, v36;
	v44 =	vld.idx.msk [tilespmem:v44+s3+$0x0], $0xffff  }
0x309: {  	v53 =	vadd.s32 $0x7800, v37;
	v54 =	vadd.s32 $0x7800, v38;
	v55 =	vadd.s32 $0x7800, v39;
	v33 =	vld.idx.msk [tilespmem:v33+s3+$0x0], $0xffff  }
0x30a: {  	v56 =	vshll.u32 v40, $0x10;
	v40 =	vand.u32 $0xFFFF0000, v40;
	v57 =	vshll.u32 v41, $0x10;
	v34 =	vld.idx.msk [tilespmem:v34+s3+$0x0], $0xffff  }
0x30b: {  	v41 =	vand.u32 $0xFFFF0000, v41;
	v58 =	vshll.u32 v42, $0x10;
	v42 =	vand.u32 $0xFFFF0000, v42;
	v48 =	vld.idx.msk [tilespmem:v48+s3+$0x0], $0xffff  }
0x30c: {  	v60 =	vshll.u32 v43, $0x10;
	v59 =	vshll.u32 v31, $0x10;
	v31 =	vand.u32 $0xFFFF0000, v31;
	v35 =	vld.idx.msk [tilespmem:v35+s3+$0x0], $0xffff  }
0x30d: {  	v5 =	vadd.f32 v59, v5;
	v6 =	vadd.f32 v31, v6;
	v31 =	vshll.u32 v32, $0x10;
	v29 =	vld.idx.msk [tilespmem:v29+s3+$0x0], $0xffff  }
0x30e: {  	v7 =	vadd.f32 v44, v7;
	v8 =	vadd.f32 v31, v8;
	v31 =	vld.idx.msk [tilespmem:v36+s3+$0x0], $0xffff;
	v36 =	vand.u32 $0xFFFF0000, v43  }
0x30f: {  	v32 =	vand.u32 $0xFFFF0000, v32;
	v5 =	vadd.f32 v56, v5;
	v6 =	vadd.f32 v40, v6;
	v43 =	vld.idx.msk [tilespmem:v50+s3+$0x0], $0xffff  }
0x310: {  	v40 =	vshll.u32 v33, $0x10;
	v7 =	vadd.f32 v34, v7;
	v8 =	vadd.f32 v57, v8;
	v44 =	vld.idx.msk [tilespmem:v51+s3+$0x0], $0xffff  }
0x311: {  	v1 =	vadd.f32 v32, v1;
	v32 =	vand.u32 $0xFFFF0000, v33;
	v2 =	vadd.f32 v48, v2;
	v33 =	vld.idx.msk [tilespmem:v47+s3+$0x0], $0xffff  }
0x312: {  	s29 =	sadd.s32 $0x2, s29;
	v15 =	vadd.f32 v40, v15;
	v16 =	vadd.f32 v32, v16;
	v34 =	vshll.u32 v45, $0x10;
	v30 =	vld.idx.msk [tilespmem:v30+s3+$0x0], $0xffff  }
0x313: {  	p0 =	slt.u32 s29, $0x5E;
	v1 =	vadd.f32 v41, v1;
	v40 =	vand.u32 $0xFFFF0000, v45;
	v2 =	vadd.f32 v29, v2;
	v37 =	vld.idx.msk [tilespmem:v37+s3+$0x0], $0xffff  }
0x314: {  	v15 =	vadd.f32 v58, v15;
	v16 =	vadd.f32 v42, v16;
	v29 =	vshll.u32 v35, $0x10;
	v32 =	vld.idx.msk [tilespmem:v52+s3+$0x0], $0xffff  }
0x315: {  	v35 =	vand.u32 $0xFFFF0000, v35;
	v0 =	vadd.f32 v29, v0;
	v9 =	vadd.f32 v43, v9;
	v38 =	vld.idx.msk [tilespmem:v38+s3+$0x0], $0xffff  }
0x316: {  	v41 =	vshll.u32 v46, $0x10;
	v3 =	vadd.f32 v35, v3;
	v4 =	vadd.f32 v44, v4;
	v35 =	vld.idx.msk [tilespmem:v27+s3+$0x0], $0xffff  }
0x317: {  	v0 =	vadd.f32 v60, v0;
	v27 =	vshll.u32 v31, $0x10;
	v9 =	vadd.f32 v33, v9;
	v42 =	vld.idx.msk [tilespmem:v53+s3+$0x0], $0xffff  }
0x318: {  	v29 =	vand.u32 $0xFFFF0000, v31;
	v3 =	vadd.f32 v36, v3;
	v4 =	vadd.f32 v30, v4;
	v25 =	vld.idx.msk [tilespmem:v25+s3+$0x0], $0xffff  }
0x319: {  	v11 =	vadd.f32 v29, v11;
	v10 =	vadd.f32 v27, v10;
	v27 =	vshll.u32 v37, $0x10;
	v29 =	vld.idx.msk [tilespmem:v26+s3+$0x0], $0xffff  }
.Ltmp6:
0x31a: {  	v12 =	vadd.f32 v32, v12;
	v13 =	vadd.f32 v27, v13;
	v32 =	vand.u32 $0xFFFF0000, v46;
	v26 =	vld.idx.msk [tilespmem:v39+s3+$0x0], $0xffff;
	(pc) =	sbr.rel @p0 .LBB2_14-.Ltmp6, $4  }
0x31b: {  	v11 =	vadd.f32 v40, v11;
	v31 =	vand.u32 $0xFFFF0000, v37;
	v10 =	vadd.f32 v34, v10;
	v30 =	vld.idx.msk [tilespmem:v54+s3+$0x0], $0xffff  }
0x31c: {  	v33 =	vshll.u32 v38, $0x10;
	v12 =	vadd.f32 v35, v12;
	v13 =	vadd.f32 v41, v13;
	v27 =	vld.idx.msk [tilespmem:v55+s3+$0x0], $0xffff  }
0x31d: {  	v21 =	vadd.f32 v31, v21;
	v34 =	vand.u32 $0xFFFF0000, v38;
	v22 =	vadd.f32 v42, v22;
	v31 =	vld.idx.msk [tilespmem:v28+s3+$0x0], $0xffff  }
0x31e: {  	s30 =	sadd.s32 $0x100, s30;
	v23 =	vadd.f32 v33, v23;
	v24 =	vadd.f32 v34, v24;
	v33 =	vshll.u32 v17, $0x10;
	v28 =	vld.idx.msk [tilespmem:v49+s3+$0x0], $0xffff  }
0x31f: {  	_ =	swait.ge [sflag:s22], $0x3400  }
0x320: {  	[sflag:s22] =	ssyncset.done $0x0  }
0x321: {  	s29 =	simm.s32 $0x124F0;
	[sflag:s22] =	ssyncadd.s32 $0xFFFFCC00  }
0x322: {  	v34 =	vld [tilespmem:s29+$0xFFFFFF90]  }
0x323: {  	v35 =	vld [tilespmem:s29+$0xFFFFFFA0]  }
0x324: {  	v36 =	vld [tilespmem:s29+$0xFFFFFFB0]  }
0x325: {  	v37 =	vld [tilespmem:s29+$0xFFFFFFC0]  }
0x326: {  	v38 =	vld [tilespmem:s29+$0xFFFFFFD0]  }
0x327: {  	v39 =	vld [tilespmem:s29+$0xFFFFFFE0]  }
0x328: {  	v40 =	vld [tilespmem:s29+$0xFFFFFFF0]  }
0x329: {  	v41 =	vld [tilespmem:s29+$0x0]  }
0x32a: {  	v42 =	vld [tilespmem:s29+$0xFFFFFF10]  }
0x32b: {  	v43 =	vld [tilespmem:s29+$0xFFFFFF20]  }
0x32c: {  	v44 =	vld [tilespmem:s29+$0xFFFFFF30]  }
0x32d: {  	v45 =	vld [tilespmem:s29+$0xFFFFFF40]  }
0x32e: {  	v46 =	vld [tilespmem:s29+$0xFFFFFF50]  }
0x32f: {  	v47 =	vld [tilespmem:s29+$0xFFFFFF60]  }
0x330: {  	v48 =	vld [tilespmem:s29+$0xFFFFFF70]  }
0x331: {  	v21 =	vadd.f32 v32, v21;
	v22 =	vadd.f32 v29, v22;
	v17 =	vand.u32 $0xFFFF0000, v17;
	v29 =	vld [tilespmem:s29+$0xFFFFFF80]  }
0x332: {  	v62 =	vshll.u32 v26, $0x10;
	v23 =	vadd.f32 v33, v23;
	v24 =	vadd.f32 v17, v24;
	v63 =	vld.idx.msk [tilespmem:v34+s3+$0x0], $0xffff  }
0x333: {  	v14 =	vadd.f32 v30, v14;
	v17 =	vand.u32 $0xFFFF0000, v26;
	v19 =	vadd.f32 v62, v19;
	v26 =	vld.idx.msk [tilespmem:v35+s3+$0x0], $0xffff  }
0x334: {  	v20 =	vadd.f32 v17, v20;
	v27 =	vadd.f32 v27, v18;
	v30 =	vld.idx.msk [tilespmem:v36+s3+$0x0], $0xffff  }
0x335: {  	v17 =	vshll.u32 v25, $0x10;
	v18 =	vadd.f32 v31, v14;
	v14 =	vand.u32 $0xFFFF0000, v25;
	v31 =	vld.idx.msk [tilespmem:v37+s3+$0x0], $0xffff  }
0x336: {  	v17 =	vadd.f32 v17, v19;
	v19 =	vadd.f32 v14, v20;
	v32 =	vld.idx.msk [tilespmem:v38+s3+$0x0], $0xffff  }
0x337: {  	v14 =	vadd.f32 v28, v27;
	v25 =	vadd.s32 $0x7800, v42;
	v28 =	vadd.s32 $0x7800, v34;
	v27 =	vld.idx.msk [tilespmem:v39+s3+$0x0], $0xffff  }
0x338: {  	v61 =	vadd.s32 $0x7800, v43;
	v49 =	vadd.s32 $0x7800, v41;
	v50 =	vadd.s32 $0x7800, v44;
	v20 =	vld.idx.msk [tilespmem:v40+s3+$0x0], $0xffff  }
0x339: {  	v51 =	vadd.s32 $0x7800, v45;
	v52 =	vadd.s32 $0x7800, v46;
	v53 =	vadd.s32 $0x7800, v47;
	v60 =	vld.idx.msk [tilespmem:v42+s3+$0x0], $0xffff  }
0x33a: {  	v54 =	vadd.s32 $0x7800, v48;
	v55 =	vadd.s32 $0x7800, v29;
	v34 =	vadd.s32 $0x7800, v35;
	v43 =	vld.idx.msk [tilespmem:v43+s3+$0x0], $0xffff  }
0x33b: {  	v35 =	vadd.s32 $0x7800, v36;
	v37 =	vadd.s32 $0x7800, v37;
	v38 =	vadd.s32 $0x7800, v38;
	v44 =	vld.idx.msk [tilespmem:v44+s3+$0x0], $0xffff  }
0x33c: {  	v39 =	vadd.s32 $0x7800, v39;
	v40 =	vadd.s32 $0x7800, v40;
	v45 =	vld.idx.msk [tilespmem:v45+s3+$0x0], $0xffff;
	v56 =	vshll.u32 v63, $0x10  }
0x33d: {  	v25 =	vld.idx.msk [tilespmem:v25+s3+$0x0], $0xffff;
	v33 =	vand.u32 $0xFFFF0000, v63;
	v57 =	vshll.u32 v26, $0x10;
	v26 =	vand.u32 $0xFFFF0000, v26  }
0x33e: {  	v42 =	vld.idx.msk [tilespmem:v61+s3+$0x0], $0xffff;
	v58 =	vshll.u32 v30, $0x10;
	v30 =	vand.u32 $0xFFFF0000, v30;
	v59 =	vshll.u32 v60, $0x10  }
0x33f: {  	v28 =	vld.idx.msk [tilespmem:v28+s3+$0x0], $0xffff;
	v36 =	vand.u32 $0xFFFF0000, v60;
	v60 =	vshll.u32 v31, $0x10;
	v62 =	vshll.u32 v43, $0x10  }
0x340: {  	v52 =	vld.idx.msk [tilespmem:v52+s3+$0x0], $0xffff;
	v63 =	vand.u32 $0xFFFF0000, v43;
	v5 =	vadd.f32 v59, v5;
	v6 =	vadd.f32 v36, v6  }
0x341: {  	v34 =	vld.idx.msk [tilespmem:v34+s3+$0x0], $0xffff;
	v61 =	vshll.u32 v44, $0x10;
	v8 =	vadd.f32 v62, v8;
	v1 =	vadd.f32 v63, v1  }
0x342: {  	v31 =	vand.u32 $0xFFFF0000, v31;
	v59 =	vld.idx.msk [tilespmem:v50+s3+$0x0], $0xffff;
	v15 =	vadd.f32 v61, v15;
	v7 =	vadd.f32 v25, v7  }
0x343: {  	v63 =	vshll.u32 v32, $0x10;
	v50 =	vld.idx.msk [tilespmem:v47+s3+$0x0], $0xffff;
	v2 =	vadd.f32 v42, v2;
	v5 =	vadd.f32 v56, v5  }
0x344: {  	v62 =	vld.idx.msk [tilespmem:v51+s3+$0x0], $0xffff;
	v51 =	vand.u32 $0xFFFF0000, v32;
	v6 =	vadd.f32 v33, v6;
	v8 =	vadd.f32 v57, v8  }
0x345: {  	v25 =	vld.idx.msk [tilespmem:v46+s3+$0x0], $0xffff;
	v1 =	vadd.f32 v26, v1;
	v26 =	vshll.u32 v45, $0x10;
	v15 =	vadd.f32 v58, v15  }
0x346: {  	v35 =	vld.idx.msk [tilespmem:v35+s3+$0x0], $0xffff;
	v7 =	vadd.f32 v28, v7;
	v28 =	vand.u32 $0xFFFF0000, v44;
	v0 =	vadd.f32 v26, v0  }
0x347: {  	v32 =	vand.u32 $0xFFFF0000, v27;
	v16 =	vadd.f32 v28, v16;
	v28 =	vld.idx.msk [tilespmem:v37+s3+$0x0], $0xffff;
	v2 =	vadd.f32 v34, v2  }
0x348: {  	v38 =	vld.idx.msk [tilespmem:v38+s3+$0x0], $0xffff;
	v9 =	vadd.f32 v59, v9;
	v0 =	vadd.f32 v60, v0;
	v36 =	vand.u32 $0xFFFF0000, v50  }
0x349: {  	v56 =	vld.idx.msk [tilespmem:v48+s3+$0x0], $0xffff;
	v16 =	vadd.f32 v30, v16;
	v30 =	vand.u32 $0xFFFF0000, v45;
	v21 =	vadd.f32 v36, v21  }
0x34a: {  	v59 =	vld.idx.msk [tilespmem:v53+s3+$0x0], $0xffff;
	v58 =	vshll.u32 v25, $0x10;
	v26 =	vadd.f32 v30, v3;
	v30 =	vadd.f32 v62, v4  }
0x34b: {  	v57 =	vshll.u32 v27, $0x10;
	v27 =	vld.idx.msk [tilespmem:v55+s3+$0x0], $0xffff;
	v3 =	vadd.f32 v35, v9;
	v10 =	vadd.f32 v58, v10  }
0x34c: {  	v61 =	vand.u32 $0xFFFF0000, v25;
	v25 =	vld.idx.msk [tilespmem:v41+s3+$0x0], $0xffff;
	v4 =	vadd.f32 v31, v26;
	v9 =	vadd.f32 v28, v30  }
0x34d: {  	v30 =	vadd.f32 v61, v11;
	v11 =	vshll.u32 v50, $0x10;
	v28 =	vld.idx.msk [tilespmem:v39+s3+$0x0], $0xffff;
	v31 =	vadd.f32 v52, v12  }
0x34e: {  	v26 =	vld.idx.msk [tilespmem:v29+s3+$0x0], $0xffff;
	v62 =	vadd.f32 v11, v13;
	v11 =	vadd.f32 v63, v10  }
0x34f: {  	v29 =	vld.idx.msk [tilespmem:v54+s3+$0x0], $0xffff;
	v22 =	vadd.f32 v59, v22;
	v63 =	vand.u32 $0xFFFF0000, v56;
	v12 =	vadd.f32 v51, v30  }
0x350: {  	v30 =	vshll.u32 v56, $0x10;
	v13 =	vadd.f32 v38, v31;
	v31 =	vld.idx.msk [tilespmem:v40+s3+$0x0], $0xffff;
	v24 =	vadd.f32 v63, v24  }
0x351: {  	s30 =	simm.s32 $0x125F0;
	s29 =	simm.s32 $0x0;
	v33 =	vshll.u32 v20, $0x10;
	v10 =	vadd.f32 v57, v62;
	v23 =	vadd.f32 v30, v23;
	v30 =	vld.idx.msk [tilespmem:v49+s3+$0x0], $0xffff  }
.LBB2_16:
0x352: {  	v34 =	vld [tilespmem:s30+$0xFFFFFF90];
	v21 =	vadd.f32 v32, v21;
	v22 =	vadd.f32 v28, v22;
	v20 =	vand.u32 $0xFFFF0000, v20  }
0x353: {  	v32 =	vshll.u32 v26, $0x10;
	v28 =	vld [tilespmem:s30+$0xFFFFFFA0];
	v23 =	vadd.f32 v33, v23;
	v24 =	vadd.f32 v20, v24  }
0x354: {  	v26 =	vand.u32 $0xFFFF0000, v26;
	v18 =	vadd.f32 v29, v18;
	v17 =	vadd.f32 v32, v17;
	v20 =	vld [tilespmem:s30+$0xFFFFFFB0]  }
0x355: {  	v19 =	vadd.f32 v26, v19;
	v26 =	vshll.u32 v25, $0x10;
	v14 =	vadd.f32 v27, v14;
	v29 =	vld [tilespmem:s30+$0xFFFFFFC0]  }
0x356: {  	v25 =	vand.u32 $0xFFFF0000, v25;
	v18 =	vadd.f32 v31, v18;
	v17 =	vadd.f32 v26, v17;
	v27 =	vld [tilespmem:s30+$0xFFFFFFD0]  }
0x357: {  	v19 =	vadd.f32 v25, v19;
	v14 =	vadd.f32 v30, v14;
	v26 =	vld [tilespmem:s30+$0xFFFFFFE0]  }
0x358: {  	v30 =	vld [tilespmem:s30+$0xFFFFFFF0]  }
0x359: {  	v25 =	vld [tilespmem:s30+$0x0]  }
0x35a: {  	v31 =	vld [tilespmem:s30+$0xFFFFFF10]  }
0x35b: {  	v32 =	vld [tilespmem:s30+$0xFFFFFF20]  }
0x35c: {  	v33 =	vld [tilespmem:s30+$0xFFFFFF30]  }
0x35d: {  	v35 =	vld [tilespmem:s30+$0xFFFFFF40]  }
0x35e: {  	v36 =	vld [tilespmem:s30+$0xFFFFFF50]  }
0x35f: {  	v37 =	vld [tilespmem:s30+$0xFFFFFF60]  }
0x360: {  	v38 =	vld [tilespmem:s30+$0xFFFFFF70]  }
0x361: {  	v39 =	vld [tilespmem:s30+$0xFFFFFF80]  }
0x362: {  	v40 =	vld.idx.msk [tilespmem:v34+s3+$0x0], $0xffff  }
0x363: {  	v41 =	vld.idx.msk [tilespmem:v28+s3+$0x0], $0xffff  }
0x364: {  	v42 =	vld.idx.msk [tilespmem:v20+s3+$0x0], $0xffff  }
0x365: {  	v43 =	vld.idx.msk [tilespmem:v29+s3+$0x0], $0xffff  }
0x366: {  	v44 =	vadd.s32 $0x7800, v31;
	v45 =	vld.idx.msk [tilespmem:v27+s3+$0x0], $0xffff  }
0x367: {  	v46 =	vld.idx.msk [tilespmem:v26+s3+$0x0], $0xffff  }
0x368: {  	v47 =	vadd.s32 $0x7800, v20;
	v34 =	vadd.s32 $0x7800, v34;
	v28 =	vadd.s32 $0x7800, v28;
	v20 =	vld.idx.msk [tilespmem:v30+s3+$0x0], $0xffff  }
0x369: {  	v48 =	vadd.s32 $0x7800, v32;
	v29 =	vadd.s32 $0x7800, v29;
	v27 =	vadd.s32 $0x7800, v27;
	v31 =	vld.idx.msk [tilespmem:v31+s3+$0x0], $0xffff  }
0x36a: {  	v49 =	vadd.s32 $0x7800, v25;
	v26 =	vadd.s32 $0x7800, v26;
	v30 =	vadd.s32 $0x7800, v30;
	v32 =	vld.idx.msk [tilespmem:v32+s3+$0x0], $0xffff  }
0x36b: {  	v50 =	vadd.s32 $0x7800, v33;
	v51 =	vadd.s32 $0x7800, v35;
	v52 =	vadd.s32 $0x7800, v36;
	v44 =	vld.idx.msk [tilespmem:v44+s3+$0x0], $0xffff  }
0x36c: {  	v53 =	vadd.s32 $0x7800, v37;
	v54 =	vadd.s32 $0x7800, v38;
	v55 =	vadd.s32 $0x7800, v39;
	v33 =	vld.idx.msk [tilespmem:v33+s3+$0x0], $0xffff  }
0x36d: {  	v56 =	vshll.u32 v40, $0x10;
	v40 =	vand.u32 $0xFFFF0000, v40;
	v57 =	vshll.u32 v41, $0x10;
	v34 =	vld.idx.msk [tilespmem:v34+s3+$0x0], $0xffff  }
0x36e: {  	v41 =	vand.u32 $0xFFFF0000, v41;
	v58 =	vshll.u32 v42, $0x10;
	v42 =	vand.u32 $0xFFFF0000, v42;
	v48 =	vld.idx.msk [tilespmem:v48+s3+$0x0], $0xffff  }
0x36f: {  	v60 =	vshll.u32 v43, $0x10;
	v59 =	vshll.u32 v31, $0x10;
	v31 =	vand.u32 $0xFFFF0000, v31;
	v35 =	vld.idx.msk [tilespmem:v35+s3+$0x0], $0xffff  }
0x370: {  	v5 =	vadd.f32 v59, v5;
	v6 =	vadd.f32 v31, v6;
	v31 =	vshll.u32 v32, $0x10;
	v28 =	vld.idx.msk [tilespmem:v28+s3+$0x0], $0xffff  }
0x371: {  	v7 =	vadd.f32 v44, v7;
	v8 =	vadd.f32 v31, v8;
	v31 =	vld.idx.msk [tilespmem:v36+s3+$0x0], $0xffff;
	v36 =	vand.u32 $0xFFFF0000, v43  }
0x372: {  	v32 =	vand.u32 $0xFFFF0000, v32;
	v5 =	vadd.f32 v56, v5;
	v6 =	vadd.f32 v40, v6;
	v43 =	vld.idx.msk [tilespmem:v50+s3+$0x0], $0xffff  }
0x373: {  	v40 =	vshll.u32 v33, $0x10;
	v7 =	vadd.f32 v34, v7;
	v8 =	vadd.f32 v57, v8;
	v44 =	vld.idx.msk [tilespmem:v51+s3+$0x0], $0xffff  }
0x374: {  	v1 =	vadd.f32 v32, v1;
	v32 =	vand.u32 $0xFFFF0000, v33;
	v2 =	vadd.f32 v48, v2;
	v33 =	vld.idx.msk [tilespmem:v47+s3+$0x0], $0xffff  }
0x375: {  	s29 =	sadd.s32 $0x2, s29;
	v15 =	vadd.f32 v40, v15;
	v16 =	vadd.f32 v32, v16;
	v34 =	vshll.u32 v45, $0x10;
	v29 =	vld.idx.msk [tilespmem:v29+s3+$0x0], $0xffff  }
0x376: {  	p0 =	slt.u32 s29, $0x66;
	v1 =	vadd.f32 v41, v1;
	v40 =	vand.u32 $0xFFFF0000, v45;
	v2 =	vadd.f32 v28, v2;
	v37 =	vld.idx.msk [tilespmem:v37+s3+$0x0], $0xffff  }
0x377: {  	v15 =	vadd.f32 v58, v15;
	v16 =	vadd.f32 v42, v16;
	v28 =	vshll.u32 v35, $0x10;
	v32 =	vld.idx.msk [tilespmem:v52+s3+$0x0], $0xffff  }
0x378: {  	v35 =	vand.u32 $0xFFFF0000, v35;
	v0 =	vadd.f32 v28, v0;
	v3 =	vadd.f32 v43, v3;
	v38 =	vld.idx.msk [tilespmem:v38+s3+$0x0], $0xffff  }
0x379: {  	v41 =	vshll.u32 v46, $0x10;
	v4 =	vadd.f32 v35, v4;
	v9 =	vadd.f32 v44, v9;
	v35 =	vld.idx.msk [tilespmem:v27+s3+$0x0], $0xffff  }
0x37a: {  	v0 =	vadd.f32 v60, v0;
	v27 =	vshll.u32 v31, $0x10;
	v3 =	vadd.f32 v33, v3;
	v42 =	vld.idx.msk [tilespmem:v53+s3+$0x0], $0xffff  }
0x37b: {  	v28 =	vand.u32 $0xFFFF0000, v31;
	v4 =	vadd.f32 v36, v4;
	v9 =	vadd.f32 v29, v9;
	v25 =	vld.idx.msk [tilespmem:v25+s3+$0x0], $0xffff  }
0x37c: {  	v12 =	vadd.f32 v28, v12;
	v11 =	vadd.f32 v27, v11;
	v27 =	vshll.u32 v37, $0x10;
	v28 =	vld.idx.msk [tilespmem:v26+s3+$0x0], $0xffff  }
.Ltmp7:
0x37d: {  	v13 =	vadd.f32 v32, v13;
	v10 =	vadd.f32 v27, v10;
	v32 =	vand.u32 $0xFFFF0000, v46;
	v26 =	vld.idx.msk [tilespmem:v39+s3+$0x0], $0xffff;
	(pc) =	sbr.rel @p0 .LBB2_16-.Ltmp7, $4  }
0x37e: {  	v12 =	vadd.f32 v40, v12;
	v31 =	vand.u32 $0xFFFF0000, v37;
	v11 =	vadd.f32 v34, v11;
	v29 =	vld.idx.msk [tilespmem:v54+s3+$0x0], $0xffff  }
0x37f: {  	v33 =	vshll.u32 v38, $0x10;
	v13 =	vadd.f32 v35, v13;
	v10 =	vadd.f32 v41, v10;
	v27 =	vld.idx.msk [tilespmem:v55+s3+$0x0], $0xffff  }
0x380: {  	v21 =	vadd.f32 v31, v21;
	v34 =	vand.u32 $0xFFFF0000, v38;
	v22 =	vadd.f32 v42, v22;
	v31 =	vld.idx.msk [tilespmem:v30+s3+$0x0], $0xffff  }
0x381: {  	s30 =	sadd.s32 $0x100, s30;
	v23 =	vadd.f32 v33, v23;
	v24 =	vadd.f32 v34, v24;
	v33 =	vshll.u32 v20, $0x10;
	v30 =	vld.idx.msk [tilespmem:v49+s3+$0x0], $0xffff  }
0x382: {  	[tilespmem:$0x15980] =	vst v5  }
0x383: {  	[tilespmem:$0x15B80] =	vst v6  }
0x384: {  	[tilespmem:$0x15D80] =	vst v7  }
0x385: {  	[tilespmem:$0x15990] =	vst v8  }
0x386: {  	[tilespmem:$0x15B90] =	vst v1  }
0x387: {  	[tilespmem:$0x15D90] =	vst v2  }
0x388: {  	[tilespmem:$0x159A0] =	vst v15  }
0x389: {  	[tilespmem:$0x15BA0] =	vst v16  }
0x38a: {  	[tilespmem:$0x15DA0] =	vst v3  }
0x38b: {  	[tilespmem:$0x159B0] =	vst v0  }
0x38c: {  	[tilespmem:$0x15BB0] =	vst v4  }
0x38d: {  	[tilespmem:$0x15DB0] =	vst v9  }
0x38e: {  	[tilespmem:$0x159C0] =	vst v11  }
0x38f: {  	[tilespmem:$0x15BC0] =	vst v12  }
0x390: {  	v50 =	vadd.f32 v32, v21;
	[tilespmem:$0x15DC0] =	vst v13  }
0x391: {  	v51 =	vadd.f32 v28, v22;
	v52 =	vand.u32 $0xFFFF0000, v20;
	[tilespmem:$0x159D0] =	vst v10  }
0x392: {  	v53 =	vshll.u32 v26, $0x10;
	v54 =	vadd.f32 v33, v23;
	v55 =	vadd.f32 v29, v18;
	[tilespmem:$0x15BD0] =	vst v50  }
0x393: {  	v57 =	vand.u32 $0xFFFF0000, v26;
	v56 =	vadd.f32 v52, v24;
	v3 =	vadd.f32 v53, v17;
	[tilespmem:$0x15DD0] =	vst v51  }
0x394: {  	v59 =	vshll.u32 v25, $0x10;
	v58 =	vadd.f32 v57, v19;
	v5 =	vadd.f32 v31, v55;
	[tilespmem:$0x159E0] =	vst v54  }
0x395: {  	v61 =	vand.u32 $0xFFFF0000, v25;
	v60 =	vadd.f32 v27, v14;
	v2 =	vadd.f32 v59, v3;
	[tilespmem:$0x15BE0] =	vst v56  }
0x396: {  	v62 =	vadd.f32 v61, v58;
	[tilespmem:$0x15DE0] =	vst v5  }
0x397: {  	v63 =	vadd.f32 v30, v60;
	[tilespmem:$0x159F0] =	vst v2  }
0x398: {  	[tilespmem:$0x15BF0] =	vst v62  }
0x399: {  	[tilespmem:$0x15DF0] =	vst v63  }
0x39a: {  	[hbm4b:s12+s3] =	stream.linear.scatter [tilespmem:s23], [sflag:$0x4], $0x200, $0x38;
	[tilespmem:$0x15E00] =	vst v63  }
0x39b: {  	_ = 	snop  }
0x39c: {  	[hbm4b:s13+s3] =	stream.linear.scatter [tilespmem:s24], [sflag:$0x4], $0x200, $0x38;
	[tilespmem:$0x15E00] =	vst v63  }
0x39d: {  	_ = 	snop  }
0x39e: {  	[hbm4b:s14+s3] =	stream.linear.scatter [tilespmem:s25], [sflag:$0x4], $0x200, $0x38;
	[tilespmem:$0x15E00] =	vst v63  }
0x39f: {  	_ =	swait.ge [sflag:s26], $0x200  }
0x3a0: {  	[sflag:s26] =	ssyncset.done $0x0  }
0x3a1: {  	s28 =	sadd.s32 $0x1, s28;
	[sflag:s26] =	ssyncadd.s32 $0xFFFFFE00  }
0x3a2: {  	p0 =	sne.s32 s28, s15;
	_ =	swait.ge [sflag:s26], $0x200  }
.Ltmp8:
0x3a3: {  	[sflag:s26] =	ssyncset.done $0x0;
	(pc) =	sbr.rel @p0 .LBB2_1-.Ltmp8, $4  }
0x3a4: {  	[sflag:s26] =	ssyncadd.s32 $0xFFFFFE00  }
0x3a5: {  	_ =	swait.ge [sflag:s26], $0x200  }
0x3a6: {  	[sflag:s26] =	ssyncset.done $0x0  }
0x3a7: {  	[sflag:s26] =	ssyncadd.s32 $0xFFFFFE00  }
0x3a8: {  	_ =	sfence.sel $0x180000  }
0x3a9: {  	[bflag:$0x0] =	sbarrier.arrive $0xFFFF  }
0x3aa: {  	p0 =	sne.s32 s2, $0x0;
	_ =	strace $0x90000047  }
0x3ab: {  	s0 =	sadd.s32 @!p0 $0x100000, s0;
	[bflag:$0x2] =	sbarrier.arrive $0xFFFF  }
0x3ac: {  	[sflag:s0] =	ssyncadd.tile.s32 @!p0 $0x1;
	_ =	shalt  }
.Lfunc_end2:
_tile_overlayer_lowered:
.L_overlay_start_2:
0x3ad: {  	(tag) =	ssettag $0x2  }
0x3ae: {  	s0 =	rddreg [dreg:$0x0];
	s2 =	stileid.u32  }
0x3af: {  	s1 =	rddreg [dreg:$0x1];
	p0 =	sne.s32 s2, $0x0  }
0x3b0: {  	s3 =	rddreg [dreg:$0x2];
	[bflag:$0x3] =	sbarrier.arrive $0xFFFF;
	s2 =	simm.s32 @!p0 $0x1C05  }
0x3b1: {  	[timem:s3], [sflag:s2] =	dma.local @!p0 [hbm:s0], s1  }
0x3b2: {  	s0 =	simm.s32 @!p0 $0x5  }
0x3b3: {  	_ =	swait.ge @!p0 [sflag:s0], s1  }
0x3b4: {  	s1 =	ssub.s32 @!p0 $0x0, s1;
	[sflag:s0] =	ssyncset.done @!p0 $0x0  }
0x3b5: {  	[sflag:s0] =	ssyncadd.s32 @!p0 s1  }
0x3b6: {  	[bflag:$0x3] =	sbarrier.arrive $0xFFFF  }
0x3b7: {  	_ =	shalt  }

</sc_bundles>
